<compile_context>
chip_gen: v7x
topology: tpu7x:2x2x1
jax: 0.10.2.dev20260603
libtpu: 0.0.44.dev20260713+nightly
codegen_flags: <defaults>
</compile_context>

<pallas_src>
import jax
import jax.numpy as jnp
from jax import lax
from jax.experimental import pallas as pl
from jax.experimental.pallas import tpu as pltpu
from jax.experimental.pallas import tpu_sc as plsc

N = 50000
E = 800000
HALF = 25000
ACC = 26000
SROWS = 2 * ACC
NC, NS = 2, 16
EROWS = 6272
EPAD = EROWS * 128
RPT = EROWS // NS
CB = 8
NBLK = RPT // CB
CAP = 1280
TPT = 1624
RBLK = 1000


def _fill_rows(rows, nrows, d, vec):
    def zb(i, _):
        rows[i // (d // 16), pl.ds((i % (d // 16)) * 16, 16)] = vec
        return 0

    lax.fori_loop(0, nrows * (d // 16), zb, 0)


def _zero_acc(rows, acc, sid):
    for t in range(7):
        pltpu.sync_copy(rows.at[pl.ds(0, 232)],
                        acc.at[pl.ds(sid * TPT + t * 232, 232)])


def _drain_acc(out_hbm, acc, c, sid):
    pltpu.sync_copy(acc.at[pl.ds(sid * TPT, TPT)],
                    out_hbm.at[pl.ds(c * ACC + sid * TPT, TPT)])


def _compact_block(sidx, didx, csrc, cdst, base, woff):

    sentinel = jnp.int32(0x7FFFFFFF)

    def cv(i, w):
        j = i // 8
        k = i % 8
        dvec = didx[j, pl.ds(k * 16, 16)]
        l = dvec - base
        ok = (l >= 0) & (l < HALF)
        if sidx is not None:
            svec = sidx[j, pl.ds(k * 16, 16)]
            combo = jnp.where(ok, l * 65536 + svec, sentinel)
            sc = lax.sort(combo)
            cdst[pl.ds(w, 16)] = lax.shift_right_logical(sc, 16)
            csrc[pl.ds(w, 16)] = jnp.bitwise_and(sc, 0xFFFF)
        else:
            cdst[pl.ds(w, 16)] = lax.sort(jnp.where(ok, l, sentinel))
        return w + jnp.sum(ok.astype(jnp.int32))

    return lax.fori_loop(0, CB * 8, cv, woff)


def _carry_remainder(bufs, woff, ngroups):

    @pl.when(ngroups > 0)
    def _():
        off = ngroups * 128
        for buf in bufs:
            for k in range(8):
                v = buf[pl.ds(off + k * 16, 16)]
                buf[pl.ds(k * 16, 16)] = v

    return woff - ngroups * 128


def _make_scatter(d, nb, sd):
    mesh = plsc.VectorSubcoreMesh(core_axis_name="c", subcore_axis_name="s",
                                  num_cores=NC, num_subcores=NS)

    def body(g_hbm, src_hbm, dst_hbm, out_hbm, sidx, didx, csrc, cdst, rows,
             acc, sem_g, sem_s):
        c = lax.axis_index("c")
        sid = lax.axis_index("s")
        base = c * HALF
        trash = HALF + sid * 16 + lax.iota(jnp.int32, 16)
        ebase = sid * RPT
        _fill_rows(rows, 232, d, jnp.zeros((16,), jnp.float32))
        _zero_acc(rows, acc, sid)
        plsc.subcore_barrier()

        def wait_gather():
            pltpu.make_async_copy(
                g_hbm.at[csrc.at[pl.ds(0, 128)]],
                rows.at[pl.ds(0, 128)], sem_g).wait()

        def wait_scatter():
            pltpu.make_async_copy(
                rows.at[pl.ds(0, 128)],
                acc.at[cdst.at[pl.ds(0, 128)]], sem_s).wait()

        def issue_gather(g):
            pltpu.async_copy(
                g_hbm.at[csrc.at[pl.ds(g * 128, 128)]],
                rows.at[pl.ds(lax.rem(g, nb) * 128, 128)], sem_g)

        def issue_scatter(g):
            pltpu.async_copy(
                rows.at[pl.ds(lax.rem(g, nb) * 128, 128)],
                acc.at[cdst.at[pl.ds(g * 128, 128)]], sem_s, add=True)

        def stream_groups(ngroups):
            for k in range(nb - 1):
                @pl.when(k < ngroups)
                def _():
                    issue_gather(k)

            def grp(g, _):
                wait_gather()
                issue_scatter(g)

                @pl.when(g >= sd)
                def _():
                    wait_scatter()

                @pl.when(g + nb - 1 < ngroups)
                def _():
                    issue_gather(g + nb - 1)

                return 0

            lax.fori_loop(0, ngroups, grp, 0)
            for k in range(sd):
                @pl.when(k < ngroups)
                def _():
                    wait_scatter()

        def blk(b, woff):
            r0 = ebase + b * CB
            pltpu.sync_copy(src_hbm.at[pl.ds(r0, CB)], sidx)
            pltpu.sync_copy(dst_hbm.at[pl.ds(r0, CB)], didx)
            woff = _compact_block(sidx, didx, csrc, cdst, base, woff)
            ngroups = woff // 128
            stream_groups(ngroups)
            return _carry_remainder((csrc, cdst), woff, ngroups)

        rem = lax.fori_loop(0, NBLK, blk, 0)
        for k in range(8):
            cdst[pl.ds(rem + k * 16, 16)] = trash
            csrc[pl.ds(rem + k * 16, 16)] = jnp.zeros((16,), jnp.int32)

        @pl.when(rem > 0)
        def _():
            issue_gather(0)
            wait_gather()
            issue_scatter(0)
            wait_scatter()

        plsc.subcore_barrier()
        _drain_acc(out_hbm, acc, c, sid)

    return pl.kernel(
        body,
        out_type=jax.ShapeDtypeStruct((SROWS, d), jnp.float32),
        mesh=mesh,
        compiler_params=pltpu.CompilerParams(use_tc_tiling_on_sc=False,
                                             needs_layout_passes=False),
        scratch_types=[
            pltpu.VMEM((CB, 128), jnp.int32),
            pltpu.VMEM((CB, 128), jnp.int32),
            pltpu.VMEM((CAP,), jnp.int32),
            pltpu.VMEM((CAP,), jnp.int32),
            pltpu.VMEM((nb * 128, d), jnp.float32),
            pltpu.VMEM_SHARED((ACC, d), jnp.float32),
            pltpu.SemaphoreType.DMA,
            pltpu.SemaphoreType.DMA,
        ],
    )


def _make_deg(sd):
    mesh = plsc.VectorSubcoreMesh(core_axis_name="c", subcore_axis_name="s",
                                  num_cores=NC, num_subcores=NS)
    d = 16

    def body(dst_hbm, out_hbm, didx, rows, acc, sem_s):
        c = lax.axis_index("c")
        sid = lax.axis_index("s")
        base = c * HALF
        trash = HALF + sid * 16 + lax.iota(jnp.int32, 16)
        ebase = sid * RPT
        _fill_rows(rows, 232, d, jnp.zeros((16,), jnp.float32))
        _zero_acc(rows, acc, sid)
        _fill_rows(rows, 128, d,
                   jnp.where(lax.iota(jnp.int32, 16) == 0, 1.0, 0.0))
        plsc.subcore_barrier()

        def wait_scatter():
            pltpu.make_async_copy(
                rows.at[pl.ds(0, 128)],
                acc.at[didx.at[0, 0]], sem_s).wait()

        def blk(b, _):
            q = lax.rem(b, 2)
            r0 = ebase + b * CB
            pltpu.sync_copy(dst_hbm.at[pl.ds(r0, CB)], didx.at[q])

            def tb(i, _):
                j = i // 8
                k = i % 8
                dv = didx[q, j, pl.ds(k * 16, 16)]
                l = dv - base
                ok = (l >= 0) & (l < HALF)
                didx[q, j, pl.ds(k * 16, 16)] = jnp.where(ok, l, trash)
                return 0

            lax.fori_loop(0, CB * 8, tb, 0)
            for j in range(CB):
                pltpu.async_copy(rows.at[pl.ds(0, 128)],
                                 acc.at[didx.at[q, j]], sem_s, add=True)

                @pl.when(b * CB + j >= sd)
                def _():
                    wait_scatter()
            return 0

        lax.fori_loop(0, NBLK, blk, 0)
        for k in range(sd):
            wait_scatter()
        plsc.subcore_barrier()
        _drain_acc(out_hbm, acc, c, sid)

    return pl.kernel(
        body,
        out_type=jax.ShapeDtypeStruct((SROWS, d), jnp.float32),
        mesh=mesh,
        compiler_params=pltpu.CompilerParams(use_tc_tiling_on_sc=False,
                                             needs_layout_passes=False),
        scratch_types=[
            pltpu.VMEM((2, CB, 128), jnp.int32),
            pltpu.VMEM((232, d), jnp.float32),
            pltpu.VMEM_SHARED((ACC, d), jnp.float32),
            pltpu.SemaphoreType.DMA,
        ],
    )


_scat16 = _make_scatter(16, 9, 6)
_scat64 = _make_scatter(64, 2, 1)
_deg = _make_deg(4)


def _sblk(i):
    return ((i // 25) * 26 + (i % 25), 0)


def _tc_prep(deg16, x):

    def body(deg_ref, x_ref, g_ref):
        dinv = lax.rsqrt(deg_ref[:, 0:1] + 1.0)
        gx = x_ref[...] * dinv
        g_ref[...] = jnp.concatenate(
            [gx, jnp.zeros((RBLK, 16 - gx.shape[1]), jnp.float32)], axis=1)

    return pl.pallas_call(
        body,
        grid=(N // RBLK,),
        in_specs=[
            pl.BlockSpec((RBLK, 16), _sblk),
            pl.BlockSpec((RBLK, 5), lambda i: (i, 0)),
        ],
        out_specs=pl.BlockSpec((RBLK, 16), lambda i: (i, 0)),
        out_shape=jax.ShapeDtypeStruct((N, 16), jnp.float32),
    )(deg16, x)


def _tc_layer(s, g, deg16, w, b, relu_scale):
    din, dout = w.shape

    def body(s_ref, g_ref, deg_ref, w_ref, b_ref, o_ref):
        dinv = lax.rsqrt(deg_ref[:, 0:1] + 1.0)
        p = (s_ref[...] + g_ref[...]) * dinv
        h = jnp.dot(p, w_ref[...],
                    preferred_element_type=jnp.float32) + b_ref[...]
        if relu_scale:
            o_ref[...] = jnp.maximum(h, 0.0) * dinv
        else:
            o_ref[...] = h

    return pl.pallas_call(
        body,
        grid=(N // RBLK,),
        in_specs=[
            pl.BlockSpec((RBLK, din), _sblk),
            pl.BlockSpec((RBLK, din), lambda i: (i, 0)),
            pl.BlockSpec((RBLK, 16), _sblk),
            pl.BlockSpec((din, dout), lambda i: (0, 0)),
            pl.BlockSpec((1, dout), lambda i: (0, 0)),
        ],
        out_specs=pl.BlockSpec((RBLK, dout), lambda i: (i, 0)),
        out_shape=jax.ShapeDtypeStruct((N, dout), jnp.float32),
    )(s, g, deg16, w, b)


def kernel(x, edge_index, W1, b1, W2, b2, W3, b3):
    ei = edge_index.astype(jnp.int32)
    pad = EPAD - E
    srcp = jnp.concatenate(
        [ei[0], jnp.zeros((pad,), jnp.int32)]).reshape(EROWS, 128)
    dstp = jnp.concatenate(
        [ei[1], jnp.full((pad,), 2**30, jnp.int32)]).reshape(EROWS, 128)

    deg16 = _deg(dstp)
    g1 = _tc_prep(deg16, x)
    s1 = _scat16(g1, srcp, dstp)
    w1p = jnp.concatenate([W1, jnp.zeros((11, 64), jnp.float32)], axis=0)
    g2 = _tc_layer(s1, g1, deg16, w1p, b1.reshape(1, -1), True)
    s2 = _scat64(g2, srcp, dstp)
    g3 = _tc_layer(s2, g2, deg16, W2, b2.reshape(1, -1), True)
    s3 = _scat64(g3, srcp, dstp)
    return _tc_layer(s3, g3, deg16, W3, b3.reshape(1, -1), False)

# --- scband reference (transcript-rebuilt; emitter-appended) ---
"""Pipeline reference for scband-gnn-55576876810911 (READ-ONLY COPY).

The authoritative reference and input builder live on the scoring server;
editing this copy changes nothing except your own understanding.
"""

import jax, jax.numpy as jnp
import numpy as np

N_NODES = 50000
N_EDGES = 800000
IN_CH = 5
HID = 64
OUT_CH = 60


def _glorot(key, shape):
    fan_in, fan_out = shape[0], shape[1]
    lim = jnp.sqrt(6.0 / (fan_in + fan_out))
    return jax.random.uniform(key, shape, dtype=jnp.float32, minval=-lim, maxval=lim)


def setup_inputs(seed: int = 0) -> dict:
    key = jax.random.key(seed)
    ks = jax.random.split(key, 8)
    x = jax.random.normal(ks[0], (N_NODES, IN_CH), dtype=jnp.float32)
    edge_index = jax.random.randint(ks[1], (2, N_EDGES), 0, N_NODES, dtype=jnp.int64)
    W1 = _glorot(ks[2], (IN_CH, HID))
    b1 = jnp.zeros((HID,), dtype=jnp.float32)
    W2 = _glorot(ks[3], (HID, HID))
    b2 = jnp.zeros((HID,), dtype=jnp.float32)
    W3 = _glorot(ks[4], (HID, OUT_CH))
    b3 = jnp.zeros((OUT_CH,), dtype=jnp.float32)
    return {"x": x, "edge_index": edge_index, "W1": W1, "b1": b1, "W2": W2, "b2": b2, "W3": W3, "b3": b3}


def gcn_conv(x, edge_index, W, b):
    # GCN-style conv with added self-loops and symmetric normalization:
    # out = D^{-1/2} (A + I) D^{-1/2} X W + b
    N = x.shape[0]
    self_loop = jnp.arange(N, dtype=edge_index.dtype)
    src = jnp.concatenate([edge_index[0], self_loop])
    dst = jnp.concatenate([edge_index[1], self_loop])
    deg = jnp.zeros((N,), dtype=jnp.float32).at[dst].add(1.0)
    dinv = jax.lax.rsqrt(jnp.maximum(deg, 1.0))
    norm = dinv[src] * dinv[dst]
    h = x @ W
    msg = h[src] * norm[:, None]
    out = jnp.zeros((N, h.shape[1]), dtype=h.dtype).at[dst].add(msg)
    return out + b


def reference(x, edge_index, W1, b1, W2, b2, W3, b3):
    h = gcn_conv(x, edge_index, W1, b1)
    h = jax.nn.relu(h)
    h = gcn_conv(h, edge_index, W2, b2)
    h = jax.nn.relu(h)
    h = gcn_conv(h, edge_index, W3, b3)
    return h

if __name__ == "__main__":
    import jax
    _d = setup_inputs()
    print(jax.jit(kernel)(*tuple(_d.values())))

</pallas_src>

<mosaic_0001>
#map = affine_map<(d0, d1) -> (0, 0)>
module attributes {stable_mosaic.version = 14 : i64} {
  func.func @body(%arg0: i32, %arg1: i32, %arg2: memref<6272x128xi32, #tpu.memory_space<hbm>>, %arg3: memref<52000x16xf32, #tpu.memory_space<hbm>>, %arg4: memref<2x8x128xi32, #tpu.memory_space<vmem>>, %arg5: memref<232x16xf32, #tpu.memory_space<vmem>>, %arg6: memref<26000x16xf32, #tpu.memory_space<vmem_shared>>, %arg7: memref<!tpu.dma_semaphore, #tpu.memory_space<semaphore_mem>>) attributes {dimension_semantics = [#tpu.dimension_semantics<core_parallel>, #tpu.dimension_semantics<subcore_parallel>], iteration_bounds = array<i64: 2, 16>, scalar_prefetch = 0 : i64, scratch_operands = 4 : i64, tpu.core_type = #tpu.core_type<sc_vector_subcore>, window_params = [{transform_indices = #map}, {transform_indices = #map}]} {
    %mul3A = arith.constant 25000 : i32
    %mul3A_0 = arith.muli %arg0, %mul3A : i32
    %mul3A_1 = arith.constant 16 : i32
    %mul3A_2 = arith.muli %arg1, %mul3A_1 : i32
    %add3A = arith.constant 25000 : i32
    %add3A_3 = arith.addi %add3A, %mul3A_2 : i32
    %iota3A = tpu.iota {dimensions = array<i32: 0>} : vector<16xi32>
    %add3A_4 = vector.broadcast %add3A_3 : i32 to vector<16xi32>
    %add3A_5 = arith.addi %add3A_4, %iota3A : vector<16xi32>
    %mul3A_6 = arith.constant 392 : i32
    %mul3A_7 = arith.muli %arg1, %mul3A_6 : i32
    %broadcast_in_dim3A = arith.constant 0.000000e+00 : f32
    %broadcast_in_dim3A_8 = vector.broadcast %broadcast_in_dim3A : f32 to vector<16xf32>
    %scan3A = arith.constant 0 : i32
    %scan3A_9 = arith.constant 0 : i32
    %scan3A_10 = arith.constant 232 : i32
    %scan3A_11 = arith.addi %scan3A_9, %scan3A_10 : i32
    %scan3A_12 = arith.constant 1 : i32
    %scan3A_13 = scf.for %scan3A_114 = %scan3A_9 to %scan3A_11 step %scan3A_12 iter_args(%scan3A_115 = %scan3A) -> (i32)  : i32 {
      %jit3A_116 = arith.constant 1 : i32
      %div3A = arith.divsi %scan3A_114, %jit3A_116 : i32
      %sign3A = arith.constant 0 : i32
      %sign3A_117 = arith.cmpi sgt, %scan3A_114, %sign3A : i32
      %sign3A_118 = arith.extui %sign3A_117 : i1 to i32
      %sign3A_119 = arith.constant 0 : i32
      %sign3A_120 = arith.cmpi slt, %scan3A_114, %sign3A_119 : i32
      %sign3A_121 = arith.extui %sign3A_120 : i1 to i32
      %sign3A_122 = arith.subi %sign3A_118, %sign3A_121 : i32
      %sign3A_123 = arith.constant 0 : i32
      %sign3A_124 = arith.cmpi sgt, %jit3A_116, %sign3A_123 : i32
      %sign3A_125 = arith.extui %sign3A_124 : i1 to i32
      %sign3A_126 = arith.constant 0 : i32
      %sign3A_127 = arith.cmpi slt, %jit3A_116, %sign3A_126 : i32
      %sign3A_128 = arith.extui %sign3A_127 : i1 to i32
      %sign3A_129 = arith.subi %sign3A_125, %sign3A_128 : i32
      %ne3A = arith.cmpi ne, %sign3A_122, %sign3A_129 : i32
      %rem3A = arith.remsi %scan3A_114, %jit3A_116 : i32
      %ne3A_130 = arith.constant 0 : i32
      %ne3A_131 = arith.cmpi ne, %rem3A, %ne3A_130 : i32
      %and3A = arith.andi %ne3A, %ne3A_131 : i1
      %sub3A = arith.constant 1 : i32
      %sub3A_132 = arith.subi %div3A, %sub3A : i32
      %select_n3A_133 = arith.select %and3A, %sub3A_132, %div3A : i32
      %jit3A_134 = arith.constant 1 : i32
      %eq3A_135 = arith.constant 0 : i32
      %eq3A_136 = arith.cmpi eq, %jit3A_134, %eq3A_135 : i32
      %jit3A_137 = arith.constant 1 : i32
      %select_n3A_138 = arith.select %eq3A_136, %jit3A_137, %jit3A_134 : i32
      %rem3A_139 = arith.remsi %scan3A_114, %select_n3A_138 : i32
      %ne3A_140 = arith.constant 0 : i32
      %ne3A_141 = arith.cmpi ne, %rem3A_139, %ne3A_140 : i32
      %lt3A = arith.constant 0 : i32
      %lt3A_142 = arith.cmpi slt, %rem3A_139, %lt3A : i32
      %lt3A_143 = arith.constant 0 : i32
      %lt3A_144 = arith.cmpi slt, %select_n3A_138, %lt3A_143 : i32
      %ne3A_145 = arith.xori %lt3A_142, %lt3A_144 : i1
      %and3A_146 = arith.andi %ne3A_145, %ne3A_141 : i1
      %add3A_147 = arith.addi %rem3A_139, %select_n3A_138 : i32
      %select_n3A_148 = arith.select %and3A_146, %add3A_147, %rem3A_139 : i32
      %mul3A_149 = arith.constant 16 : i32
      %mul3A_150 = arith.muli %select_n3A_148, %mul3A_149 : i32
      %swap3A = arith.index_cast %select_n3A_133 : i32 to index
      %swap3A_151 = arith.index_cast %mul3A_150 : i32 to index
      %swap3A_152 = tpu.vector_load %arg5[%swap3A, %swap3A_151] {strides = array<i32>} : memref<232x16xf32, #tpu.memory_space<vmem>>, vector<16xf32>,
      tpu.vector_store %arg5[%swap3A, %swap3A_151], %broadcast_in_dim3A_8 {strides = array<i32>} : memref<232x16xf32, #tpu.memory_space<vmem>>, vector<16xf32>,
      %scan3A_153 = arith.constant 0 : i32
      scf.yield %scan3A_153 : i32
    }
    %scan3A_14 = arith.constant 232 : i32
    %mul3A_15 = arith.constant 1624 : i32
    %mul3A_16 = arith.muli %arg1, %mul3A_15 : i32
    %add3A_17 = arith.constant 0 : i32
    %add3A_18 = arith.addi %mul3A_16, %add3A_17 : i32
    "tpu.region"() ({
      %run_scoped3A = tpu.sem_alloc : memref<!tpu.dma_semaphore, #tpu.memory_space<semaphore_mem>>
      %dma_start3A = arith.constant 0 : i32
      %dma_start3A_114 = arith.constant 0 : i32
      %dma_start3A_115 = tpu.memref_slice %arg5[%dma_start3A, %dma_start3A_114] : memref<232x16xf32, #tpu.memory_space<vmem>> -> memref<232x16xf32, #tpu.memory_space<vmem>>
      %dma_start3A_116 = arith.constant 0 : i32
      %dma_start3A_117 = tpu.memref_slice %arg6[%add3A_18, %dma_start3A_116] : memref<26000x16xf32, #tpu.memory_space<vmem_shared>> -> memref<232x16xf32, #tpu.memory_space<vmem_shared>>
      %dma_start3A_118 = arith.constant 0 : i32
      %dma_start3A_119 = tpu.memref_slice %arg6[%add3A_18, %dma_start3A_118] : memref<26000x16xf32, #tpu.memory_space<vmem_shared>> -> memref<232x16xf32, #tpu.memory_space<vmem_shared>>
      %dma_start3A_120 = arith.constant 0 : i32
      %dma_start3A_121 = arith.constant 0 : i32
      %dma_start3A_122 = tpu.memref_slice %arg5[%dma_start3A_120, %dma_start3A_121] : memref<232x16xf32, #tpu.memory_space<vmem>> -> memref<232x16xf32, #tpu.memory_space<vmem>>
      tpu.enqueue_dma source(%dma_start3A_122 : memref<232x16xf32, #tpu.memory_space<vmem>>) target(%dma_start3A_119 : memref<232x16xf32, #tpu.memory_space<vmem_shared>>) target_semaphore(%run_scoped3A : memref<!tpu.dma_semaphore, #tpu.memory_space<semaphore_mem>>)
      %dma_wait3A_123 = arith.constant 0 : i32
      %dma_wait3A_124 = arith.constant 0 : i32
      %dma_wait3A_125 = tpu.memref_slice %arg5[%dma_wait3A_123, %dma_wait3A_124] : memref<232x16xf32, #tpu.memory_space<vmem>> -> memref<232x16xf32, #tpu.memory_space<vmem>>
      %dma_wait3A_126 = arith.constant 0 : i32
      %dma_wait3A_127 = tpu.memref_slice %arg6[%add3A_18, %dma_wait3A_126] : memref<26000x16xf32, #tpu.memory_space<vmem_shared>> -> memref<232x16xf32, #tpu.memory_space<vmem_shared>>
      %dma_wait3A_128 = arith.constant 0 : i32
      %dma_wait3A_129 = tpu.memref_slice %arg6[%add3A_18, %dma_wait3A_128] : memref<26000x16xf32, #tpu.memory_space<vmem_shared>> -> memref<232x16xf32, #tpu.memory_space<vmem_shared>>
      %dma_wait3A_130 = arith.constant 0 : i32
      %dma_wait3A_131 = arith.constant 0 : i32
      %dma_wait3A_132 = tpu.memref_slice %arg5[%dma_wait3A_130, %dma_wait3A_131] : memref<232x16xf32, #tpu.memory_space<vmem>> -> memref<232x16xf32, #tpu.memory_space<vmem>>
      tpu.wait_dma2 semaphore(%run_scoped3A : memref<!tpu.dma_semaphore, #tpu.memory_space<semaphore_mem>>) src(%dma_wait3A_132 : memref<232x16xf32, #tpu.memory_space<vmem>>) dst(%dma_wait3A_129 : memref<232x16xf32, #tpu.memory_space<vmem_shared>>)
      tpu.yield
    }) : () -> ()
    %mul3A_19 = arith.constant 1624 : i32
    %mul3A_20 = arith.muli %arg1, %mul3A_19 : i32
    %add3A_21 = arith.constant 232 : i32
    %add3A_22 = arith.addi %mul3A_20, %add3A_21 : i32
    "tpu.region"() ({
      %run_scoped3A = tpu.sem_alloc : memref<!tpu.dma_semaphore, #tpu.memory_space<semaphore_mem>>
      %dma_start3A = arith.constant 0 : i32
      %dma_start3A_114 = arith.constant 0 : i32
      %dma_start3A_115 = tpu.memref_slice %arg5[%dma_start3A, %dma_start3A_114] : memref<232x16xf32, #tpu.memory_space<vmem>> -> memref<232x16xf32, #tpu.memory_space<vmem>>
      %dma_start3A_116 = arith.constant 0 : i32
      %dma_start3A_117 = tpu.memref_slice %arg6[%add3A_22, %dma_start3A_116] : memref<26000x16xf32, #tpu.memory_space<vmem_shared>> -> memref<232x16xf32, #tpu.memory_space<vmem_shared>>
      %dma_start3A_118 = arith.constant 0 : i32
      %dma_start3A_119 = tpu.memref_slice %arg6[%add3A_22, %dma_start3A_118] : memref<26000x16xf32, #tpu.memory_space<vmem_shared>> -> memref<232x16xf32, #tpu.memory_space<vmem_shared>>
      %dma_start3A_120 = arith.constant 0 : i32
      %dma_start3A_121 = arith.constant 0 : i32
      %dma_start3A_122 = tpu.memref_slice %arg5[%dma_start3A_120, %dma_start3A_121] : memref<232x16xf32, #tpu.memory_space<vmem>> -> memref<232x16xf32, #tpu.memory_space<vmem>>
      tpu.enqueue_dma source(%dma_start3A_122 : memref<232x16xf32, #tpu.memory_space<vmem>>) target(%dma_start3A_119 : memref<232x16xf32, #tpu.memory_space<vmem_shared>>) target_semaphore(%run_scoped3A : memref<!tpu.dma_semaphore, #tpu.memory_space<semaphore_mem>>)
      %dma_wait3A_123 = arith.constant 0 : i32
      %dma_wait3A_124 = arith.constant 0 : i32
      %dma_wait3A_125 = tpu.memref_slice %arg5[%dma_wait3A_123, %dma_wait3A_124] : memref<232x16xf32, #tpu.memory_space<vmem>> -> memref<232x16xf32, #tpu.memory_space<vmem>>
      %dma_wait3A_126 = arith.constant 0 : i32
      %dma_wait3A_127 = tpu.memref_slice %arg6[%add3A_22, %dma_wait3A_126] : memref<26000x16xf32, #tpu.memory_space<vmem_shared>> -> memref<232x16xf32, #tpu.memory_space<vmem_shared>>
      %dma_wait3A_128 = arith.constant 0 : i32
      %dma_wait3A_129 = tpu.memref_slice %arg6[%add3A_22, %dma_wait3A_128] : memref<26000x16xf32, #tpu.memory_space<vmem_shared>> -> memref<232x16xf32, #tpu.memory_space<vmem_shared>>
      %dma_wait3A_130 = arith.constant 0 : i32
      %dma_wait3A_131 = arith.constant 0 : i32
      %dma_wait3A_132 = tpu.memref_slice %arg5[%dma_wait3A_130, %dma_wait3A_131] : memref<232x16xf32, #tpu.memory_space<vmem>> -> memref<232x16xf32, #tpu.memory_space<vmem>>
      tpu.wait_dma2 semaphore(%run_scoped3A : memref<!tpu.dma_semaphore, #tpu.memory_space<semaphore_mem>>) src(%dma_wait3A_132 : memref<232x16xf32, #tpu.memory_space<vmem>>) dst(%dma_wait3A_129 : memref<232x16xf32, #tpu.memory_space<vmem_shared>>)
      tpu.yield
    }) : () -> ()
    %mul3A_23 = arith.constant 1624 : i32
    %mul3A_24 = arith.muli %arg1, %mul3A_23 : i32
    %add3A_25 = arith.constant 464 : i32
    %add3A_26 = arith.addi %mul3A_24, %add3A_25 : i32
    "tpu.region"() ({
      %run_scoped3A = tpu.sem_alloc : memref<!tpu.dma_semaphore, #tpu.memory_space<semaphore_mem>>
      %dma_start3A = arith.constant 0 : i32
      %dma_start3A_114 = arith.constant 0 : i32
      %dma_start3A_115 = tpu.memref_slice %arg5[%dma_start3A, %dma_start3A_114] : memref<232x16xf32, #tpu.memory_space<vmem>> -> memref<232x16xf32, #tpu.memory_space<vmem>>
      %dma_start3A_116 = arith.constant 0 : i32
      %dma_start3A_117 = tpu.memref_slice %arg6[%add3A_26, %dma_start3A_116] : memref<26000x16xf32, #tpu.memory_space<vmem_shared>> -> memref<232x16xf32, #tpu.memory_space<vmem_shared>>
      %dma_start3A_118 = arith.constant 0 : i32
      %dma_start3A_119 = tpu.memref_slice %arg6[%add3A_26, %dma_start3A_118] : memref<26000x16xf32, #tpu.memory_space<vmem_shared>> -> memref<232x16xf32, #tpu.memory_space<vmem_shared>>
      %dma_start3A_120 = arith.constant 0 : i32
      %dma_start3A_121 = arith.constant 0 : i32
      %dma_start3A_122 = tpu.memref_slice %arg5[%dma_start3A_120, %dma_start3A_121] : memref<232x16xf32, #tpu.memory_space<vmem>> -> memref<232x16xf32, #tpu.memory_space<vmem>>
      tpu.enqueue_dma source(%dma_start3A_122 : memref<232x16xf32, #tpu.memory_space<vmem>>) target(%dma_start3A_119 : memref<232x16xf32, #tpu.memory_space<vmem_shared>>) target_semaphore(%run_scoped3A : memref<!tpu.dma_semaphore, #tpu.memory_space<semaphore_mem>>)
      %dma_wait3A_123 = arith.constant 0 : i32
      %dma_wait3A_124 = arith.constant 0 : i32
      %dma_wait3A_125 = tpu.memref_slice %arg5[%dma_wait3A_123, %dma_wait3A_124] : memref<232x16xf32, #tpu.memory_space<vmem>> -> memref<232x16xf32, #tpu.memory_space<vmem>>
      %dma_wait3A_126 = arith.constant 0 : i32
      %dma_wait3A_127 = tpu.memref_slice %arg6[%add3A_26, %dma_wait3A_126] : memref<26000x16xf32, #tpu.memory_space<vmem_shared>> -> memref<232x16xf32, #tpu.memory_space<vmem_shared>>
      %dma_wait3A_128 = arith.constant 0 : i32
      %dma_wait3A_129 = tpu.memref_slice %arg6[%add3A_26, %dma_wait3A_128] : memref<26000x16xf32, #tpu.memory_space<vmem_shared>> -> memref<232x16xf32, #tpu.memory_space<vmem_shared>>
      %dma_wait3A_130 = arith.constant 0 : i32
      %dma_wait3A_131 = arith.constant 0 : i32
      %dma_wait3A_132 = tpu.memref_slice %arg5[%dma_wait3A_130, %dma_wait3A_131] : memref<232x16xf32, #tpu.memory_space<vmem>> -> memref<232x16xf32, #tpu.memory_space<vmem>>
      tpu.wait_dma2 semaphore(%run_scoped3A : memref<!tpu.dma_semaphore, #tpu.memory_space<semaphore_mem>>) src(%dma_wait3A_132 : memref<232x16xf32, #tpu.memory_space<vmem>>) dst(%dma_wait3A_129 : memref<232x16xf32, #tpu.memory_space<vmem_shared>>)
      tpu.yield
    }) : () -> ()
    %mul3A_27 = arith.constant 1624 : i32
    %mul3A_28 = arith.muli %arg1, %mul3A_27 : i32
    %add3A_29 = arith.constant 696 : i32
    %add3A_30 = arith.addi %mul3A_28, %add3A_29 : i32
    "tpu.region"() ({
      %run_scoped3A = tpu.sem_alloc : memref<!tpu.dma_semaphore, #tpu.memory_space<semaphore_mem>>
      %dma_start3A = arith.constant 0 : i32
      %dma_start3A_114 = arith.constant 0 : i32
      %dma_start3A_115 = tpu.memref_slice %arg5[%dma_start3A, %dma_start3A_114] : memref<232x16xf32, #tpu.memory_space<vmem>> -> memref<232x16xf32, #tpu.memory_space<vmem>>
      %dma_start3A_116 = arith.constant 0 : i32
      %dma_start3A_117 = tpu.memref_slice %arg6[%add3A_30, %dma_start3A_116] : memref<26000x16xf32, #tpu.memory_space<vmem_shared>> -> memref<232x16xf32, #tpu.memory_space<vmem_shared>>
      %dma_start3A_118 = arith.constant 0 : i32
      %dma_start3A_119 = tpu.memref_slice %arg6[%add3A_30, %dma_start3A_118] : memref<26000x16xf32, #tpu.memory_space<vmem_shared>> -> memref<232x16xf32, #tpu.memory_space<vmem_shared>>
      %dma_start3A_120 = arith.constant 0 : i32
      %dma_start3A_121 = arith.constant 0 : i32
      %dma_start3A_122 = tpu.memref_slice %arg5[%dma_start3A_120, %dma_start3A_121] : memref<232x16xf32, #tpu.memory_space<vmem>> -> memref<232x16xf32, #tpu.memory_space<vmem>>
      tpu.enqueue_dma source(%dma_start3A_122 : memref<232x16xf32, #tpu.memory_space<vmem>>) target(%dma_start3A_119 : memref<232x16xf32, #tpu.memory_space<vmem_shared>>) target_semaphore(%run_scoped3A : memref<!tpu.dma_semaphore, #tpu.memory_space<semaphore_mem>>)
      %dma_wait3A_123 = arith.constant 0 : i32
      %dma_wait3A_124 = arith.constant 0 : i32
      %dma_wait3A_125 = tpu.memref_slice %arg5[%dma_wait3A_123, %dma_wait3A_124] : memref<232x16xf32, #tpu.memory_space<vmem>> -> memref<232x16xf32, #tpu.memory_space<vmem>>
      %dma_wait3A_126 = arith.constant 0 : i32
      %dma_wait3A_127 = tpu.memref_slice %arg6[%add3A_30, %dma_wait3A_126] : memref<26000x16xf32, #tpu.memory_space<vmem_shared>> -> memref<232x16xf32, #tpu.memory_space<vmem_shared>>
      %dma_wait3A_128 = arith.constant 0 : i32
      %dma_wait3A_129 = tpu.memref_slice %arg6[%add3A_30, %dma_wait3A_128] : memref<26000x16xf32, #tpu.memory_space<vmem_shared>> -> memref<232x16xf32, #tpu.memory_space<vmem_shared>>
      %dma_wait3A_130 = arith.constant 0 : i32
      %dma_wait3A_131 = arith.constant 0 : i32
      %dma_wait3A_132 = tpu.memref_slice %arg5[%dma_wait3A_130, %dma_wait3A_131] : memref<232x16xf32, #tpu.memory_space<vmem>> -> memref<232x16xf32, #tpu.memory_space<vmem>>
      tpu.wait_dma2 semaphore(%run_scoped3A : memref<!tpu.dma_semaphore, #tpu.memory_space<semaphore_mem>>) src(%dma_wait3A_132 : memref<232x16xf32, #tpu.memory_space<vmem>>) dst(%dma_wait3A_129 : memref<232x16xf32, #tpu.memory_space<vmem_shared>>)
      tpu.yield
    }) : () -> ()
    %mul3A_31 = arith.constant 1624 : i32
    %mul3A_32 = arith.muli %arg1, %mul3A_31 : i32
    %add3A_33 = arith.constant 928 : i32
    %add3A_34 = arith.addi %mul3A_32, %add3A_33 : i32
    "tpu.region"() ({
      %run_scoped3A = tpu.sem_alloc : memref<!tpu.dma_semaphore, #tpu.memory_space<semaphore_mem>>
      %dma_start3A = arith.constant 0 : i32
      %dma_start3A_114 = arith.constant 0 : i32
      %dma_start3A_115 = tpu.memref_slice %arg5[%dma_start3A, %dma_start3A_114] : memref<232x16xf32, #tpu.memory_space<vmem>> -> memref<232x16xf32, #tpu.memory_space<vmem>>
      %dma_start3A_116 = arith.constant 0 : i32
      %dma_start3A_117 = tpu.memref_slice %arg6[%add3A_34, %dma_start3A_116] : memref<26000x16xf32, #tpu.memory_space<vmem_shared>> -> memref<232x16xf32, #tpu.memory_space<vmem_shared>>
      %dma_start3A_118 = arith.constant 0 : i32
      %dma_start3A_119 = tpu.memref_slice %arg6[%add3A_34, %dma_start3A_118] : memref<26000x16xf32, #tpu.memory_space<vmem_shared>> -> memref<232x16xf32, #tpu.memory_space<vmem_shared>>
      %dma_start3A_120 = arith.constant 0 : i32
      %dma_start3A_121 = arith.constant 0 : i32
      %dma_start3A_122 = tpu.memref_slice %arg5[%dma_start3A_120, %dma_start3A_121] : memref<232x16xf32, #tpu.memory_space<vmem>> -> memref<232x16xf32, #tpu.memory_space<vmem>>
      tpu.enqueue_dma source(%dma_start3A_122 : memref<232x16xf32, #tpu.memory_space<vmem>>) target(%dma_start3A_119 : memref<232x16xf32, #tpu.memory_space<vmem_shared>>) target_semaphore(%run_scoped3A : memref<!tpu.dma_semaphore, #tpu.memory_space<semaphore_mem>>)
      %dma_wait3A_123 = arith.constant 0 : i32
      %dma_wait3A_124 = arith.constant 0 : i32
      %dma_wait3A_125 = tpu.memref_slice %arg5[%dma_wait3A_123, %dma_wait3A_124] : memref<232x16xf32, #tpu.memory_space<vmem>> -> memref<232x16xf32, #tpu.memory_space<vmem>>
      %dma_wait3A_126 = arith.constant 0 : i32
      %dma_wait3A_127 = tpu.memref_slice %arg6[%add3A_34, %dma_wait3A_126] : memref<26000x16xf32, #tpu.memory_space<vmem_shared>> -> memref<232x16xf32, #tpu.memory_space<vmem_shared>>
      %dma_wait3A_128 = arith.constant 0 : i32
      %dma_wait3A_129 = tpu.memref_slice %arg6[%add3A_34, %dma_wait3A_128] : memref<26000x16xf32, #tpu.memory_space<vmem_shared>> -> memref<232x16xf32, #tpu.memory_space<vmem_shared>>
      %dma_wait3A_130 = arith.constant 0 : i32
      %dma_wait3A_131 = arith.constant 0 : i32
      %dma_wait3A_132 = tpu.memref_slice %arg5[%dma_wait3A_130, %dma_wait3A_131] : memref<232x16xf32, #tpu.memory_space<vmem>> -> memref<232x16xf32, #tpu.memory_space<vmem>>
      tpu.wait_dma2 semaphore(%run_scoped3A : memref<!tpu.dma_semaphore, #tpu.memory_space<semaphore_mem>>) src(%dma_wait3A_132 : memref<232x16xf32, #tpu.memory_space<vmem>>) dst(%dma_wait3A_129 : memref<232x16xf32, #tpu.memory_space<vmem_shared>>)
      tpu.yield
    }) : () -> ()
    %mul3A_35 = arith.constant 1624 : i32
    %mul3A_36 = arith.muli %arg1, %mul3A_35 : i32
    %add3A_37 = arith.constant 1160 : i32
    %add3A_38 = arith.addi %mul3A_36, %add3A_37 : i32
    "tpu.region"() ({
      %run_scoped3A = tpu.sem_alloc : memref<!tpu.dma_semaphore, #tpu.memory_space<semaphore_mem>>
      %dma_start3A = arith.constant 0 : i32
      %dma_start3A_114 = arith.constant 0 : i32
      %dma_start3A_115 = tpu.memref_slice %arg5[%dma_start3A, %dma_start3A_114] : memref<232x16xf32, #tpu.memory_space<vmem>> -> memref<232x16xf32, #tpu.memory_space<vmem>>
      %dma_start3A_116 = arith.constant 0 : i32
      %dma_start3A_117 = tpu.memref_slice %arg6[%add3A_38, %dma_start3A_116] : memref<26000x16xf32, #tpu.memory_space<vmem_shared>> -> memref<232x16xf32, #tpu.memory_space<vmem_shared>>
      %dma_start3A_118 = arith.constant 0 : i32
      %dma_start3A_119 = tpu.memref_slice %arg6[%add3A_38, %dma_start3A_118] : memref<26000x16xf32, #tpu.memory_space<vmem_shared>> -> memref<232x16xf32, #tpu.memory_space<vmem_shared>>
      %dma_start3A_120 = arith.constant 0 : i32
      %dma_start3A_121 = arith.constant 0 : i32
      %dma_start3A_122 = tpu.memref_slice %arg5[%dma_start3A_120, %dma_start3A_121] : memref<232x16xf32, #tpu.memory_space<vmem>> -> memref<232x16xf32, #tpu.memory_space<vmem>>
      tpu.enqueue_dma source(%dma_start3A_122 : memref<232x16xf32, #tpu.memory_space<vmem>>) target(%dma_start3A_119 : memref<232x16xf32, #tpu.memory_space<vmem_shared>>) target_semaphore(%run_scoped3A : memref<!tpu.dma_semaphore, #tpu.memory_space<semaphore_mem>>)
      %dma_wait3A_123 = arith.constant 0 : i32
      %dma_wait3A_124 = arith.constant 0 : i32
      %dma_wait3A_125 = tpu.memref_slice %arg5[%dma_wait3A_123, %dma_wait3A_124] : memref<232x16xf32, #tpu.memory_space<vmem>> -> memref<232x16xf32, #tpu.memory_space<vmem>>
      %dma_wait3A_126 = arith.constant 0 : i32
      %dma_wait3A_127 = tpu.memref_slice %arg6[%add3A_38, %dma_wait3A_126] : memref<26000x16xf32, #tpu.memory_space<vmem_shared>> -> memref<232x16xf32, #tpu.memory_space<vmem_shared>>
      %dma_wait3A_128 = arith.constant 0 : i32
      %dma_wait3A_129 = tpu.memref_slice %arg6[%add3A_38, %dma_wait3A_128] : memref<26000x16xf32, #tpu.memory_space<vmem_shared>> -> memref<232x16xf32, #tpu.memory_space<vmem_shared>>
      %dma_wait3A_130 = arith.constant 0 : i32
      %dma_wait3A_131 = arith.constant 0 : i32
      %dma_wait3A_132 = tpu.memref_slice %arg5[%dma_wait3A_130, %dma_wait3A_131] : memref<232x16xf32, #tpu.memory_space<vmem>> -> memref<232x16xf32, #tpu.memory_space<vmem>>
      tpu.wait_dma2 semaphore(%run_scoped3A : memref<!tpu.dma_semaphore, #tpu.memory_space<semaphore_mem>>) src(%dma_wait3A_132 : memref<232x16xf32, #tpu.memory_space<vmem>>) dst(%dma_wait3A_129 : memref<232x16xf32, #tpu.memory_space<vmem_shared>>)
      tpu.yield
    }) : () -> ()
    %mul3A_39 = arith.constant 1624 : i32
    %mul3A_40 = arith.muli %arg1, %mul3A_39 : i32
    %add3A_41 = arith.constant 1392 : i32
    %add3A_42 = arith.addi %mul3A_40, %add3A_41 : i32
    "tpu.region"() ({
      %run_scoped3A = tpu.sem_alloc : memref<!tpu.dma_semaphore, #tpu.memory_space<semaphore_mem>>
      %dma_start3A = arith.constant 0 : i32
      %dma_start3A_114 = arith.constant 0 : i32
      %dma_start3A_115 = tpu.memref_slice %arg5[%dma_start3A, %dma_start3A_114] : memref<232x16xf32, #tpu.memory_space<vmem>> -> memref<232x16xf32, #tpu.memory_space<vmem>>
      %dma_start3A_116 = arith.constant 0 : i32
      %dma_start3A_117 = tpu.memref_slice %arg6[%add3A_42, %dma_start3A_116] : memref<26000x16xf32, #tpu.memory_space<vmem_shared>> -> memref<232x16xf32, #tpu.memory_space<vmem_shared>>
      %dma_start3A_118 = arith.constant 0 : i32
      %dma_start3A_119 = tpu.memref_slice %arg6[%add3A_42, %dma_start3A_118] : memref<26000x16xf32, #tpu.memory_space<vmem_shared>> -> memref<232x16xf32, #tpu.memory_space<vmem_shared>>
      %dma_start3A_120 = arith.constant 0 : i32
      %dma_start3A_121 = arith.constant 0 : i32
      %dma_start3A_122 = tpu.memref_slice %arg5[%dma_start3A_120, %dma_start3A_121] : memref<232x16xf32, #tpu.memory_space<vmem>> -> memref<232x16xf32, #tpu.memory_space<vmem>>
      tpu.enqueue_dma source(%dma_start3A_122 : memref<232x16xf32, #tpu.memory_space<vmem>>) target(%dma_start3A_119 : memref<232x16xf32, #tpu.memory_space<vmem_shared>>) target_semaphore(%run_scoped3A : memref<!tpu.dma_semaphore, #tpu.memory_space<semaphore_mem>>)
      %dma_wait3A_123 = arith.constant 0 : i32
      %dma_wait3A_124 = arith.constant 0 : i32
      %dma_wait3A_125 = tpu.memref_slice %arg5[%dma_wait3A_123, %dma_wait3A_124] : memref<232x16xf32, #tpu.memory_space<vmem>> -> memref<232x16xf32, #tpu.memory_space<vmem>>
      %dma_wait3A_126 = arith.constant 0 : i32
      %dma_wait3A_127 = tpu.memref_slice %arg6[%add3A_42, %dma_wait3A_126] : memref<26000x16xf32, #tpu.memory_space<vmem_shared>> -> memref<232x16xf32, #tpu.memory_space<vmem_shared>>
      %dma_wait3A_128 = arith.constant 0 : i32
      %dma_wait3A_129 = tpu.memref_slice %arg6[%add3A_42, %dma_wait3A_128] : memref<26000x16xf32, #tpu.memory_space<vmem_shared>> -> memref<232x16xf32, #tpu.memory_space<vmem_shared>>
      %dma_wait3A_130 = arith.constant 0 : i32
      %dma_wait3A_131 = arith.constant 0 : i32
      %dma_wait3A_132 = tpu.memref_slice %arg5[%dma_wait3A_130, %dma_wait3A_131] : memref<232x16xf32, #tpu.memory_space<vmem>> -> memref<232x16xf32, #tpu.memory_space<vmem>>
      tpu.wait_dma2 semaphore(%run_scoped3A : memref<!tpu.dma_semaphore, #tpu.memory_space<semaphore_mem>>) src(%dma_wait3A_132 : memref<232x16xf32, #tpu.memory_space<vmem>>) dst(%dma_wait3A_129 : memref<232x16xf32, #tpu.memory_space<vmem_shared>>)
      tpu.yield
    }) : () -> ()
    %iota3A_43 = tpu.iota {dimensions = array<i32: 0>} : vector<16xi32>
    %eq3A = arith.constant 0 : i32
    %eq3A_44 = vector.broadcast %eq3A : i32 to vector<16xi32>
    %eq3A_45 = arith.cmpi eq, %iota3A_43, %eq3A_44 : vector<16xi32>
    %jit3A = arith.constant 1.000000e+00 : f32
    %jit3A_46 = arith.constant 0.000000e+00 : f32
    %broadcast_in_dim3A_47 = vector.broadcast %jit3A : f32 to vector<16xf32>
    %broadcast_in_dim3A_48 = vector.broadcast %jit3A_46 : f32 to vector<16xf32>
    %select_n3A = arith.select %eq3A_45, %broadcast_in_dim3A_47, %broadcast_in_dim3A_48 : vector<16xi1>, vector<16xf32>
    %scan3A_49 = arith.constant 0 : i32
    %scan3A_50 = arith.constant 0 : i32
    %scan3A_51 = arith.constant 128 : i32
    %scan3A_52 = arith.addi %scan3A_50, %scan3A_51 : i32
    %scan3A_53 = arith.constant 1 : i32
    %scan3A_54 = scf.for %scan3A_114 = %scan3A_50 to %scan3A_52 step %scan3A_53 iter_args(%scan3A_115 = %scan3A_49) -> (i32)  : i32 {
      %jit3A_116 = arith.constant 1 : i32
      %div3A = arith.divsi %scan3A_114, %jit3A_116 : i32
      %sign3A = arith.constant 0 : i32
      %sign3A_117 = arith.cmpi sgt, %scan3A_114, %sign3A : i32
      %sign3A_118 = arith.extui %sign3A_117 : i1 to i32
      %sign3A_119 = arith.constant 0 : i32
      %sign3A_120 = arith.cmpi slt, %scan3A_114, %sign3A_119 : i32
      %sign3A_121 = arith.extui %sign3A_120 : i1 to i32
      %sign3A_122 = arith.subi %sign3A_118, %sign3A_121 : i32
      %sign3A_123 = arith.constant 0 : i32
      %sign3A_124 = arith.cmpi sgt, %jit3A_116, %sign3A_123 : i32
      %sign3A_125 = arith.extui %sign3A_124 : i1 to i32
      %sign3A_126 = arith.constant 0 : i32
      %sign3A_127 = arith.cmpi slt, %jit3A_116, %sign3A_126 : i32
      %sign3A_128 = arith.extui %sign3A_127 : i1 to i32
      %sign3A_129 = arith.subi %sign3A_125, %sign3A_128 : i32
      %ne3A = arith.cmpi ne, %sign3A_122, %sign3A_129 : i32
      %rem3A = arith.remsi %scan3A_114, %jit3A_116 : i32
      %ne3A_130 = arith.constant 0 : i32
      %ne3A_131 = arith.cmpi ne, %rem3A, %ne3A_130 : i32
      %and3A = arith.andi %ne3A, %ne3A_131 : i1
      %sub3A = arith.constant 1 : i32
      %sub3A_132 = arith.subi %div3A, %sub3A : i32
      %select_n3A_133 = arith.select %and3A, %sub3A_132, %div3A : i32
      %jit3A_134 = arith.constant 1 : i32
      %eq3A_135 = arith.constant 0 : i32
      %eq3A_136 = arith.cmpi eq, %jit3A_134, %eq3A_135 : i32
      %jit3A_137 = arith.constant 1 : i32
      %select_n3A_138 = arith.select %eq3A_136, %jit3A_137, %jit3A_134 : i32
      %rem3A_139 = arith.remsi %scan3A_114, %select_n3A_138 : i32
      %ne3A_140 = arith.constant 0 : i32
      %ne3A_141 = arith.cmpi ne, %rem3A_139, %ne3A_140 : i32
      %lt3A = arith.constant 0 : i32
      %lt3A_142 = arith.cmpi slt, %rem3A_139, %lt3A : i32
      %lt3A_143 = arith.constant 0 : i32
      %lt3A_144 = arith.cmpi slt, %select_n3A_138, %lt3A_143 : i32
      %ne3A_145 = arith.xori %lt3A_142, %lt3A_144 : i1
      %and3A_146 = arith.andi %ne3A_145, %ne3A_141 : i1
      %add3A_147 = arith.addi %rem3A_139, %select_n3A_138 : i32
      %select_n3A_148 = arith.select %and3A_146, %add3A_147, %rem3A_139 : i32
      %mul3A_149 = arith.constant 16 : i32
      %mul3A_150 = arith.muli %select_n3A_148, %mul3A_149 : i32
      %swap3A = arith.index_cast %select_n3A_133 : i32 to index
      %swap3A_151 = arith.index_cast %mul3A_150 : i32 to index
      %swap3A_152 = tpu.vector_load %arg5[%swap3A, %swap3A_151] {strides = array<i32>} : memref<232x16xf32, #tpu.memory_space<vmem>>, vector<16xf32>,
      tpu.vector_store %arg5[%swap3A, %swap3A_151], %select_n3A {strides = array<i32>} : memref<232x16xf32, #tpu.memory_space<vmem>>, vector<16xf32>,
      %scan3A_153 = arith.constant 0 : i32
      scf.yield %scan3A_153 : i32
    }
    %scan3A_55 = arith.constant 128 : i32
    %barrier3A = arith.constant 0 : index
    tpu.barrier barrier_id(%barrier3A)
    %scan3A_56 = arith.constant 0 : i32
    %scan3A_57 = arith.constant 0 : i32
    %scan3A_58 = arith.constant 49 : i32
    %scan3A_59 = arith.addi %scan3A_57, %scan3A_58 : i32
    %scan3A_60 = arith.constant 1 : i32
    %scan3A_61 = scf.for %scan3A_114 = %scan3A_57 to %scan3A_59 step %scan3A_60 iter_args(%scan3A_115 = %scan3A_56) -> (i32)  : i32 {
      %rem3A = arith.constant 2 : i32
      %rem3A_116 = arith.remsi %scan3A_114, %rem3A : i32
      %mul3A_117 = arith.constant 8 : i32
      %mul3A_118 = arith.muli %scan3A_114, %mul3A_117 : i32
      %add3A_119 = arith.addi %mul3A_7, %mul3A_118 : i32
      "tpu.region"() ({
        %run_scoped3A = tpu.sem_alloc : memref<!tpu.dma_semaphore, #tpu.memory_space<semaphore_mem>>
        %dma_start3A_276 = arith.constant 0 : i32
        %dma_start3A_277 = arith.constant 0 : i32
        %dma_start3A_278 = tpu.memref_slice %arg4[%rem3A_116, %dma_start3A_276, %dma_start3A_277] : memref<2x8x128xi32, #tpu.memory_space<vmem>> -> memref<1x8x128xi32, #tpu.memory_space<vmem>>
        %dma_start3A_279 = tpu.memref_squeeze %dma_start3A_278 : memref<1x8x128xi32, #tpu.memory_space<vmem>> -> memref<8x128xi32, #tpu.memory_space<vmem>>
        %dma_start3A_280 = arith.constant 0 : i32
        %dma_start3A_281 = tpu.memref_slice %arg2[%add3A_119, %dma_start3A_280] : memref<6272x128xi32, #tpu.memory_space<hbm>> -> memref<8x128xi32, #tpu.memory_space<hbm>>
        %dma_start3A_282 = arith.constant 0 : i32
        %dma_start3A_283 = arith.constant 0 : i32
        %dma_start3A_284 = tpu.memref_slice %arg4[%rem3A_116, %dma_start3A_282, %dma_start3A_283] : memref<2x8x128xi32, #tpu.memory_space<vmem>> -> memref<1x8x128xi32, #tpu.memory_space<vmem>>
        %dma_start3A_285 = tpu.memref_squeeze %dma_start3A_284 : memref<1x8x128xi32, #tpu.memory_space<vmem>> -> memref<8x128xi32, #tpu.memory_space<vmem>>
        %dma_start3A_286 = arith.constant 0 : i32
        %dma_start3A_287 = tpu.memref_slice %arg2[%add3A_119, %dma_start3A_286] : memref<6272x128xi32, #tpu.memory_space<hbm>> -> memref<8x128xi32, #tpu.memory_space<hbm>>
        tpu.enqueue_dma source(%dma_start3A_287 : memref<8x128xi32, #tpu.memory_space<hbm>>) target(%dma_start3A_285 : memref<8x128xi32, #tpu.memory_space<vmem>>) target_semaphore(%run_scoped3A : memref<!tpu.dma_semaphore, #tpu.memory_space<semaphore_mem>>)
        %dma_wait3A_288 = arith.constant 0 : i32
        %dma_wait3A_289 = arith.constant 0 : i32
        %dma_wait3A_290 = tpu.memref_slice %arg4[%rem3A_116, %dma_wait3A_288, %dma_wait3A_289] : memref<2x8x128xi32, #tpu.memory_space<vmem>> -> memref<1x8x128xi32, #tpu.memory_space<vmem>>
        %dma_wait3A_291 = tpu.memref_squeeze %dma_wait3A_290 : memref<1x8x128xi32, #tpu.memory_space<vmem>> -> memref<8x128xi32, #tpu.memory_space<vmem>>
        %dma_wait3A_292 = arith.constant 0 : i32
        %dma_wait3A_293 = tpu.memref_slice %arg2[%add3A_119, %dma_wait3A_292] : memref<6272x128xi32, #tpu.memory_space<hbm>> -> memref<8x128xi32, #tpu.memory_space<hbm>>
        %dma_wait3A_294 = arith.constant 0 : i32
        %dma_wait3A_295 = arith.constant 0 : i32
        %dma_wait3A_296 = tpu.memref_slice %arg4[%rem3A_116, %dma_wait3A_294, %dma_wait3A_295] : memref<2x8x128xi32, #tpu.memory_space<vmem>> -> memref<1x8x128xi32, #tpu.memory_space<vmem>>
        %dma_wait3A_297 = tpu.memref_squeeze %dma_wait3A_296 : memref<1x8x128xi32, #tpu.memory_space<vmem>> -> memref<8x128xi32, #tpu.memory_space<vmem>>
        %dma_wait3A_298 = arith.constant 0 : i32
        %dma_wait3A_299 = tpu.memref_slice %arg2[%add3A_119, %dma_wait3A_298] : memref<6272x128xi32, #tpu.memory_space<hbm>> -> memref<8x128xi32, #tpu.memory_space<hbm>>
        tpu.wait_dma2 semaphore(%run_scoped3A : memref<!tpu.dma_semaphore, #tpu.memory_space<semaphore_mem>>) src(%dma_wait3A_299 : memref<8x128xi32, #tpu.memory_space<hbm>>) dst(%dma_wait3A_297 : memref<8x128xi32, #tpu.memory_space<vmem>>)
        tpu.yield
      }) : () -> ()
      %scan3A_120 = arith.constant 0 : i32
      %scan3A_121 = arith.constant 0 : i32
      %scan3A_122 = arith.constant 64 : i32
      %scan3A_123 = arith.addi %scan3A_121, %scan3A_122 : i32
      %scan3A_124 = arith.constant 1 : i32
      %scan3A_125 = scf.for %scan3A_276 = %scan3A_121 to %scan3A_123 step %scan3A_124 iter_args(%scan3A_277 = %scan3A_120) -> (i32)  : i32 {
        %jit3A_278 = arith.constant 8 : i32
        %div3A = arith.divsi %scan3A_276, %jit3A_278 : i32
        %sign3A = arith.constant 0 : i32
        %sign3A_279 = arith.cmpi sgt, %scan3A_276, %sign3A : i32
        %sign3A_280 = arith.extui %sign3A_279 : i1 to i32
        %sign3A_281 = arith.constant 0 : i32
        %sign3A_282 = arith.cmpi slt, %scan3A_276, %sign3A_281 : i32
        %sign3A_283 = arith.extui %sign3A_282 : i1 to i32
        %sign3A_284 = arith.subi %sign3A_280, %sign3A_283 : i32
        %sign3A_285 = arith.constant 0 : i32
        %sign3A_286 = arith.cmpi sgt, %jit3A_278, %sign3A_285 : i32
        %sign3A_287 = arith.extui %sign3A_286 : i1 to i32
        %sign3A_288 = arith.constant 0 : i32
        %sign3A_289 = arith.cmpi slt, %jit3A_278, %sign3A_288 : i32
        %sign3A_290 = arith.extui %sign3A_289 : i1 to i32
        %sign3A_291 = arith.subi %sign3A_287, %sign3A_290 : i32
        %ne3A = arith.cmpi ne, %sign3A_284, %sign3A_291 : i32
        %rem3A_292 = arith.remsi %scan3A_276, %jit3A_278 : i32
        %ne3A_293 = arith.constant 0 : i32
        %ne3A_294 = arith.cmpi ne, %rem3A_292, %ne3A_293 : i32
        %and3A = arith.andi %ne3A, %ne3A_294 : i1
        %sub3A = arith.constant 1 : i32
        %sub3A_295 = arith.subi %div3A, %sub3A : i32
        %select_n3A_296 = arith.select %and3A, %sub3A_295, %div3A : i32
        %jit3A_297 = arith.constant 8 : i32
        %eq3A_298 = arith.constant 0 : i32
        %eq3A_299 = arith.cmpi eq, %jit3A_297, %eq3A_298 : i32
        %jit3A_300 = arith.constant 1 : i32
        %select_n3A_301 = arith.select %eq3A_299, %jit3A_300, %jit3A_297 : i32
        %rem3A_302 = arith.remsi %scan3A_276, %select_n3A_301 : i32
        %ne3A_303 = arith.constant 0 : i32
        %ne3A_304 = arith.cmpi ne, %rem3A_302, %ne3A_303 : i32
        %lt3A = arith.constant 0 : i32
        %lt3A_305 = arith.cmpi slt, %rem3A_302, %lt3A : i32
        %lt3A_306 = arith.constant 0 : i32
        %lt3A_307 = arith.cmpi slt, %select_n3A_301, %lt3A_306 : i32
        %ne3A_308 = arith.xori %lt3A_305, %lt3A_307 : i1
        %and3A_309 = arith.andi %ne3A_308, %ne3A_304 : i1
        %add3A_310 = arith.addi %rem3A_302, %select_n3A_301 : i32
        %select_n3A_311 = arith.select %and3A_309, %add3A_310, %rem3A_302 : i32
        %mul3A_312 = arith.constant 16 : i32
        %mul3A_313 = arith.muli %select_n3A_311, %mul3A_312 : i32
        %get3A = arith.index_cast %rem3A_116 : i32 to index
        %get3A_314 = arith.index_cast %select_n3A_296 : i32 to index
        %get3A_315 = arith.index_cast %mul3A_313 : i32 to index
        %get3A_316 = tpu.vector_load %arg4[%get3A, %get3A_314, %get3A_315] {strides = array<i32>} : memref<2x8x128xi32, #tpu.memory_space<vmem>>, vector<16xi32>,
        %sub3A_317 = vector.broadcast %mul3A_0 : i32 to vector<16xi32>
        %sub3A_318 = arith.subi %get3A_316, %sub3A_317 : vector<16xi32>
        %ge3A_319 = arith.constant 0 : i32
        %ge3A_320 = vector.broadcast %ge3A_319 : i32 to vector<16xi32>
        %ge3A_321 = arith.cmpi sge, %sub3A_318, %ge3A_320 : vector<16xi32>
        %lt3A_322 = arith.constant 25000 : i32
        %lt3A_323 = vector.broadcast %lt3A_322 : i32 to vector<16xi32>
        %lt3A_324 = arith.cmpi slt, %sub3A_318, %lt3A_323 : vector<16xi32>
        %and3A_325 = arith.andi %ge3A_321, %lt3A_324 : vector<16xi1>
        %select_n3A_326 = arith.select %and3A_325, %sub3A_318, %add3A_5 : vector<16xi1>, vector<16xi32>
        %mul3A_327 = arith.constant 16 : i32
        %mul3A_328 = arith.muli %select_n3A_311, %mul3A_327 : i32
        %swap3A = arith.index_cast %rem3A_116 : i32 to index
        %swap3A_329 = arith.index_cast %select_n3A_296 : i32 to index
        %swap3A_330 = arith.index_cast %mul3A_328 : i32 to index
        %swap3A_331 = tpu.vector_load %arg4[%swap3A, %swap3A_329, %swap3A_330] {strides = array<i32>} : memref<2x8x128xi32, #tpu.memory_space<vmem>>, vector<16xi32>,
        tpu.vector_store %arg4[%swap3A, %swap3A_329, %swap3A_330], %select_n3A_326 {strides = array<i32>} : memref<2x8x128xi32, #tpu.memory_space<vmem>>, vector<16xi32>,
        %scan3A_332 = arith.constant 0 : i32
        scf.yield %scan3A_332 : i32
      }
      %scan3A_126 = arith.constant 64 : i32
      %dma_start3A = arith.constant 0 : i32
      %dma_start3A_127 = arith.constant 0 : i32
      %dma_start3A_128 = arith.constant 0 : i32
      %dma_start3A_129 = tpu.memref_slice %arg5[%dma_start3A_127, %dma_start3A_128] : memref<232x16xf32, #tpu.memory_space<vmem>> -> memref<128x16xf32, #tpu.memory_space<vmem>>
      %dma_start3A_130 = arith.constant 0 : i32
      %dma_start3A_131 = tpu.memref_slice %arg4[%rem3A_116, %dma_start3A, %dma_start3A_130] : memref<2x8x128xi32, #tpu.memory_space<vmem>> -> memref<1x1x128xi32, #tpu.memory_space<vmem>>
      %dma_start3A_132 = tpu.memref_squeeze %dma_start3A_131 : memref<1x1x128xi32, #tpu.memory_space<vmem>> -> memref<128xi32, #tpu.memory_space<vmem>>
      %dma_start3A_133 = arith.constant 0 : i32
      %dma_start3A_134 = arith.constant 0 : i32
      %dma_start3A_135 = tpu.memref_slice %arg6[%dma_start3A_133, %dma_start3A_134] : memref<26000x16xf32, #tpu.memory_space<vmem_shared>> -> memref<26000x16xf32, #tpu.memory_space<vmem_shared>>
      tpu.enqueue_indirect_dma source(%dma_start3A_129 : memref<128x16xf32, #tpu.memory_space<vmem>>) target(%dma_start3A_135 : memref<26000x16xf32, #tpu.memory_space<vmem_shared>>) offsets(%dma_start3A_132 : memref<128xi32, #tpu.memory_space<vmem>>) semaphore(%arg7 : memref<!tpu.dma_semaphore, #tpu.memory_space<semaphore_mem>>) {add = true}
      %mul3A_136 = arith.constant 8 : i32
      %mul3A_137 = arith.muli %scan3A_114, %mul3A_136 : i32
      %add3A_138 = arith.constant 0 : i32
      %add3A_139 = arith.addi %mul3A_137, %add3A_138 : i32
      %ge3A = arith.constant 4 : i32
      %ge3A_140 = arith.cmpi sge, %add3A_139, %ge3A : i32
      %convert_element_type3A = arith.extui %ge3A_140 : i1 to i32
      %cond3A = arith.constant 0 : i32
      %cond3A_141 = arith.cmpi ne, %convert_element_type3A, %cond3A : i32
      scf.if %cond3A_141 {
        %dma_wait3A_276 = arith.constant 0 : i32
        %dma_wait3A_277 = arith.constant 0 : i32
        %dma_wait3A_278 = arith.constant 0 : i32
        %dma_wait3A_279 = arith.constant 0 : i32
        %dma_wait3A_280 = tpu.memref_slice %arg5[%dma_wait3A_278, %dma_wait3A_279] : memref<232x16xf32, #tpu.memory_space<vmem>> -> memref<128x16xf32, #tpu.memory_space<vmem>>
        %dma_wait3A_281 = arith.constant 0 : i32
        %dma_wait3A_282 = tpu.memref_slice %arg4[%dma_wait3A_276, %dma_wait3A_277, %dma_wait3A_281] : memref<2x8x128xi32, #tpu.memory_space<vmem>> -> memref<1x1x128xi32, #tpu.memory_space<vmem>>
        %dma_wait3A_283 = tpu.memref_squeeze %dma_wait3A_282 : memref<1x1x128xi32, #tpu.memory_space<vmem>> -> memref<128xi32, #tpu.memory_space<vmem>>
        %dma_wait3A_284 = arith.constant 0 : i32
        %dma_wait3A_285 = arith.constant 0 : i32
        %dma_wait3A_286 = tpu.memref_slice %arg6[%dma_wait3A_284, %dma_wait3A_285] : memref<26000x16xf32, #tpu.memory_space<vmem_shared>> -> memref<26000x16xf32, #tpu.memory_space<vmem_shared>>
        tpu.wait_indirect_dma semaphore(%arg7 : memref<!tpu.dma_semaphore, #tpu.memory_space<semaphore_mem>>) src(%dma_wait3A_280 : memref<128x16xf32, #tpu.memory_space<vmem>>) dst(%dma_wait3A_286 : memref<26000x16xf32, #tpu.memory_space<vmem_shared>>)
      } else {
      }
      %dma_start3A_142 = arith.constant 1 : i32
      %dma_start3A_143 = arith.constant 0 : i32
      %dma_start3A_144 = arith.constant 0 : i32
      %dma_start3A_145 = tpu.memref_slice %arg5[%dma_start3A_143, %dma_start3A_144] : memref<232x16xf32, #tpu.memory_space<vmem>> -> memref<128x16xf32, #tpu.memory_space<vmem>>
      %dma_start3A_146 = arith.constant 0 : i32
      %dma_start3A_147 = tpu.memref_slice %arg4[%rem3A_116, %dma_start3A_142, %dma_start3A_146] : memref<2x8x128xi32, #tpu.memory_space<vmem>> -> memref<1x1x128xi32, #tpu.memory_space<vmem>>
      %dma_start3A_148 = tpu.memref_squeeze %dma_start3A_147 : memref<1x1x128xi32, #tpu.memory_space<vmem>> -> memref<128xi32, #tpu.memory_space<vmem>>
      %dma_start3A_149 = arith.constant 0 : i32
      %dma_start3A_150 = arith.constant 0 : i32
      %dma_start3A_151 = tpu.memref_slice %arg6[%dma_start3A_149, %dma_start3A_150] : memref<26000x16xf32, #tpu.memory_space<vmem_shared>> -> memref<26000x16xf32, #tpu.memory_space<vmem_shared>>
      tpu.enqueue_indirect_dma source(%dma_start3A_145 : memref<128x16xf32, #tpu.memory_space<vmem>>) target(%dma_start3A_151 : memref<26000x16xf32, #tpu.memory_space<vmem_shared>>) offsets(%dma_start3A_148 : memref<128xi32, #tpu.memory_space<vmem>>) semaphore(%arg7 : memref<!tpu.dma_semaphore, #tpu.memory_space<semaphore_mem>>) {add = true}
      %mul3A_152 = arith.constant 8 : i32
      %mul3A_153 = arith.muli %scan3A_114, %mul3A_152 : i32
      %add3A_154 = arith.constant 1 : i32
      %add3A_155 = arith.addi %mul3A_153, %add3A_154 : i32
      %ge3A_156 = arith.constant 4 : i32
      %ge3A_157 = arith.cmpi sge, %add3A_155, %ge3A_156 : i32
      %convert_element_type3A_158 = arith.extui %ge3A_157 : i1 to i32
      %cond3A_159 = arith.constant 0 : i32
      %cond3A_160 = arith.cmpi ne, %convert_element_type3A_158, %cond3A_159 : i32
      scf.if %cond3A_160 {
        %dma_wait3A_276 = arith.constant 0 : i32
        %dma_wait3A_277 = arith.constant 0 : i32
        %dma_wait3A_278 = arith.constant 0 : i32
        %dma_wait3A_279 = arith.constant 0 : i32
        %dma_wait3A_280 = tpu.memref_slice %arg5[%dma_wait3A_278, %dma_wait3A_279] : memref<232x16xf32, #tpu.memory_space<vmem>> -> memref<128x16xf32, #tpu.memory_space<vmem>>
        %dma_wait3A_281 = arith.constant 0 : i32
        %dma_wait3A_282 = tpu.memref_slice %arg4[%dma_wait3A_276, %dma_wait3A_277, %dma_wait3A_281] : memref<2x8x128xi32, #tpu.memory_space<vmem>> -> memref<1x1x128xi32, #tpu.memory_space<vmem>>
        %dma_wait3A_283 = tpu.memref_squeeze %dma_wait3A_282 : memref<1x1x128xi32, #tpu.memory_space<vmem>> -> memref<128xi32, #tpu.memory_space<vmem>>
        %dma_wait3A_284 = arith.constant 0 : i32
        %dma_wait3A_285 = arith.constant 0 : i32
        %dma_wait3A_286 = tpu.memref_slice %arg6[%dma_wait3A_284, %dma_wait3A_285] : memref<26000x16xf32, #tpu.memory_space<vmem_shared>> -> memref<26000x16xf32, #tpu.memory_space<vmem_shared>>
        tpu.wait_indirect_dma semaphore(%arg7 : memref<!tpu.dma_semaphore, #tpu.memory_space<semaphore_mem>>) src(%dma_wait3A_280 : memref<128x16xf32, #tpu.memory_space<vmem>>) dst(%dma_wait3A_286 : memref<26000x16xf32, #tpu.memory_space<vmem_shared>>)
      } else {
      }
      %dma_start3A_161 = arith.constant 2 : i32
      %dma_start3A_162 = arith.constant 0 : i32
      %dma_start3A_163 = arith.constant 0 : i32
      %dma_start3A_164 = tpu.memref_slice %arg5[%dma_start3A_162, %dma_start3A_163] : memref<232x16xf32, #tpu.memory_space<vmem>> -> memref<128x16xf32, #tpu.memory_space<vmem>>
      %dma_start3A_165 = arith.constant 0 : i32
      %dma_start3A_166 = tpu.memref_slice %arg4[%rem3A_116, %dma_start3A_161, %dma_start3A_165] : memref<2x8x128xi32, #tpu.memory_space<vmem>> -> memref<1x1x128xi32, #tpu.memory_space<vmem>>
      %dma_start3A_167 = tpu.memref_squeeze %dma_start3A_166 : memref<1x1x128xi32, #tpu.memory_space<vmem>> -> memref<128xi32, #tpu.memory_space<vmem>>
      %dma_start3A_168 = arith.constant 0 : i32
      %dma_start3A_169 = arith.constant 0 : i32
      %dma_start3A_170 = tpu.memref_slice %arg6[%dma_start3A_168, %dma_start3A_169] : memref<26000x16xf32, #tpu.memory_space<vmem_shared>> -> memref<26000x16xf32, #tpu.memory_space<vmem_shared>>
      tpu.enqueue_indirect_dma source(%dma_start3A_164 : memref<128x16xf32, #tpu.memory_space<vmem>>) target(%dma_start3A_170 : memref<26000x16xf32, #tpu.memory_space<vmem_shared>>) offsets(%dma_start3A_167 : memref<128xi32, #tpu.memory_space<vmem>>) semaphore(%arg7 : memref<!tpu.dma_semaphore, #tpu.memory_space<semaphore_mem>>) {add = true}
      %mul3A_171 = arith.constant 8 : i32
      %mul3A_172 = arith.muli %scan3A_114, %mul3A_171 : i32
      %add3A_173 = arith.constant 2 : i32
      %add3A_174 = arith.addi %mul3A_172, %add3A_173 : i32
      %ge3A_175 = arith.constant 4 : i32
      %ge3A_176 = arith.cmpi sge, %add3A_174, %ge3A_175 : i32
      %convert_element_type3A_177 = arith.extui %ge3A_176 : i1 to i32
      %cond3A_178 = arith.constant 0 : i32
      %cond3A_179 = arith.cmpi ne, %convert_element_type3A_177, %cond3A_178 : i32
      scf.if %cond3A_179 {
        %dma_wait3A_276 = arith.constant 0 : i32
        %dma_wait3A_277 = arith.constant 0 : i32
        %dma_wait3A_278 = arith.constant 0 : i32
        %dma_wait3A_279 = arith.constant 0 : i32
        %dma_wait3A_280 = tpu.memref_slice %arg5[%dma_wait3A_278, %dma_wait3A_279] : memref<232x16xf32, #tpu.memory_space<vmem>> -> memref<128x16xf32, #tpu.memory_space<vmem>>
        %dma_wait3A_281 = arith.constant 0 : i32
        %dma_wait3A_282 = tpu.memref_slice %arg4[%dma_wait3A_276, %dma_wait3A_277, %dma_wait3A_281] : memref<2x8x128xi32, #tpu.memory_space<vmem>> -> memref<1x1x128xi32, #tpu.memory_space<vmem>>
        %dma_wait3A_283 = tpu.memref_squeeze %dma_wait3A_282 : memref<1x1x128xi32, #tpu.memory_space<vmem>> -> memref<128xi32, #tpu.memory_space<vmem>>
        %dma_wait3A_284 = arith.constant 0 : i32
        %dma_wait3A_285 = arith.constant 0 : i32
        %dma_wait3A_286 = tpu.memref_slice %arg6[%dma_wait3A_284, %dma_wait3A_285] : memref<26000x16xf32, #tpu.memory_space<vmem_shared>> -> memref<26000x16xf32, #tpu.memory_space<vmem_shared>>
        tpu.wait_indirect_dma semaphore(%arg7 : memref<!tpu.dma_semaphore, #tpu.memory_space<semaphore_mem>>) src(%dma_wait3A_280 : memref<128x16xf32, #tpu.memory_space<vmem>>) dst(%dma_wait3A_286 : memref<26000x16xf32, #tpu.memory_space<vmem_shared>>)
      } else {
      }
      %dma_start3A_180 = arith.constant 3 : i32
      %dma_start3A_181 = arith.constant 0 : i32
      %dma_start3A_182 = arith.constant 0 : i32
      %dma_start3A_183 = tpu.memref_slice %arg5[%dma_start3A_181, %dma_start3A_182] : memref<232x16xf32, #tpu.memory_space<vmem>> -> memref<128x16xf32, #tpu.memory_space<vmem>>
      %dma_start3A_184 = arith.constant 0 : i32
      %dma_start3A_185 = tpu.memref_slice %arg4[%rem3A_116, %dma_start3A_180, %dma_start3A_184] : memref<2x8x128xi32, #tpu.memory_space<vmem>> -> memref<1x1x128xi32, #tpu.memory_space<vmem>>
      %dma_start3A_186 = tpu.memref_squeeze %dma_start3A_185 : memref<1x1x128xi32, #tpu.memory_space<vmem>> -> memref<128xi32, #tpu.memory_space<vmem>>
      %dma_start3A_187 = arith.constant 0 : i32
      %dma_start3A_188 = arith.constant 0 : i32
      %dma_start3A_189 = tpu.memref_slice %arg6[%dma_start3A_187, %dma_start3A_188] : memref<26000x16xf32, #tpu.memory_space<vmem_shared>> -> memref<26000x16xf32, #tpu.memory_space<vmem_shared>>
      tpu.enqueue_indirect_dma source(%dma_start3A_183 : memref<128x16xf32, #tpu.memory_space<vmem>>) target(%dma_start3A_189 : memref<26000x16xf32, #tpu.memory_space<vmem_shared>>) offsets(%dma_start3A_186 : memref<128xi32, #tpu.memory_space<vmem>>) semaphore(%arg7 : memref<!tpu.dma_semaphore, #tpu.memory_space<semaphore_mem>>) {add = true}
      %mul3A_190 = arith.constant 8 : i32
      %mul3A_191 = arith.muli %scan3A_114, %mul3A_190 : i32
      %add3A_192 = arith.constant 3 : i32
      %add3A_193 = arith.addi %mul3A_191, %add3A_192 : i32
      %ge3A_194 = arith.constant 4 : i32
      %ge3A_195 = arith.cmpi sge, %add3A_193, %ge3A_194 : i32
      %convert_element_type3A_196 = arith.extui %ge3A_195 : i1 to i32
      %cond3A_197 = arith.constant 0 : i32
      %cond3A_198 = arith.cmpi ne, %convert_element_type3A_196, %cond3A_197 : i32
      scf.if %cond3A_198 {
        %dma_wait3A_276 = arith.constant 0 : i32
        %dma_wait3A_277 = arith.constant 0 : i32
        %dma_wait3A_278 = arith.constant 0 : i32
        %dma_wait3A_279 = arith.constant 0 : i32
        %dma_wait3A_280 = tpu.memref_slice %arg5[%dma_wait3A_278, %dma_wait3A_279] : memref<232x16xf32, #tpu.memory_space<vmem>> -> memref<128x16xf32, #tpu.memory_space<vmem>>
        %dma_wait3A_281 = arith.constant 0 : i32
        %dma_wait3A_282 = tpu.memref_slice %arg4[%dma_wait3A_276, %dma_wait3A_277, %dma_wait3A_281] : memref<2x8x128xi32, #tpu.memory_space<vmem>> -> memref<1x1x128xi32, #tpu.memory_space<vmem>>
        %dma_wait3A_283 = tpu.memref_squeeze %dma_wait3A_282 : memref<1x1x128xi32, #tpu.memory_space<vmem>> -> memref<128xi32, #tpu.memory_space<vmem>>
        %dma_wait3A_284 = arith.constant 0 : i32
        %dma_wait3A_285 = arith.constant 0 : i32
        %dma_wait3A_286 = tpu.memref_slice %arg6[%dma_wait3A_284, %dma_wait3A_285] : memref<26000x16xf32, #tpu.memory_space<vmem_shared>> -> memref<26000x16xf32, #tpu.memory_space<vmem_shared>>
        tpu.wait_indirect_dma semaphore(%arg7 : memref<!tpu.dma_semaphore, #tpu.memory_space<semaphore_mem>>) src(%dma_wait3A_280 : memref<128x16xf32, #tpu.memory_space<vmem>>) dst(%dma_wait3A_286 : memref<26000x16xf32, #tpu.memory_space<vmem_shared>>)
      } else {
      }
      %dma_start3A_199 = arith.constant 4 : i32
      %dma_start3A_200 = arith.constant 0 : i32
      %dma_start3A_201 = arith.constant 0 : i32
      %dma_start3A_202 = tpu.memref_slice %arg5[%dma_start3A_200, %dma_start3A_201] : memref<232x16xf32, #tpu.memory_space<vmem>> -> memref<128x16xf32, #tpu.memory_space<vmem>>
      %dma_start3A_203 = arith.constant 0 : i32
      %dma_start3A_204 = tpu.memref_slice %arg4[%rem3A_116, %dma_start3A_199, %dma_start3A_203] : memref<2x8x128xi32, #tpu.memory_space<vmem>> -> memref<1x1x128xi32, #tpu.memory_space<vmem>>
      %dma_start3A_205 = tpu.memref_squeeze %dma_start3A_204 : memref<1x1x128xi32, #tpu.memory_space<vmem>> -> memref<128xi32, #tpu.memory_space<vmem>>
      %dma_start3A_206 = arith.constant 0 : i32
      %dma_start3A_207 = arith.constant 0 : i32
      %dma_start3A_208 = tpu.memref_slice %arg6[%dma_start3A_206, %dma_start3A_207] : memref<26000x16xf32, #tpu.memory_space<vmem_shared>> -> memref<26000x16xf32, #tpu.memory_space<vmem_shared>>
      tpu.enqueue_indirect_dma source(%dma_start3A_202 : memref<128x16xf32, #tpu.memory_space<vmem>>) target(%dma_start3A_208 : memref<26000x16xf32, #tpu.memory_space<vmem_shared>>) offsets(%dma_start3A_205 : memref<128xi32, #tpu.memory_space<vmem>>) semaphore(%arg7 : memref<!tpu.dma_semaphore, #tpu.memory_space<semaphore_mem>>) {add = true}
      %mul3A_209 = arith.constant 8 : i32
      %mul3A_210 = arith.muli %scan3A_114, %mul3A_209 : i32
      %add3A_211 = arith.constant 4 : i32
      %add3A_212 = arith.addi %mul3A_210, %add3A_211 : i32
      %ge3A_213 = arith.constant 4 : i32
      %ge3A_214 = arith.cmpi sge, %add3A_212, %ge3A_213 : i32
      %convert_element_type3A_215 = arith.extui %ge3A_214 : i1 to i32
      %cond3A_216 = arith.constant 0 : i32
      %cond3A_217 = arith.cmpi ne, %convert_element_type3A_215, %cond3A_216 : i32
      scf.if %cond3A_217 {
        %dma_wait3A_276 = arith.constant 0 : i32
        %dma_wait3A_277 = arith.constant 0 : i32
        %dma_wait3A_278 = arith.constant 0 : i32
        %dma_wait3A_279 = arith.constant 0 : i32
        %dma_wait3A_280 = tpu.memref_slice %arg5[%dma_wait3A_278, %dma_wait3A_279] : memref<232x16xf32, #tpu.memory_space<vmem>> -> memref<128x16xf32, #tpu.memory_space<vmem>>
        %dma_wait3A_281 = arith.constant 0 : i32
        %dma_wait3A_282 = tpu.memref_slice %arg4[%dma_wait3A_276, %dma_wait3A_277, %dma_wait3A_281] : memref<2x8x128xi32, #tpu.memory_space<vmem>> -> memref<1x1x128xi32, #tpu.memory_space<vmem>>
        %dma_wait3A_283 = tpu.memref_squeeze %dma_wait3A_282 : memref<1x1x128xi32, #tpu.memory_space<vmem>> -> memref<128xi32, #tpu.memory_space<vmem>>
        %dma_wait3A_284 = arith.constant 0 : i32
        %dma_wait3A_285 = arith.constant 0 : i32
        %dma_wait3A_286 = tpu.memref_slice %arg6[%dma_wait3A_284, %dma_wait3A_285] : memref<26000x16xf32, #tpu.memory_space<vmem_shared>> -> memref<26000x16xf32, #tpu.memory_space<vmem_shared>>
        tpu.wait_indirect_dma semaphore(%arg7 : memref<!tpu.dma_semaphore, #tpu.memory_space<semaphore_mem>>) src(%dma_wait3A_280 : memref<128x16xf32, #tpu.memory_space<vmem>>) dst(%dma_wait3A_286 : memref<26000x16xf32, #tpu.memory_space<vmem_shared>>)
      } else {
      }
      %dma_start3A_218 = arith.constant 5 : i32
      %dma_start3A_219 = arith.constant 0 : i32
      %dma_start3A_220 = arith.constant 0 : i32
      %dma_start3A_221 = tpu.memref_slice %arg5[%dma_start3A_219, %dma_start3A_220] : memref<232x16xf32, #tpu.memory_space<vmem>> -> memref<128x16xf32, #tpu.memory_space<vmem>>
      %dma_start3A_222 = arith.constant 0 : i32
      %dma_start3A_223 = tpu.memref_slice %arg4[%rem3A_116, %dma_start3A_218, %dma_start3A_222] : memref<2x8x128xi32, #tpu.memory_space<vmem>> -> memref<1x1x128xi32, #tpu.memory_space<vmem>>
      %dma_start3A_224 = tpu.memref_squeeze %dma_start3A_223 : memref<1x1x128xi32, #tpu.memory_space<vmem>> -> memref<128xi32, #tpu.memory_space<vmem>>
      %dma_start3A_225 = arith.constant 0 : i32
      %dma_start3A_226 = arith.constant 0 : i32
      %dma_start3A_227 = tpu.memref_slice %arg6[%dma_start3A_225, %dma_start3A_226] : memref<26000x16xf32, #tpu.memory_space<vmem_shared>> -> memref<26000x16xf32, #tpu.memory_space<vmem_shared>>
      tpu.enqueue_indirect_dma source(%dma_start3A_221 : memref<128x16xf32, #tpu.memory_space<vmem>>) target(%dma_start3A_227 : memref<26000x16xf32, #tpu.memory_space<vmem_shared>>) offsets(%dma_start3A_224 : memref<128xi32, #tpu.memory_space<vmem>>) semaphore(%arg7 : memref<!tpu.dma_semaphore, #tpu.memory_space<semaphore_mem>>) {add = true}
      %mul3A_228 = arith.constant 8 : i32
      %mul3A_229 = arith.muli %scan3A_114, %mul3A_228 : i32
      %add3A_230 = arith.constant 5 : i32
      %add3A_231 = arith.addi %mul3A_229, %add3A_230 : i32
      %ge3A_232 = arith.constant 4 : i32
      %ge3A_233 = arith.cmpi sge, %add3A_231, %ge3A_232 : i32
      %convert_element_type3A_234 = arith.extui %ge3A_233 : i1 to i32
      %cond3A_235 = arith.constant 0 : i32
      %cond3A_236 = arith.cmpi ne, %convert_element_type3A_234, %cond3A_235 : i32
      scf.if %cond3A_236 {
        %dma_wait3A_276 = arith.constant 0 : i32
        %dma_wait3A_277 = arith.constant 0 : i32
        %dma_wait3A_278 = arith.constant 0 : i32
        %dma_wait3A_279 = arith.constant 0 : i32
        %dma_wait3A_280 = tpu.memref_slice %arg5[%dma_wait3A_278, %dma_wait3A_279] : memref<232x16xf32, #tpu.memory_space<vmem>> -> memref<128x16xf32, #tpu.memory_space<vmem>>
        %dma_wait3A_281 = arith.constant 0 : i32
        %dma_wait3A_282 = tpu.memref_slice %arg4[%dma_wait3A_276, %dma_wait3A_277, %dma_wait3A_281] : memref<2x8x128xi32, #tpu.memory_space<vmem>> -> memref<1x1x128xi32, #tpu.memory_space<vmem>>
        %dma_wait3A_283 = tpu.memref_squeeze %dma_wait3A_282 : memref<1x1x128xi32, #tpu.memory_space<vmem>> -> memref<128xi32, #tpu.memory_space<vmem>>
        %dma_wait3A_284 = arith.constant 0 : i32
        %dma_wait3A_285 = arith.constant 0 : i32
        %dma_wait3A_286 = tpu.memref_slice %arg6[%dma_wait3A_284, %dma_wait3A_285] : memref<26000x16xf32, #tpu.memory_space<vmem_shared>> -> memref<26000x16xf32, #tpu.memory_space<vmem_shared>>
        tpu.wait_indirect_dma semaphore(%arg7 : memref<!tpu.dma_semaphore, #tpu.memory_space<semaphore_mem>>) src(%dma_wait3A_280 : memref<128x16xf32, #tpu.memory_space<vmem>>) dst(%dma_wait3A_286 : memref<26000x16xf32, #tpu.memory_space<vmem_shared>>)
      } else {
      }
      %dma_start3A_237 = arith.constant 6 : i32
      %dma_start3A_238 = arith.constant 0 : i32
      %dma_start3A_239 = arith.constant 0 : i32
      %dma_start3A_240 = tpu.memref_slice %arg5[%dma_start3A_238, %dma_start3A_239] : memref<232x16xf32, #tpu.memory_space<vmem>> -> memref<128x16xf32, #tpu.memory_space<vmem>>
      %dma_start3A_241 = arith.constant 0 : i32
      %dma_start3A_242 = tpu.memref_slice %arg4[%rem3A_116, %dma_start3A_237, %dma_start3A_241] : memref<2x8x128xi32, #tpu.memory_space<vmem>> -> memref<1x1x128xi32, #tpu.memory_space<vmem>>
      %dma_start3A_243 = tpu.memref_squeeze %dma_start3A_242 : memref<1x1x128xi32, #tpu.memory_space<vmem>> -> memref<128xi32, #tpu.memory_space<vmem>>
      %dma_start3A_244 = arith.constant 0 : i32
      %dma_start3A_245 = arith.constant 0 : i32
      %dma_start3A_246 = tpu.memref_slice %arg6[%dma_start3A_244, %dma_start3A_245] : memref<26000x16xf32, #tpu.memory_space<vmem_shared>> -> memref<26000x16xf32, #tpu.memory_space<vmem_shared>>
      tpu.enqueue_indirect_dma source(%dma_start3A_240 : memref<128x16xf32, #tpu.memory_space<vmem>>) target(%dma_start3A_246 : memref<26000x16xf32, #tpu.memory_space<vmem_shared>>) offsets(%dma_start3A_243 : memref<128xi32, #tpu.memory_space<vmem>>) semaphore(%arg7 : memref<!tpu.dma_semaphore, #tpu.memory_space<semaphore_mem>>) {add = true}
      %mul3A_247 = arith.constant 8 : i32
      %mul3A_248 = arith.muli %scan3A_114, %mul3A_247 : i32
      %add3A_249 = arith.constant 6 : i32
      %add3A_250 = arith.addi %mul3A_248, %add3A_249 : i32
      %ge3A_251 = arith.constant 4 : i32
      %ge3A_252 = arith.cmpi sge, %add3A_250, %ge3A_251 : i32
      %convert_element_type3A_253 = arith.extui %ge3A_252 : i1 to i32
      %cond3A_254 = arith.constant 0 : i32
      %cond3A_255 = arith.cmpi ne, %convert_element_type3A_253, %cond3A_254 : i32
      scf.if %cond3A_255 {
        %dma_wait3A_276 = arith.constant 0 : i32
        %dma_wait3A_277 = arith.constant 0 : i32
        %dma_wait3A_278 = arith.constant 0 : i32
        %dma_wait3A_279 = arith.constant 0 : i32
        %dma_wait3A_280 = tpu.memref_slice %arg5[%dma_wait3A_278, %dma_wait3A_279] : memref<232x16xf32, #tpu.memory_space<vmem>> -> memref<128x16xf32, #tpu.memory_space<vmem>>
        %dma_wait3A_281 = arith.constant 0 : i32
        %dma_wait3A_282 = tpu.memref_slice %arg4[%dma_wait3A_276, %dma_wait3A_277, %dma_wait3A_281] : memref<2x8x128xi32, #tpu.memory_space<vmem>> -> memref<1x1x128xi32, #tpu.memory_space<vmem>>
        %dma_wait3A_283 = tpu.memref_squeeze %dma_wait3A_282 : memref<1x1x128xi32, #tpu.memory_space<vmem>> -> memref<128xi32, #tpu.memory_space<vmem>>
        %dma_wait3A_284 = arith.constant 0 : i32
        %dma_wait3A_285 = arith.constant 0 : i32
        %dma_wait3A_286 = tpu.memref_slice %arg6[%dma_wait3A_284, %dma_wait3A_285] : memref<26000x16xf32, #tpu.memory_space<vmem_shared>> -> memref<26000x16xf32, #tpu.memory_space<vmem_shared>>
        tpu.wait_indirect_dma semaphore(%arg7 : memref<!tpu.dma_semaphore, #tpu.memory_space<semaphore_mem>>) src(%dma_wait3A_280 : memref<128x16xf32, #tpu.memory_space<vmem>>) dst(%dma_wait3A_286 : memref<26000x16xf32, #tpu.memory_space<vmem_shared>>)
      } else {
      }
      %dma_start3A_256 = arith.constant 7 : i32
      %dma_start3A_257 = arith.constant 0 : i32
      %dma_start3A_258 = arith.constant 0 : i32
      %dma_start3A_259 = tpu.memref_slice %arg5[%dma_start3A_257, %dma_start3A_258] : memref<232x16xf32, #tpu.memory_space<vmem>> -> memref<128x16xf32, #tpu.memory_space<vmem>>
      %dma_start3A_260 = arith.constant 0 : i32
      %dma_start3A_261 = tpu.memref_slice %arg4[%rem3A_116, %dma_start3A_256, %dma_start3A_260] : memref<2x8x128xi32, #tpu.memory_space<vmem>> -> memref<1x1x128xi32, #tpu.memory_space<vmem>>
      %dma_start3A_262 = tpu.memref_squeeze %dma_start3A_261 : memref<1x1x128xi32, #tpu.memory_space<vmem>> -> memref<128xi32, #tpu.memory_space<vmem>>
      %dma_start3A_263 = arith.constant 0 : i32
      %dma_start3A_264 = arith.constant 0 : i32
      %dma_start3A_265 = tpu.memref_slice %arg6[%dma_start3A_263, %dma_start3A_264] : memref<26000x16xf32, #tpu.memory_space<vmem_shared>> -> memref<26000x16xf32, #tpu.memory_space<vmem_shared>>
      tpu.enqueue_indirect_dma source(%dma_start3A_259 : memref<128x16xf32, #tpu.memory_space<vmem>>) target(%dma_start3A_265 : memref<26000x16xf32, #tpu.memory_space<vmem_shared>>) offsets(%dma_start3A_262 : memref<128xi32, #tpu.memory_space<vmem>>) semaphore(%arg7 : memref<!tpu.dma_semaphore, #tpu.memory_space<semaphore_mem>>) {add = true}
      %mul3A_266 = arith.constant 8 : i32
      %mul3A_267 = arith.muli %scan3A_114, %mul3A_266 : i32
      %add3A_268 = arith.constant 7 : i32
      %add3A_269 = arith.addi %mul3A_267, %add3A_268 : i32
      %ge3A_270 = arith.constant 4 : i32
      %ge3A_271 = arith.cmpi sge, %add3A_269, %ge3A_270 : i32
      %convert_element_type3A_272 = arith.extui %ge3A_271 : i1 to i32
      %cond3A_273 = arith.constant 0 : i32
      %cond3A_274 = arith.cmpi ne, %convert_element_type3A_272, %cond3A_273 : i32
      scf.if %cond3A_274 {
        %dma_wait3A_276 = arith.constant 0 : i32
        %dma_wait3A_277 = arith.constant 0 : i32
        %dma_wait3A_278 = arith.constant 0 : i32
        %dma_wait3A_279 = arith.constant 0 : i32
        %dma_wait3A_280 = tpu.memref_slice %arg5[%dma_wait3A_278, %dma_wait3A_279] : memref<232x16xf32, #tpu.memory_space<vmem>> -> memref<128x16xf32, #tpu.memory_space<vmem>>
        %dma_wait3A_281 = arith.constant 0 : i32
        %dma_wait3A_282 = tpu.memref_slice %arg4[%dma_wait3A_276, %dma_wait3A_277, %dma_wait3A_281] : memref<2x8x128xi32, #tpu.memory_space<vmem>> -> memref<1x1x128xi32, #tpu.memory_space<vmem>>
        %dma_wait3A_283 = tpu.memref_squeeze %dma_wait3A_282 : memref<1x1x128xi32, #tpu.memory_space<vmem>> -> memref<128xi32, #tpu.memory_space<vmem>>
        %dma_wait3A_284 = arith.constant 0 : i32
        %dma_wait3A_285 = arith.constant 0 : i32
        %dma_wait3A_286 = tpu.memref_slice %arg6[%dma_wait3A_284, %dma_wait3A_285] : memref<26000x16xf32, #tpu.memory_space<vmem_shared>> -> memref<26000x16xf32, #tpu.memory_space<vmem_shared>>
        tpu.wait_indirect_dma semaphore(%arg7 : memref<!tpu.dma_semaphore, #tpu.memory_space<semaphore_mem>>) src(%dma_wait3A_280 : memref<128x16xf32, #tpu.memory_space<vmem>>) dst(%dma_wait3A_286 : memref<26000x16xf32, #tpu.memory_space<vmem_shared>>)
      } else {
      }
      %scan3A_275 = arith.constant 0 : i32
      scf.yield %scan3A_275 : i32
    }
    %scan3A_62 = arith.constant 49 : i32
    %dma_wait3A = arith.constant 0 : i32
    %dma_wait3A_63 = arith.constant 0 : i32
    %dma_wait3A_64 = arith.constant 0 : i32
    %dma_wait3A_65 = arith.constant 0 : i32
    %dma_wait3A_66 = tpu.memref_slice %arg5[%dma_wait3A_64, %dma_wait3A_65] : memref<232x16xf32, #tpu.memory_space<vmem>> -> memref<128x16xf32, #tpu.memory_space<vmem>>
    %dma_wait3A_67 = arith.constant 0 : i32
    %dma_wait3A_68 = tpu.memref_slice %arg4[%dma_wait3A, %dma_wait3A_63, %dma_wait3A_67] : memref<2x8x128xi32, #tpu.memory_space<vmem>> -> memref<1x1x128xi32, #tpu.memory_space<vmem>>
    %dma_wait3A_69 = tpu.memref_squeeze %dma_wait3A_68 : memref<1x1x128xi32, #tpu.memory_space<vmem>> -> memref<128xi32, #tpu.memory_space<vmem>>
    %dma_wait3A_70 = arith.constant 0 : i32
    %dma_wait3A_71 = arith.constant 0 : i32
    %dma_wait3A_72 = tpu.memref_slice %arg6[%dma_wait3A_70, %dma_wait3A_71] : memref<26000x16xf32, #tpu.memory_space<vmem_shared>> -> memref<26000x16xf32, #tpu.memory_space<vmem_shared>>
    tpu.wait_indirect_dma semaphore(%arg7 : memref<!tpu.dma_semaphore, #tpu.memory_space<semaphore_mem>>) src(%dma_wait3A_66 : memref<128x16xf32, #tpu.memory_space<vmem>>) dst(%dma_wait3A_72 : memref<26000x16xf32, #tpu.memory_space<vmem_shared>>)
    %dma_wait3A_73 = arith.constant 0 : i32
    %dma_wait3A_74 = arith.constant 0 : i32
    %dma_wait3A_75 = arith.constant 0 : i32
    %dma_wait3A_76 = arith.constant 0 : i32
    %dma_wait3A_77 = tpu.memref_slice %arg5[%dma_wait3A_75, %dma_wait3A_76] : memref<232x16xf32, #tpu.memory_space<vmem>> -> memref<128x16xf32, #tpu.memory_space<vmem>>
    %dma_wait3A_78 = arith.constant 0 : i32
    %dma_wait3A_79 = tpu.memref_slice %arg4[%dma_wait3A_73, %dma_wait3A_74, %dma_wait3A_78] : memref<2x8x128xi32, #tpu.memory_space<vmem>> -> memref<1x1x128xi32, #tpu.memory_space<vmem>>
    %dma_wait3A_80 = tpu.memref_squeeze %dma_wait3A_79 : memref<1x1x128xi32, #tpu.memory_space<vmem>> -> memref<128xi32, #tpu.memory_space<vmem>>
    %dma_wait3A_81 = arith.constant 0 : i32
    %dma_wait3A_82 = arith.constant 0 : i32
    %dma_wait3A_83 = tpu.memref_slice %arg6[%dma_wait3A_81, %dma_wait3A_82] : memref<26000x16xf32, #tpu.memory_space<vmem_shared>> -> memref<26000x16xf32, #tpu.memory_space<vmem_shared>>
    tpu.wait_indirect_dma semaphore(%arg7 : memref<!tpu.dma_semaphore, #tpu.memory_space<semaphore_mem>>) src(%dma_wait3A_77 : memref<128x16xf32, #tpu.memory_space<vmem>>) dst(%dma_wait3A_83 : memref<26000x16xf32, #tpu.memory_space<vmem_shared>>)
    %dma_wait3A_84 = arith.constant 0 : i32
    %dma_wait3A_85 = arith.constant 0 : i32
    %dma_wait3A_86 = arith.constant 0 : i32
    %dma_wait3A_87 = arith.constant 0 : i32
    %dma_wait3A_88 = tpu.memref_slice %arg5[%dma_wait3A_86, %dma_wait3A_87] : memref<232x16xf32, #tpu.memory_space<vmem>> -> memref<128x16xf32, #tpu.memory_space<vmem>>
    %dma_wait3A_89 = arith.constant 0 : i32
    %dma_wait3A_90 = tpu.memref_slice %arg4[%dma_wait3A_84, %dma_wait3A_85, %dma_wait3A_89] : memref<2x8x128xi32, #tpu.memory_space<vmem>> -> memref<1x1x128xi32, #tpu.memory_space<vmem>>
    %dma_wait3A_91 = tpu.memref_squeeze %dma_wait3A_90 : memref<1x1x128xi32, #tpu.memory_space<vmem>> -> memref<128xi32, #tpu.memory_space<vmem>>
    %dma_wait3A_92 = arith.constant 0 : i32
    %dma_wait3A_93 = arith.constant 0 : i32
    %dma_wait3A_94 = tpu.memref_slice %arg6[%dma_wait3A_92, %dma_wait3A_93] : memref<26000x16xf32, #tpu.memory_space<vmem_shared>> -> memref<26000x16xf32, #tpu.memory_space<vmem_shared>>
    tpu.wait_indirect_dma semaphore(%arg7 : memref<!tpu.dma_semaphore, #tpu.memory_space<semaphore_mem>>) src(%dma_wait3A_88 : memref<128x16xf32, #tpu.memory_space<vmem>>) dst(%dma_wait3A_94 : memref<26000x16xf32, #tpu.memory_space<vmem_shared>>)
    %dma_wait3A_95 = arith.constant 0 : i32
    %dma_wait3A_96 = arith.constant 0 : i32
    %dma_wait3A_97 = arith.constant 0 : i32
    %dma_wait3A_98 = arith.constant 0 : i32
    %dma_wait3A_99 = tpu.memref_slice %arg5[%dma_wait3A_97, %dma_wait3A_98] : memref<232x16xf32, #tpu.memory_space<vmem>> -> memref<128x16xf32, #tpu.memory_space<vmem>>
    %dma_wait3A_100 = arith.constant 0 : i32
    %dma_wait3A_101 = tpu.memref_slice %arg4[%dma_wait3A_95, %dma_wait3A_96, %dma_wait3A_100] : memref<2x8x128xi32, #tpu.memory_space<vmem>> -> memref<1x1x128xi32, #tpu.memory_space<vmem>>
    %dma_wait3A_102 = tpu.memref_squeeze %dma_wait3A_101 : memref<1x1x128xi32, #tpu.memory_space<vmem>> -> memref<128xi32, #tpu.memory_space<vmem>>
    %dma_wait3A_103 = arith.constant 0 : i32
    %dma_wait3A_104 = arith.constant 0 : i32
    %dma_wait3A_105 = tpu.memref_slice %arg6[%dma_wait3A_103, %dma_wait3A_104] : memref<26000x16xf32, #tpu.memory_space<vmem_shared>> -> memref<26000x16xf32, #tpu.memory_space<vmem_shared>>
    tpu.wait_indirect_dma semaphore(%arg7 : memref<!tpu.dma_semaphore, #tpu.memory_space<semaphore_mem>>) src(%dma_wait3A_99 : memref<128x16xf32, #tpu.memory_space<vmem>>) dst(%dma_wait3A_105 : memref<26000x16xf32, #tpu.memory_space<vmem_shared>>)
    %barrier3A_106 = arith.constant 0 : index
    tpu.barrier barrier_id(%barrier3A_106)
    %mul3A_107 = arith.constant 1624 : i32
    %mul3A_108 = arith.muli %arg1, %mul3A_107 : i32
    %mul3A_109 = arith.constant 26000 : i32
    %mul3A_110 = arith.muli %arg0, %mul3A_109 : i32
    %mul3A_111 = arith.constant 1624 : i32
    %mul3A_112 = arith.muli %arg1, %mul3A_111 : i32
    %add3A_113 = arith.addi %mul3A_110, %mul3A_112 : i32
    "tpu.region"() ({
      %run_scoped3A = tpu.sem_alloc : memref<!tpu.dma_semaphore, #tpu.memory_space<semaphore_mem>>
      %dma_start3A = arith.constant 0 : i32
      %dma_start3A_114 = tpu.memref_slice %arg3[%add3A_113, %dma_start3A] : memref<52000x16xf32, #tpu.memory_space<hbm>> -> memref<1624x16xf32, #tpu.memory_space<hbm>>
      %dma_start3A_115 = arith.constant 0 : i32
      %dma_start3A_116 = tpu.memref_slice %arg6[%mul3A_108, %dma_start3A_115] : memref<26000x16xf32, #tpu.memory_space<vmem_shared>> -> memref<1624x16xf32, #tpu.memory_space<vmem_shared>>
      tpu.enqueue_dma source(%dma_start3A_116 : memref<1624x16xf32, #tpu.memory_space<vmem_shared>>) target(%dma_start3A_114 : memref<1624x16xf32, #tpu.memory_space<hbm>>) target_semaphore(%run_scoped3A : memref<!tpu.dma_semaphore, #tpu.memory_space<semaphore_mem>>)
      %dma_wait3A_117 = arith.constant 0 : i32
      %dma_wait3A_118 = tpu.memref_slice %arg3[%add3A_113, %dma_wait3A_117] : memref<52000x16xf32, #tpu.memory_space<hbm>> -> memref<1624x16xf32, #tpu.memory_space<hbm>>
      %dma_wait3A_119 = arith.constant 0 : i32
      %dma_wait3A_120 = tpu.memref_slice %arg6[%mul3A_108, %dma_wait3A_119] : memref<26000x16xf32, #tpu.memory_space<vmem_shared>> -> memref<1624x16xf32, #tpu.memory_space<vmem_shared>>
      tpu.wait_dma2 semaphore(%run_scoped3A : memref<!tpu.dma_semaphore, #tpu.memory_space<semaphore_mem>>) src(%dma_wait3A_120 : memref<1624x16xf32, #tpu.memory_space<vmem_shared>>) dst(%dma_wait3A_118 : memref<1624x16xf32, #tpu.memory_space<hbm>>)
      tpu.yield
    }) : () -> ()
    return
  }
}

#map = affine_map<(d0, d1) -> (0, 0)>
module attributes {stable_mosaic.version = 14 : i64} {
  func.func @body(%arg0: i32, %arg1: i32, %arg2: memref<50000x64xf32, #tpu.memory_space<hbm>>, %arg3: memref<6272x128xi32, #tpu.memory_space<hbm>>, %arg4: memref<6272x128xi32, #tpu.memory_space<hbm>>, %arg5: memref<52000x64xf32, #tpu.memory_space<hbm>>, %arg6: memref<8x128xi32, #tpu.memory_space<vmem>>, %arg7: memref<8x128xi32, #tpu.memory_space<vmem>>, %arg8: memref<1280xi32, #tpu.memory_space<vmem>>, %arg9: memref<1280xi32, #tpu.memory_space<vmem>>, %arg10: memref<256x64xf32, #tpu.memory_space<vmem>>, %arg11: memref<26000x64xf32, #tpu.memory_space<vmem_shared>>, %arg12: memref<!tpu.dma_semaphore, #tpu.memory_space<semaphore_mem>>, %arg13: memref<!tpu.dma_semaphore, #tpu.memory_space<semaphore_mem>>) attributes {dimension_semantics = [#tpu.dimension_semantics<core_parallel>, #tpu.dimension_semantics<subcore_parallel>], iteration_bounds = array<i64: 2, 16>, scalar_prefetch = 0 : i64, scratch_operands = 8 : i64, tpu.core_type = #tpu.core_type<sc_vector_subcore>, window_params = [{transform_indices = #map}, {transform_indices = #map}, {transform_indices = #map}, {transform_indices = #map}]} {
    %mul3A = arith.constant 25000 : i32
    %mul3A_0 = arith.muli %arg0, %mul3A : i32
    %mul3A_1 = arith.constant 16 : i32
    %mul3A_2 = arith.muli %arg1, %mul3A_1 : i32
    %add3A = arith.constant 25000 : i32
    %add3A_3 = arith.addi %add3A, %mul3A_2 : i32
    %iota3A = tpu.iota {dimensions = array<i32: 0>} : vector<16xi32>
    %add3A_4 = vector.broadcast %add3A_3 : i32 to vector<16xi32>
    %add3A_5 = arith.addi %add3A_4, %iota3A : vector<16xi32>
    %mul3A_6 = arith.constant 392 : i32
    %mul3A_7 = arith.muli %arg1, %mul3A_6 : i32
    %broadcast_in_dim3A = arith.constant 0.000000e+00 : f32
    %broadcast_in_dim3A_8 = vector.broadcast %broadcast_in_dim3A : f32 to vector<16xf32>
    %scan3A = arith.constant 0 : i32
    %scan3A_9 = arith.constant 0 : i32
    %scan3A_10 = arith.constant 928 : i32
    %scan3A_11 = arith.addi %scan3A_9, %scan3A_10 : i32
    %scan3A_12 = arith.constant 1 : i32
    %scan3A_13 = scf.for %scan3A_139 = %scan3A_9 to %scan3A_11 step %scan3A_12 iter_args(%scan3A_140 = %scan3A) -> (i32)  : i32 {
      %jit3A = arith.constant 4 : i32
      %div3A = arith.divsi %scan3A_139, %jit3A : i32
      %sign3A = arith.constant 0 : i32
      %sign3A_141 = arith.cmpi sgt, %scan3A_139, %sign3A : i32
      %sign3A_142 = arith.extui %sign3A_141 : i1 to i32
      %sign3A_143 = arith.constant 0 : i32
      %sign3A_144 = arith.cmpi slt, %scan3A_139, %sign3A_143 : i32
      %sign3A_145 = arith.extui %sign3A_144 : i1 to i32
      %sign3A_146 = arith.subi %sign3A_142, %sign3A_145 : i32
      %sign3A_147 = arith.constant 0 : i32
      %sign3A_148 = arith.cmpi sgt, %jit3A, %sign3A_147 : i32
      %sign3A_149 = arith.extui %sign3A_148 : i1 to i32
      %sign3A_150 = arith.constant 0 : i32
      %sign3A_151 = arith.cmpi slt, %jit3A, %sign3A_150 : i32
      %sign3A_152 = arith.extui %sign3A_151 : i1 to i32
      %sign3A_153 = arith.subi %sign3A_149, %sign3A_152 : i32
      %ne3A = arith.cmpi ne, %sign3A_146, %sign3A_153 : i32
      %rem3A = arith.remsi %scan3A_139, %jit3A : i32
      %ne3A_154 = arith.constant 0 : i32
      %ne3A_155 = arith.cmpi ne, %rem3A, %ne3A_154 : i32
      %and3A = arith.andi %ne3A, %ne3A_155 : i1
      %sub3A = arith.constant 1 : i32
      %sub3A_156 = arith.subi %div3A, %sub3A : i32
      %select_n3A = arith.select %and3A, %sub3A_156, %div3A : i32
      %jit3A_157 = arith.constant 4 : i32
      %eq3A = arith.constant 0 : i32
      %eq3A_158 = arith.cmpi eq, %jit3A_157, %eq3A : i32
      %jit3A_159 = arith.constant 1 : i32
      %select_n3A_160 = arith.select %eq3A_158, %jit3A_159, %jit3A_157 : i32
      %rem3A_161 = arith.remsi %scan3A_139, %select_n3A_160 : i32
      %ne3A_162 = arith.constant 0 : i32
      %ne3A_163 = arith.cmpi ne, %rem3A_161, %ne3A_162 : i32
      %lt3A = arith.constant 0 : i32
      %lt3A_164 = arith.cmpi slt, %rem3A_161, %lt3A : i32
      %lt3A_165 = arith.constant 0 : i32
      %lt3A_166 = arith.cmpi slt, %select_n3A_160, %lt3A_165 : i32
      %ne3A_167 = arith.xori %lt3A_164, %lt3A_166 : i1
      %and3A_168 = arith.andi %ne3A_167, %ne3A_163 : i1
      %add3A_169 = arith.addi %rem3A_161, %select_n3A_160 : i32
      %select_n3A_170 = arith.select %and3A_168, %add3A_169, %rem3A_161 : i32
      %mul3A_171 = arith.constant 16 : i32
      %mul3A_172 = arith.muli %select_n3A_170, %mul3A_171 : i32
      %swap3A_173 = arith.index_cast %select_n3A : i32 to index
      %swap3A_174 = arith.index_cast %mul3A_172 : i32 to index
      %swap3A_175 = tpu.vector_load %arg10[%swap3A_173, %swap3A_174] {strides = array<i32>} : memref<256x64xf32, #tpu.memory_space<vmem>>, vector<16xf32>,
      tpu.vector_store %arg10[%swap3A_173, %swap3A_174], %broadcast_in_dim3A_8 {strides = array<i32>} : memref<256x64xf32, #tpu.memory_space<vmem>>, vector<16xf32>,
      %scan3A_176 = arith.constant 0 : i32
      scf.yield %scan3A_176 : i32
    }
    %scan3A_14 = arith.constant 928 : i32
    %mul3A_15 = arith.constant 1624 : i32
    %mul3A_16 = arith.muli %arg1, %mul3A_15 : i32
    %add3A_17 = arith.constant 0 : i32
    %add3A_18 = arith.addi %mul3A_16, %add3A_17 : i32
    "tpu.region"() ({
      %run_scoped3A = tpu.sem_alloc : memref<!tpu.dma_semaphore, #tpu.memory_space<semaphore_mem>>
      %dma_start3A = arith.constant 0 : i32
      %dma_start3A_139 = arith.constant 0 : i32
      %dma_start3A_140 = tpu.memref_slice %arg10[%dma_start3A, %dma_start3A_139] : memref<256x64xf32, #tpu.memory_space<vmem>> -> memref<232x64xf32, #tpu.memory_space<vmem>>
      %dma_start3A_141 = arith.constant 0 : i32
      %dma_start3A_142 = tpu.memref_slice %arg11[%add3A_18, %dma_start3A_141] : memref<26000x64xf32, #tpu.memory_space<vmem_shared>> -> memref<232x64xf32, #tpu.memory_space<vmem_shared>>
      %dma_start3A_143 = arith.constant 0 : i32
      %dma_start3A_144 = tpu.memref_slice %arg11[%add3A_18, %dma_start3A_143] : memref<26000x64xf32, #tpu.memory_space<vmem_shared>> -> memref<232x64xf32, #tpu.memory_space<vmem_shared>>
      %dma_start3A_145 = arith.constant 0 : i32
      %dma_start3A_146 = arith.constant 0 : i32
      %dma_start3A_147 = tpu.memref_slice %arg10[%dma_start3A_145, %dma_start3A_146] : memref<256x64xf32, #tpu.memory_space<vmem>> -> memref<232x64xf32, #tpu.memory_space<vmem>>
      tpu.enqueue_dma source(%dma_start3A_147 : memref<232x64xf32, #tpu.memory_space<vmem>>) target(%dma_start3A_144 : memref<232x64xf32, #tpu.memory_space<vmem_shared>>) target_semaphore(%run_scoped3A : memref<!tpu.dma_semaphore, #tpu.memory_space<semaphore_mem>>)
      %dma_wait3A = arith.constant 0 : i32
      %dma_wait3A_148 = arith.constant 0 : i32
      %dma_wait3A_149 = tpu.memref_slice %arg10[%dma_wait3A, %dma_wait3A_148] : memref<256x64xf32, #tpu.memory_space<vmem>> -> memref<232x64xf32, #tpu.memory_space<vmem>>
      %dma_wait3A_150 = arith.constant 0 : i32
      %dma_wait3A_151 = tpu.memref_slice %arg11[%add3A_18, %dma_wait3A_150] : memref<26000x64xf32, #tpu.memory_space<vmem_shared>> -> memref<232x64xf32, #tpu.memory_space<vmem_shared>>
      %dma_wait3A_152 = arith.constant 0 : i32
      %dma_wait3A_153 = tpu.memref_slice %arg11[%add3A_18, %dma_wait3A_152] : memref<26000x64xf32, #tpu.memory_space<vmem_shared>> -> memref<232x64xf32, #tpu.memory_space<vmem_shared>>
      %dma_wait3A_154 = arith.constant 0 : i32
      %dma_wait3A_155 = arith.constant 0 : i32
      %dma_wait3A_156 = tpu.memref_slice %arg10[%dma_wait3A_154, %dma_wait3A_155] : memref<256x64xf32, #tpu.memory_space<vmem>> -> memref<232x64xf32, #tpu.memory_space<vmem>>
      tpu.wait_dma2 semaphore(%run_scoped3A : memref<!tpu.dma_semaphore, #tpu.memory_space<semaphore_mem>>) src(%dma_wait3A_156 : memref<232x64xf32, #tpu.memory_space<vmem>>) dst(%dma_wait3A_153 : memref<232x64xf32, #tpu.memory_space<vmem_shared>>)
      tpu.yield
    }) : () -> ()
    %mul3A_19 = arith.constant 1624 : i32
    %mul3A_20 = arith.muli %arg1, %mul3A_19 : i32
    %add3A_21 = arith.constant 232 : i32
    %add3A_22 = arith.addi %mul3A_20, %add3A_21 : i32
    "tpu.region"() ({
      %run_scoped3A = tpu.sem_alloc : memref<!tpu.dma_semaphore, #tpu.memory_space<semaphore_mem>>
      %dma_start3A = arith.constant 0 : i32
      %dma_start3A_139 = arith.constant 0 : i32
      %dma_start3A_140 = tpu.memref_slice %arg10[%dma_start3A, %dma_start3A_139] : memref<256x64xf32, #tpu.memory_space<vmem>> -> memref<232x64xf32, #tpu.memory_space<vmem>>
      %dma_start3A_141 = arith.constant 0 : i32
      %dma_start3A_142 = tpu.memref_slice %arg11[%add3A_22, %dma_start3A_141] : memref<26000x64xf32, #tpu.memory_space<vmem_shared>> -> memref<232x64xf32, #tpu.memory_space<vmem_shared>>
      %dma_start3A_143 = arith.constant 0 : i32
      %dma_start3A_144 = tpu.memref_slice %arg11[%add3A_22, %dma_start3A_143] : memref<26000x64xf32, #tpu.memory_space<vmem_shared>> -> memref<232x64xf32, #tpu.memory_space<vmem_shared>>
      %dma_start3A_145 = arith.constant 0 : i32
      %dma_start3A_146 = arith.constant 0 : i32
      %dma_start3A_147 = tpu.memref_slice %arg10[%dma_start3A_145, %dma_start3A_146] : memref<256x64xf32, #tpu.memory_space<vmem>> -> memref<232x64xf32, #tpu.memory_space<vmem>>
      tpu.enqueue_dma source(%dma_start3A_147 : memref<232x64xf32, #tpu.memory_space<vmem>>) target(%dma_start3A_144 : memref<232x64xf32, #tpu.memory_space<vmem_shared>>) target_semaphore(%run_scoped3A : memref<!tpu.dma_semaphore, #tpu.memory_space<semaphore_mem>>)
      %dma_wait3A = arith.constant 0 : i32
      %dma_wait3A_148 = arith.constant 0 : i32
      %dma_wait3A_149 = tpu.memref_slice %arg10[%dma_wait3A, %dma_wait3A_148] : memref<256x64xf32, #tpu.memory_space<vmem>> -> memref<232x64xf32, #tpu.memory_space<vmem>>
      %dma_wait3A_150 = arith.constant 0 : i32
      %dma_wait3A_151 = tpu.memref_slice %arg11[%add3A_22, %dma_wait3A_150] : memref<26000x64xf32, #tpu.memory_space<vmem_shared>> -> memref<232x64xf32, #tpu.memory_space<vmem_shared>>
      %dma_wait3A_152 = arith.constant 0 : i32
      %dma_wait3A_153 = tpu.memref_slice %arg11[%add3A_22, %dma_wait3A_152] : memref<26000x64xf32, #tpu.memory_space<vmem_shared>> -> memref<232x64xf32, #tpu.memory_space<vmem_shared>>
      %dma_wait3A_154 = arith.constant 0 : i32
      %dma_wait3A_155 = arith.constant 0 : i32
      %dma_wait3A_156 = tpu.memref_slice %arg10[%dma_wait3A_154, %dma_wait3A_155] : memref<256x64xf32, #tpu.memory_space<vmem>> -> memref<232x64xf32, #tpu.memory_space<vmem>>
      tpu.wait_dma2 semaphore(%run_scoped3A : memref<!tpu.dma_semaphore, #tpu.memory_space<semaphore_mem>>) src(%dma_wait3A_156 : memref<232x64xf32, #tpu.memory_space<vmem>>) dst(%dma_wait3A_153 : memref<232x64xf32, #tpu.memory_space<vmem_shared>>)
      tpu.yield
    }) : () -> ()
    %mul3A_23 = arith.constant 1624 : i32
    %mul3A_24 = arith.muli %arg1, %mul3A_23 : i32
    %add3A_25 = arith.constant 464 : i32
    %add3A_26 = arith.addi %mul3A_24, %add3A_25 : i32
    "tpu.region"() ({
      %run_scoped3A = tpu.sem_alloc : memref<!tpu.dma_semaphore, #tpu.memory_space<semaphore_mem>>
      %dma_start3A = arith.constant 0 : i32
      %dma_start3A_139 = arith.constant 0 : i32
      %dma_start3A_140 = tpu.memref_slice %arg10[%dma_start3A, %dma_start3A_139] : memref<256x64xf32, #tpu.memory_space<vmem>> -> memref<232x64xf32, #tpu.memory_space<vmem>>
      %dma_start3A_141 = arith.constant 0 : i32
      %dma_start3A_142 = tpu.memref_slice %arg11[%add3A_26, %dma_start3A_141] : memref<26000x64xf32, #tpu.memory_space<vmem_shared>> -> memref<232x64xf32, #tpu.memory_space<vmem_shared>>
      %dma_start3A_143 = arith.constant 0 : i32
      %dma_start3A_144 = tpu.memref_slice %arg11[%add3A_26, %dma_start3A_143] : memref<26000x64xf32, #tpu.memory_space<vmem_shared>> -> memref<232x64xf32, #tpu.memory_space<vmem_shared>>
      %dma_start3A_145 = arith.constant 0 : i32
      %dma_start3A_146 = arith.constant 0 : i32
      %dma_start3A_147 = tpu.memref_slice %arg10[%dma_start3A_145, %dma_start3A_146] : memref<256x64xf32, #tpu.memory_space<vmem>> -> memref<232x64xf32, #tpu.memory_space<vmem>>
      tpu.enqueue_dma source(%dma_start3A_147 : memref<232x64xf32, #tpu.memory_space<vmem>>) target(%dma_start3A_144 : memref<232x64xf32, #tpu.memory_space<vmem_shared>>) target_semaphore(%run_scoped3A : memref<!tpu.dma_semaphore, #tpu.memory_space<semaphore_mem>>)
      %dma_wait3A = arith.constant 0 : i32
      %dma_wait3A_148 = arith.constant 0 : i32
      %dma_wait3A_149 = tpu.memref_slice %arg10[%dma_wait3A, %dma_wait3A_148] : memref<256x64xf32, #tpu.memory_space<vmem>> -> memref<232x64xf32, #tpu.memory_space<vmem>>
      %dma_wait3A_150 = arith.constant 0 : i32
      %dma_wait3A_151 = tpu.memref_slice %arg11[%add3A_26, %dma_wait3A_150] : memref<26000x64xf32, #tpu.memory_space<vmem_shared>> -> memref<232x64xf32, #tpu.memory_space<vmem_shared>>
      %dma_wait3A_152 = arith.constant 0 : i32
      %dma_wait3A_153 = tpu.memref_slice %arg11[%add3A_26, %dma_wait3A_152] : memref<26000x64xf32, #tpu.memory_space<vmem_shared>> -> memref<232x64xf32, #tpu.memory_space<vmem_shared>>
      %dma_wait3A_154 = arith.constant 0 : i32
      %dma_wait3A_155 = arith.constant 0 : i32
      %dma_wait3A_156 = tpu.memref_slice %arg10[%dma_wait3A_154, %dma_wait3A_155] : memref<256x64xf32, #tpu.memory_space<vmem>> -> memref<232x64xf32, #tpu.memory_space<vmem>>
      tpu.wait_dma2 semaphore(%run_scoped3A : memref<!tpu.dma_semaphore, #tpu.memory_space<semaphore_mem>>) src(%dma_wait3A_156 : memref<232x64xf32, #tpu.memory_space<vmem>>) dst(%dma_wait3A_153 : memref<232x64xf32, #tpu.memory_space<vmem_shared>>)
      tpu.yield
    }) : () -> ()
    %mul3A_27 = arith.constant 1624 : i32
    %mul3A_28 = arith.muli %arg1, %mul3A_27 : i32
    %add3A_29 = arith.constant 696 : i32
    %add3A_30 = arith.addi %mul3A_28, %add3A_29 : i32
    "tpu.region"() ({
      %run_scoped3A = tpu.sem_alloc : memref<!tpu.dma_semaphore, #tpu.memory_space<semaphore_mem>>
      %dma_start3A = arith.constant 0 : i32
      %dma_start3A_139 = arith.constant 0 : i32
      %dma_start3A_140 = tpu.memref_slice %arg10[%dma_start3A, %dma_start3A_139] : memref<256x64xf32, #tpu.memory_space<vmem>> -> memref<232x64xf32, #tpu.memory_space<vmem>>
      %dma_start3A_141 = arith.constant 0 : i32
      %dma_start3A_142 = tpu.memref_slice %arg11[%add3A_30, %dma_start3A_141] : memref<26000x64xf32, #tpu.memory_space<vmem_shared>> -> memref<232x64xf32, #tpu.memory_space<vmem_shared>>
      %dma_start3A_143 = arith.constant 0 : i32
      %dma_start3A_144 = tpu.memref_slice %arg11[%add3A_30, %dma_start3A_143] : memref<26000x64xf32, #tpu.memory_space<vmem_shared>> -> memref<232x64xf32, #tpu.memory_space<vmem_shared>>
      %dma_start3A_145 = arith.constant 0 : i32
      %dma_start3A_146 = arith.constant 0 : i32
      %dma_start3A_147 = tpu.memref_slice %arg10[%dma_start3A_145, %dma_start3A_146] : memref<256x64xf32, #tpu.memory_space<vmem>> -> memref<232x64xf32, #tpu.memory_space<vmem>>
      tpu.enqueue_dma source(%dma_start3A_147 : memref<232x64xf32, #tpu.memory_space<vmem>>) target(%dma_start3A_144 : memref<232x64xf32, #tpu.memory_space<vmem_shared>>) target_semaphore(%run_scoped3A : memref<!tpu.dma_semaphore, #tpu.memory_space<semaphore_mem>>)
      %dma_wait3A = arith.constant 0 : i32
      %dma_wait3A_148 = arith.constant 0 : i32
      %dma_wait3A_149 = tpu.memref_slice %arg10[%dma_wait3A, %dma_wait3A_148] : memref<256x64xf32, #tpu.memory_space<vmem>> -> memref<232x64xf32, #tpu.memory_space<vmem>>
      %dma_wait3A_150 = arith.constant 0 : i32
      %dma_wait3A_151 = tpu.memref_slice %arg11[%add3A_30, %dma_wait3A_150] : memref<26000x64xf32, #tpu.memory_space<vmem_shared>> -> memref<232x64xf32, #tpu.memory_space<vmem_shared>>
      %dma_wait3A_152 = arith.constant 0 : i32
      %dma_wait3A_153 = tpu.memref_slice %arg11[%add3A_30, %dma_wait3A_152] : memref<26000x64xf32, #tpu.memory_space<vmem_shared>> -> memref<232x64xf32, #tpu.memory_space<vmem_shared>>
      %dma_wait3A_154 = arith.constant 0 : i32
      %dma_wait3A_155 = arith.constant 0 : i32
      %dma_wait3A_156 = tpu.memref_slice %arg10[%dma_wait3A_154, %dma_wait3A_155] : memref<256x64xf32, #tpu.memory_space<vmem>> -> memref<232x64xf32, #tpu.memory_space<vmem>>
      tpu.wait_dma2 semaphore(%run_scoped3A : memref<!tpu.dma_semaphore, #tpu.memory_space<semaphore_mem>>) src(%dma_wait3A_156 : memref<232x64xf32, #tpu.memory_space<vmem>>) dst(%dma_wait3A_153 : memref<232x64xf32, #tpu.memory_space<vmem_shared>>)
      tpu.yield
    }) : () -> ()
    %mul3A_31 = arith.constant 1624 : i32
    %mul3A_32 = arith.muli %arg1, %mul3A_31 : i32
    %add3A_33 = arith.constant 928 : i32
    %add3A_34 = arith.addi %mul3A_32, %add3A_33 : i32
    "tpu.region"() ({
      %run_scoped3A = tpu.sem_alloc : memref<!tpu.dma_semaphore, #tpu.memory_space<semaphore_mem>>
      %dma_start3A = arith.constant 0 : i32
      %dma_start3A_139 = arith.constant 0 : i32
      %dma_start3A_140 = tpu.memref_slice %arg10[%dma_start3A, %dma_start3A_139] : memref<256x64xf32, #tpu.memory_space<vmem>> -> memref<232x64xf32, #tpu.memory_space<vmem>>
      %dma_start3A_141 = arith.constant 0 : i32
      %dma_start3A_142 = tpu.memref_slice %arg11[%add3A_34, %dma_start3A_141] : memref<26000x64xf32, #tpu.memory_space<vmem_shared>> -> memref<232x64xf32, #tpu.memory_space<vmem_shared>>
      %dma_start3A_143 = arith.constant 0 : i32
      %dma_start3A_144 = tpu.memref_slice %arg11[%add3A_34, %dma_start3A_143] : memref<26000x64xf32, #tpu.memory_space<vmem_shared>> -> memref<232x64xf32, #tpu.memory_space<vmem_shared>>
      %dma_start3A_145 = arith.constant 0 : i32
      %dma_start3A_146 = arith.constant 0 : i32
      %dma_start3A_147 = tpu.memref_slice %arg10[%dma_start3A_145, %dma_start3A_146] : memref<256x64xf32, #tpu.memory_space<vmem>> -> memref<232x64xf32, #tpu.memory_space<vmem>>
      tpu.enqueue_dma source(%dma_start3A_147 : memref<232x64xf32, #tpu.memory_space<vmem>>) target(%dma_start3A_144 : memref<232x64xf32, #tpu.memory_space<vmem_shared>>) target_semaphore(%run_scoped3A : memref<!tpu.dma_semaphore, #tpu.memory_space<semaphore_mem>>)
      %dma_wait3A = arith.constant 0 : i32
      %dma_wait3A_148 = arith.constant 0 : i32
      %dma_wait3A_149 = tpu.memref_slice %arg10[%dma_wait3A, %dma_wait3A_148] : memref<256x64xf32, #tpu.memory_space<vmem>> -> memref<232x64xf32, #tpu.memory_space<vmem>>
      %dma_wait3A_150 = arith.constant 0 : i32
      %dma_wait3A_151 = tpu.memref_slice %arg11[%add3A_34, %dma_wait3A_150] : memref<26000x64xf32, #tpu.memory_space<vmem_shared>> -> memref<232x64xf32, #tpu.memory_space<vmem_shared>>
      %dma_wait3A_152 = arith.constant 0 : i32
      %dma_wait3A_153 = tpu.memref_slice %arg11[%add3A_34, %dma_wait3A_152] : memref<26000x64xf32, #tpu.memory_space<vmem_shared>> -> memref<232x64xf32, #tpu.memory_space<vmem_shared>>
      %dma_wait3A_154 = arith.constant 0 : i32
      %dma_wait3A_155 = arith.constant 0 : i32
      %dma_wait3A_156 = tpu.memref_slice %arg10[%dma_wait3A_154, %dma_wait3A_155] : memref<256x64xf32, #tpu.memory_space<vmem>> -> memref<232x64xf32, #tpu.memory_space<vmem>>
      tpu.wait_dma2 semaphore(%run_scoped3A : memref<!tpu.dma_semaphore, #tpu.memory_space<semaphore_mem>>) src(%dma_wait3A_156 : memref<232x64xf32, #tpu.memory_space<vmem>>) dst(%dma_wait3A_153 : memref<232x64xf32, #tpu.memory_space<vmem_shared>>)
      tpu.yield
    }) : () -> ()
    %mul3A_35 = arith.constant 1624 : i32
    %mul3A_36 = arith.muli %arg1, %mul3A_35 : i32
    %add3A_37 = arith.constant 1160 : i32
    %add3A_38 = arith.addi %mul3A_36, %add3A_37 : i32
    "tpu.region"() ({
      %run_scoped3A = tpu.sem_alloc : memref<!tpu.dma_semaphore, #tpu.memory_space<semaphore_mem>>
      %dma_start3A = arith.constant 0 : i32
      %dma_start3A_139 = arith.constant 0 : i32
      %dma_start3A_140 = tpu.memref_slice %arg10[%dma_start3A, %dma_start3A_139] : memref<256x64xf32, #tpu.memory_space<vmem>> -> memref<232x64xf32, #tpu.memory_space<vmem>>
      %dma_start3A_141 = arith.constant 0 : i32
      %dma_start3A_142 = tpu.memref_slice %arg11[%add3A_38, %dma_start3A_141] : memref<26000x64xf32, #tpu.memory_space<vmem_shared>> -> memref<232x64xf32, #tpu.memory_space<vmem_shared>>
      %dma_start3A_143 = arith.constant 0 : i32
      %dma_start3A_144 = tpu.memref_slice %arg11[%add3A_38, %dma_start3A_143] : memref<26000x64xf32, #tpu.memory_space<vmem_shared>> -> memref<232x64xf32, #tpu.memory_space<vmem_shared>>
      %dma_start3A_145 = arith.constant 0 : i32
      %dma_start3A_146 = arith.constant 0 : i32
      %dma_start3A_147 = tpu.memref_slice %arg10[%dma_start3A_145, %dma_start3A_146] : memref<256x64xf32, #tpu.memory_space<vmem>> -> memref<232x64xf32, #tpu.memory_space<vmem>>
      tpu.enqueue_dma source(%dma_start3A_147 : memref<232x64xf32, #tpu.memory_space<vmem>>) target(%dma_start3A_144 : memref<232x64xf32, #tpu.memory_space<vmem_shared>>) target_semaphore(%run_scoped3A : memref<!tpu.dma_semaphore, #tpu.memory_space<semaphore_mem>>)
      %dma_wait3A = arith.constant 0 : i32
      %dma_wait3A_148 = arith.constant 0 : i32
      %dma_wait3A_149 = tpu.memref_slice %arg10[%dma_wait3A, %dma_wait3A_148] : memref<256x64xf32, #tpu.memory_space<vmem>> -> memref<232x64xf32, #tpu.memory_space<vmem>>
      %dma_wait3A_150 = arith.constant 0 : i32
      %dma_wait3A_151 = tpu.memref_slice %arg11[%add3A_38, %dma_wait3A_150] : memref<26000x64xf32, #tpu.memory_space<vmem_shared>> -> memref<232x64xf32, #tpu.memory_space<vmem_shared>>
      %dma_wait3A_152 = arith.constant 0 : i32
      %dma_wait3A_153 = tpu.memref_slice %arg11[%add3A_38, %dma_wait3A_152] : memref<26000x64xf32, #tpu.memory_space<vmem_shared>> -> memref<232x64xf32, #tpu.memory_space<vmem_shared>>
      %dma_wait3A_154 = arith.constant 0 : i32
      %dma_wait3A_155 = arith.constant 0 : i32
      %dma_wait3A_156 = tpu.memref_slice %arg10[%dma_wait3A_154, %dma_wait3A_155] : memref<256x64xf32, #tpu.memory_space<vmem>> -> memref<232x64xf32, #tpu.memory_space<vmem>>
      tpu.wait_dma2 semaphore(%run_scoped3A : memref<!tpu.dma_semaphore, #tpu.memory_space<semaphore_mem>>) src(%dma_wait3A_156 : memref<232x64xf32, #tpu.memory_space<vmem>>) dst(%dma_wait3A_153 : memref<232x64xf32, #tpu.memory_space<vmem_shared>>)
      tpu.yield
    }) : () -> ()
    %mul3A_39 = arith.constant 1624 : i32
    %mul3A_40 = arith.muli %arg1, %mul3A_39 : i32
    %add3A_41 = arith.constant 1392 : i32
    %add3A_42 = arith.addi %mul3A_40, %add3A_41 : i32
    "tpu.region"() ({
      %run_scoped3A = tpu.sem_alloc : memref<!tpu.dma_semaphore, #tpu.memory_space<semaphore_mem>>
      %dma_start3A = arith.constant 0 : i32
      %dma_start3A_139 = arith.constant 0 : i32
      %dma_start3A_140 = tpu.memref_slice %arg10[%dma_start3A, %dma_start3A_139] : memref<256x64xf32, #tpu.memory_space<vmem>> -> memref<232x64xf32, #tpu.memory_space<vmem>>
      %dma_start3A_141 = arith.constant 0 : i32
      %dma_start3A_142 = tpu.memref_slice %arg11[%add3A_42, %dma_start3A_141] : memref<26000x64xf32, #tpu.memory_space<vmem_shared>> -> memref<232x64xf32, #tpu.memory_space<vmem_shared>>
      %dma_start3A_143 = arith.constant 0 : i32
      %dma_start3A_144 = tpu.memref_slice %arg11[%add3A_42, %dma_start3A_143] : memref<26000x64xf32, #tpu.memory_space<vmem_shared>> -> memref<232x64xf32, #tpu.memory_space<vmem_shared>>
      %dma_start3A_145 = arith.constant 0 : i32
      %dma_start3A_146 = arith.constant 0 : i32
      %dma_start3A_147 = tpu.memref_slice %arg10[%dma_start3A_145, %dma_start3A_146] : memref<256x64xf32, #tpu.memory_space<vmem>> -> memref<232x64xf32, #tpu.memory_space<vmem>>
      tpu.enqueue_dma source(%dma_start3A_147 : memref<232x64xf32, #tpu.memory_space<vmem>>) target(%dma_start3A_144 : memref<232x64xf32, #tpu.memory_space<vmem_shared>>) target_semaphore(%run_scoped3A : memref<!tpu.dma_semaphore, #tpu.memory_space<semaphore_mem>>)
      %dma_wait3A = arith.constant 0 : i32
      %dma_wait3A_148 = arith.constant 0 : i32
      %dma_wait3A_149 = tpu.memref_slice %arg10[%dma_wait3A, %dma_wait3A_148] : memref<256x64xf32, #tpu.memory_space<vmem>> -> memref<232x64xf32, #tpu.memory_space<vmem>>
      %dma_wait3A_150 = arith.constant 0 : i32
      %dma_wait3A_151 = tpu.memref_slice %arg11[%add3A_42, %dma_wait3A_150] : memref<26000x64xf32, #tpu.memory_space<vmem_shared>> -> memref<232x64xf32, #tpu.memory_space<vmem_shared>>
      %dma_wait3A_152 = arith.constant 0 : i32
      %dma_wait3A_153 = tpu.memref_slice %arg11[%add3A_42, %dma_wait3A_152] : memref<26000x64xf32, #tpu.memory_space<vmem_shared>> -> memref<232x64xf32, #tpu.memory_space<vmem_shared>>
      %dma_wait3A_154 = arith.constant 0 : i32
      %dma_wait3A_155 = arith.constant 0 : i32
      %dma_wait3A_156 = tpu.memref_slice %arg10[%dma_wait3A_154, %dma_wait3A_155] : memref<256x64xf32, #tpu.memory_space<vmem>> -> memref<232x64xf32, #tpu.memory_space<vmem>>
      tpu.wait_dma2 semaphore(%run_scoped3A : memref<!tpu.dma_semaphore, #tpu.memory_space<semaphore_mem>>) src(%dma_wait3A_156 : memref<232x64xf32, #tpu.memory_space<vmem>>) dst(%dma_wait3A_153 : memref<232x64xf32, #tpu.memory_space<vmem_shared>>)
      tpu.yield
    }) : () -> ()
    %barrier3A = arith.constant 0 : index
    tpu.barrier barrier_id(%barrier3A)
    %scan3A_43 = arith.constant 0 : i32
    %scan3A_44 = arith.constant 0 : i32
    %scan3A_45 = arith.constant 49 : i32
    %scan3A_46 = arith.addi %scan3A_44, %scan3A_45 : i32
    %scan3A_47 = arith.constant 1 : i32
    %scan3A_48 = scf.for %scan3A_139 = %scan3A_44 to %scan3A_46 step %scan3A_47 iter_args(%scan3A_140 = %scan3A_43) -> (i32)  : i32 {
      %mul3A_141 = arith.constant 8 : i32
      %mul3A_142 = arith.muli %scan3A_139, %mul3A_141 : i32
      %add3A_143 = arith.addi %mul3A_7, %mul3A_142 : i32
      "tpu.region"() ({
        %run_scoped3A = tpu.sem_alloc : memref<!tpu.dma_semaphore, #tpu.memory_space<semaphore_mem>>
        %dma_start3A = arith.constant 0 : i32
        %dma_start3A_196 = tpu.memref_slice %arg3[%add3A_143, %dma_start3A] : memref<6272x128xi32, #tpu.memory_space<hbm>> -> memref<8x128xi32, #tpu.memory_space<hbm>>
        %dma_start3A_197 = arith.constant 0 : i32
        %dma_start3A_198 = tpu.memref_slice %arg3[%add3A_143, %dma_start3A_197] : memref<6272x128xi32, #tpu.memory_space<hbm>> -> memref<8x128xi32, #tpu.memory_space<hbm>>
        tpu.enqueue_dma source(%dma_start3A_198 : memref<8x128xi32, #tpu.memory_space<hbm>>) target(%arg6 : memref<8x128xi32, #tpu.memory_space<vmem>>) target_semaphore(%run_scoped3A : memref<!tpu.dma_semaphore, #tpu.memory_space<semaphore_mem>>)
        %dma_wait3A = arith.constant 0 : i32
        %dma_wait3A_199 = tpu.memref_slice %arg3[%add3A_143, %dma_wait3A] : memref<6272x128xi32, #tpu.memory_space<hbm>> -> memref<8x128xi32, #tpu.memory_space<hbm>>
        %dma_wait3A_200 = arith.constant 0 : i32
        %dma_wait3A_201 = tpu.memref_slice %arg3[%add3A_143, %dma_wait3A_200] : memref<6272x128xi32, #tpu.memory_space<hbm>> -> memref<8x128xi32, #tpu.memory_space<hbm>>
        tpu.wait_dma2 semaphore(%run_scoped3A : memref<!tpu.dma_semaphore, #tpu.memory_space<semaphore_mem>>) src(%dma_wait3A_201 : memref<8x128xi32, #tpu.memory_space<hbm>>) dst(%arg6 : memref<8x128xi32, #tpu.memory_space<vmem>>)
        tpu.yield
      }) : () -> ()
      "tpu.region"() ({
        %run_scoped3A = tpu.sem_alloc : memref<!tpu.dma_semaphore, #tpu.memory_space<semaphore_mem>>
        %dma_start3A = arith.constant 0 : i32
        %dma_start3A_196 = tpu.memref_slice %arg4[%add3A_143, %dma_start3A] : memref<6272x128xi32, #tpu.memory_space<hbm>> -> memref<8x128xi32, #tpu.memory_space<hbm>>
        %dma_start3A_197 = arith.constant 0 : i32
        %dma_start3A_198 = tpu.memref_slice %arg4[%add3A_143, %dma_start3A_197] : memref<6272x128xi32, #tpu.memory_space<hbm>> -> memref<8x128xi32, #tpu.memory_space<hbm>>
        tpu.enqueue_dma source(%dma_start3A_198 : memref<8x128xi32, #tpu.memory_space<hbm>>) target(%arg7 : memref<8x128xi32, #tpu.memory_space<vmem>>) target_semaphore(%run_scoped3A : memref<!tpu.dma_semaphore, #tpu.memory_space<semaphore_mem>>)
        %dma_wait3A = arith.constant 0 : i32
        %dma_wait3A_199 = tpu.memref_slice %arg4[%add3A_143, %dma_wait3A] : memref<6272x128xi32, #tpu.memory_space<hbm>> -> memref<8x128xi32, #tpu.memory_space<hbm>>
        %dma_wait3A_200 = arith.constant 0 : i32
        %dma_wait3A_201 = tpu.memref_slice %arg4[%add3A_143, %dma_wait3A_200] : memref<6272x128xi32, #tpu.memory_space<hbm>> -> memref<8x128xi32, #tpu.memory_space<hbm>>
        tpu.wait_dma2 semaphore(%run_scoped3A : memref<!tpu.dma_semaphore, #tpu.memory_space<semaphore_mem>>) src(%dma_wait3A_201 : memref<8x128xi32, #tpu.memory_space<hbm>>) dst(%arg7 : memref<8x128xi32, #tpu.memory_space<vmem>>)
        tpu.yield
      }) : () -> ()
      %scan3A_144 = arith.constant 2147483647 : i32
      %scan3A_145 = arith.constant 0 : i32
      %scan3A_146 = arith.constant 64 : i32
      %scan3A_147 = arith.addi %scan3A_145, %scan3A_146 : i32
      %scan3A_148 = arith.constant 1 : i32
      %scan3A_149 = scf.for %scan3A_196 = %scan3A_145 to %scan3A_147 step %scan3A_148 iter_args(%scan3A_197 = %scan3A_140) -> (i32)  : i32 {
        %jit3A_198 = arith.constant 8 : i32
        %div3A_199 = arith.divsi %scan3A_196, %jit3A_198 : i32
        %sign3A_200 = arith.constant 0 : i32
        %sign3A_201 = arith.cmpi sgt, %scan3A_196, %sign3A_200 : i32
        %sign3A_202 = arith.extui %sign3A_201 : i1 to i32
        %sign3A_203 = arith.constant 0 : i32
        %sign3A_204 = arith.cmpi slt, %scan3A_196, %sign3A_203 : i32
        %sign3A_205 = arith.extui %sign3A_204 : i1 to i32
        %sign3A_206 = arith.subi %sign3A_202, %sign3A_205 : i32
        %sign3A_207 = arith.constant 0 : i32
        %sign3A_208 = arith.cmpi sgt, %jit3A_198, %sign3A_207 : i32
        %sign3A_209 = arith.extui %sign3A_208 : i1 to i32
        %sign3A_210 = arith.constant 0 : i32
        %sign3A_211 = arith.cmpi slt, %jit3A_198, %sign3A_210 : i32
        %sign3A_212 = arith.extui %sign3A_211 : i1 to i32
        %sign3A_213 = arith.subi %sign3A_209, %sign3A_212 : i32
        %ne3A_214 = arith.cmpi ne, %sign3A_206, %sign3A_213 : i32
        %rem3A_215 = arith.remsi %scan3A_196, %jit3A_198 : i32
        %ne3A_216 = arith.constant 0 : i32
        %ne3A_217 = arith.cmpi ne, %rem3A_215, %ne3A_216 : i32
        %and3A_218 = arith.andi %ne3A_214, %ne3A_217 : i1
        %sub3A_219 = arith.constant 1 : i32
        %sub3A_220 = arith.subi %div3A_199, %sub3A_219 : i32
        %select_n3A_221 = arith.select %and3A_218, %sub3A_220, %div3A_199 : i32
        %jit3A_222 = arith.constant 8 : i32
        %eq3A = arith.constant 0 : i32
        %eq3A_223 = arith.cmpi eq, %jit3A_222, %eq3A : i32
        %jit3A_224 = arith.constant 1 : i32
        %select_n3A_225 = arith.select %eq3A_223, %jit3A_224, %jit3A_222 : i32
        %rem3A_226 = arith.remsi %scan3A_196, %select_n3A_225 : i32
        %ne3A_227 = arith.constant 0 : i32
        %ne3A_228 = arith.cmpi ne, %rem3A_226, %ne3A_227 : i32
        %lt3A = arith.constant 0 : i32
        %lt3A_229 = arith.cmpi slt, %rem3A_226, %lt3A : i32
        %lt3A_230 = arith.constant 0 : i32
        %lt3A_231 = arith.cmpi slt, %select_n3A_225, %lt3A_230 : i32
        %ne3A_232 = arith.xori %lt3A_229, %lt3A_231 : i1
        %and3A_233 = arith.andi %ne3A_232, %ne3A_228 : i1
        %add3A_234 = arith.addi %rem3A_226, %select_n3A_225 : i32
        %select_n3A_235 = arith.select %and3A_233, %add3A_234, %rem3A_226 : i32
        %mul3A_236 = arith.constant 16 : i32
        %mul3A_237 = arith.muli %select_n3A_235, %mul3A_236 : i32
        %get3A = arith.index_cast %select_n3A_221 : i32 to index
        %get3A_238 = arith.index_cast %mul3A_237 : i32 to index
        %get3A_239 = tpu.vector_load %arg7[%get3A, %get3A_238] {strides = array<i32>} : memref<8x128xi32, #tpu.memory_space<vmem>>, vector<16xi32>,
        %sub3A_240 = vector.broadcast %mul3A_0 : i32 to vector<16xi32>
        %sub3A_241 = arith.subi %get3A_239, %sub3A_240 : vector<16xi32>
        %ge3A = arith.constant 0 : i32
        %ge3A_242 = vector.broadcast %ge3A : i32 to vector<16xi32>
        %ge3A_243 = arith.cmpi sge, %sub3A_241, %ge3A_242 : vector<16xi32>
        %lt3A_244 = arith.constant 25000 : i32
        %lt3A_245 = vector.broadcast %lt3A_244 : i32 to vector<16xi32>
        %lt3A_246 = arith.cmpi slt, %sub3A_241, %lt3A_245 : vector<16xi32>
        %and3A_247 = arith.andi %ge3A_243, %lt3A_246 : vector<16xi1>
        %mul3A_248 = arith.constant 16 : i32
        %mul3A_249 = arith.muli %select_n3A_235, %mul3A_248 : i32
        %get3A_250 = arith.index_cast %select_n3A_221 : i32 to index
        %get3A_251 = arith.index_cast %mul3A_249 : i32 to index
        %get3A_252 = tpu.vector_load %arg6[%get3A_250, %get3A_251] {strides = array<i32>} : memref<8x128xi32, #tpu.memory_space<vmem>>, vector<16xi32>,
        %mul3A_253 = arith.constant 65536 : i32
        %mul3A_254 = vector.broadcast %mul3A_253 : i32 to vector<16xi32>
        %mul3A_255 = arith.muli %sub3A_241, %mul3A_254 : vector<16xi32>
        %add3A_256 = arith.addi %mul3A_255, %get3A_252 : vector<16xi32>
        %broadcast_in_dim3A_257 = vector.broadcast %scan3A_144 : i32 to vector<16xi32>
        %select_n3A_258 = arith.select %and3A_247, %add3A_256, %broadcast_in_dim3A_257 : vector<16xi1>, vector<16xi32>
        %sort3A = arith.constant dense<true> : vector<16xi1>
        %sort3A_259, %sort3A_260, %sort3A_261 = tpu.sort %select_n3A_258, %select_n3A_258 masked %sort3A : (vector<16xi32>, vector<16xi32>, vector<16xi1>) -> (vector<16xi1>, vector<16xi32>, vector<16xi32>)
        %shift_right_logical3A = arith.constant 16 : i32
        %shift_right_logical3A_262 = vector.broadcast %shift_right_logical3A : i32 to vector<16xi32>
        %shift_right_logical3A_263 = arith.shrui %sort3A_260, %shift_right_logical3A_262 : vector<16xi32>
        %swap3A_264 = arith.index_cast %scan3A_197 : i32 to index
        %swap3A_265 = tpu.vector_load %arg9[%swap3A_264] {strides = array<i32>} : memref<1280xi32, #tpu.memory_space<vmem>>, vector<16xi32>,
        tpu.vector_store %arg9[%swap3A_264], %shift_right_logical3A_263 {strides = array<i32>} : memref<1280xi32, #tpu.memory_space<vmem>>, vector<16xi32>,
        %and3A_266 = arith.constant 65535 : i32
        %and3A_267 = vector.broadcast %and3A_266 : i32 to vector<16xi32>
        %and3A_268 = arith.andi %sort3A_260, %and3A_267 : vector<16xi32>
        %swap3A_269 = arith.index_cast %scan3A_197 : i32 to index
        %swap3A_270 = tpu.vector_load %arg8[%swap3A_269] {strides = array<i32>} : memref<1280xi32, #tpu.memory_space<vmem>>, vector<16xi32>,
        tpu.vector_store %arg8[%swap3A_269], %and3A_268 {strides = array<i32>} : memref<1280xi32, #tpu.memory_space<vmem>>, vector<16xi32>,
        %convert_element_type3A_271 = arith.extui %and3A_247 : vector<16xi1> to vector<16xi32>
        %reduce_sum3A = arith.constant true
        %reduce_sum3A_272 = vector.broadcast %reduce_sum3A : i1 to vector<16xi1>
        %reduce_sum3A_273 = tpu.scan <sum>, %convert_element_type3A_271 masked %reduce_sum3A_272 : vector<16xi32>, vector<16xi1> -> vector<16xi32>
        %reduce_sum3A_274 = vector.extract %reduce_sum3A_273[15] : i32 from vector<16xi32>
        %add3A_275 = arith.addi %scan3A_197, %reduce_sum3A_274 : i32
        scf.yield %add3A_275 : i32
      }
      %scan3A_150 = arith.constant 64 : i32
      %jit3A = arith.constant 128 : i32
      %div3A = arith.divsi %scan3A_149, %jit3A : i32
      %sign3A = arith.constant 0 : i32
      %sign3A_151 = arith.cmpi sgt, %scan3A_149, %sign3A : i32
      %sign3A_152 = arith.extui %sign3A_151 : i1 to i32
      %sign3A_153 = arith.constant 0 : i32
      %sign3A_154 = arith.cmpi slt, %scan3A_149, %sign3A_153 : i32
      %sign3A_155 = arith.extui %sign3A_154 : i1 to i32
      %sign3A_156 = arith.subi %sign3A_152, %sign3A_155 : i32
      %sign3A_157 = arith.constant 0 : i32
      %sign3A_158 = arith.cmpi sgt, %jit3A, %sign3A_157 : i32
      %sign3A_159 = arith.extui %sign3A_158 : i1 to i32
      %sign3A_160 = arith.constant 0 : i32
      %sign3A_161 = arith.cmpi slt, %jit3A, %sign3A_160 : i32
      %sign3A_162 = arith.extui %sign3A_161 : i1 to i32
      %sign3A_163 = arith.subi %sign3A_159, %sign3A_162 : i32
      %ne3A = arith.cmpi ne, %sign3A_156, %sign3A_163 : i32
      %rem3A = arith.remsi %scan3A_149, %jit3A : i32
      %ne3A_164 = arith.constant 0 : i32
      %ne3A_165 = arith.cmpi ne, %rem3A, %ne3A_164 : i32
      %and3A = arith.andi %ne3A, %ne3A_165 : i1
      %sub3A = arith.constant 1 : i32
      %sub3A_166 = arith.subi %div3A, %sub3A : i32
      %select_n3A = arith.select %and3A, %sub3A_166, %div3A : i32
      %gt3A_167 = arith.constant 0 : i32
      %gt3A_168 = arith.cmpi sgt, %select_n3A, %gt3A_167 : i32
      %convert_element_type3A_169 = arith.extui %gt3A_168 : i1 to i32
      %cond3A_170 = arith.constant 0 : i32
      %cond3A_171 = arith.cmpi ne, %convert_element_type3A_169, %cond3A_170 : i32
      scf.if %cond3A_171 {
        %rem3A_196 = arith.constant 0 : i32
        %rem3A_197 = arith.constant 2 : i32
        %rem3A_198 = arith.remsi %rem3A_196, %rem3A_197 : i32
        %mul3A_199 = arith.constant 128 : i32
        %mul3A_200 = arith.muli %rem3A_198, %mul3A_199 : i32
        %dma_start3A = arith.constant 0 : i32
        %dma_start3A_201 = tpu.memref_slice %arg10[%mul3A_200, %dma_start3A] : memref<256x64xf32, #tpu.memory_space<vmem>> -> memref<128x64xf32, #tpu.memory_space<vmem>>
        %dma_start3A_202 = arith.constant 0 : i32
        %dma_start3A_203 = tpu.memref_slice %arg8[%dma_start3A_202] : memref<1280xi32, #tpu.memory_space<vmem>> -> memref<128xi32, #tpu.memory_space<vmem>>
        %dma_start3A_204 = arith.constant 0 : i32
        %dma_start3A_205 = arith.constant 0 : i32
        %dma_start3A_206 = tpu.memref_slice %arg2[%dma_start3A_204, %dma_start3A_205] : memref<50000x64xf32, #tpu.memory_space<hbm>> -> memref<50000x64xf32, #tpu.memory_space<hbm>>
        tpu.enqueue_indirect_dma source(%dma_start3A_206 : memref<50000x64xf32, #tpu.memory_space<hbm>>) target(%dma_start3A_201 : memref<128x64xf32, #tpu.memory_space<vmem>>) offsets(%dma_start3A_203 : memref<128xi32, #tpu.memory_space<vmem>>) semaphore(%arg12 : memref<!tpu.dma_semaphore, #tpu.memory_space<semaphore_mem>>)
      } else {
      }
      %while3A = arith.constant 0 : i32
      %while3A_172 = arith.constant 0 : i32
      %while3A_173 = arith.subi %select_n3A, %while3A : i32
      %while3A_174 = arith.addi %while3A, %while3A_173 : i32
      %while3A_175 = arith.constant 1 : i32
      %while3A_176 = arith.divsi %while3A_173, %while3A_175 : i32
      %while3A_177 = arith.muli %while3A_176, %while3A_175 : i32
      %while3A_178 = arith.addi %while3A, %while3A_177 : i32
      %while3A_179 = arith.constant 1 : i32
      %while3A_180 = scf.for %while3A_196 = %while3A to %while3A_178 step %while3A_179 iter_args(%while3A_197 = %while3A_172) -> (i32)  : i32 {
        %dma_wait3A = arith.constant 0 : i32
        %dma_wait3A_198 = arith.constant 0 : i32
        %dma_wait3A_199 = tpu.memref_slice %arg10[%dma_wait3A, %dma_wait3A_198] : memref<256x64xf32, #tpu.memory_space<vmem>> -> memref<128x64xf32, #tpu.memory_space<vmem>>
        %dma_wait3A_200 = arith.constant 0 : i32
        %dma_wait3A_201 = tpu.memref_slice %arg8[%dma_wait3A_200] : memref<1280xi32, #tpu.memory_space<vmem>> -> memref<128xi32, #tpu.memory_space<vmem>>
        %dma_wait3A_202 = arith.constant 0 : i32
        %dma_wait3A_203 = arith.constant 0 : i32
        %dma_wait3A_204 = tpu.memref_slice %arg2[%dma_wait3A_202, %dma_wait3A_203] : memref<50000x64xf32, #tpu.memory_space<hbm>> -> memref<50000x64xf32, #tpu.memory_space<hbm>>
        tpu.wait_indirect_dma semaphore(%arg12 : memref<!tpu.dma_semaphore, #tpu.memory_space<semaphore_mem>>) src(%dma_wait3A_204 : memref<50000x64xf32, #tpu.memory_space<hbm>>) dst(%dma_wait3A_199 : memref<128x64xf32, #tpu.memory_space<vmem>>)
        %rem3A_205 = arith.constant 2 : i32
        %rem3A_206 = arith.remsi %while3A_196, %rem3A_205 : i32
        %mul3A_207 = arith.constant 128 : i32
        %mul3A_208 = arith.muli %rem3A_206, %mul3A_207 : i32
        %mul3A_209 = arith.constant 128 : i32
        %mul3A_210 = arith.muli %while3A_196, %mul3A_209 : i32
        %dma_start3A = arith.constant 0 : i32
        %dma_start3A_211 = tpu.memref_slice %arg10[%mul3A_208, %dma_start3A] : memref<256x64xf32, #tpu.memory_space<vmem>> -> memref<128x64xf32, #tpu.memory_space<vmem>>
        %dma_start3A_212 = tpu.memref_slice %arg9[%mul3A_210] : memref<1280xi32, #tpu.memory_space<vmem>> -> memref<128xi32, #tpu.memory_space<vmem>>
        %dma_start3A_213 = arith.constant 0 : i32
        %dma_start3A_214 = arith.constant 0 : i32
        %dma_start3A_215 = tpu.memref_slice %arg11[%dma_start3A_213, %dma_start3A_214] : memref<26000x64xf32, #tpu.memory_space<vmem_shared>> -> memref<26000x64xf32, #tpu.memory_space<vmem_shared>>
        tpu.enqueue_indirect_dma source(%dma_start3A_211 : memref<128x64xf32, #tpu.memory_space<vmem>>) target(%dma_start3A_215 : memref<26000x64xf32, #tpu.memory_space<vmem_shared>>) offsets(%dma_start3A_212 : memref<128xi32, #tpu.memory_space<vmem>>) semaphore(%arg13 : memref<!tpu.dma_semaphore, #tpu.memory_space<semaphore_mem>>) {add = true}
        %ge3A = arith.constant 1 : i32
        %ge3A_216 = arith.cmpi sge, %while3A_196, %ge3A : i32
        %convert_element_type3A_217 = arith.extui %ge3A_216 : i1 to i32
        %cond3A_218 = arith.constant 0 : i32
        %cond3A_219 = arith.cmpi ne, %convert_element_type3A_217, %cond3A_218 : i32
        scf.if %cond3A_219 {
          %dma_wait3A_228 = arith.constant 0 : i32
          %dma_wait3A_229 = arith.constant 0 : i32
          %dma_wait3A_230 = tpu.memref_slice %arg10[%dma_wait3A_228, %dma_wait3A_229] : memref<256x64xf32, #tpu.memory_space<vmem>> -> memref<128x64xf32, #tpu.memory_space<vmem>>
          %dma_wait3A_231 = arith.constant 0 : i32
          %dma_wait3A_232 = tpu.memref_slice %arg9[%dma_wait3A_231] : memref<1280xi32, #tpu.memory_space<vmem>> -> memref<128xi32, #tpu.memory_space<vmem>>
          %dma_wait3A_233 = arith.constant 0 : i32
          %dma_wait3A_234 = arith.constant 0 : i32
          %dma_wait3A_235 = tpu.memref_slice %arg11[%dma_wait3A_233, %dma_wait3A_234] : memref<26000x64xf32, #tpu.memory_space<vmem_shared>> -> memref<26000x64xf32, #tpu.memory_space<vmem_shared>>
          tpu.wait_indirect_dma semaphore(%arg13 : memref<!tpu.dma_semaphore, #tpu.memory_space<semaphore_mem>>) src(%dma_wait3A_230 : memref<128x64xf32, #tpu.memory_space<vmem>>) dst(%dma_wait3A_235 : memref<26000x64xf32, #tpu.memory_space<vmem_shared>>)
        } else {
        }
        %add3A_220 = arith.constant 2 : i32
        %add3A_221 = arith.addi %while3A_196, %add3A_220 : i32
        %sub3A_222 = arith.constant 1 : i32
        %sub3A_223 = arith.subi %add3A_221, %sub3A_222 : i32
        %lt3A = arith.cmpi slt, %sub3A_223, %select_n3A : i32
        %convert_element_type3A_224 = arith.extui %lt3A : i1 to i32
        %cond3A_225 = arith.constant 0 : i32
        %cond3A_226 = arith.cmpi ne, %convert_element_type3A_224, %cond3A_225 : i32
        scf.if %cond3A_226 {
          %add3A_228 = arith.constant 2 : i32
          %add3A_229 = arith.addi %while3A_196, %add3A_228 : i32
          %sub3A_230 = arith.constant 1 : i32
          %sub3A_231 = arith.subi %add3A_229, %sub3A_230 : i32
          %mul3A_232 = arith.constant 128 : i32
          %mul3A_233 = arith.muli %sub3A_231, %mul3A_232 : i32
          %rem3A_234 = arith.constant 2 : i32
          %rem3A_235 = arith.remsi %sub3A_231, %rem3A_234 : i32
          %mul3A_236 = arith.constant 128 : i32
          %mul3A_237 = arith.muli %rem3A_235, %mul3A_236 : i32
          %dma_start3A_238 = arith.constant 0 : i32
          %dma_start3A_239 = tpu.memref_slice %arg10[%mul3A_237, %dma_start3A_238] : memref<256x64xf32, #tpu.memory_space<vmem>> -> memref<128x64xf32, #tpu.memory_space<vmem>>
          %dma_start3A_240 = tpu.memref_slice %arg8[%mul3A_233] : memref<1280xi32, #tpu.memory_space<vmem>> -> memref<128xi32, #tpu.memory_space<vmem>>
          %dma_start3A_241 = arith.constant 0 : i32
          %dma_start3A_242 = arith.constant 0 : i32
          %dma_start3A_243 = tpu.memref_slice %arg2[%dma_start3A_241, %dma_start3A_242] : memref<50000x64xf32, #tpu.memory_space<hbm>> -> memref<50000x64xf32, #tpu.memory_space<hbm>>
          tpu.enqueue_indirect_dma source(%dma_start3A_243 : memref<50000x64xf32, #tpu.memory_space<hbm>>) target(%dma_start3A_239 : memref<128x64xf32, #tpu.memory_space<vmem>>) offsets(%dma_start3A_240 : memref<128xi32, #tpu.memory_space<vmem>>) semaphore(%arg12 : memref<!tpu.dma_semaphore, #tpu.memory_space<semaphore_mem>>)
        } else {
        }
        %while3A_227 = arith.constant 0 : i32
        scf.yield %while3A_227 : i32
      }
      %while3A_181 = arith.constant 1 : i32
      %while3A_182 = scf.for %while3A_196 = %while3A_178 to %while3A_174 step %while3A_181 iter_args(%while3A_197 = %while3A_180) -> (i32)  : i32 {
        %dma_wait3A = arith.constant 0 : i32
        %dma_wait3A_198 = arith.constant 0 : i32
        %dma_wait3A_199 = tpu.memref_slice %arg10[%dma_wait3A, %dma_wait3A_198] : memref<256x64xf32, #tpu.memory_space<vmem>> -> memref<128x64xf32, #tpu.memory_space<vmem>>
        %dma_wait3A_200 = arith.constant 0 : i32
        %dma_wait3A_201 = tpu.memref_slice %arg8[%dma_wait3A_200] : memref<1280xi32, #tpu.memory_space<vmem>> -> memref<128xi32, #tpu.memory_space<vmem>>
        %dma_wait3A_202 = arith.constant 0 : i32
        %dma_wait3A_203 = arith.constant 0 : i32
        %dma_wait3A_204 = tpu.memref_slice %arg2[%dma_wait3A_202, %dma_wait3A_203] : memref<50000x64xf32, #tpu.memory_space<hbm>> -> memref<50000x64xf32, #tpu.memory_space<hbm>>
        tpu.wait_indirect_dma semaphore(%arg12 : memref<!tpu.dma_semaphore, #tpu.memory_space<semaphore_mem>>) src(%dma_wait3A_204 : memref<50000x64xf32, #tpu.memory_space<hbm>>) dst(%dma_wait3A_199 : memref<128x64xf32, #tpu.memory_space<vmem>>)
        %rem3A_205 = arith.constant 2 : i32
        %rem3A_206 = arith.remsi %while3A_196, %rem3A_205 : i32
        %mul3A_207 = arith.constant 128 : i32
        %mul3A_208 = arith.muli %rem3A_206, %mul3A_207 : i32
        %mul3A_209 = arith.constant 128 : i32
        %mul3A_210 = arith.muli %while3A_196, %mul3A_209 : i32
        %dma_start3A = arith.constant 0 : i32
        %dma_start3A_211 = tpu.memref_slice %arg10[%mul3A_208, %dma_start3A] : memref<256x64xf32, #tpu.memory_space<vmem>> -> memref<128x64xf32, #tpu.memory_space<vmem>>
        %dma_start3A_212 = tpu.memref_slice %arg9[%mul3A_210] : memref<1280xi32, #tpu.memory_space<vmem>> -> memref<128xi32, #tpu.memory_space<vmem>>
        %dma_start3A_213 = arith.constant 0 : i32
        %dma_start3A_214 = arith.constant 0 : i32
        %dma_start3A_215 = tpu.memref_slice %arg11[%dma_start3A_213, %dma_start3A_214] : memref<26000x64xf32, #tpu.memory_space<vmem_shared>> -> memref<26000x64xf32, #tpu.memory_space<vmem_shared>>
        tpu.enqueue_indirect_dma source(%dma_start3A_211 : memref<128x64xf32, #tpu.memory_space<vmem>>) target(%dma_start3A_215 : memref<26000x64xf32, #tpu.memory_space<vmem_shared>>) offsets(%dma_start3A_212 : memref<128xi32, #tpu.memory_space<vmem>>) semaphore(%arg13 : memref<!tpu.dma_semaphore, #tpu.memory_space<semaphore_mem>>) {add = true}
        %ge3A = arith.constant 1 : i32
        %ge3A_216 = arith.cmpi sge, %while3A_196, %ge3A : i32
        %convert_element_type3A_217 = arith.extui %ge3A_216 : i1 to i32
        %cond3A_218 = arith.constant 0 : i32
        %cond3A_219 = arith.cmpi ne, %convert_element_type3A_217, %cond3A_218 : i32
        scf.if %cond3A_219 {
          %dma_wait3A_228 = arith.constant 0 : i32
          %dma_wait3A_229 = arith.constant 0 : i32
          %dma_wait3A_230 = tpu.memref_slice %arg10[%dma_wait3A_228, %dma_wait3A_229] : memref<256x64xf32, #tpu.memory_space<vmem>> -> memref<128x64xf32, #tpu.memory_space<vmem>>
          %dma_wait3A_231 = arith.constant 0 : i32
          %dma_wait3A_232 = tpu.memref_slice %arg9[%dma_wait3A_231] : memref<1280xi32, #tpu.memory_space<vmem>> -> memref<128xi32, #tpu.memory_space<vmem>>
          %dma_wait3A_233 = arith.constant 0 : i32
          %dma_wait3A_234 = arith.constant 0 : i32
          %dma_wait3A_235 = tpu.memref_slice %arg11[%dma_wait3A_233, %dma_wait3A_234] : memref<26000x64xf32, #tpu.memory_space<vmem_shared>> -> memref<26000x64xf32, #tpu.memory_space<vmem_shared>>
          tpu.wait_indirect_dma semaphore(%arg13 : memref<!tpu.dma_semaphore, #tpu.memory_space<semaphore_mem>>) src(%dma_wait3A_230 : memref<128x64xf32, #tpu.memory_space<vmem>>) dst(%dma_wait3A_235 : memref<26000x64xf32, #tpu.memory_space<vmem_shared>>)
        } else {
        }
        %add3A_220 = arith.constant 2 : i32
        %add3A_221 = arith.addi %while3A_196, %add3A_220 : i32
        %sub3A_222 = arith.constant 1 : i32
        %sub3A_223 = arith.subi %add3A_221, %sub3A_222 : i32
        %lt3A = arith.cmpi slt, %sub3A_223, %select_n3A : i32
        %convert_element_type3A_224 = arith.extui %lt3A : i1 to i32
        %cond3A_225 = arith.constant 0 : i32
        %cond3A_226 = arith.cmpi ne, %convert_element_type3A_224, %cond3A_225 : i32
        scf.if %cond3A_226 {
          %add3A_228 = arith.constant 2 : i32
          %add3A_229 = arith.addi %while3A_196, %add3A_228 : i32
          %sub3A_230 = arith.constant 1 : i32
          %sub3A_231 = arith.subi %add3A_229, %sub3A_230 : i32
          %mul3A_232 = arith.constant 128 : i32
          %mul3A_233 = arith.muli %sub3A_231, %mul3A_232 : i32
          %rem3A_234 = arith.constant 2 : i32
          %rem3A_235 = arith.remsi %sub3A_231, %rem3A_234 : i32
          %mul3A_236 = arith.constant 128 : i32
          %mul3A_237 = arith.muli %rem3A_235, %mul3A_236 : i32
          %dma_start3A_238 = arith.constant 0 : i32
          %dma_start3A_239 = tpu.memref_slice %arg10[%mul3A_237, %dma_start3A_238] : memref<256x64xf32, #tpu.memory_space<vmem>> -> memref<128x64xf32, #tpu.memory_space<vmem>>
          %dma_start3A_240 = tpu.memref_slice %arg8[%mul3A_233] : memref<1280xi32, #tpu.memory_space<vmem>> -> memref<128xi32, #tpu.memory_space<vmem>>
          %dma_start3A_241 = arith.constant 0 : i32
          %dma_start3A_242 = arith.constant 0 : i32
          %dma_start3A_243 = tpu.memref_slice %arg2[%dma_start3A_241, %dma_start3A_242] : memref<50000x64xf32, #tpu.memory_space<hbm>> -> memref<50000x64xf32, #tpu.memory_space<hbm>>
          tpu.enqueue_indirect_dma source(%dma_start3A_243 : memref<50000x64xf32, #tpu.memory_space<hbm>>) target(%dma_start3A_239 : memref<128x64xf32, #tpu.memory_space<vmem>>) offsets(%dma_start3A_240 : memref<128xi32, #tpu.memory_space<vmem>>) semaphore(%arg12 : memref<!tpu.dma_semaphore, #tpu.memory_space<semaphore_mem>>)
        } else {
        }
        %while3A_227 = arith.constant 0 : i32
        scf.yield %while3A_227 : i32
      }
      %gt3A_183 = arith.constant 0 : i32
      %gt3A_184 = arith.cmpi sgt, %select_n3A, %gt3A_183 : i32
      %convert_element_type3A_185 = arith.extui %gt3A_184 : i1 to i32
      %cond3A_186 = arith.constant 0 : i32
      %cond3A_187 = arith.cmpi ne, %convert_element_type3A_185, %cond3A_186 : i32
      scf.if %cond3A_187 {
        %dma_wait3A = arith.constant 0 : i32
        %dma_wait3A_196 = arith.constant 0 : i32
        %dma_wait3A_197 = tpu.memref_slice %arg10[%dma_wait3A, %dma_wait3A_196] : memref<256x64xf32, #tpu.memory_space<vmem>> -> memref<128x64xf32, #tpu.memory_space<vmem>>
        %dma_wait3A_198 = arith.constant 0 : i32
        %dma_wait3A_199 = tpu.memref_slice %arg9[%dma_wait3A_198] : memref<1280xi32, #tpu.memory_space<vmem>> -> memref<128xi32, #tpu.memory_space<vmem>>
        %dma_wait3A_200 = arith.constant 0 : i32
        %dma_wait3A_201 = arith.constant 0 : i32
        %dma_wait3A_202 = tpu.memref_slice %arg11[%dma_wait3A_200, %dma_wait3A_201] : memref<26000x64xf32, #tpu.memory_space<vmem_shared>> -> memref<26000x64xf32, #tpu.memory_space<vmem_shared>>
        tpu.wait_indirect_dma semaphore(%arg13 : memref<!tpu.dma_semaphore, #tpu.memory_space<semaphore_mem>>) src(%dma_wait3A_197 : memref<128x64xf32, #tpu.memory_space<vmem>>) dst(%dma_wait3A_202 : memref<26000x64xf32, #tpu.memory_space<vmem_shared>>)
      } else {
      }
      %gt3A_188 = arith.constant 0 : i32
      %gt3A_189 = arith.cmpi sgt, %select_n3A, %gt3A_188 : i32
      %convert_element_type3A_190 = arith.extui %gt3A_189 : i1 to i32
      %cond3A_191 = arith.constant 0 : i32
      %cond3A_192 = arith.cmpi ne, %convert_element_type3A_190, %cond3A_191 : i32
      scf.if %cond3A_192 {
        %mul3A_196 = arith.constant 128 : i32
        %mul3A_197 = arith.muli %select_n3A, %mul3A_196 : i32
        %add3A_198 = arith.constant 0 : i32
        %add3A_199 = arith.addi %mul3A_197, %add3A_198 : i32
        %get3A = arith.index_cast %add3A_199 : i32 to index
        %get3A_200 = tpu.vector_load %arg8[%get3A] {strides = array<i32>} : memref<1280xi32, #tpu.memory_space<vmem>>, vector<16xi32>,
        %swap3A_201 = arith.constant 0 : index
        %swap3A_202 = tpu.vector_load %arg8[%swap3A_201] {strides = array<i32>} : memref<1280xi32, #tpu.memory_space<vmem>>, vector<16xi32>,
        tpu.vector_store %arg8[%swap3A_201], %get3A_200 {strides = array<i32>} : memref<1280xi32, #tpu.memory_space<vmem>>, vector<16xi32>,
        %add3A_203 = arith.constant 16 : i32
        %add3A_204 = arith.addi %mul3A_197, %add3A_203 : i32
        %get3A_205 = arith.index_cast %add3A_204 : i32 to index
        %get3A_206 = tpu.vector_load %arg8[%get3A_205] {strides = array<i32>} : memref<1280xi32, #tpu.memory_space<vmem>>, vector<16xi32>,
        %swap3A_207 = arith.constant 16 : index
        %swap3A_208 = tpu.vector_load %arg8[%swap3A_207] {strides = array<i32>} : memref<1280xi32, #tpu.memory_space<vmem>>, vector<16xi32>,
        tpu.vector_store %arg8[%swap3A_207], %get3A_206 {strides = array<i32>} : memref<1280xi32, #tpu.memory_space<vmem>>, vector<16xi32>,
        %add3A_209 = arith.constant 32 : i32
        %add3A_210 = arith.addi %mul3A_197, %add3A_209 : i32
        %get3A_211 = arith.index_cast %add3A_210 : i32 to index
        %get3A_212 = tpu.vector_load %arg8[%get3A_211] {strides = array<i32>} : memref<1280xi32, #tpu.memory_space<vmem>>, vector<16xi32>,
        %swap3A_213 = arith.constant 32 : index
        %swap3A_214 = tpu.vector_load %arg8[%swap3A_213] {strides = array<i32>} : memref<1280xi32, #tpu.memory_space<vmem>>, vector<16xi32>,
        tpu.vector_store %arg8[%swap3A_213], %get3A_212 {strides = array<i32>} : memref<1280xi32, #tpu.memory_space<vmem>>, vector<16xi32>,
        %add3A_215 = arith.constant 48 : i32
        %add3A_216 = arith.addi %mul3A_197, %add3A_215 : i32
        %get3A_217 = arith.index_cast %add3A_216 : i32 to index
        %get3A_218 = tpu.vector_load %arg8[%get3A_217] {strides = array<i32>} : memref<1280xi32, #tpu.memory_space<vmem>>, vector<16xi32>,
        %swap3A_219 = arith.constant 48 : index
        %swap3A_220 = tpu.vector_load %arg8[%swap3A_219] {strides = array<i32>} : memref<1280xi32, #tpu.memory_space<vmem>>, vector<16xi32>,
        tpu.vector_store %arg8[%swap3A_219], %get3A_218 {strides = array<i32>} : memref<1280xi32, #tpu.memory_space<vmem>>, vector<16xi32>,
        %add3A_221 = arith.constant 64 : i32
        %add3A_222 = arith.addi %mul3A_197, %add3A_221 : i32
        %get3A_223 = arith.index_cast %add3A_222 : i32 to index
        %get3A_224 = tpu.vector_load %arg8[%get3A_223] {strides = array<i32>} : memref<1280xi32, #tpu.memory_space<vmem>>, vector<16xi32>,
        %swap3A_225 = arith.constant 64 : index
        %swap3A_226 = tpu.vector_load %arg8[%swap3A_225] {strides = array<i32>} : memref<1280xi32, #tpu.memory_space<vmem>>, vector<16xi32>,
        tpu.vector_store %arg8[%swap3A_225], %get3A_224 {strides = array<i32>} : memref<1280xi32, #tpu.memory_space<vmem>>, vector<16xi32>,
        %add3A_227 = arith.constant 80 : i32
        %add3A_228 = arith.addi %mul3A_197, %add3A_227 : i32
        %get3A_229 = arith.index_cast %add3A_228 : i32 to index
        %get3A_230 = tpu.vector_load %arg8[%get3A_229] {strides = array<i32>} : memref<1280xi32, #tpu.memory_space<vmem>>, vector<16xi32>,
        %swap3A_231 = arith.constant 80 : index
        %swap3A_232 = tpu.vector_load %arg8[%swap3A_231] {strides = array<i32>} : memref<1280xi32, #tpu.memory_space<vmem>>, vector<16xi32>,
        tpu.vector_store %arg8[%swap3A_231], %get3A_230 {strides = array<i32>} : memref<1280xi32, #tpu.memory_space<vmem>>, vector<16xi32>,
        %add3A_233 = arith.constant 96 : i32
        %add3A_234 = arith.addi %mul3A_197, %add3A_233 : i32
        %get3A_235 = arith.index_cast %add3A_234 : i32 to index
        %get3A_236 = tpu.vector_load %arg8[%get3A_235] {strides = array<i32>} : memref<1280xi32, #tpu.memory_space<vmem>>, vector<16xi32>,
        %swap3A_237 = arith.constant 96 : index
        %swap3A_238 = tpu.vector_load %arg8[%swap3A_237] {strides = array<i32>} : memref<1280xi32, #tpu.memory_space<vmem>>, vector<16xi32>,
        tpu.vector_store %arg8[%swap3A_237], %get3A_236 {strides = array<i32>} : memref<1280xi32, #tpu.memory_space<vmem>>, vector<16xi32>,
        %add3A_239 = arith.constant 112 : i32
        %add3A_240 = arith.addi %mul3A_197, %add3A_239 : i32
        %get3A_241 = arith.index_cast %add3A_240 : i32 to index
        %get3A_242 = tpu.vector_load %arg8[%get3A_241] {strides = array<i32>} : memref<1280xi32, #tpu.memory_space<vmem>>, vector<16xi32>,
        %swap3A_243 = arith.constant 112 : index
        %swap3A_244 = tpu.vector_load %arg8[%swap3A_243] {strides = array<i32>} : memref<1280xi32, #tpu.memory_space<vmem>>, vector<16xi32>,
        tpu.vector_store %arg8[%swap3A_243], %get3A_242 {strides = array<i32>} : memref<1280xi32, #tpu.memory_space<vmem>>, vector<16xi32>,
        %add3A_245 = arith.constant 0 : i32
        %add3A_246 = arith.addi %mul3A_197, %add3A_245 : i32
        %get3A_247 = arith.index_cast %add3A_246 : i32 to index
        %get3A_248 = tpu.vector_load %arg9[%get3A_247] {strides = array<i32>} : memref<1280xi32, #tpu.memory_space<vmem>>, vector<16xi32>,
        %swap3A_249 = arith.constant 0 : index
        %swap3A_250 = tpu.vector_load %arg9[%swap3A_249] {strides = array<i32>} : memref<1280xi32, #tpu.memory_space<vmem>>, vector<16xi32>,
        tpu.vector_store %arg9[%swap3A_249], %get3A_248 {strides = array<i32>} : memref<1280xi32, #tpu.memory_space<vmem>>, vector<16xi32>,
        %add3A_251 = arith.constant 16 : i32
        %add3A_252 = arith.addi %mul3A_197, %add3A_251 : i32
        %get3A_253 = arith.index_cast %add3A_252 : i32 to index
        %get3A_254 = tpu.vector_load %arg9[%get3A_253] {strides = array<i32>} : memref<1280xi32, #tpu.memory_space<vmem>>, vector<16xi32>,
        %swap3A_255 = arith.constant 16 : index
        %swap3A_256 = tpu.vector_load %arg9[%swap3A_255] {strides = array<i32>} : memref<1280xi32, #tpu.memory_space<vmem>>, vector<16xi32>,
        tpu.vector_store %arg9[%swap3A_255], %get3A_254 {strides = array<i32>} : memref<1280xi32, #tpu.memory_space<vmem>>, vector<16xi32>,
        %add3A_257 = arith.constant 32 : i32
        %add3A_258 = arith.addi %mul3A_197, %add3A_257 : i32
        %get3A_259 = arith.index_cast %add3A_258 : i32 to index
        %get3A_260 = tpu.vector_load %arg9[%get3A_259] {strides = array<i32>} : memref<1280xi32, #tpu.memory_space<vmem>>, vector<16xi32>,
        %swap3A_261 = arith.constant 32 : index
        %swap3A_262 = tpu.vector_load %arg9[%swap3A_261] {strides = array<i32>} : memref<1280xi32, #tpu.memory_space<vmem>>, vector<16xi32>,
        tpu.vector_store %arg9[%swap3A_261], %get3A_260 {strides = array<i32>} : memref<1280xi32, #tpu.memory_space<vmem>>, vector<16xi32>,
        %add3A_263 = arith.constant 48 : i32
        %add3A_264 = arith.addi %mul3A_197, %add3A_263 : i32
        %get3A_265 = arith.index_cast %add3A_264 : i32 to index
        %get3A_266 = tpu.vector_load %arg9[%get3A_265] {strides = array<i32>} : memref<1280xi32, #tpu.memory_space<vmem>>, vector<16xi32>,
        %swap3A_267 = arith.constant 48 : index
        %swap3A_268 = tpu.vector_load %arg9[%swap3A_267] {strides = array<i32>} : memref<1280xi32, #tpu.memory_space<vmem>>, vector<16xi32>,
        tpu.vector_store %arg9[%swap3A_267], %get3A_266 {strides = array<i32>} : memref<1280xi32, #tpu.memory_space<vmem>>, vector<16xi32>,
        %add3A_269 = arith.constant 64 : i32
        %add3A_270 = arith.addi %mul3A_197, %add3A_269 : i32
        %get3A_271 = arith.index_cast %add3A_270 : i32 to index
        %get3A_272 = tpu.vector_load %arg9[%get3A_271] {strides = array<i32>} : memref<1280xi32, #tpu.memory_space<vmem>>, vector<16xi32>,
        %swap3A_273 = arith.constant 64 : index
        %swap3A_274 = tpu.vector_load %arg9[%swap3A_273] {strides = array<i32>} : memref<1280xi32, #tpu.memory_space<vmem>>, vector<16xi32>,
        tpu.vector_store %arg9[%swap3A_273], %get3A_272 {strides = array<i32>} : memref<1280xi32, #tpu.memory_space<vmem>>, vector<16xi32>,
        %add3A_275 = arith.constant 80 : i32
        %add3A_276 = arith.addi %mul3A_197, %add3A_275 : i32
        %get3A_277 = arith.index_cast %add3A_276 : i32 to index
        %get3A_278 = tpu.vector_load %arg9[%get3A_277] {strides = array<i32>} : memref<1280xi32, #tpu.memory_space<vmem>>, vector<16xi32>,
        %swap3A_279 = arith.constant 80 : index
        %swap3A_280 = tpu.vector_load %arg9[%swap3A_279] {strides = array<i32>} : memref<1280xi32, #tpu.memory_space<vmem>>, vector<16xi32>,
        tpu.vector_store %arg9[%swap3A_279], %get3A_278 {strides = array<i32>} : memref<1280xi32, #tpu.memory_space<vmem>>, vector<16xi32>,
        %add3A_281 = arith.constant 96 : i32
        %add3A_282 = arith.addi %mul3A_197, %add3A_281 : i32
        %get3A_283 = arith.index_cast %add3A_282 : i32 to index
        %get3A_284 = tpu.vector_load %arg9[%get3A_283] {strides = array<i32>} : memref<1280xi32, #tpu.memory_space<vmem>>, vector<16xi32>,
        %swap3A_285 = arith.constant 96 : index
        %swap3A_286 = tpu.vector_load %arg9[%swap3A_285] {strides = array<i32>} : memref<1280xi32, #tpu.memory_space<vmem>>, vector<16xi32>,
        tpu.vector_store %arg9[%swap3A_285], %get3A_284 {strides = array<i32>} : memref<1280xi32, #tpu.memory_space<vmem>>, vector<16xi32>,
        %add3A_287 = arith.constant 112 : i32
        %add3A_288 = arith.addi %mul3A_197, %add3A_287 : i32
        %get3A_289 = arith.index_cast %add3A_288 : i32 to index
        %get3A_290 = tpu.vector_load %arg9[%get3A_289] {strides = array<i32>} : memref<1280xi32, #tpu.memory_space<vmem>>, vector<16xi32>,
        %swap3A_291 = arith.constant 112 : index
        %swap3A_292 = tpu.vector_load %arg9[%swap3A_291] {strides = array<i32>} : memref<1280xi32, #tpu.memory_space<vmem>>, vector<16xi32>,
        tpu.vector_store %arg9[%swap3A_291], %get3A_290 {strides = array<i32>} : memref<1280xi32, #tpu.memory_space<vmem>>, vector<16xi32>,
      } else {
      }
      %mul3A_193 = arith.constant 128 : i32
      %mul3A_194 = arith.muli %select_n3A, %mul3A_193 : i32
      %sub3A_195 = arith.subi %scan3A_149, %mul3A_194 : i32
      scf.yield %sub3A_195 : i32
    }
    %scan3A_49 = arith.constant 49 : i32
    %add3A_50 = arith.constant 0 : i32
    %add3A_51 = arith.addi %scan3A_48, %add3A_50 : i32
    %swap3A = arith.index_cast %add3A_51 : i32 to index
    %swap3A_52 = tpu.vector_load %arg9[%swap3A] {strides = array<i32>} : memref<1280xi32, #tpu.memory_space<vmem>>, vector<16xi32>,
    tpu.vector_store %arg9[%swap3A], %add3A_5 {strides = array<i32>} : memref<1280xi32, #tpu.memory_space<vmem>>, vector<16xi32>,
    %broadcast_in_dim3A_53 = arith.constant 0 : i32
    %broadcast_in_dim3A_54 = vector.broadcast %broadcast_in_dim3A_53 : i32 to vector<16xi32>
    %add3A_55 = arith.constant 0 : i32
    %add3A_56 = arith.addi %scan3A_48, %add3A_55 : i32
    %swap3A_57 = arith.index_cast %add3A_56 : i32 to index
    %swap3A_58 = tpu.vector_load %arg8[%swap3A_57] {strides = array<i32>} : memref<1280xi32, #tpu.memory_space<vmem>>, vector<16xi32>,
    tpu.vector_store %arg8[%swap3A_57], %broadcast_in_dim3A_54 {strides = array<i32>} : memref<1280xi32, #tpu.memory_space<vmem>>, vector<16xi32>,
    %add3A_59 = arith.constant 16 : i32
    %add3A_60 = arith.addi %scan3A_48, %add3A_59 : i32
    %swap3A_61 = arith.index_cast %add3A_60 : i32 to index
    %swap3A_62 = tpu.vector_load %arg9[%swap3A_61] {strides = array<i32>} : memref<1280xi32, #tpu.memory_space<vmem>>, vector<16xi32>,
    tpu.vector_store %arg9[%swap3A_61], %add3A_5 {strides = array<i32>} : memref<1280xi32, #tpu.memory_space<vmem>>, vector<16xi32>,
    %broadcast_in_dim3A_63 = arith.constant 0 : i32
    %broadcast_in_dim3A_64 = vector.broadcast %broadcast_in_dim3A_63 : i32 to vector<16xi32>
    %add3A_65 = arith.constant 16 : i32
    %add3A_66 = arith.addi %scan3A_48, %add3A_65 : i32
    %swap3A_67 = arith.index_cast %add3A_66 : i32 to index
    %swap3A_68 = tpu.vector_load %arg8[%swap3A_67] {strides = array<i32>} : memref<1280xi32, #tpu.memory_space<vmem>>, vector<16xi32>,
    tpu.vector_store %arg8[%swap3A_67], %broadcast_in_dim3A_64 {strides = array<i32>} : memref<1280xi32, #tpu.memory_space<vmem>>, vector<16xi32>,
    %add3A_69 = arith.constant 32 : i32
    %add3A_70 = arith.addi %scan3A_48, %add3A_69 : i32
    %swap3A_71 = arith.index_cast %add3A_70 : i32 to index
    %swap3A_72 = tpu.vector_load %arg9[%swap3A_71] {strides = array<i32>} : memref<1280xi32, #tpu.memory_space<vmem>>, vector<16xi32>,
    tpu.vector_store %arg9[%swap3A_71], %add3A_5 {strides = array<i32>} : memref<1280xi32, #tpu.memory_space<vmem>>, vector<16xi32>,
    %broadcast_in_dim3A_73 = arith.constant 0 : i32
    %broadcast_in_dim3A_74 = vector.broadcast %broadcast_in_dim3A_73 : i32 to vector<16xi32>
    %add3A_75 = arith.constant 32 : i32
    %add3A_76 = arith.addi %scan3A_48, %add3A_75 : i32
    %swap3A_77 = arith.index_cast %add3A_76 : i32 to index
    %swap3A_78 = tpu.vector_load %arg8[%swap3A_77] {strides = array<i32>} : memref<1280xi32, #tpu.memory_space<vmem>>, vector<16xi32>,
    tpu.vector_store %arg8[%swap3A_77], %broadcast_in_dim3A_74 {strides = array<i32>} : memref<1280xi32, #tpu.memory_space<vmem>>, vector<16xi32>,
    %add3A_79 = arith.constant 48 : i32
    %add3A_80 = arith.addi %scan3A_48, %add3A_79 : i32
    %swap3A_81 = arith.index_cast %add3A_80 : i32 to index
    %swap3A_82 = tpu.vector_load %arg9[%swap3A_81] {strides = array<i32>} : memref<1280xi32, #tpu.memory_space<vmem>>, vector<16xi32>,
    tpu.vector_store %arg9[%swap3A_81], %add3A_5 {strides = array<i32>} : memref<1280xi32, #tpu.memory_space<vmem>>, vector<16xi32>,
    %broadcast_in_dim3A_83 = arith.constant 0 : i32
    %broadcast_in_dim3A_84 = vector.broadcast %broadcast_in_dim3A_83 : i32 to vector<16xi32>
    %add3A_85 = arith.constant 48 : i32
    %add3A_86 = arith.addi %scan3A_48, %add3A_85 : i32
    %swap3A_87 = arith.index_cast %add3A_86 : i32 to index
    %swap3A_88 = tpu.vector_load %arg8[%swap3A_87] {strides = array<i32>} : memref<1280xi32, #tpu.memory_space<vmem>>, vector<16xi32>,
    tpu.vector_store %arg8[%swap3A_87], %broadcast_in_dim3A_84 {strides = array<i32>} : memref<1280xi32, #tpu.memory_space<vmem>>, vector<16xi32>,
    %add3A_89 = arith.constant 64 : i32
    %add3A_90 = arith.addi %scan3A_48, %add3A_89 : i32
    %swap3A_91 = arith.index_cast %add3A_90 : i32 to index
    %swap3A_92 = tpu.vector_load %arg9[%swap3A_91] {strides = array<i32>} : memref<1280xi32, #tpu.memory_space<vmem>>, vector<16xi32>,
    tpu.vector_store %arg9[%swap3A_91], %add3A_5 {strides = array<i32>} : memref<1280xi32, #tpu.memory_space<vmem>>, vector<16xi32>,
    %broadcast_in_dim3A_93 = arith.constant 0 : i32
    %broadcast_in_dim3A_94 = vector.broadcast %broadcast_in_dim3A_93 : i32 to vector<16xi32>
    %add3A_95 = arith.constant 64 : i32
    %add3A_96 = arith.addi %scan3A_48, %add3A_95 : i32
    %swap3A_97 = arith.index_cast %add3A_96 : i32 to index
    %swap3A_98 = tpu.vector_load %arg8[%swap3A_97] {strides = array<i32>} : memref<1280xi32, #tpu.memory_space<vmem>>, vector<16xi32>,
    tpu.vector_store %arg8[%swap3A_97], %broadcast_in_dim3A_94 {strides = array<i32>} : memref<1280xi32, #tpu.memory_space<vmem>>, vector<16xi32>,
    %add3A_99 = arith.constant 80 : i32
    %add3A_100 = arith.addi %scan3A_48, %add3A_99 : i32
    %swap3A_101 = arith.index_cast %add3A_100 : i32 to index
    %swap3A_102 = tpu.vector_load %arg9[%swap3A_101] {strides = array<i32>} : memref<1280xi32, #tpu.memory_space<vmem>>, vector<16xi32>,
    tpu.vector_store %arg9[%swap3A_101], %add3A_5 {strides = array<i32>} : memref<1280xi32, #tpu.memory_space<vmem>>, vector<16xi32>,
    %broadcast_in_dim3A_103 = arith.constant 0 : i32
    %broadcast_in_dim3A_104 = vector.broadcast %broadcast_in_dim3A_103 : i32 to vector<16xi32>
    %add3A_105 = arith.constant 80 : i32
    %add3A_106 = arith.addi %scan3A_48, %add3A_105 : i32
    %swap3A_107 = arith.index_cast %add3A_106 : i32 to index
    %swap3A_108 = tpu.vector_load %arg8[%swap3A_107] {strides = array<i32>} : memref<1280xi32, #tpu.memory_space<vmem>>, vector<16xi32>,
    tpu.vector_store %arg8[%swap3A_107], %broadcast_in_dim3A_104 {strides = array<i32>} : memref<1280xi32, #tpu.memory_space<vmem>>, vector<16xi32>,
    %add3A_109 = arith.constant 96 : i32
    %add3A_110 = arith.addi %scan3A_48, %add3A_109 : i32
    %swap3A_111 = arith.index_cast %add3A_110 : i32 to index
    %swap3A_112 = tpu.vector_load %arg9[%swap3A_111] {strides = array<i32>} : memref<1280xi32, #tpu.memory_space<vmem>>, vector<16xi32>,
    tpu.vector_store %arg9[%swap3A_111], %add3A_5 {strides = array<i32>} : memref<1280xi32, #tpu.memory_space<vmem>>, vector<16xi32>,
    %broadcast_in_dim3A_113 = arith.constant 0 : i32
    %broadcast_in_dim3A_114 = vector.broadcast %broadcast_in_dim3A_113 : i32 to vector<16xi32>
    %add3A_115 = arith.constant 96 : i32
    %add3A_116 = arith.addi %scan3A_48, %add3A_115 : i32
    %swap3A_117 = arith.index_cast %add3A_116 : i32 to index
    %swap3A_118 = tpu.vector_load %arg8[%swap3A_117] {strides = array<i32>} : memref<1280xi32, #tpu.memory_space<vmem>>, vector<16xi32>,
    tpu.vector_store %arg8[%swap3A_117], %broadcast_in_dim3A_114 {strides = array<i32>} : memref<1280xi32, #tpu.memory_space<vmem>>, vector<16xi32>,
    %add3A_119 = arith.constant 112 : i32
    %add3A_120 = arith.addi %scan3A_48, %add3A_119 : i32
    %swap3A_121 = arith.index_cast %add3A_120 : i32 to index
    %swap3A_122 = tpu.vector_load %arg9[%swap3A_121] {strides = array<i32>} : memref<1280xi32, #tpu.memory_space<vmem>>, vector<16xi32>,
    tpu.vector_store %arg9[%swap3A_121], %add3A_5 {strides = array<i32>} : memref<1280xi32, #tpu.memory_space<vmem>>, vector<16xi32>,
    %broadcast_in_dim3A_123 = arith.constant 0 : i32
    %broadcast_in_dim3A_124 = vector.broadcast %broadcast_in_dim3A_123 : i32 to vector<16xi32>
    %add3A_125 = arith.constant 112 : i32
    %add3A_126 = arith.addi %scan3A_48, %add3A_125 : i32
    %swap3A_127 = arith.index_cast %add3A_126 : i32 to index
    %swap3A_128 = tpu.vector_load %arg8[%swap3A_127] {strides = array<i32>} : memref<1280xi32, #tpu.memory_space<vmem>>, vector<16xi32>,
    tpu.vector_store %arg8[%swap3A_127], %broadcast_in_dim3A_124 {strides = array<i32>} : memref<1280xi32, #tpu.memory_space<vmem>>, vector<16xi32>,
    %gt3A = arith.constant 0 : i32
    %gt3A_129 = arith.cmpi sgt, %scan3A_48, %gt3A : i32
    %convert_element_type3A = arith.extui %gt3A_129 : i1 to i32
    %cond3A = arith.constant 0 : i32
    %cond3A_130 = arith.cmpi ne, %convert_element_type3A, %cond3A : i32
    scf.if %cond3A_130 {
      %rem3A = arith.constant 0 : i32
      %rem3A_139 = arith.constant 2 : i32
      %rem3A_140 = arith.remsi %rem3A, %rem3A_139 : i32
      %mul3A_141 = arith.constant 128 : i32
      %mul3A_142 = arith.muli %rem3A_140, %mul3A_141 : i32
      %dma_start3A = arith.constant 0 : i32
      %dma_start3A_143 = tpu.memref_slice %arg10[%mul3A_142, %dma_start3A] : memref<256x64xf32, #tpu.memory_space<vmem>> -> memref<128x64xf32, #tpu.memory_space<vmem>>
      %dma_start3A_144 = arith.constant 0 : i32
      %dma_start3A_145 = tpu.memref_slice %arg8[%dma_start3A_144] : memref<1280xi32, #tpu.memory_space<vmem>> -> memref<128xi32, #tpu.memory_space<vmem>>
      %dma_start3A_146 = arith.constant 0 : i32
      %dma_start3A_147 = arith.constant 0 : i32
      %dma_start3A_148 = tpu.memref_slice %arg2[%dma_start3A_146, %dma_start3A_147] : memref<50000x64xf32, #tpu.memory_space<hbm>> -> memref<50000x64xf32, #tpu.memory_space<hbm>>
      tpu.enqueue_indirect_dma source(%dma_start3A_148 : memref<50000x64xf32, #tpu.memory_space<hbm>>) target(%dma_start3A_143 : memref<128x64xf32, #tpu.memory_space<vmem>>) offsets(%dma_start3A_145 : memref<128xi32, #tpu.memory_space<vmem>>) semaphore(%arg12 : memref<!tpu.dma_semaphore, #tpu.memory_space<semaphore_mem>>)
      %dma_wait3A = arith.constant 0 : i32
      %dma_wait3A_149 = arith.constant 0 : i32
      %dma_wait3A_150 = tpu.memref_slice %arg10[%dma_wait3A, %dma_wait3A_149] : memref<256x64xf32, #tpu.memory_space<vmem>> -> memref<128x64xf32, #tpu.memory_space<vmem>>
      %dma_wait3A_151 = arith.constant 0 : i32
      %dma_wait3A_152 = tpu.memref_slice %arg8[%dma_wait3A_151] : memref<1280xi32, #tpu.memory_space<vmem>> -> memref<128xi32, #tpu.memory_space<vmem>>
      %dma_wait3A_153 = arith.constant 0 : i32
      %dma_wait3A_154 = arith.constant 0 : i32
      %dma_wait3A_155 = tpu.memref_slice %arg2[%dma_wait3A_153, %dma_wait3A_154] : memref<50000x64xf32, #tpu.memory_space<hbm>> -> memref<50000x64xf32, #tpu.memory_space<hbm>>
      tpu.wait_indirect_dma semaphore(%arg12 : memref<!tpu.dma_semaphore, #tpu.memory_space<semaphore_mem>>) src(%dma_wait3A_155 : memref<50000x64xf32, #tpu.memory_space<hbm>>) dst(%dma_wait3A_150 : memref<128x64xf32, #tpu.memory_space<vmem>>)
      %rem3A_156 = arith.constant 0 : i32
      %rem3A_157 = arith.constant 2 : i32
      %rem3A_158 = arith.remsi %rem3A_156, %rem3A_157 : i32
      %mul3A_159 = arith.constant 128 : i32
      %mul3A_160 = arith.muli %rem3A_158, %mul3A_159 : i32
      %dma_start3A_161 = arith.constant 0 : i32
      %dma_start3A_162 = tpu.memref_slice %arg10[%mul3A_160, %dma_start3A_161] : memref<256x64xf32, #tpu.memory_space<vmem>> -> memref<128x64xf32, #tpu.memory_space<vmem>>
      %dma_start3A_163 = arith.constant 0 : i32
      %dma_start3A_164 = tpu.memref_slice %arg9[%dma_start3A_163] : memref<1280xi32, #tpu.memory_space<vmem>> -> memref<128xi32, #tpu.memory_space<vmem>>
      %dma_start3A_165 = arith.constant 0 : i32
      %dma_start3A_166 = arith.constant 0 : i32
      %dma_start3A_167 = tpu.memref_slice %arg11[%dma_start3A_165, %dma_start3A_166] : memref<26000x64xf32, #tpu.memory_space<vmem_shared>> -> memref<26000x64xf32, #tpu.memory_space<vmem_shared>>
      tpu.enqueue_indirect_dma source(%dma_start3A_162 : memref<128x64xf32, #tpu.memory_space<vmem>>) target(%dma_start3A_167 : memref<26000x64xf32, #tpu.memory_space<vmem_shared>>) offsets(%dma_start3A_164 : memref<128xi32, #tpu.memory_space<vmem>>) semaphore(%arg13 : memref<!tpu.dma_semaphore, #tpu.memory_space<semaphore_mem>>) {add = true}
      %dma_wait3A_168 = arith.constant 0 : i32
      %dma_wait3A_169 = arith.constant 0 : i32
      %dma_wait3A_170 = tpu.memref_slice %arg10[%dma_wait3A_168, %dma_wait3A_169] : memref<256x64xf32, #tpu.memory_space<vmem>> -> memref<128x64xf32, #tpu.memory_space<vmem>>
      %dma_wait3A_171 = arith.constant 0 : i32
      %dma_wait3A_172 = tpu.memref_slice %arg9[%dma_wait3A_171] : memref<1280xi32, #tpu.memory_space<vmem>> -> memref<128xi32, #tpu.memory_space<vmem>>
      %dma_wait3A_173 = arith.constant 0 : i32
      %dma_wait3A_174 = arith.constant 0 : i32
      %dma_wait3A_175 = tpu.memref_slice %arg11[%dma_wait3A_173, %dma_wait3A_174] : memref<26000x64xf32, #tpu.memory_space<vmem_shared>> -> memref<26000x64xf32, #tpu.memory_space<vmem_shared>>
      tpu.wait_indirect_dma semaphore(%arg13 : memref<!tpu.dma_semaphore, #tpu.memory_space<semaphore_mem>>) src(%dma_wait3A_170 : memref<128x64xf32, #tpu.memory_space<vmem>>) dst(%dma_wait3A_175 : memref<26000x64xf32, #tpu.memory_space<vmem_shared>>)
    } else {
    }
    %barrier3A_131 = arith.constant 0 : index
    tpu.barrier barrier_id(%barrier3A_131)
    %mul3A_132 = arith.constant 1624 : i32
    %mul3A_133 = arith.muli %arg1, %mul3A_132 : i32
    %mul3A_134 = arith.constant 26000 : i32
    %mul3A_135 = arith.muli %arg0, %mul3A_134 : i32
    %mul3A_136 = arith.constant 1624 : i32
    %mul3A_137 = arith.muli %arg1, %mul3A_136 : i32
    %add3A_138 = arith.addi %mul3A_135, %mul3A_137 : i32
    "tpu.region"() ({
      %run_scoped3A = tpu.sem_alloc : memref<!tpu.dma_semaphore, #tpu.memory_space<semaphore_mem>>
      %dma_start3A = arith.constant 0 : i32
      %dma_start3A_139 = tpu.memref_slice %arg5[%add3A_138, %dma_start3A] : memref<52000x64xf32, #tpu.memory_space<hbm>> -> memref<1624x64xf32, #tpu.memory_space<hbm>>
      %dma_start3A_140 = arith.constant 0 : i32
      %dma_start3A_141 = tpu.memref_slice %arg11[%mul3A_133, %dma_start3A_140] : memref<26000x64xf32, #tpu.memory_space<vmem_shared>> -> memref<1624x64xf32, #tpu.memory_space<vmem_shared>>
      tpu.enqueue_dma source(%dma_start3A_141 : memref<1624x64xf32, #tpu.memory_space<vmem_shared>>) target(%dma_start3A_139 : memref<1624x64xf32, #tpu.memory_space<hbm>>) target_semaphore(%run_scoped3A : memref<!tpu.dma_semaphore, #tpu.memory_space<semaphore_mem>>)
      %dma_wait3A = arith.constant 0 : i32
      %dma_wait3A_142 = tpu.memref_slice %arg5[%add3A_138, %dma_wait3A] : memref<52000x64xf32, #tpu.memory_space<hbm>> -> memref<1624x64xf32, #tpu.memory_space<hbm>>
      %dma_wait3A_143 = arith.constant 0 : i32
      %dma_wait3A_144 = tpu.memref_slice %arg11[%mul3A_133, %dma_wait3A_143] : memref<26000x64xf32, #tpu.memory_space<vmem_shared>> -> memref<1624x64xf32, #tpu.memory_space<vmem_shared>>
      tpu.wait_dma2 semaphore(%run_scoped3A : memref<!tpu.dma_semaphore, #tpu.memory_space<semaphore_mem>>) src(%dma_wait3A_144 : memref<1624x64xf32, #tpu.memory_space<vmem_shared>>) dst(%dma_wait3A_142 : memref<1624x64xf32, #tpu.memory_space<hbm>>)
      tpu.yield
    }) : () -> ()
    return
  }
}

#map = affine_map<(d0, d1) -> (0, 0)>
module attributes {stable_mosaic.version = 14 : i64} {
  func.func @body(%arg0: i32, %arg1: i32, %arg2: memref<50000x16xf32, #tpu.memory_space<hbm>>, %arg3: memref<6272x128xi32, #tpu.memory_space<hbm>>, %arg4: memref<6272x128xi32, #tpu.memory_space<hbm>>, %arg5: memref<52000x16xf32, #tpu.memory_space<hbm>>, %arg6: memref<8x128xi32, #tpu.memory_space<vmem>>, %arg7: memref<8x128xi32, #tpu.memory_space<vmem>>, %arg8: memref<1280xi32, #tpu.memory_space<vmem>>, %arg9: memref<1280xi32, #tpu.memory_space<vmem>>, %arg10: memref<1152x16xf32, #tpu.memory_space<vmem>>, %arg11: memref<26000x16xf32, #tpu.memory_space<vmem_shared>>, %arg12: memref<!tpu.dma_semaphore, #tpu.memory_space<semaphore_mem>>, %arg13: memref<!tpu.dma_semaphore, #tpu.memory_space<semaphore_mem>>) attributes {dimension_semantics = [#tpu.dimension_semantics<core_parallel>, #tpu.dimension_semantics<subcore_parallel>], iteration_bounds = array<i64: 2, 16>, scalar_prefetch = 0 : i64, scratch_operands = 8 : i64, tpu.core_type = #tpu.core_type<sc_vector_subcore>, window_params = [{transform_indices = #map}, {transform_indices = #map}, {transform_indices = #map}, {transform_indices = #map}]} {
    %mul3A = arith.constant 25000 : i32
    %mul3A_0 = arith.muli %arg0, %mul3A : i32
    %mul3A_1 = arith.constant 16 : i32
    %mul3A_2 = arith.muli %arg1, %mul3A_1 : i32
    %add3A = arith.constant 25000 : i32
    %add3A_3 = arith.addi %add3A, %mul3A_2 : i32
    %iota3A = tpu.iota {dimensions = array<i32: 0>} : vector<16xi32>
    %add3A_4 = vector.broadcast %add3A_3 : i32 to vector<16xi32>
    %add3A_5 = arith.addi %add3A_4, %iota3A : vector<16xi32>
    %mul3A_6 = arith.constant 392 : i32
    %mul3A_7 = arith.muli %arg1, %mul3A_6 : i32
    %broadcast_in_dim3A = arith.constant 0.000000e+00 : f32
    %broadcast_in_dim3A_8 = vector.broadcast %broadcast_in_dim3A : f32 to vector<16xf32>
    %scan3A = arith.constant 0 : i32
    %scan3A_9 = arith.constant 0 : i32
    %scan3A_10 = arith.constant 232 : i32
    %scan3A_11 = arith.addi %scan3A_9, %scan3A_10 : i32
    %scan3A_12 = arith.constant 1 : i32
    %scan3A_13 = scf.for %scan3A_139 = %scan3A_9 to %scan3A_11 step %scan3A_12 iter_args(%scan3A_140 = %scan3A) -> (i32)  : i32 {
      %jit3A = arith.constant 1 : i32
      %div3A = arith.divsi %scan3A_139, %jit3A : i32
      %sign3A = arith.constant 0 : i32
      %sign3A_141 = arith.cmpi sgt, %scan3A_139, %sign3A : i32
      %sign3A_142 = arith.extui %sign3A_141 : i1 to i32
      %sign3A_143 = arith.constant 0 : i32
      %sign3A_144 = arith.cmpi slt, %scan3A_139, %sign3A_143 : i32
      %sign3A_145 = arith.extui %sign3A_144 : i1 to i32
      %sign3A_146 = arith.subi %sign3A_142, %sign3A_145 : i32
      %sign3A_147 = arith.constant 0 : i32
      %sign3A_148 = arith.cmpi sgt, %jit3A, %sign3A_147 : i32
      %sign3A_149 = arith.extui %sign3A_148 : i1 to i32
      %sign3A_150 = arith.constant 0 : i32
      %sign3A_151 = arith.cmpi slt, %jit3A, %sign3A_150 : i32
      %sign3A_152 = arith.extui %sign3A_151 : i1 to i32
      %sign3A_153 = arith.subi %sign3A_149, %sign3A_152 : i32
      %ne3A = arith.cmpi ne, %sign3A_146, %sign3A_153 : i32
      %rem3A = arith.remsi %scan3A_139, %jit3A : i32
      %ne3A_154 = arith.constant 0 : i32
      %ne3A_155 = arith.cmpi ne, %rem3A, %ne3A_154 : i32
      %and3A = arith.andi %ne3A, %ne3A_155 : i1
      %sub3A = arith.constant 1 : i32
      %sub3A_156 = arith.subi %div3A, %sub3A : i32
      %select_n3A = arith.select %and3A, %sub3A_156, %div3A : i32
      %jit3A_157 = arith.constant 1 : i32
      %eq3A = arith.constant 0 : i32
      %eq3A_158 = arith.cmpi eq, %jit3A_157, %eq3A : i32
      %jit3A_159 = arith.constant 1 : i32
      %select_n3A_160 = arith.select %eq3A_158, %jit3A_159, %jit3A_157 : i32
      %rem3A_161 = arith.remsi %scan3A_139, %select_n3A_160 : i32
      %ne3A_162 = arith.constant 0 : i32
      %ne3A_163 = arith.cmpi ne, %rem3A_161, %ne3A_162 : i32
      %lt3A = arith.constant 0 : i32
      %lt3A_164 = arith.cmpi slt, %rem3A_161, %lt3A : i32
      %lt3A_165 = arith.constant 0 : i32
      %lt3A_166 = arith.cmpi slt, %select_n3A_160, %lt3A_165 : i32
      %ne3A_167 = arith.xori %lt3A_164, %lt3A_166 : i1
      %and3A_168 = arith.andi %ne3A_167, %ne3A_163 : i1
      %add3A_169 = arith.addi %rem3A_161, %select_n3A_160 : i32
      %select_n3A_170 = arith.select %and3A_168, %add3A_169, %rem3A_161 : i32
      %mul3A_171 = arith.constant 16 : i32
      %mul3A_172 = arith.muli %select_n3A_170, %mul3A_171 : i32
      %swap3A_173 = arith.index_cast %select_n3A : i32 to index
      %swap3A_174 = arith.index_cast %mul3A_172 : i32 to index
      %swap3A_175 = tpu.vector_load %arg10[%swap3A_173, %swap3A_174] {strides = array<i32>} : memref<1152x16xf32, #tpu.memory_space<vmem>>, vector<16xf32>,
      tpu.vector_store %arg10[%swap3A_173, %swap3A_174], %broadcast_in_dim3A_8 {strides = array<i32>} : memref<1152x16xf32, #tpu.memory_space<vmem>>, vector<16xf32>,
      %scan3A_176 = arith.constant 0 : i32
      scf.yield %scan3A_176 : i32
    }
    %scan3A_14 = arith.constant 232 : i32
    %mul3A_15 = arith.constant 1624 : i32
    %mul3A_16 = arith.muli %arg1, %mul3A_15 : i32
    %add3A_17 = arith.constant 0 : i32
    %add3A_18 = arith.addi %mul3A_16, %add3A_17 : i32
    "tpu.region"() ({
      %run_scoped3A = tpu.sem_alloc : memref<!tpu.dma_semaphore, #tpu.memory_space<semaphore_mem>>
      %dma_start3A = arith.constant 0 : i32
      %dma_start3A_139 = arith.constant 0 : i32
      %dma_start3A_140 = tpu.memref_slice %arg10[%dma_start3A, %dma_start3A_139] : memref<1152x16xf32, #tpu.memory_space<vmem>> -> memref<232x16xf32, #tpu.memory_space<vmem>>
      %dma_start3A_141 = arith.constant 0 : i32
      %dma_start3A_142 = tpu.memref_slice %arg11[%add3A_18, %dma_start3A_141] : memref<26000x16xf32, #tpu.memory_space<vmem_shared>> -> memref<232x16xf32, #tpu.memory_space<vmem_shared>>
      %dma_start3A_143 = arith.constant 0 : i32
      %dma_start3A_144 = tpu.memref_slice %arg11[%add3A_18, %dma_start3A_143] : memref<26000x16xf32, #tpu.memory_space<vmem_shared>> -> memref<232x16xf32, #tpu.memory_space<vmem_shared>>
      %dma_start3A_145 = arith.constant 0 : i32
      %dma_start3A_146 = arith.constant 0 : i32
      %dma_start3A_147 = tpu.memref_slice %arg10[%dma_start3A_145, %dma_start3A_146] : memref<1152x16xf32, #tpu.memory_space<vmem>> -> memref<232x16xf32, #tpu.memory_space<vmem>>
      tpu.enqueue_dma source(%dma_start3A_147 : memref<232x16xf32, #tpu.memory_space<vmem>>) target(%dma_start3A_144 : memref<232x16xf32, #tpu.memory_space<vmem_shared>>) target_semaphore(%run_scoped3A : memref<!tpu.dma_semaphore, #tpu.memory_space<semaphore_mem>>)
      %dma_wait3A = arith.constant 0 : i32
      %dma_wait3A_148 = arith.constant 0 : i32
      %dma_wait3A_149 = tpu.memref_slice %arg10[%dma_wait3A, %dma_wait3A_148] : memref<1152x16xf32, #tpu.memory_space<vmem>> -> memref<232x16xf32, #tpu.memory_space<vmem>>
      %dma_wait3A_150 = arith.constant 0 : i32
      %dma_wait3A_151 = tpu.memref_slice %arg11[%add3A_18, %dma_wait3A_150] : memref<26000x16xf32, #tpu.memory_space<vmem_shared>> -> memref<232x16xf32, #tpu.memory_space<vmem_shared>>
      %dma_wait3A_152 = arith.constant 0 : i32
      %dma_wait3A_153 = tpu.memref_slice %arg11[%add3A_18, %dma_wait3A_152] : memref<26000x16xf32, #tpu.memory_space<vmem_shared>> -> memref<232x16xf32, #tpu.memory_space<vmem_shared>>
      %dma_wait3A_154 = arith.constant 0 : i32
      %dma_wait3A_155 = arith.constant 0 : i32
      %dma_wait3A_156 = tpu.memref_slice %arg10[%dma_wait3A_154, %dma_wait3A_155] : memref<1152x16xf32, #tpu.memory_space<vmem>> -> memref<232x16xf32, #tpu.memory_space<vmem>>
      tpu.wait_dma2 semaphore(%run_scoped3A : memref<!tpu.dma_semaphore, #tpu.memory_space<semaphore_mem>>) src(%dma_wait3A_156 : memref<232x16xf32, #tpu.memory_space<vmem>>) dst(%dma_wait3A_153 : memref<232x16xf32, #tpu.memory_space<vmem_shared>>)
      tpu.yield
    }) : () -> ()
    %mul3A_19 = arith.constant 1624 : i32
    %mul3A_20 = arith.muli %arg1, %mul3A_19 : i32
    %add3A_21 = arith.constant 232 : i32
    %add3A_22 = arith.addi %mul3A_20, %add3A_21 : i32
    "tpu.region"() ({
      %run_scoped3A = tpu.sem_alloc : memref<!tpu.dma_semaphore, #tpu.memory_space<semaphore_mem>>
      %dma_start3A = arith.constant 0 : i32
      %dma_start3A_139 = arith.constant 0 : i32
      %dma_start3A_140 = tpu.memref_slice %arg10[%dma_start3A, %dma_start3A_139] : memref<1152x16xf32, #tpu.memory_space<vmem>> -> memref<232x16xf32, #tpu.memory_space<vmem>>
      %dma_start3A_141 = arith.constant 0 : i32
      %dma_start3A_142 = tpu.memref_slice %arg11[%add3A_22, %dma_start3A_141] : memref<26000x16xf32, #tpu.memory_space<vmem_shared>> -> memref<232x16xf32, #tpu.memory_space<vmem_shared>>
      %dma_start3A_143 = arith.constant 0 : i32
      %dma_start3A_144 = tpu.memref_slice %arg11[%add3A_22, %dma_start3A_143] : memref<26000x16xf32, #tpu.memory_space<vmem_shared>> -> memref<232x16xf32, #tpu.memory_space<vmem_shared>>
      %dma_start3A_145 = arith.constant 0 : i32
      %dma_start3A_146 = arith.constant 0 : i32
      %dma_start3A_147 = tpu.memref_slice %arg10[%dma_start3A_145, %dma_start3A_146] : memref<1152x16xf32, #tpu.memory_space<vmem>> -> memref<232x16xf32, #tpu.memory_space<vmem>>
      tpu.enqueue_dma source(%dma_start3A_147 : memref<232x16xf32, #tpu.memory_space<vmem>>) target(%dma_start3A_144 : memref<232x16xf32, #tpu.memory_space<vmem_shared>>) target_semaphore(%run_scoped3A : memref<!tpu.dma_semaphore, #tpu.memory_space<semaphore_mem>>)
      %dma_wait3A = arith.constant 0 : i32
      %dma_wait3A_148 = arith.constant 0 : i32
      %dma_wait3A_149 = tpu.memref_slice %arg10[%dma_wait3A, %dma_wait3A_148] : memref<1152x16xf32, #tpu.memory_space<vmem>> -> memref<232x16xf32, #tpu.memory_space<vmem>>
      %dma_wait3A_150 = arith.constant 0 : i32
      %dma_wait3A_151 = tpu.memref_slice %arg11[%add3A_22, %dma_wait3A_150] : memref<26000x16xf32, #tpu.memory_space<vmem_shared>> -> memref<232x16xf32, #tpu.memory_space<vmem_shared>>
      %dma_wait3A_152 = arith.constant 0 : i32
      %dma_wait3A_153 = tpu.memref_slice %arg11[%add3A_22, %dma_wait3A_152] : memref<26000x16xf32, #tpu.memory_space<vmem_shared>> -> memref<232x16xf32, #tpu.memory_space<vmem_shared>>
      %dma_wait3A_154 = arith.constant 0 : i32
      %dma_wait3A_155 = arith.constant 0 : i32
      %dma_wait3A_156 = tpu.memref_slice %arg10[%dma_wait3A_154, %dma_wait3A_155] : memref<1152x16xf32, #tpu.memory_space<vmem>> -> memref<232x16xf32, #tpu.memory_space<vmem>>
      tpu.wait_dma2 semaphore(%run_scoped3A : memref<!tpu.dma_semaphore, #tpu.memory_space<semaphore_mem>>) src(%dma_wait3A_156 : memref<232x16xf32, #tpu.memory_space<vmem>>) dst(%dma_wait3A_153 : memref<232x16xf32, #tpu.memory_space<vmem_shared>>)
      tpu.yield
    }) : () -> ()
    %mul3A_23 = arith.constant 1624 : i32
    %mul3A_24 = arith.muli %arg1, %mul3A_23 : i32
    %add3A_25 = arith.constant 464 : i32
    %add3A_26 = arith.addi %mul3A_24, %add3A_25 : i32
    "tpu.region"() ({
      %run_scoped3A = tpu.sem_alloc : memref<!tpu.dma_semaphore, #tpu.memory_space<semaphore_mem>>
      %dma_start3A = arith.constant 0 : i32
      %dma_start3A_139 = arith.constant 0 : i32
      %dma_start3A_140 = tpu.memref_slice %arg10[%dma_start3A, %dma_start3A_139] : memref<1152x16xf32, #tpu.memory_space<vmem>> -> memref<232x16xf32, #tpu.memory_space<vmem>>
      %dma_start3A_141 = arith.constant 0 : i32
      %dma_start3A_142 = tpu.memref_slice %arg11[%add3A_26, %dma_start3A_141] : memref<26000x16xf32, #tpu.memory_space<vmem_shared>> -> memref<232x16xf32, #tpu.memory_space<vmem_shared>>
      %dma_start3A_143 = arith.constant 0 : i32
      %dma_start3A_144 = tpu.memref_slice %arg11[%add3A_26, %dma_start3A_143] : memref<26000x16xf32, #tpu.memory_space<vmem_shared>> -> memref<232x16xf32, #tpu.memory_space<vmem_shared>>
      %dma_start3A_145 = arith.constant 0 : i32
      %dma_start3A_146 = arith.constant 0 : i32
      %dma_start3A_147 = tpu.memref_slice %arg10[%dma_start3A_145, %dma_start3A_146] : memref<1152x16xf32, #tpu.memory_space<vmem>> -> memref<232x16xf32, #tpu.memory_space<vmem>>
      tpu.enqueue_dma source(%dma_start3A_147 : memref<232x16xf32, #tpu.memory_space<vmem>>) target(%dma_start3A_144 : memref<232x16xf32, #tpu.memory_space<vmem_shared>>) target_semaphore(%run_scoped3A : memref<!tpu.dma_semaphore, #tpu.memory_space<semaphore_mem>>)
      %dma_wait3A = arith.constant 0 : i32
      %dma_wait3A_148 = arith.constant 0 : i32
      %dma_wait3A_149 = tpu.memref_slice %arg10[%dma_wait3A, %dma_wait3A_148] : memref<1152x16xf32, #tpu.memory_space<vmem>> -> memref<232x16xf32, #tpu.memory_space<vmem>>
      %dma_wait3A_150 = arith.constant 0 : i32
      %dma_wait3A_151 = tpu.memref_slice %arg11[%add3A_26, %dma_wait3A_150] : memref<26000x16xf32, #tpu.memory_space<vmem_shared>> -> memref<232x16xf32, #tpu.memory_space<vmem_shared>>
      %dma_wait3A_152 = arith.constant 0 : i32
      %dma_wait3A_153 = tpu.memref_slice %arg11[%add3A_26, %dma_wait3A_152] : memref<26000x16xf32, #tpu.memory_space<vmem_shared>> -> memref<232x16xf32, #tpu.memory_space<vmem_shared>>
      %dma_wait3A_154 = arith.constant 0 : i32
      %dma_wait3A_155 = arith.constant 0 : i32
      %dma_wait3A_156 = tpu.memref_slice %arg10[%dma_wait3A_154, %dma_wait3A_155] : memref<1152x16xf32, #tpu.memory_space<vmem>> -> memref<232x16xf32, #tpu.memory_space<vmem>>
      tpu.wait_dma2 semaphore(%run_scoped3A : memref<!tpu.dma_semaphore, #tpu.memory_space<semaphore_mem>>) src(%dma_wait3A_156 : memref<232x16xf32, #tpu.memory_space<vmem>>) dst(%dma_wait3A_153 : memref<232x16xf32, #tpu.memory_space<vmem_shared>>)
      tpu.yield
    }) : () -> ()
    %mul3A_27 = arith.constant 1624 : i32
    %mul3A_28 = arith.muli %arg1, %mul3A_27 : i32
    %add3A_29 = arith.constant 696 : i32
    %add3A_30 = arith.addi %mul3A_28, %add3A_29 : i32
    "tpu.region"() ({
      %run_scoped3A = tpu.sem_alloc : memref<!tpu.dma_semaphore, #tpu.memory_space<semaphore_mem>>
      %dma_start3A = arith.constant 0 : i32
      %dma_start3A_139 = arith.constant 0 : i32
      %dma_start3A_140 = tpu.memref_slice %arg10[%dma_start3A, %dma_start3A_139] : memref<1152x16xf32, #tpu.memory_space<vmem>> -> memref<232x16xf32, #tpu.memory_space<vmem>>
      %dma_start3A_141 = arith.constant 0 : i32
      %dma_start3A_142 = tpu.memref_slice %arg11[%add3A_30, %dma_start3A_141] : memref<26000x16xf32, #tpu.memory_space<vmem_shared>> -> memref<232x16xf32, #tpu.memory_space<vmem_shared>>
      %dma_start3A_143 = arith.constant 0 : i32
      %dma_start3A_144 = tpu.memref_slice %arg11[%add3A_30, %dma_start3A_143] : memref<26000x16xf32, #tpu.memory_space<vmem_shared>> -> memref<232x16xf32, #tpu.memory_space<vmem_shared>>
      %dma_start3A_145 = arith.constant 0 : i32
      %dma_start3A_146 = arith.constant 0 : i32
      %dma_start3A_147 = tpu.memref_slice %arg10[%dma_start3A_145, %dma_start3A_146] : memref<1152x16xf32, #tpu.memory_space<vmem>> -> memref<232x16xf32, #tpu.memory_space<vmem>>
      tpu.enqueue_dma source(%dma_start3A_147 : memref<232x16xf32, #tpu.memory_space<vmem>>) target(%dma_start3A_144 : memref<232x16xf32, #tpu.memory_space<vmem_shared>>) target_semaphore(%run_scoped3A : memref<!tpu.dma_semaphore, #tpu.memory_space<semaphore_mem>>)
      %dma_wait3A = arith.constant 0 : i32
      %dma_wait3A_148 = arith.constant 0 : i32
      %dma_wait3A_149 = tpu.memref_slice %arg10[%dma_wait3A, %dma_wait3A_148] : memref<1152x16xf32, #tpu.memory_space<vmem>> -> memref<232x16xf32, #tpu.memory_space<vmem>>
      %dma_wait3A_150 = arith.constant 0 : i32
      %dma_wait3A_151 = tpu.memref_slice %arg11[%add3A_30, %dma_wait3A_150] : memref<26000x16xf32, #tpu.memory_space<vmem_shared>> -> memref<232x16xf32, #tpu.memory_space<vmem_shared>>
      %dma_wait3A_152 = arith.constant 0 : i32
      %dma_wait3A_153 = tpu.memref_slice %arg11[%add3A_30, %dma_wait3A_152] : memref<26000x16xf32, #tpu.memory_space<vmem_shared>> -> memref<232x16xf32, #tpu.memory_space<vmem_shared>>
      %dma_wait3A_154 = arith.constant 0 : i32
      %dma_wait3A_155 = arith.constant 0 : i32
      %dma_wait3A_156 = tpu.memref_slice %arg10[%dma_wait3A_154, %dma_wait3A_155] : memref<1152x16xf32, #tpu.memory_space<vmem>> -> memref<232x16xf32, #tpu.memory_space<vmem>>
      tpu.wait_dma2 semaphore(%run_scoped3A : memref<!tpu.dma_semaphore, #tpu.memory_space<semaphore_mem>>) src(%dma_wait3A_156 : memref<232x16xf32, #tpu.memory_space<vmem>>) dst(%dma_wait3A_153 : memref<232x16xf32, #tpu.memory_space<vmem_shared>>)
      tpu.yield
    }) : () -> ()
    %mul3A_31 = arith.constant 1624 : i32
    %mul3A_32 = arith.muli %arg1, %mul3A_31 : i32
    %add3A_33 = arith.constant 928 : i32
    %add3A_34 = arith.addi %mul3A_32, %add3A_33 : i32
    "tpu.region"() ({
      %run_scoped3A = tpu.sem_alloc : memref<!tpu.dma_semaphore, #tpu.memory_space<semaphore_mem>>
      %dma_start3A = arith.constant 0 : i32
      %dma_start3A_139 = arith.constant 0 : i32
      %dma_start3A_140 = tpu.memref_slice %arg10[%dma_start3A, %dma_start3A_139] : memref<1152x16xf32, #tpu.memory_space<vmem>> -> memref<232x16xf32, #tpu.memory_space<vmem>>
      %dma_start3A_141 = arith.constant 0 : i32
      %dma_start3A_142 = tpu.memref_slice %arg11[%add3A_34, %dma_start3A_141] : memref<26000x16xf32, #tpu.memory_space<vmem_shared>> -> memref<232x16xf32, #tpu.memory_space<vmem_shared>>
      %dma_start3A_143 = arith.constant 0 : i32
      %dma_start3A_144 = tpu.memref_slice %arg11[%add3A_34, %dma_start3A_143] : memref<26000x16xf32, #tpu.memory_space<vmem_shared>> -> memref<232x16xf32, #tpu.memory_space<vmem_shared>>
      %dma_start3A_145 = arith.constant 0 : i32
      %dma_start3A_146 = arith.constant 0 : i32
      %dma_start3A_147 = tpu.memref_slice %arg10[%dma_start3A_145, %dma_start3A_146] : memref<1152x16xf32, #tpu.memory_space<vmem>> -> memref<232x16xf32, #tpu.memory_space<vmem>>
      tpu.enqueue_dma source(%dma_start3A_147 : memref<232x16xf32, #tpu.memory_space<vmem>>) target(%dma_start3A_144 : memref<232x16xf32, #tpu.memory_space<vmem_shared>>) target_semaphore(%run_scoped3A : memref<!tpu.dma_semaphore, #tpu.memory_space<semaphore_mem>>)
      %dma_wait3A = arith.constant 0 : i32
      %dma_wait3A_148 = arith.constant 0 : i32
      %dma_wait3A_149 = tpu.memref_slice %arg10[%dma_wait3A, %dma_wait3A_148] : memref<1152x16xf32, #tpu.memory_space<vmem>> -> memref<232x16xf32, #tpu.memory_space<vmem>>
      %dma_wait3A_150 = arith.constant 0 : i32
      %dma_wait3A_151 = tpu.memref_slice %arg11[%add3A_34, %dma_wait3A_150] : memref<26000x16xf32, #tpu.memory_space<vmem_shared>> -> memref<232x16xf32, #tpu.memory_space<vmem_shared>>
      %dma_wait3A_152 = arith.constant 0 : i32
      %dma_wait3A_153 = tpu.memref_slice %arg11[%add3A_34, %dma_wait3A_152] : memref<26000x16xf32, #tpu.memory_space<vmem_shared>> -> memref<232x16xf32, #tpu.memory_space<vmem_shared>>
      %dma_wait3A_154 = arith.constant 0 : i32
      %dma_wait3A_155 = arith.constant 0 : i32
      %dma_wait3A_156 = tpu.memref_slice %arg10[%dma_wait3A_154, %dma_wait3A_155] : memref<1152x16xf32, #tpu.memory_space<vmem>> -> memref<232x16xf32, #tpu.memory_space<vmem>>
      tpu.wait_dma2 semaphore(%run_scoped3A : memref<!tpu.dma_semaphore, #tpu.memory_space<semaphore_mem>>) src(%dma_wait3A_156 : memref<232x16xf32, #tpu.memory_space<vmem>>) dst(%dma_wait3A_153 : memref<232x16xf32, #tpu.memory_space<vmem_shared>>)
      tpu.yield
    }) : () -> ()
    %mul3A_35 = arith.constant 1624 : i32
    %mul3A_36 = arith.muli %arg1, %mul3A_35 : i32
    %add3A_37 = arith.constant 1160 : i32
    %add3A_38 = arith.addi %mul3A_36, %add3A_37 : i32
    "tpu.region"() ({
      %run_scoped3A = tpu.sem_alloc : memref<!tpu.dma_semaphore, #tpu.memory_space<semaphore_mem>>
      %dma_start3A = arith.constant 0 : i32
      %dma_start3A_139 = arith.constant 0 : i32
      %dma_start3A_140 = tpu.memref_slice %arg10[%dma_start3A, %dma_start3A_139] : memref<1152x16xf32, #tpu.memory_space<vmem>> -> memref<232x16xf32, #tpu.memory_space<vmem>>
      %dma_start3A_141 = arith.constant 0 : i32
      %dma_start3A_142 = tpu.memref_slice %arg11[%add3A_38, %dma_start3A_141] : memref<26000x16xf32, #tpu.memory_space<vmem_shared>> -> memref<232x16xf32, #tpu.memory_space<vmem_shared>>
      %dma_start3A_143 = arith.constant 0 : i32
      %dma_start3A_144 = tpu.memref_slice %arg11[%add3A_38, %dma_start3A_143] : memref<26000x16xf32, #tpu.memory_space<vmem_shared>> -> memref<232x16xf32, #tpu.memory_space<vmem_shared>>
      %dma_start3A_145 = arith.constant 0 : i32
      %dma_start3A_146 = arith.constant 0 : i32
      %dma_start3A_147 = tpu.memref_slice %arg10[%dma_start3A_145, %dma_start3A_146] : memref<1152x16xf32, #tpu.memory_space<vmem>> -> memref<232x16xf32, #tpu.memory_space<vmem>>
      tpu.enqueue_dma source(%dma_start3A_147 : memref<232x16xf32, #tpu.memory_space<vmem>>) target(%dma_start3A_144 : memref<232x16xf32, #tpu.memory_space<vmem_shared>>) target_semaphore(%run_scoped3A : memref<!tpu.dma_semaphore, #tpu.memory_space<semaphore_mem>>)
      %dma_wait3A = arith.constant 0 : i32
      %dma_wait3A_148 = arith.constant 0 : i32
      %dma_wait3A_149 = tpu.memref_slice %arg10[%dma_wait3A, %dma_wait3A_148] : memref<1152x16xf32, #tpu.memory_space<vmem>> -> memref<232x16xf32, #tpu.memory_space<vmem>>
      %dma_wait3A_150 = arith.constant 0 : i32
      %dma_wait3A_151 = tpu.memref_slice %arg11[%add3A_38, %dma_wait3A_150] : memref<26000x16xf32, #tpu.memory_space<vmem_shared>> -> memref<232x16xf32, #tpu.memory_space<vmem_shared>>
      %dma_wait3A_152 = arith.constant 0 : i32
      %dma_wait3A_153 = tpu.memref_slice %arg11[%add3A_38, %dma_wait3A_152] : memref<26000x16xf32, #tpu.memory_space<vmem_shared>> -> memref<232x16xf32, #tpu.memory_space<vmem_shared>>
      %dma_wait3A_154 = arith.constant 0 : i32
      %dma_wait3A_155 = arith.constant 0 : i32
      %dma_wait3A_156 = tpu.memref_slice %arg10[%dma_wait3A_154, %dma_wait3A_155] : memref<1152x16xf32, #tpu.memory_space<vmem>> -> memref<232x16xf32, #tpu.memory_space<vmem>>
      tpu.wait_dma2 semaphore(%run_scoped3A : memref<!tpu.dma_semaphore, #tpu.memory_space<semaphore_mem>>) src(%dma_wait3A_156 : memref<232x16xf32, #tpu.memory_space<vmem>>) dst(%dma_wait3A_153 : memref<232x16xf32, #tpu.memory_space<vmem_shared>>)
      tpu.yield
    }) : () -> ()
    %mul3A_39 = arith.constant 1624 : i32
    %mul3A_40 = arith.muli %arg1, %mul3A_39 : i32
    %add3A_41 = arith.constant 1392 : i32
    %add3A_42 = arith.addi %mul3A_40, %add3A_41 : i32
    "tpu.region"() ({
      %run_scoped3A = tpu.sem_alloc : memref<!tpu.dma_semaphore, #tpu.memory_space<semaphore_mem>>
      %dma_start3A = arith.constant 0 : i32
      %dma_start3A_139 = arith.constant 0 : i32
      %dma_start3A_140 = tpu.memref_slice %arg10[%dma_start3A, %dma_start3A_139] : memref<1152x16xf32, #tpu.memory_space<vmem>> -> memref<232x16xf32, #tpu.memory_space<vmem>>
      %dma_start3A_141 = arith.constant 0 : i32
      %dma_start3A_142 = tpu.memref_slice %arg11[%add3A_42, %dma_start3A_141] : memref<26000x16xf32, #tpu.memory_space<vmem_shared>> -> memref<232x16xf32, #tpu.memory_space<vmem_shared>>
      %dma_start3A_143 = arith.constant 0 : i32
      %dma_start3A_144 = tpu.memref_slice %arg11[%add3A_42, %dma_start3A_143] : memref<26000x16xf32, #tpu.memory_space<vmem_shared>> -> memref<232x16xf32, #tpu.memory_space<vmem_shared>>
      %dma_start3A_145 = arith.constant 0 : i32
      %dma_start3A_146 = arith.constant 0 : i32
      %dma_start3A_147 = tpu.memref_slice %arg10[%dma_start3A_145, %dma_start3A_146] : memref<1152x16xf32, #tpu.memory_space<vmem>> -> memref<232x16xf32, #tpu.memory_space<vmem>>
      tpu.enqueue_dma source(%dma_start3A_147 : memref<232x16xf32, #tpu.memory_space<vmem>>) target(%dma_start3A_144 : memref<232x16xf32, #tpu.memory_space<vmem_shared>>) target_semaphore(%run_scoped3A : memref<!tpu.dma_semaphore, #tpu.memory_space<semaphore_mem>>)
      %dma_wait3A = arith.constant 0 : i32
      %dma_wait3A_148 = arith.constant 0 : i32
      %dma_wait3A_149 = tpu.memref_slice %arg10[%dma_wait3A, %dma_wait3A_148] : memref<1152x16xf32, #tpu.memory_space<vmem>> -> memref<232x16xf32, #tpu.memory_space<vmem>>
      %dma_wait3A_150 = arith.constant 0 : i32
      %dma_wait3A_151 = tpu.memref_slice %arg11[%add3A_42, %dma_wait3A_150] : memref<26000x16xf32, #tpu.memory_space<vmem_shared>> -> memref<232x16xf32, #tpu.memory_space<vmem_shared>>
      %dma_wait3A_152 = arith.constant 0 : i32
      %dma_wait3A_153 = tpu.memref_slice %arg11[%add3A_42, %dma_wait3A_152] : memref<26000x16xf32, #tpu.memory_space<vmem_shared>> -> memref<232x16xf32, #tpu.memory_space<vmem_shared>>
      %dma_wait3A_154 = arith.constant 0 : i32
      %dma_wait3A_155 = arith.constant 0 : i32
      %dma_wait3A_156 = tpu.memref_slice %arg10[%dma_wait3A_154, %dma_wait3A_155] : memref<1152x16xf32, #tpu.memory_space<vmem>> -> memref<232x16xf32, #tpu.memory_space<vmem>>
      tpu.wait_dma2 semaphore(%run_scoped3A : memref<!tpu.dma_semaphore, #tpu.memory_space<semaphore_mem>>) src(%dma_wait3A_156 : memref<232x16xf32, #tpu.memory_space<vmem>>) dst(%dma_wait3A_153 : memref<232x16xf32, #tpu.memory_space<vmem_shared>>)
      tpu.yield
    }) : () -> ()
    %barrier3A = arith.constant 0 : index
    tpu.barrier barrier_id(%barrier3A)
    %scan3A_43 = arith.constant 0 : i32
    %scan3A_44 = arith.constant 0 : i32
    %scan3A_45 = arith.constant 49 : i32
    %scan3A_46 = arith.addi %scan3A_44, %scan3A_45 : i32
    %scan3A_47 = arith.constant 1 : i32
    %scan3A_48 = scf.for %scan3A_139 = %scan3A_44 to %scan3A_46 step %scan3A_47 iter_args(%scan3A_140 = %scan3A_43) -> (i32)  : i32 {
      %mul3A_141 = arith.constant 8 : i32
      %mul3A_142 = arith.muli %scan3A_139, %mul3A_141 : i32
      %add3A_143 = arith.addi %mul3A_7, %mul3A_142 : i32
      "tpu.region"() ({
        %run_scoped3A = tpu.sem_alloc : memref<!tpu.dma_semaphore, #tpu.memory_space<semaphore_mem>>
        %dma_start3A = arith.constant 0 : i32
        %dma_start3A_256 = tpu.memref_slice %arg3[%add3A_143, %dma_start3A] : memref<6272x128xi32, #tpu.memory_space<hbm>> -> memref<8x128xi32, #tpu.memory_space<hbm>>
        %dma_start3A_257 = arith.constant 0 : i32
        %dma_start3A_258 = tpu.memref_slice %arg3[%add3A_143, %dma_start3A_257] : memref<6272x128xi32, #tpu.memory_space<hbm>> -> memref<8x128xi32, #tpu.memory_space<hbm>>
        tpu.enqueue_dma source(%dma_start3A_258 : memref<8x128xi32, #tpu.memory_space<hbm>>) target(%arg6 : memref<8x128xi32, #tpu.memory_space<vmem>>) target_semaphore(%run_scoped3A : memref<!tpu.dma_semaphore, #tpu.memory_space<semaphore_mem>>)
        %dma_wait3A = arith.constant 0 : i32
        %dma_wait3A_259 = tpu.memref_slice %arg3[%add3A_143, %dma_wait3A] : memref<6272x128xi32, #tpu.memory_space<hbm>> -> memref<8x128xi32, #tpu.memory_space<hbm>>
        %dma_wait3A_260 = arith.constant 0 : i32
        %dma_wait3A_261 = tpu.memref_slice %arg3[%add3A_143, %dma_wait3A_260] : memref<6272x128xi32, #tpu.memory_space<hbm>> -> memref<8x128xi32, #tpu.memory_space<hbm>>
        tpu.wait_dma2 semaphore(%run_scoped3A : memref<!tpu.dma_semaphore, #tpu.memory_space<semaphore_mem>>) src(%dma_wait3A_261 : memref<8x128xi32, #tpu.memory_space<hbm>>) dst(%arg6 : memref<8x128xi32, #tpu.memory_space<vmem>>)
        tpu.yield
      }) : () -> ()
      "tpu.region"() ({
        %run_scoped3A = tpu.sem_alloc : memref<!tpu.dma_semaphore, #tpu.memory_space<semaphore_mem>>
        %dma_start3A = arith.constant 0 : i32
        %dma_start3A_256 = tpu.memref_slice %arg4[%add3A_143, %dma_start3A] : memref<6272x128xi32, #tpu.memory_space<hbm>> -> memref<8x128xi32, #tpu.memory_space<hbm>>
        %dma_start3A_257 = arith.constant 0 : i32
        %dma_start3A_258 = tpu.memref_slice %arg4[%add3A_143, %dma_start3A_257] : memref<6272x128xi32, #tpu.memory_space<hbm>> -> memref<8x128xi32, #tpu.memory_space<hbm>>
        tpu.enqueue_dma source(%dma_start3A_258 : memref<8x128xi32, #tpu.memory_space<hbm>>) target(%arg7 : memref<8x128xi32, #tpu.memory_space<vmem>>) target_semaphore(%run_scoped3A : memref<!tpu.dma_semaphore, #tpu.memory_space<semaphore_mem>>)
        %dma_wait3A = arith.constant 0 : i32
        %dma_wait3A_259 = tpu.memref_slice %arg4[%add3A_143, %dma_wait3A] : memref<6272x128xi32, #tpu.memory_space<hbm>> -> memref<8x128xi32, #tpu.memory_space<hbm>>
        %dma_wait3A_260 = arith.constant 0 : i32
        %dma_wait3A_261 = tpu.memref_slice %arg4[%add3A_143, %dma_wait3A_260] : memref<6272x128xi32, #tpu.memory_space<hbm>> -> memref<8x128xi32, #tpu.memory_space<hbm>>
        tpu.wait_dma2 semaphore(%run_scoped3A : memref<!tpu.dma_semaphore, #tpu.memory_space<semaphore_mem>>) src(%dma_wait3A_261 : memref<8x128xi32, #tpu.memory_space<hbm>>) dst(%arg7 : memref<8x128xi32, #tpu.memory_space<vmem>>)
        tpu.yield
      }) : () -> ()
      %scan3A_144 = arith.constant 2147483647 : i32
      %scan3A_145 = arith.constant 0 : i32
      %scan3A_146 = arith.constant 64 : i32
      %scan3A_147 = arith.addi %scan3A_145, %scan3A_146 : i32
      %scan3A_148 = arith.constant 1 : i32
      %scan3A_149 = scf.for %scan3A_256 = %scan3A_145 to %scan3A_147 step %scan3A_148 iter_args(%scan3A_257 = %scan3A_140) -> (i32)  : i32 {
        %jit3A_258 = arith.constant 8 : i32
        %div3A_259 = arith.divsi %scan3A_256, %jit3A_258 : i32
        %sign3A_260 = arith.constant 0 : i32
        %sign3A_261 = arith.cmpi sgt, %scan3A_256, %sign3A_260 : i32
        %sign3A_262 = arith.extui %sign3A_261 : i1 to i32
        %sign3A_263 = arith.constant 0 : i32
        %sign3A_264 = arith.cmpi slt, %scan3A_256, %sign3A_263 : i32
        %sign3A_265 = arith.extui %sign3A_264 : i1 to i32
        %sign3A_266 = arith.subi %sign3A_262, %sign3A_265 : i32
        %sign3A_267 = arith.constant 0 : i32
        %sign3A_268 = arith.cmpi sgt, %jit3A_258, %sign3A_267 : i32
        %sign3A_269 = arith.extui %sign3A_268 : i1 to i32
        %sign3A_270 = arith.constant 0 : i32
        %sign3A_271 = arith.cmpi slt, %jit3A_258, %sign3A_270 : i32
        %sign3A_272 = arith.extui %sign3A_271 : i1 to i32
        %sign3A_273 = arith.subi %sign3A_269, %sign3A_272 : i32
        %ne3A_274 = arith.cmpi ne, %sign3A_266, %sign3A_273 : i32
        %rem3A_275 = arith.remsi %scan3A_256, %jit3A_258 : i32
        %ne3A_276 = arith.constant 0 : i32
        %ne3A_277 = arith.cmpi ne, %rem3A_275, %ne3A_276 : i32
        %and3A_278 = arith.andi %ne3A_274, %ne3A_277 : i1
        %sub3A_279 = arith.constant 1 : i32
        %sub3A_280 = arith.subi %div3A_259, %sub3A_279 : i32
        %select_n3A_281 = arith.select %and3A_278, %sub3A_280, %div3A_259 : i32
        %jit3A_282 = arith.constant 8 : i32
        %eq3A = arith.constant 0 : i32
        %eq3A_283 = arith.cmpi eq, %jit3A_282, %eq3A : i32
        %jit3A_284 = arith.constant 1 : i32
        %select_n3A_285 = arith.select %eq3A_283, %jit3A_284, %jit3A_282 : i32
        %rem3A_286 = arith.remsi %scan3A_256, %select_n3A_285 : i32
        %ne3A_287 = arith.constant 0 : i32
        %ne3A_288 = arith.cmpi ne, %rem3A_286, %ne3A_287 : i32
        %lt3A = arith.constant 0 : i32
        %lt3A_289 = arith.cmpi slt, %rem3A_286, %lt3A : i32
        %lt3A_290 = arith.constant 0 : i32
        %lt3A_291 = arith.cmpi slt, %select_n3A_285, %lt3A_290 : i32
        %ne3A_292 = arith.xori %lt3A_289, %lt3A_291 : i1
        %and3A_293 = arith.andi %ne3A_292, %ne3A_288 : i1
        %add3A_294 = arith.addi %rem3A_286, %select_n3A_285 : i32
        %select_n3A_295 = arith.select %and3A_293, %add3A_294, %rem3A_286 : i32
        %mul3A_296 = arith.constant 16 : i32
        %mul3A_297 = arith.muli %select_n3A_295, %mul3A_296 : i32
        %get3A = arith.index_cast %select_n3A_281 : i32 to index
        %get3A_298 = arith.index_cast %mul3A_297 : i32 to index
        %get3A_299 = tpu.vector_load %arg7[%get3A, %get3A_298] {strides = array<i32>} : memref<8x128xi32, #tpu.memory_space<vmem>>, vector<16xi32>,
        %sub3A_300 = vector.broadcast %mul3A_0 : i32 to vector<16xi32>
        %sub3A_301 = arith.subi %get3A_299, %sub3A_300 : vector<16xi32>
        %ge3A = arith.constant 0 : i32
        %ge3A_302 = vector.broadcast %ge3A : i32 to vector<16xi32>
        %ge3A_303 = arith.cmpi sge, %sub3A_301, %ge3A_302 : vector<16xi32>
        %lt3A_304 = arith.constant 25000 : i32
        %lt3A_305 = vector.broadcast %lt3A_304 : i32 to vector<16xi32>
        %lt3A_306 = arith.cmpi slt, %sub3A_301, %lt3A_305 : vector<16xi32>
        %and3A_307 = arith.andi %ge3A_303, %lt3A_306 : vector<16xi1>
        %mul3A_308 = arith.constant 16 : i32
        %mul3A_309 = arith.muli %select_n3A_295, %mul3A_308 : i32
        %get3A_310 = arith.index_cast %select_n3A_281 : i32 to index
        %get3A_311 = arith.index_cast %mul3A_309 : i32 to index
        %get3A_312 = tpu.vector_load %arg6[%get3A_310, %get3A_311] {strides = array<i32>} : memref<8x128xi32, #tpu.memory_space<vmem>>, vector<16xi32>,
        %mul3A_313 = arith.constant 65536 : i32
        %mul3A_314 = vector.broadcast %mul3A_313 : i32 to vector<16xi32>
        %mul3A_315 = arith.muli %sub3A_301, %mul3A_314 : vector<16xi32>
        %add3A_316 = arith.addi %mul3A_315, %get3A_312 : vector<16xi32>
        %broadcast_in_dim3A_317 = vector.broadcast %scan3A_144 : i32 to vector<16xi32>
        %select_n3A_318 = arith.select %and3A_307, %add3A_316, %broadcast_in_dim3A_317 : vector<16xi1>, vector<16xi32>
        %sort3A = arith.constant dense<true> : vector<16xi1>
        %sort3A_319, %sort3A_320, %sort3A_321 = tpu.sort %select_n3A_318, %select_n3A_318 masked %sort3A : (vector<16xi32>, vector<16xi32>, vector<16xi1>) -> (vector<16xi1>, vector<16xi32>, vector<16xi32>)
        %shift_right_logical3A = arith.constant 16 : i32
        %shift_right_logical3A_322 = vector.broadcast %shift_right_logical3A : i32 to vector<16xi32>
        %shift_right_logical3A_323 = arith.shrui %sort3A_320, %shift_right_logical3A_322 : vector<16xi32>
        %swap3A_324 = arith.index_cast %scan3A_257 : i32 to index
        %swap3A_325 = tpu.vector_load %arg9[%swap3A_324] {strides = array<i32>} : memref<1280xi32, #tpu.memory_space<vmem>>, vector<16xi32>,
        tpu.vector_store %arg9[%swap3A_324], %shift_right_logical3A_323 {strides = array<i32>} : memref<1280xi32, #tpu.memory_space<vmem>>, vector<16xi32>,
        %and3A_326 = arith.constant 65535 : i32
        %and3A_327 = vector.broadcast %and3A_326 : i32 to vector<16xi32>
        %and3A_328 = arith.andi %sort3A_320, %and3A_327 : vector<16xi32>
        %swap3A_329 = arith.index_cast %scan3A_257 : i32 to index
        %swap3A_330 = tpu.vector_load %arg8[%swap3A_329] {strides = array<i32>} : memref<1280xi32, #tpu.memory_space<vmem>>, vector<16xi32>,
        tpu.vector_store %arg8[%swap3A_329], %and3A_328 {strides = array<i32>} : memref<1280xi32, #tpu.memory_space<vmem>>, vector<16xi32>,
        %convert_element_type3A_331 = arith.extui %and3A_307 : vector<16xi1> to vector<16xi32>
        %reduce_sum3A = arith.constant true
        %reduce_sum3A_332 = vector.broadcast %reduce_sum3A : i1 to vector<16xi1>
        %reduce_sum3A_333 = tpu.scan <sum>, %convert_element_type3A_331 masked %reduce_sum3A_332 : vector<16xi32>, vector<16xi1> -> vector<16xi32>
        %reduce_sum3A_334 = vector.extract %reduce_sum3A_333[15] : i32 from vector<16xi32>
        %add3A_335 = arith.addi %scan3A_257, %reduce_sum3A_334 : i32
        scf.yield %add3A_335 : i32
      }
      %scan3A_150 = arith.constant 64 : i32
      %jit3A = arith.constant 128 : i32
      %div3A = arith.divsi %scan3A_149, %jit3A : i32
      %sign3A = arith.constant 0 : i32
      %sign3A_151 = arith.cmpi sgt, %scan3A_149, %sign3A : i32
      %sign3A_152 = arith.extui %sign3A_151 : i1 to i32
      %sign3A_153 = arith.constant 0 : i32
      %sign3A_154 = arith.cmpi slt, %scan3A_149, %sign3A_153 : i32
      %sign3A_155 = arith.extui %sign3A_154 : i1 to i32
      %sign3A_156 = arith.subi %sign3A_152, %sign3A_155 : i32
      %sign3A_157 = arith.constant 0 : i32
      %sign3A_158 = arith.cmpi sgt, %jit3A, %sign3A_157 : i32
      %sign3A_159 = arith.extui %sign3A_158 : i1 to i32
      %sign3A_160 = arith.constant 0 : i32
      %sign3A_161 = arith.cmpi slt, %jit3A, %sign3A_160 : i32
      %sign3A_162 = arith.extui %sign3A_161 : i1 to i32
      %sign3A_163 = arith.subi %sign3A_159, %sign3A_162 : i32
      %ne3A = arith.cmpi ne, %sign3A_156, %sign3A_163 : i32
      %rem3A = arith.remsi %scan3A_149, %jit3A : i32
      %ne3A_164 = arith.constant 0 : i32
      %ne3A_165 = arith.cmpi ne, %rem3A, %ne3A_164 : i32
      %and3A = arith.andi %ne3A, %ne3A_165 : i1
      %sub3A = arith.constant 1 : i32
      %sub3A_166 = arith.subi %div3A, %sub3A : i32
      %select_n3A = arith.select %and3A, %sub3A_166, %div3A : i32
      %gt3A_167 = arith.constant 0 : i32
      %gt3A_168 = arith.cmpi sgt, %select_n3A, %gt3A_167 : i32
      %convert_element_type3A_169 = arith.extui %gt3A_168 : i1 to i32
      %cond3A_170 = arith.constant 0 : i32
      %cond3A_171 = arith.cmpi ne, %convert_element_type3A_169, %cond3A_170 : i32
      scf.if %cond3A_171 {
        %rem3A_256 = arith.constant 0 : i32
        %rem3A_257 = arith.constant 9 : i32
        %rem3A_258 = arith.remsi %rem3A_256, %rem3A_257 : i32
        %mul3A_259 = arith.constant 128 : i32
        %mul3A_260 = arith.muli %rem3A_258, %mul3A_259 : i32
        %dma_start3A = arith.constant 0 : i32
        %dma_start3A_261 = tpu.memref_slice %arg10[%mul3A_260, %dma_start3A] : memref<1152x16xf32, #tpu.memory_space<vmem>> -> memref<128x16xf32, #tpu.memory_space<vmem>>
        %dma_start3A_262 = arith.constant 0 : i32
        %dma_start3A_263 = tpu.memref_slice %arg8[%dma_start3A_262] : memref<1280xi32, #tpu.memory_space<vmem>> -> memref<128xi32, #tpu.memory_space<vmem>>
        %dma_start3A_264 = arith.constant 0 : i32
        %dma_start3A_265 = arith.constant 0 : i32
        %dma_start3A_266 = tpu.memref_slice %arg2[%dma_start3A_264, %dma_start3A_265] : memref<50000x16xf32, #tpu.memory_space<hbm>> -> memref<50000x16xf32, #tpu.memory_space<hbm>>
        tpu.enqueue_indirect_dma source(%dma_start3A_266 : memref<50000x16xf32, #tpu.memory_space<hbm>>) target(%dma_start3A_261 : memref<128x16xf32, #tpu.memory_space<vmem>>) offsets(%dma_start3A_263 : memref<128xi32, #tpu.memory_space<vmem>>) semaphore(%arg12 : memref<!tpu.dma_semaphore, #tpu.memory_space<semaphore_mem>>)
      } else {
      }
      %gt3A_172 = arith.constant 1 : i32
      %gt3A_173 = arith.cmpi sgt, %select_n3A, %gt3A_172 : i32
      %convert_element_type3A_174 = arith.extui %gt3A_173 : i1 to i32
      %cond3A_175 = arith.constant 0 : i32
      %cond3A_176 = arith.cmpi ne, %convert_element_type3A_174, %cond3A_175 : i32
      scf.if %cond3A_176 {
        %rem3A_256 = arith.constant 1 : i32
        %rem3A_257 = arith.constant 9 : i32
        %rem3A_258 = arith.remsi %rem3A_256, %rem3A_257 : i32
        %mul3A_259 = arith.constant 128 : i32
        %mul3A_260 = arith.muli %rem3A_258, %mul3A_259 : i32
        %dma_start3A = arith.constant 0 : i32
        %dma_start3A_261 = tpu.memref_slice %arg10[%mul3A_260, %dma_start3A] : memref<1152x16xf32, #tpu.memory_space<vmem>> -> memref<128x16xf32, #tpu.memory_space<vmem>>
        %dma_start3A_262 = arith.constant 128 : i32
        %dma_start3A_263 = tpu.memref_slice %arg8[%dma_start3A_262] : memref<1280xi32, #tpu.memory_space<vmem>> -> memref<128xi32, #tpu.memory_space<vmem>>
        %dma_start3A_264 = arith.constant 0 : i32
        %dma_start3A_265 = arith.constant 0 : i32
        %dma_start3A_266 = tpu.memref_slice %arg2[%dma_start3A_264, %dma_start3A_265] : memref<50000x16xf32, #tpu.memory_space<hbm>> -> memref<50000x16xf32, #tpu.memory_space<hbm>>
        tpu.enqueue_indirect_dma source(%dma_start3A_266 : memref<50000x16xf32, #tpu.memory_space<hbm>>) target(%dma_start3A_261 : memref<128x16xf32, #tpu.memory_space<vmem>>) offsets(%dma_start3A_263 : memref<128xi32, #tpu.memory_space<vmem>>) semaphore(%arg12 : memref<!tpu.dma_semaphore, #tpu.memory_space<semaphore_mem>>)
      } else {
      }
      %gt3A_177 = arith.constant 2 : i32
      %gt3A_178 = arith.cmpi sgt, %select_n3A, %gt3A_177 : i32
      %convert_element_type3A_179 = arith.extui %gt3A_178 : i1 to i32
      %cond3A_180 = arith.constant 0 : i32
      %cond3A_181 = arith.cmpi ne, %convert_element_type3A_179, %cond3A_180 : i32
      scf.if %cond3A_181 {
        %rem3A_256 = arith.constant 2 : i32
        %rem3A_257 = arith.constant 9 : i32
        %rem3A_258 = arith.remsi %rem3A_256, %rem3A_257 : i32
        %mul3A_259 = arith.constant 128 : i32
        %mul3A_260 = arith.muli %rem3A_258, %mul3A_259 : i32
        %dma_start3A = arith.constant 0 : i32
        %dma_start3A_261 = tpu.memref_slice %arg10[%mul3A_260, %dma_start3A] : memref<1152x16xf32, #tpu.memory_space<vmem>> -> memref<128x16xf32, #tpu.memory_space<vmem>>
        %dma_start3A_262 = arith.constant 256 : i32
        %dma_start3A_263 = tpu.memref_slice %arg8[%dma_start3A_262] : memref<1280xi32, #tpu.memory_space<vmem>> -> memref<128xi32, #tpu.memory_space<vmem>>
        %dma_start3A_264 = arith.constant 0 : i32
        %dma_start3A_265 = arith.constant 0 : i32
        %dma_start3A_266 = tpu.memref_slice %arg2[%dma_start3A_264, %dma_start3A_265] : memref<50000x16xf32, #tpu.memory_space<hbm>> -> memref<50000x16xf32, #tpu.memory_space<hbm>>
        tpu.enqueue_indirect_dma source(%dma_start3A_266 : memref<50000x16xf32, #tpu.memory_space<hbm>>) target(%dma_start3A_261 : memref<128x16xf32, #tpu.memory_space<vmem>>) offsets(%dma_start3A_263 : memref<128xi32, #tpu.memory_space<vmem>>) semaphore(%arg12 : memref<!tpu.dma_semaphore, #tpu.memory_space<semaphore_mem>>)
      } else {
      }
      %gt3A_182 = arith.constant 3 : i32
      %gt3A_183 = arith.cmpi sgt, %select_n3A, %gt3A_182 : i32
      %convert_element_type3A_184 = arith.extui %gt3A_183 : i1 to i32
      %cond3A_185 = arith.constant 0 : i32
      %cond3A_186 = arith.cmpi ne, %convert_element_type3A_184, %cond3A_185 : i32
      scf.if %cond3A_186 {
        %rem3A_256 = arith.constant 3 : i32
        %rem3A_257 = arith.constant 9 : i32
        %rem3A_258 = arith.remsi %rem3A_256, %rem3A_257 : i32
        %mul3A_259 = arith.constant 128 : i32
        %mul3A_260 = arith.muli %rem3A_258, %mul3A_259 : i32
        %dma_start3A = arith.constant 0 : i32
        %dma_start3A_261 = tpu.memref_slice %arg10[%mul3A_260, %dma_start3A] : memref<1152x16xf32, #tpu.memory_space<vmem>> -> memref<128x16xf32, #tpu.memory_space<vmem>>
        %dma_start3A_262 = arith.constant 384 : i32
        %dma_start3A_263 = tpu.memref_slice %arg8[%dma_start3A_262] : memref<1280xi32, #tpu.memory_space<vmem>> -> memref<128xi32, #tpu.memory_space<vmem>>
        %dma_start3A_264 = arith.constant 0 : i32
        %dma_start3A_265 = arith.constant 0 : i32
        %dma_start3A_266 = tpu.memref_slice %arg2[%dma_start3A_264, %dma_start3A_265] : memref<50000x16xf32, #tpu.memory_space<hbm>> -> memref<50000x16xf32, #tpu.memory_space<hbm>>
        tpu.enqueue_indirect_dma source(%dma_start3A_266 : memref<50000x16xf32, #tpu.memory_space<hbm>>) target(%dma_start3A_261 : memref<128x16xf32, #tpu.memory_space<vmem>>) offsets(%dma_start3A_263 : memref<128xi32, #tpu.memory_space<vmem>>) semaphore(%arg12 : memref<!tpu.dma_semaphore, #tpu.memory_space<semaphore_mem>>)
      } else {
      }
      %gt3A_187 = arith.constant 4 : i32
      %gt3A_188 = arith.cmpi sgt, %select_n3A, %gt3A_187 : i32
      %convert_element_type3A_189 = arith.extui %gt3A_188 : i1 to i32
      %cond3A_190 = arith.constant 0 : i32
      %cond3A_191 = arith.cmpi ne, %convert_element_type3A_189, %cond3A_190 : i32
      scf.if %cond3A_191 {
        %rem3A_256 = arith.constant 4 : i32
        %rem3A_257 = arith.constant 9 : i32
        %rem3A_258 = arith.remsi %rem3A_256, %rem3A_257 : i32
        %mul3A_259 = arith.constant 128 : i32
        %mul3A_260 = arith.muli %rem3A_258, %mul3A_259 : i32
        %dma_start3A = arith.constant 0 : i32
        %dma_start3A_261 = tpu.memref_slice %arg10[%mul3A_260, %dma_start3A] : memref<1152x16xf32, #tpu.memory_space<vmem>> -> memref<128x16xf32, #tpu.memory_space<vmem>>
        %dma_start3A_262 = arith.constant 512 : i32
        %dma_start3A_263 = tpu.memref_slice %arg8[%dma_start3A_262] : memref<1280xi32, #tpu.memory_space<vmem>> -> memref<128xi32, #tpu.memory_space<vmem>>
        %dma_start3A_264 = arith.constant 0 : i32
        %dma_start3A_265 = arith.constant 0 : i32
        %dma_start3A_266 = tpu.memref_slice %arg2[%dma_start3A_264, %dma_start3A_265] : memref<50000x16xf32, #tpu.memory_space<hbm>> -> memref<50000x16xf32, #tpu.memory_space<hbm>>
        tpu.enqueue_indirect_dma source(%dma_start3A_266 : memref<50000x16xf32, #tpu.memory_space<hbm>>) target(%dma_start3A_261 : memref<128x16xf32, #tpu.memory_space<vmem>>) offsets(%dma_start3A_263 : memref<128xi32, #tpu.memory_space<vmem>>) semaphore(%arg12 : memref<!tpu.dma_semaphore, #tpu.memory_space<semaphore_mem>>)
      } else {
      }
      %gt3A_192 = arith.constant 5 : i32
      %gt3A_193 = arith.cmpi sgt, %select_n3A, %gt3A_192 : i32
      %convert_element_type3A_194 = arith.extui %gt3A_193 : i1 to i32
      %cond3A_195 = arith.constant 0 : i32
      %cond3A_196 = arith.cmpi ne, %convert_element_type3A_194, %cond3A_195 : i32
      scf.if %cond3A_196 {
        %rem3A_256 = arith.constant 5 : i32
        %rem3A_257 = arith.constant 9 : i32
        %rem3A_258 = arith.remsi %rem3A_256, %rem3A_257 : i32
        %mul3A_259 = arith.constant 128 : i32
        %mul3A_260 = arith.muli %rem3A_258, %mul3A_259 : i32
        %dma_start3A = arith.constant 0 : i32
        %dma_start3A_261 = tpu.memref_slice %arg10[%mul3A_260, %dma_start3A] : memref<1152x16xf32, #tpu.memory_space<vmem>> -> memref<128x16xf32, #tpu.memory_space<vmem>>
        %dma_start3A_262 = arith.constant 640 : i32
        %dma_start3A_263 = tpu.memref_slice %arg8[%dma_start3A_262] : memref<1280xi32, #tpu.memory_space<vmem>> -> memref<128xi32, #tpu.memory_space<vmem>>
        %dma_start3A_264 = arith.constant 0 : i32
        %dma_start3A_265 = arith.constant 0 : i32
        %dma_start3A_266 = tpu.memref_slice %arg2[%dma_start3A_264, %dma_start3A_265] : memref<50000x16xf32, #tpu.memory_space<hbm>> -> memref<50000x16xf32, #tpu.memory_space<hbm>>
        tpu.enqueue_indirect_dma source(%dma_start3A_266 : memref<50000x16xf32, #tpu.memory_space<hbm>>) target(%dma_start3A_261 : memref<128x16xf32, #tpu.memory_space<vmem>>) offsets(%dma_start3A_263 : memref<128xi32, #tpu.memory_space<vmem>>) semaphore(%arg12 : memref<!tpu.dma_semaphore, #tpu.memory_space<semaphore_mem>>)
      } else {
      }
      %gt3A_197 = arith.constant 6 : i32
      %gt3A_198 = arith.cmpi sgt, %select_n3A, %gt3A_197 : i32
      %convert_element_type3A_199 = arith.extui %gt3A_198 : i1 to i32
      %cond3A_200 = arith.constant 0 : i32
      %cond3A_201 = arith.cmpi ne, %convert_element_type3A_199, %cond3A_200 : i32
      scf.if %cond3A_201 {
        %rem3A_256 = arith.constant 6 : i32
        %rem3A_257 = arith.constant 9 : i32
        %rem3A_258 = arith.remsi %rem3A_256, %rem3A_257 : i32
        %mul3A_259 = arith.constant 128 : i32
        %mul3A_260 = arith.muli %rem3A_258, %mul3A_259 : i32
        %dma_start3A = arith.constant 0 : i32
        %dma_start3A_261 = tpu.memref_slice %arg10[%mul3A_260, %dma_start3A] : memref<1152x16xf32, #tpu.memory_space<vmem>> -> memref<128x16xf32, #tpu.memory_space<vmem>>
        %dma_start3A_262 = arith.constant 768 : i32
        %dma_start3A_263 = tpu.memref_slice %arg8[%dma_start3A_262] : memref<1280xi32, #tpu.memory_space<vmem>> -> memref<128xi32, #tpu.memory_space<vmem>>
        %dma_start3A_264 = arith.constant 0 : i32
        %dma_start3A_265 = arith.constant 0 : i32
        %dma_start3A_266 = tpu.memref_slice %arg2[%dma_start3A_264, %dma_start3A_265] : memref<50000x16xf32, #tpu.memory_space<hbm>> -> memref<50000x16xf32, #tpu.memory_space<hbm>>
        tpu.enqueue_indirect_dma source(%dma_start3A_266 : memref<50000x16xf32, #tpu.memory_space<hbm>>) target(%dma_start3A_261 : memref<128x16xf32, #tpu.memory_space<vmem>>) offsets(%dma_start3A_263 : memref<128xi32, #tpu.memory_space<vmem>>) semaphore(%arg12 : memref<!tpu.dma_semaphore, #tpu.memory_space<semaphore_mem>>)
      } else {
      }
      %gt3A_202 = arith.constant 7 : i32
      %gt3A_203 = arith.cmpi sgt, %select_n3A, %gt3A_202 : i32
      %convert_element_type3A_204 = arith.extui %gt3A_203 : i1 to i32
      %cond3A_205 = arith.constant 0 : i32
      %cond3A_206 = arith.cmpi ne, %convert_element_type3A_204, %cond3A_205 : i32
      scf.if %cond3A_206 {
        %rem3A_256 = arith.constant 7 : i32
        %rem3A_257 = arith.constant 9 : i32
        %rem3A_258 = arith.remsi %rem3A_256, %rem3A_257 : i32
        %mul3A_259 = arith.constant 128 : i32
        %mul3A_260 = arith.muli %rem3A_258, %mul3A_259 : i32
        %dma_start3A = arith.constant 0 : i32
        %dma_start3A_261 = tpu.memref_slice %arg10[%mul3A_260, %dma_start3A] : memref<1152x16xf32, #tpu.memory_space<vmem>> -> memref<128x16xf32, #tpu.memory_space<vmem>>
        %dma_start3A_262 = arith.constant 896 : i32
        %dma_start3A_263 = tpu.memref_slice %arg8[%dma_start3A_262] : memref<1280xi32, #tpu.memory_space<vmem>> -> memref<128xi32, #tpu.memory_space<vmem>>
        %dma_start3A_264 = arith.constant 0 : i32
        %dma_start3A_265 = arith.constant 0 : i32
        %dma_start3A_266 = tpu.memref_slice %arg2[%dma_start3A_264, %dma_start3A_265] : memref<50000x16xf32, #tpu.memory_space<hbm>> -> memref<50000x16xf32, #tpu.memory_space<hbm>>
        tpu.enqueue_indirect_dma source(%dma_start3A_266 : memref<50000x16xf32, #tpu.memory_space<hbm>>) target(%dma_start3A_261 : memref<128x16xf32, #tpu.memory_space<vmem>>) offsets(%dma_start3A_263 : memref<128xi32, #tpu.memory_space<vmem>>) semaphore(%arg12 : memref<!tpu.dma_semaphore, #tpu.memory_space<semaphore_mem>>)
      } else {
      }
      %while3A = arith.constant 0 : i32
      %while3A_207 = arith.constant 0 : i32
      %while3A_208 = arith.subi %select_n3A, %while3A : i32
      %while3A_209 = arith.addi %while3A, %while3A_208 : i32
      %while3A_210 = arith.constant 1 : i32
      %while3A_211 = arith.divsi %while3A_208, %while3A_210 : i32
      %while3A_212 = arith.muli %while3A_211, %while3A_210 : i32
      %while3A_213 = arith.addi %while3A, %while3A_212 : i32
      %while3A_214 = arith.constant 1 : i32
      %while3A_215 = scf.for %while3A_256 = %while3A to %while3A_213 step %while3A_214 iter_args(%while3A_257 = %while3A_207) -> (i32)  : i32 {
        %dma_wait3A = arith.constant 0 : i32
        %dma_wait3A_258 = arith.constant 0 : i32
        %dma_wait3A_259 = tpu.memref_slice %arg10[%dma_wait3A, %dma_wait3A_258] : memref<1152x16xf32, #tpu.memory_space<vmem>> -> memref<128x16xf32, #tpu.memory_space<vmem>>
        %dma_wait3A_260 = arith.constant 0 : i32
        %dma_wait3A_261 = tpu.memref_slice %arg8[%dma_wait3A_260] : memref<1280xi32, #tpu.memory_space<vmem>> -> memref<128xi32, #tpu.memory_space<vmem>>
        %dma_wait3A_262 = arith.constant 0 : i32
        %dma_wait3A_263 = arith.constant 0 : i32
        %dma_wait3A_264 = tpu.memref_slice %arg2[%dma_wait3A_262, %dma_wait3A_263] : memref<50000x16xf32, #tpu.memory_space<hbm>> -> memref<50000x16xf32, #tpu.memory_space<hbm>>
        tpu.wait_indirect_dma semaphore(%arg12 : memref<!tpu.dma_semaphore, #tpu.memory_space<semaphore_mem>>) src(%dma_wait3A_264 : memref<50000x16xf32, #tpu.memory_space<hbm>>) dst(%dma_wait3A_259 : memref<128x16xf32, #tpu.memory_space<vmem>>)
        %rem3A_265 = arith.constant 9 : i32
        %rem3A_266 = arith.remsi %while3A_256, %rem3A_265 : i32
        %mul3A_267 = arith.constant 128 : i32
        %mul3A_268 = arith.muli %rem3A_266, %mul3A_267 : i32
        %mul3A_269 = arith.constant 128 : i32
        %mul3A_270 = arith.muli %while3A_256, %mul3A_269 : i32
        %dma_start3A = arith.constant 0 : i32
        %dma_start3A_271 = tpu.memref_slice %arg10[%mul3A_268, %dma_start3A] : memref<1152x16xf32, #tpu.memory_space<vmem>> -> memref<128x16xf32, #tpu.memory_space<vmem>>
        %dma_start3A_272 = tpu.memref_slice %arg9[%mul3A_270] : memref<1280xi32, #tpu.memory_space<vmem>> -> memref<128xi32, #tpu.memory_space<vmem>>
        %dma_start3A_273 = arith.constant 0 : i32
        %dma_start3A_274 = arith.constant 0 : i32
        %dma_start3A_275 = tpu.memref_slice %arg11[%dma_start3A_273, %dma_start3A_274] : memref<26000x16xf32, #tpu.memory_space<vmem_shared>> -> memref<26000x16xf32, #tpu.memory_space<vmem_shared>>
        tpu.enqueue_indirect_dma source(%dma_start3A_271 : memref<128x16xf32, #tpu.memory_space<vmem>>) target(%dma_start3A_275 : memref<26000x16xf32, #tpu.memory_space<vmem_shared>>) offsets(%dma_start3A_272 : memref<128xi32, #tpu.memory_space<vmem>>) semaphore(%arg13 : memref<!tpu.dma_semaphore, #tpu.memory_space<semaphore_mem>>) {add = true}
        %ge3A = arith.constant 6 : i32
        %ge3A_276 = arith.cmpi sge, %while3A_256, %ge3A : i32
        %convert_element_type3A_277 = arith.extui %ge3A_276 : i1 to i32
        %cond3A_278 = arith.constant 0 : i32
        %cond3A_279 = arith.cmpi ne, %convert_element_type3A_277, %cond3A_278 : i32
        scf.if %cond3A_279 {
          %dma_wait3A_288 = arith.constant 0 : i32
          %dma_wait3A_289 = arith.constant 0 : i32
          %dma_wait3A_290 = tpu.memref_slice %arg10[%dma_wait3A_288, %dma_wait3A_289] : memref<1152x16xf32, #tpu.memory_space<vmem>> -> memref<128x16xf32, #tpu.memory_space<vmem>>
          %dma_wait3A_291 = arith.constant 0 : i32
          %dma_wait3A_292 = tpu.memref_slice %arg9[%dma_wait3A_291] : memref<1280xi32, #tpu.memory_space<vmem>> -> memref<128xi32, #tpu.memory_space<vmem>>
          %dma_wait3A_293 = arith.constant 0 : i32
          %dma_wait3A_294 = arith.constant 0 : i32
          %dma_wait3A_295 = tpu.memref_slice %arg11[%dma_wait3A_293, %dma_wait3A_294] : memref<26000x16xf32, #tpu.memory_space<vmem_shared>> -> memref<26000x16xf32, #tpu.memory_space<vmem_shared>>
          tpu.wait_indirect_dma semaphore(%arg13 : memref<!tpu.dma_semaphore, #tpu.memory_space<semaphore_mem>>) src(%dma_wait3A_290 : memref<128x16xf32, #tpu.memory_space<vmem>>) dst(%dma_wait3A_295 : memref<26000x16xf32, #tpu.memory_space<vmem_shared>>)
        } else {
        }
        %add3A_280 = arith.constant 9 : i32
        %add3A_281 = arith.addi %while3A_256, %add3A_280 : i32
        %sub3A_282 = arith.constant 1 : i32
        %sub3A_283 = arith.subi %add3A_281, %sub3A_282 : i32
        %lt3A = arith.cmpi slt, %sub3A_283, %select_n3A : i32
        %convert_element_type3A_284 = arith.extui %lt3A : i1 to i32
        %cond3A_285 = arith.constant 0 : i32
        %cond3A_286 = arith.cmpi ne, %convert_element_type3A_284, %cond3A_285 : i32
        scf.if %cond3A_286 {
          %add3A_288 = arith.constant 9 : i32
          %add3A_289 = arith.addi %while3A_256, %add3A_288 : i32
          %sub3A_290 = arith.constant 1 : i32
          %sub3A_291 = arith.subi %add3A_289, %sub3A_290 : i32
          %mul3A_292 = arith.constant 128 : i32
          %mul3A_293 = arith.muli %sub3A_291, %mul3A_292 : i32
          %rem3A_294 = arith.constant 9 : i32
          %rem3A_295 = arith.remsi %sub3A_291, %rem3A_294 : i32
          %mul3A_296 = arith.constant 128 : i32
          %mul3A_297 = arith.muli %rem3A_295, %mul3A_296 : i32
          %dma_start3A_298 = arith.constant 0 : i32
          %dma_start3A_299 = tpu.memref_slice %arg10[%mul3A_297, %dma_start3A_298] : memref<1152x16xf32, #tpu.memory_space<vmem>> -> memref<128x16xf32, #tpu.memory_space<vmem>>
          %dma_start3A_300 = tpu.memref_slice %arg8[%mul3A_293] : memref<1280xi32, #tpu.memory_space<vmem>> -> memref<128xi32, #tpu.memory_space<vmem>>
          %dma_start3A_301 = arith.constant 0 : i32
          %dma_start3A_302 = arith.constant 0 : i32
          %dma_start3A_303 = tpu.memref_slice %arg2[%dma_start3A_301, %dma_start3A_302] : memref<50000x16xf32, #tpu.memory_space<hbm>> -> memref<50000x16xf32, #tpu.memory_space<hbm>>
          tpu.enqueue_indirect_dma source(%dma_start3A_303 : memref<50000x16xf32, #tpu.memory_space<hbm>>) target(%dma_start3A_299 : memref<128x16xf32, #tpu.memory_space<vmem>>) offsets(%dma_start3A_300 : memref<128xi32, #tpu.memory_space<vmem>>) semaphore(%arg12 : memref<!tpu.dma_semaphore, #tpu.memory_space<semaphore_mem>>)
        } else {
        }
        %while3A_287 = arith.constant 0 : i32
        scf.yield %while3A_287 : i32
      }
      %while3A_216 = arith.constant 1 : i32
      %while3A_217 = scf.for %while3A_256 = %while3A_213 to %while3A_209 step %while3A_216 iter_args(%while3A_257 = %while3A_215) -> (i32)  : i32 {
        %dma_wait3A = arith.constant 0 : i32
        %dma_wait3A_258 = arith.constant 0 : i32
        %dma_wait3A_259 = tpu.memref_slice %arg10[%dma_wait3A, %dma_wait3A_258] : memref<1152x16xf32, #tpu.memory_space<vmem>> -> memref<128x16xf32, #tpu.memory_space<vmem>>
        %dma_wait3A_260 = arith.constant 0 : i32
        %dma_wait3A_261 = tpu.memref_slice %arg8[%dma_wait3A_260] : memref<1280xi32, #tpu.memory_space<vmem>> -> memref<128xi32, #tpu.memory_space<vmem>>
        %dma_wait3A_262 = arith.constant 0 : i32
        %dma_wait3A_263 = arith.constant 0 : i32
        %dma_wait3A_264 = tpu.memref_slice %arg2[%dma_wait3A_262, %dma_wait3A_263] : memref<50000x16xf32, #tpu.memory_space<hbm>> -> memref<50000x16xf32, #tpu.memory_space<hbm>>
        tpu.wait_indirect_dma semaphore(%arg12 : memref<!tpu.dma_semaphore, #tpu.memory_space<semaphore_mem>>) src(%dma_wait3A_264 : memref<50000x16xf32, #tpu.memory_space<hbm>>) dst(%dma_wait3A_259 : memref<128x16xf32, #tpu.memory_space<vmem>>)
        %rem3A_265 = arith.constant 9 : i32
        %rem3A_266 = arith.remsi %while3A_256, %rem3A_265 : i32
        %mul3A_267 = arith.constant 128 : i32
        %mul3A_268 = arith.muli %rem3A_266, %mul3A_267 : i32
        %mul3A_269 = arith.constant 128 : i32
        %mul3A_270 = arith.muli %while3A_256, %mul3A_269 : i32
        %dma_start3A = arith.constant 0 : i32
        %dma_start3A_271 = tpu.memref_slice %arg10[%mul3A_268, %dma_start3A] : memref<1152x16xf32, #tpu.memory_space<vmem>> -> memref<128x16xf32, #tpu.memory_space<vmem>>
        %dma_start3A_272 = tpu.memref_slice %arg9[%mul3A_270] : memref<1280xi32, #tpu.memory_space<vmem>> -> memref<128xi32, #tpu.memory_space<vmem>>
        %dma_start3A_273 = arith.constant 0 : i32
        %dma_start3A_274 = arith.constant 0 : i32
        %dma_start3A_275 = tpu.memref_slice %arg11[%dma_start3A_273, %dma_start3A_274] : memref<26000x16xf32, #tpu.memory_space<vmem_shared>> -> memref<26000x16xf32, #tpu.memory_space<vmem_shared>>
        tpu.enqueue_indirect_dma source(%dma_start3A_271 : memref<128x16xf32, #tpu.memory_space<vmem>>) target(%dma_start3A_275 : memref<26000x16xf32, #tpu.memory_space<vmem_shared>>) offsets(%dma_start3A_272 : memref<128xi32, #tpu.memory_space<vmem>>) semaphore(%arg13 : memref<!tpu.dma_semaphore, #tpu.memory_space<semaphore_mem>>) {add = true}
        %ge3A = arith.constant 6 : i32
        %ge3A_276 = arith.cmpi sge, %while3A_256, %ge3A : i32
        %convert_element_type3A_277 = arith.extui %ge3A_276 : i1 to i32
        %cond3A_278 = arith.constant 0 : i32
        %cond3A_279 = arith.cmpi ne, %convert_element_type3A_277, %cond3A_278 : i32
        scf.if %cond3A_279 {
          %dma_wait3A_288 = arith.constant 0 : i32
          %dma_wait3A_289 = arith.constant 0 : i32
          %dma_wait3A_290 = tpu.memref_slice %arg10[%dma_wait3A_288, %dma_wait3A_289] : memref<1152x16xf32, #tpu.memory_space<vmem>> -> memref<128x16xf32, #tpu.memory_space<vmem>>
          %dma_wait3A_291 = arith.constant 0 : i32
          %dma_wait3A_292 = tpu.memref_slice %arg9[%dma_wait3A_291] : memref<1280xi32, #tpu.memory_space<vmem>> -> memref<128xi32, #tpu.memory_space<vmem>>
          %dma_wait3A_293 = arith.constant 0 : i32
          %dma_wait3A_294 = arith.constant 0 : i32
          %dma_wait3A_295 = tpu.memref_slice %arg11[%dma_wait3A_293, %dma_wait3A_294] : memref<26000x16xf32, #tpu.memory_space<vmem_shared>> -> memref<26000x16xf32, #tpu.memory_space<vmem_shared>>
          tpu.wait_indirect_dma semaphore(%arg13 : memref<!tpu.dma_semaphore, #tpu.memory_space<semaphore_mem>>) src(%dma_wait3A_290 : memref<128x16xf32, #tpu.memory_space<vmem>>) dst(%dma_wait3A_295 : memref<26000x16xf32, #tpu.memory_space<vmem_shared>>)
        } else {
        }
        %add3A_280 = arith.constant 9 : i32
        %add3A_281 = arith.addi %while3A_256, %add3A_280 : i32
        %sub3A_282 = arith.constant 1 : i32
        %sub3A_283 = arith.subi %add3A_281, %sub3A_282 : i32
        %lt3A = arith.cmpi slt, %sub3A_283, %select_n3A : i32
        %convert_element_type3A_284 = arith.extui %lt3A : i1 to i32
        %cond3A_285 = arith.constant 0 : i32
        %cond3A_286 = arith.cmpi ne, %convert_element_type3A_284, %cond3A_285 : i32
        scf.if %cond3A_286 {
          %add3A_288 = arith.constant 9 : i32
          %add3A_289 = arith.addi %while3A_256, %add3A_288 : i32
          %sub3A_290 = arith.constant 1 : i32
          %sub3A_291 = arith.subi %add3A_289, %sub3A_290 : i32
          %mul3A_292 = arith.constant 128 : i32
          %mul3A_293 = arith.muli %sub3A_291, %mul3A_292 : i32
          %rem3A_294 = arith.constant 9 : i32
          %rem3A_295 = arith.remsi %sub3A_291, %rem3A_294 : i32
          %mul3A_296 = arith.constant 128 : i32
          %mul3A_297 = arith.muli %rem3A_295, %mul3A_296 : i32
          %dma_start3A_298 = arith.constant 0 : i32
          %dma_start3A_299 = tpu.memref_slice %arg10[%mul3A_297, %dma_start3A_298] : memref<1152x16xf32, #tpu.memory_space<vmem>> -> memref<128x16xf32, #tpu.memory_space<vmem>>
          %dma_start3A_300 = tpu.memref_slice %arg8[%mul3A_293] : memref<1280xi32, #tpu.memory_space<vmem>> -> memref<128xi32, #tpu.memory_space<vmem>>
          %dma_start3A_301 = arith.constant 0 : i32
          %dma_start3A_302 = arith.constant 0 : i32
          %dma_start3A_303 = tpu.memref_slice %arg2[%dma_start3A_301, %dma_start3A_302] : memref<50000x16xf32, #tpu.memory_space<hbm>> -> memref<50000x16xf32, #tpu.memory_space<hbm>>
          tpu.enqueue_indirect_dma source(%dma_start3A_303 : memref<50000x16xf32, #tpu.memory_space<hbm>>) target(%dma_start3A_299 : memref<128x16xf32, #tpu.memory_space<vmem>>) offsets(%dma_start3A_300 : memref<128xi32, #tpu.memory_space<vmem>>) semaphore(%arg12 : memref<!tpu.dma_semaphore, #tpu.memory_space<semaphore_mem>>)
        } else {
        }
        %while3A_287 = arith.constant 0 : i32
        scf.yield %while3A_287 : i32
      }
      %gt3A_218 = arith.constant 0 : i32
      %gt3A_219 = arith.cmpi sgt, %select_n3A, %gt3A_218 : i32
      %convert_element_type3A_220 = arith.extui %gt3A_219 : i1 to i32
      %cond3A_221 = arith.constant 0 : i32
      %cond3A_222 = arith.cmpi ne, %convert_element_type3A_220, %cond3A_221 : i32
      scf.if %cond3A_222 {
        %dma_wait3A = arith.constant 0 : i32
        %dma_wait3A_256 = arith.constant 0 : i32
        %dma_wait3A_257 = tpu.memref_slice %arg10[%dma_wait3A, %dma_wait3A_256] : memref<1152x16xf32, #tpu.memory_space<vmem>> -> memref<128x16xf32, #tpu.memory_space<vmem>>
        %dma_wait3A_258 = arith.constant 0 : i32
        %dma_wait3A_259 = tpu.memref_slice %arg9[%dma_wait3A_258] : memref<1280xi32, #tpu.memory_space<vmem>> -> memref<128xi32, #tpu.memory_space<vmem>>
        %dma_wait3A_260 = arith.constant 0 : i32
        %dma_wait3A_261 = arith.constant 0 : i32
        %dma_wait3A_262 = tpu.memref_slice %arg11[%dma_wait3A_260, %dma_wait3A_261] : memref<26000x16xf32, #tpu.memory_space<vmem_shared>> -> memref<26000x16xf32, #tpu.memory_space<vmem_shared>>
        tpu.wait_indirect_dma semaphore(%arg13 : memref<!tpu.dma_semaphore, #tpu.memory_space<semaphore_mem>>) src(%dma_wait3A_257 : memref<128x16xf32, #tpu.memory_space<vmem>>) dst(%dma_wait3A_262 : memref<26000x16xf32, #tpu.memory_space<vmem_shared>>)
      } else {
      }
      %gt3A_223 = arith.constant 1 : i32
      %gt3A_224 = arith.cmpi sgt, %select_n3A, %gt3A_223 : i32
      %convert_element_type3A_225 = arith.extui %gt3A_224 : i1 to i32
      %cond3A_226 = arith.constant 0 : i32
      %cond3A_227 = arith.cmpi ne, %convert_element_type3A_225, %cond3A_226 : i32
      scf.if %cond3A_227 {
        %dma_wait3A = arith.constant 0 : i32
        %dma_wait3A_256 = arith.constant 0 : i32
        %dma_wait3A_257 = tpu.memref_slice %arg10[%dma_wait3A, %dma_wait3A_256] : memref<1152x16xf32, #tpu.memory_space<vmem>> -> memref<128x16xf32, #tpu.memory_space<vmem>>
        %dma_wait3A_258 = arith.constant 0 : i32
        %dma_wait3A_259 = tpu.memref_slice %arg9[%dma_wait3A_258] : memref<1280xi32, #tpu.memory_space<vmem>> -> memref<128xi32, #tpu.memory_space<vmem>>
        %dma_wait3A_260 = arith.constant 0 : i32
        %dma_wait3A_261 = arith.constant 0 : i32
        %dma_wait3A_262 = tpu.memref_slice %arg11[%dma_wait3A_260, %dma_wait3A_261] : memref<26000x16xf32, #tpu.memory_space<vmem_shared>> -> memref<26000x16xf32, #tpu.memory_space<vmem_shared>>
        tpu.wait_indirect_dma semaphore(%arg13 : memref<!tpu.dma_semaphore, #tpu.memory_space<semaphore_mem>>) src(%dma_wait3A_257 : memref<128x16xf32, #tpu.memory_space<vmem>>) dst(%dma_wait3A_262 : memref<26000x16xf32, #tpu.memory_space<vmem_shared>>)
      } else {
      }
      %gt3A_228 = arith.constant 2 : i32
      %gt3A_229 = arith.cmpi sgt, %select_n3A, %gt3A_228 : i32
      %convert_element_type3A_230 = arith.extui %gt3A_229 : i1 to i32
      %cond3A_231 = arith.constant 0 : i32
      %cond3A_232 = arith.cmpi ne, %convert_element_type3A_230, %cond3A_231 : i32
      scf.if %cond3A_232 {
        %dma_wait3A = arith.constant 0 : i32
        %dma_wait3A_256 = arith.constant 0 : i32
        %dma_wait3A_257 = tpu.memref_slice %arg10[%dma_wait3A, %dma_wait3A_256] : memref<1152x16xf32, #tpu.memory_space<vmem>> -> memref<128x16xf32, #tpu.memory_space<vmem>>
        %dma_wait3A_258 = arith.constant 0 : i32
        %dma_wait3A_259 = tpu.memref_slice %arg9[%dma_wait3A_258] : memref<1280xi32, #tpu.memory_space<vmem>> -> memref<128xi32, #tpu.memory_space<vmem>>
        %dma_wait3A_260 = arith.constant 0 : i32
        %dma_wait3A_261 = arith.constant 0 : i32
        %dma_wait3A_262 = tpu.memref_slice %arg11[%dma_wait3A_260, %dma_wait3A_261] : memref<26000x16xf32, #tpu.memory_space<vmem_shared>> -> memref<26000x16xf32, #tpu.memory_space<vmem_shared>>
        tpu.wait_indirect_dma semaphore(%arg13 : memref<!tpu.dma_semaphore, #tpu.memory_space<semaphore_mem>>) src(%dma_wait3A_257 : memref<128x16xf32, #tpu.memory_space<vmem>>) dst(%dma_wait3A_262 : memref<26000x16xf32, #tpu.memory_space<vmem_shared>>)
      } else {
      }
      %gt3A_233 = arith.constant 3 : i32
      %gt3A_234 = arith.cmpi sgt, %select_n3A, %gt3A_233 : i32
      %convert_element_type3A_235 = arith.extui %gt3A_234 : i1 to i32
      %cond3A_236 = arith.constant 0 : i32
      %cond3A_237 = arith.cmpi ne, %convert_element_type3A_235, %cond3A_236 : i32
      scf.if %cond3A_237 {
        %dma_wait3A = arith.constant 0 : i32
        %dma_wait3A_256 = arith.constant 0 : i32
        %dma_wait3A_257 = tpu.memref_slice %arg10[%dma_wait3A, %dma_wait3A_256] : memref<1152x16xf32, #tpu.memory_space<vmem>> -> memref<128x16xf32, #tpu.memory_space<vmem>>
        %dma_wait3A_258 = arith.constant 0 : i32
        %dma_wait3A_259 = tpu.memref_slice %arg9[%dma_wait3A_258] : memref<1280xi32, #tpu.memory_space<vmem>> -> memref<128xi32, #tpu.memory_space<vmem>>
        %dma_wait3A_260 = arith.constant 0 : i32
        %dma_wait3A_261 = arith.constant 0 : i32
        %dma_wait3A_262 = tpu.memref_slice %arg11[%dma_wait3A_260, %dma_wait3A_261] : memref<26000x16xf32, #tpu.memory_space<vmem_shared>> -> memref<26000x16xf32, #tpu.memory_space<vmem_shared>>
        tpu.wait_indirect_dma semaphore(%arg13 : memref<!tpu.dma_semaphore, #tpu.memory_space<semaphore_mem>>) src(%dma_wait3A_257 : memref<128x16xf32, #tpu.memory_space<vmem>>) dst(%dma_wait3A_262 : memref<26000x16xf32, #tpu.memory_space<vmem_shared>>)
      } else {
      }
      %gt3A_238 = arith.constant 4 : i32
      %gt3A_239 = arith.cmpi sgt, %select_n3A, %gt3A_238 : i32
      %convert_element_type3A_240 = arith.extui %gt3A_239 : i1 to i32
      %cond3A_241 = arith.constant 0 : i32
      %cond3A_242 = arith.cmpi ne, %convert_element_type3A_240, %cond3A_241 : i32
      scf.if %cond3A_242 {
        %dma_wait3A = arith.constant 0 : i32
        %dma_wait3A_256 = arith.constant 0 : i32
        %dma_wait3A_257 = tpu.memref_slice %arg10[%dma_wait3A, %dma_wait3A_256] : memref<1152x16xf32, #tpu.memory_space<vmem>> -> memref<128x16xf32, #tpu.memory_space<vmem>>
        %dma_wait3A_258 = arith.constant 0 : i32
        %dma_wait3A_259 = tpu.memref_slice %arg9[%dma_wait3A_258] : memref<1280xi32, #tpu.memory_space<vmem>> -> memref<128xi32, #tpu.memory_space<vmem>>
        %dma_wait3A_260 = arith.constant 0 : i32
        %dma_wait3A_261 = arith.constant 0 : i32
        %dma_wait3A_262 = tpu.memref_slice %arg11[%dma_wait3A_260, %dma_wait3A_261] : memref<26000x16xf32, #tpu.memory_space<vmem_shared>> -> memref<26000x16xf32, #tpu.memory_space<vmem_shared>>
        tpu.wait_indirect_dma semaphore(%arg13 : memref<!tpu.dma_semaphore, #tpu.memory_space<semaphore_mem>>) src(%dma_wait3A_257 : memref<128x16xf32, #tpu.memory_space<vmem>>) dst(%dma_wait3A_262 : memref<26000x16xf32, #tpu.memory_space<vmem_shared>>)
      } else {
      }
      %gt3A_243 = arith.constant 5 : i32
      %gt3A_244 = arith.cmpi sgt, %select_n3A, %gt3A_243 : i32
      %convert_element_type3A_245 = arith.extui %gt3A_244 : i1 to i32
      %cond3A_246 = arith.constant 0 : i32
      %cond3A_247 = arith.cmpi ne, %convert_element_type3A_245, %cond3A_246 : i32
      scf.if %cond3A_247 {
        %dma_wait3A = arith.constant 0 : i32
        %dma_wait3A_256 = arith.constant 0 : i32
        %dma_wait3A_257 = tpu.memref_slice %arg10[%dma_wait3A, %dma_wait3A_256] : memref<1152x16xf32, #tpu.memory_space<vmem>> -> memref<128x16xf32, #tpu.memory_space<vmem>>
        %dma_wait3A_258 = arith.constant 0 : i32
        %dma_wait3A_259 = tpu.memref_slice %arg9[%dma_wait3A_258] : memref<1280xi32, #tpu.memory_space<vmem>> -> memref<128xi32, #tpu.memory_space<vmem>>
        %dma_wait3A_260 = arith.constant 0 : i32
        %dma_wait3A_261 = arith.constant 0 : i32
        %dma_wait3A_262 = tpu.memref_slice %arg11[%dma_wait3A_260, %dma_wait3A_261] : memref<26000x16xf32, #tpu.memory_space<vmem_shared>> -> memref<26000x16xf32, #tpu.memory_space<vmem_shared>>
        tpu.wait_indirect_dma semaphore(%arg13 : memref<!tpu.dma_semaphore, #tpu.memory_space<semaphore_mem>>) src(%dma_wait3A_257 : memref<128x16xf32, #tpu.memory_space<vmem>>) dst(%dma_wait3A_262 : memref<26000x16xf32, #tpu.memory_space<vmem_shared>>)
      } else {
      }
      %gt3A_248 = arith.constant 0 : i32
      %gt3A_249 = arith.cmpi sgt, %select_n3A, %gt3A_248 : i32
      %convert_element_type3A_250 = arith.extui %gt3A_249 : i1 to i32
      %cond3A_251 = arith.constant 0 : i32
      %cond3A_252 = arith.cmpi ne, %convert_element_type3A_250, %cond3A_251 : i32
      scf.if %cond3A_252 {
        %mul3A_256 = arith.constant 128 : i32
        %mul3A_257 = arith.muli %select_n3A, %mul3A_256 : i32
        %add3A_258 = arith.constant 0 : i32
        %add3A_259 = arith.addi %mul3A_257, %add3A_258 : i32
        %get3A = arith.index_cast %add3A_259 : i32 to index
        %get3A_260 = tpu.vector_load %arg8[%get3A] {strides = array<i32>} : memref<1280xi32, #tpu.memory_space<vmem>>, vector<16xi32>,
        %swap3A_261 = arith.constant 0 : index
        %swap3A_262 = tpu.vector_load %arg8[%swap3A_261] {strides = array<i32>} : memref<1280xi32, #tpu.memory_space<vmem>>, vector<16xi32>,
        tpu.vector_store %arg8[%swap3A_261], %get3A_260 {strides = array<i32>} : memref<1280xi32, #tpu.memory_space<vmem>>, vector<16xi32>,
        %add3A_263 = arith.constant 16 : i32
        %add3A_264 = arith.addi %mul3A_257, %add3A_263 : i32
        %get3A_265 = arith.index_cast %add3A_264 : i32 to index
        %get3A_266 = tpu.vector_load %arg8[%get3A_265] {strides = array<i32>} : memref<1280xi32, #tpu.memory_space<vmem>>, vector<16xi32>,
        %swap3A_267 = arith.constant 16 : index
        %swap3A_268 = tpu.vector_load %arg8[%swap3A_267] {strides = array<i32>} : memref<1280xi32, #tpu.memory_space<vmem>>, vector<16xi32>,
        tpu.vector_store %arg8[%swap3A_267], %get3A_266 {strides = array<i32>} : memref<1280xi32, #tpu.memory_space<vmem>>, vector<16xi32>,
        %add3A_269 = arith.constant 32 : i32
        %add3A_270 = arith.addi %mul3A_257, %add3A_269 : i32
        %get3A_271 = arith.index_cast %add3A_270 : i32 to index
        %get3A_272 = tpu.vector_load %arg8[%get3A_271] {strides = array<i32>} : memref<1280xi32, #tpu.memory_space<vmem>>, vector<16xi32>,
        %swap3A_273 = arith.constant 32 : index
        %swap3A_274 = tpu.vector_load %arg8[%swap3A_273] {strides = array<i32>} : memref<1280xi32, #tpu.memory_space<vmem>>, vector<16xi32>,
        tpu.vector_store %arg8[%swap3A_273], %get3A_272 {strides = array<i32>} : memref<1280xi32, #tpu.memory_space<vmem>>, vector<16xi32>,
        %add3A_275 = arith.constant 48 : i32
        %add3A_276 = arith.addi %mul3A_257, %add3A_275 : i32
        %get3A_277 = arith.index_cast %add3A_276 : i32 to index
        %get3A_278 = tpu.vector_load %arg8[%get3A_277] {strides = array<i32>} : memref<1280xi32, #tpu.memory_space<vmem>>, vector<16xi32>,
        %swap3A_279 = arith.constant 48 : index
        %swap3A_280 = tpu.vector_load %arg8[%swap3A_279] {strides = array<i32>} : memref<1280xi32, #tpu.memory_space<vmem>>, vector<16xi32>,
        tpu.vector_store %arg8[%swap3A_279], %get3A_278 {strides = array<i32>} : memref<1280xi32, #tpu.memory_space<vmem>>, vector<16xi32>,
        %add3A_281 = arith.constant 64 : i32
        %add3A_282 = arith.addi %mul3A_257, %add3A_281 : i32
        %get3A_283 = arith.index_cast %add3A_282 : i32 to index
        %get3A_284 = tpu.vector_load %arg8[%get3A_283] {strides = array<i32>} : memref<1280xi32, #tpu.memory_space<vmem>>, vector<16xi32>,
        %swap3A_285 = arith.constant 64 : index
        %swap3A_286 = tpu.vector_load %arg8[%swap3A_285] {strides = array<i32>} : memref<1280xi32, #tpu.memory_space<vmem>>, vector<16xi32>,
        tpu.vector_store %arg8[%swap3A_285], %get3A_284 {strides = array<i32>} : memref<1280xi32, #tpu.memory_space<vmem>>, vector<16xi32>,
        %add3A_287 = arith.constant 80 : i32
        %add3A_288 = arith.addi %mul3A_257, %add3A_287 : i32
        %get3A_289 = arith.index_cast %add3A_288 : i32 to index
        %get3A_290 = tpu.vector_load %arg8[%get3A_289] {strides = array<i32>} : memref<1280xi32, #tpu.memory_space<vmem>>, vector<16xi32>,
        %swap3A_291 = arith.constant 80 : index
        %swap3A_292 = tpu.vector_load %arg8[%swap3A_291] {strides = array<i32>} : memref<1280xi32, #tpu.memory_space<vmem>>, vector<16xi32>,
        tpu.vector_store %arg8[%swap3A_291], %get3A_290 {strides = array<i32>} : memref<1280xi32, #tpu.memory_space<vmem>>, vector<16xi32>,
        %add3A_293 = arith.constant 96 : i32
        %add3A_294 = arith.addi %mul3A_257, %add3A_293 : i32
        %get3A_295 = arith.index_cast %add3A_294 : i32 to index
        %get3A_296 = tpu.vector_load %arg8[%get3A_295] {strides = array<i32>} : memref<1280xi32, #tpu.memory_space<vmem>>, vector<16xi32>,
        %swap3A_297 = arith.constant 96 : index
        %swap3A_298 = tpu.vector_load %arg8[%swap3A_297] {strides = array<i32>} : memref<1280xi32, #tpu.memory_space<vmem>>, vector<16xi32>,
        tpu.vector_store %arg8[%swap3A_297], %get3A_296 {strides = array<i32>} : memref<1280xi32, #tpu.memory_space<vmem>>, vector<16xi32>,
        %add3A_299 = arith.constant 112 : i32
        %add3A_300 = arith.addi %mul3A_257, %add3A_299 : i32
        %get3A_301 = arith.index_cast %add3A_300 : i32 to index
        %get3A_302 = tpu.vector_load %arg8[%get3A_301] {strides = array<i32>} : memref<1280xi32, #tpu.memory_space<vmem>>, vector<16xi32>,
        %swap3A_303 = arith.constant 112 : index
        %swap3A_304 = tpu.vector_load %arg8[%swap3A_303] {strides = array<i32>} : memref<1280xi32, #tpu.memory_space<vmem>>, vector<16xi32>,
        tpu.vector_store %arg8[%swap3A_303], %get3A_302 {strides = array<i32>} : memref<1280xi32, #tpu.memory_space<vmem>>, vector<16xi32>,
        %add3A_305 = arith.constant 0 : i32
        %add3A_306 = arith.addi %mul3A_257, %add3A_305 : i32
        %get3A_307 = arith.index_cast %add3A_306 : i32 to index
        %get3A_308 = tpu.vector_load %arg9[%get3A_307] {strides = array<i32>} : memref<1280xi32, #tpu.memory_space<vmem>>, vector<16xi32>,
        %swap3A_309 = arith.constant 0 : index
        %swap3A_310 = tpu.vector_load %arg9[%swap3A_309] {strides = array<i32>} : memref<1280xi32, #tpu.memory_space<vmem>>, vector<16xi32>,
        tpu.vector_store %arg9[%swap3A_309], %get3A_308 {strides = array<i32>} : memref<1280xi32, #tpu.memory_space<vmem>>, vector<16xi32>,
        %add3A_311 = arith.constant 16 : i32
        %add3A_312 = arith.addi %mul3A_257, %add3A_311 : i32
        %get3A_313 = arith.index_cast %add3A_312 : i32 to index
        %get3A_314 = tpu.vector_load %arg9[%get3A_313] {strides = array<i32>} : memref<1280xi32, #tpu.memory_space<vmem>>, vector<16xi32>,
        %swap3A_315 = arith.constant 16 : index
        %swap3A_316 = tpu.vector_load %arg9[%swap3A_315] {strides = array<i32>} : memref<1280xi32, #tpu.memory_space<vmem>>, vector<16xi32>,
        tpu.vector_store %arg9[%swap3A_315], %get3A_314 {strides = array<i32>} : memref<1280xi32, #tpu.memory_space<vmem>>, vector<16xi32>,
        %add3A_317 = arith.constant 32 : i32
        %add3A_318 = arith.addi %mul3A_257, %add3A_317 : i32
        %get3A_319 = arith.index_cast %add3A_318 : i32 to index
        %get3A_320 = tpu.vector_load %arg9[%get3A_319] {strides = array<i32>} : memref<1280xi32, #tpu.memory_space<vmem>>, vector<16xi32>,
        %swap3A_321 = arith.constant 32 : index
        %swap3A_322 = tpu.vector_load %arg9[%swap3A_321] {strides = array<i32>} : memref<1280xi32, #tpu.memory_space<vmem>>, vector<16xi32>,
        tpu.vector_store %arg9[%swap3A_321], %get3A_320 {strides = array<i32>} : memref<1280xi32, #tpu.memory_space<vmem>>, vector<16xi32>,
        %add3A_323 = arith.constant 48 : i32
        %add3A_324 = arith.addi %mul3A_257, %add3A_323 : i32
        %get3A_325 = arith.index_cast %add3A_324 : i32 to index
        %get3A_326 = tpu.vector_load %arg9[%get3A_325] {strides = array<i32>} : memref<1280xi32, #tpu.memory_space<vmem>>, vector<16xi32>,
        %swap3A_327 = arith.constant 48 : index
        %swap3A_328 = tpu.vector_load %arg9[%swap3A_327] {strides = array<i32>} : memref<1280xi32, #tpu.memory_space<vmem>>, vector<16xi32>,
        tpu.vector_store %arg9[%swap3A_327], %get3A_326 {strides = array<i32>} : memref<1280xi32, #tpu.memory_space<vmem>>, vector<16xi32>,
        %add3A_329 = arith.constant 64 : i32
        %add3A_330 = arith.addi %mul3A_257, %add3A_329 : i32
        %get3A_331 = arith.index_cast %add3A_330 : i32 to index
        %get3A_332 = tpu.vector_load %arg9[%get3A_331] {strides = array<i32>} : memref<1280xi32, #tpu.memory_space<vmem>>, vector<16xi32>,
        %swap3A_333 = arith.constant 64 : index
        %swap3A_334 = tpu.vector_load %arg9[%swap3A_333] {strides = array<i32>} : memref<1280xi32, #tpu.memory_space<vmem>>, vector<16xi32>,
        tpu.vector_store %arg9[%swap3A_333], %get3A_332 {strides = array<i32>} : memref<1280xi32, #tpu.memory_space<vmem>>, vector<16xi32>,
        %add3A_335 = arith.constant 80 : i32
        %add3A_336 = arith.addi %mul3A_257, %add3A_335 : i32
        %get3A_337 = arith.index_cast %add3A_336 : i32 to index
        %get3A_338 = tpu.vector_load %arg9[%get3A_337] {strides = array<i32>} : memref<1280xi32, #tpu.memory_space<vmem>>, vector<16xi32>,
        %swap3A_339 = arith.constant 80 : index
        %swap3A_340 = tpu.vector_load %arg9[%swap3A_339] {strides = array<i32>} : memref<1280xi32, #tpu.memory_space<vmem>>, vector<16xi32>,
        tpu.vector_store %arg9[%swap3A_339], %get3A_338 {strides = array<i32>} : memref<1280xi32, #tpu.memory_space<vmem>>, vector<16xi32>,
        %add3A_341 = arith.constant 96 : i32
        %add3A_342 = arith.addi %mul3A_257, %add3A_341 : i32
        %get3A_343 = arith.index_cast %add3A_342 : i32 to index
        %get3A_344 = tpu.vector_load %arg9[%get3A_343] {strides = array<i32>} : memref<1280xi32, #tpu.memory_space<vmem>>, vector<16xi32>,
        %swap3A_345 = arith.constant 96 : index
        %swap3A_346 = tpu.vector_load %arg9[%swap3A_345] {strides = array<i32>} : memref<1280xi32, #tpu.memory_space<vmem>>, vector<16xi32>,
        tpu.vector_store %arg9[%swap3A_345], %get3A_344 {strides = array<i32>} : memref<1280xi32, #tpu.memory_space<vmem>>, vector<16xi32>,
        %add3A_347 = arith.constant 112 : i32
        %add3A_348 = arith.addi %mul3A_257, %add3A_347 : i32
        %get3A_349 = arith.index_cast %add3A_348 : i32 to index
        %get3A_350 = tpu.vector_load %arg9[%get3A_349] {strides = array<i32>} : memref<1280xi32, #tpu.memory_space<vmem>>, vector<16xi32>,
        %swap3A_351 = arith.constant 112 : index
        %swap3A_352 = tpu.vector_load %arg9[%swap3A_351] {strides = array<i32>} : memref<1280xi32, #tpu.memory_space<vmem>>, vector<16xi32>,
        tpu.vector_store %arg9[%swap3A_351], %get3A_350 {strides = array<i32>} : memref<1280xi32, #tpu.memory_space<vmem>>, vector<16xi32>,
      } else {
      }
      %mul3A_253 = arith.constant 128 : i32
      %mul3A_254 = arith.muli %select_n3A, %mul3A_253 : i32
      %sub3A_255 = arith.subi %scan3A_149, %mul3A_254 : i32
      scf.yield %sub3A_255 : i32
    }
    %scan3A_49 = arith.constant 49 : i32
    %add3A_50 = arith.constant 0 : i32
    %add3A_51 = arith.addi %scan3A_48, %add3A_50 : i32
    %swap3A = arith.index_cast %add3A_51 : i32 to index
    %swap3A_52 = tpu.vector_load %arg9[%swap3A] {strides = array<i32>} : memref<1280xi32, #tpu.memory_space<vmem>>, vector<16xi32>,
    tpu.vector_store %arg9[%swap3A], %add3A_5 {strides = array<i32>} : memref<1280xi32, #tpu.memory_space<vmem>>, vector<16xi32>,
    %broadcast_in_dim3A_53 = arith.constant 0 : i32
    %broadcast_in_dim3A_54 = vector.broadcast %broadcast_in_dim3A_53 : i32 to vector<16xi32>
    %add3A_55 = arith.constant 0 : i32
    %add3A_56 = arith.addi %scan3A_48, %add3A_55 : i32
    %swap3A_57 = arith.index_cast %add3A_56 : i32 to index
    %swap3A_58 = tpu.vector_load %arg8[%swap3A_57] {strides = array<i32>} : memref<1280xi32, #tpu.memory_space<vmem>>, vector<16xi32>,
    tpu.vector_store %arg8[%swap3A_57], %broadcast_in_dim3A_54 {strides = array<i32>} : memref<1280xi32, #tpu.memory_space<vmem>>, vector<16xi32>,
    %add3A_59 = arith.constant 16 : i32
    %add3A_60 = arith.addi %scan3A_48, %add3A_59 : i32
    %swap3A_61 = arith.index_cast %add3A_60 : i32 to index
    %swap3A_62 = tpu.vector_load %arg9[%swap3A_61] {strides = array<i32>} : memref<1280xi32, #tpu.memory_space<vmem>>, vector<16xi32>,
    tpu.vector_store %arg9[%swap3A_61], %add3A_5 {strides = array<i32>} : memref<1280xi32, #tpu.memory_space<vmem>>, vector<16xi32>,
    %broadcast_in_dim3A_63 = arith.constant 0 : i32
    %broadcast_in_dim3A_64 = vector.broadcast %broadcast_in_dim3A_63 : i32 to vector<16xi32>
    %add3A_65 = arith.constant 16 : i32
    %add3A_66 = arith.addi %scan3A_48, %add3A_65 : i32
    %swap3A_67 = arith.index_cast %add3A_66 : i32 to index
    %swap3A_68 = tpu.vector_load %arg8[%swap3A_67] {strides = array<i32>} : memref<1280xi32, #tpu.memory_space<vmem>>, vector<16xi32>,
    tpu.vector_store %arg8[%swap3A_67], %broadcast_in_dim3A_64 {strides = array<i32>} : memref<1280xi32, #tpu.memory_space<vmem>>, vector<16xi32>,
    %add3A_69 = arith.constant 32 : i32
    %add3A_70 = arith.addi %scan3A_48, %add3A_69 : i32
    %swap3A_71 = arith.index_cast %add3A_70 : i32 to index
    %swap3A_72 = tpu.vector_load %arg9[%swap3A_71] {strides = array<i32>} : memref<1280xi32, #tpu.memory_space<vmem>>, vector<16xi32>,
    tpu.vector_store %arg9[%swap3A_71], %add3A_5 {strides = array<i32>} : memref<1280xi32, #tpu.memory_space<vmem>>, vector<16xi32>,
    %broadcast_in_dim3A_73 = arith.constant 0 : i32
    %broadcast_in_dim3A_74 = vector.broadcast %broadcast_in_dim3A_73 : i32 to vector<16xi32>
    %add3A_75 = arith.constant 32 : i32
    %add3A_76 = arith.addi %scan3A_48, %add3A_75 : i32
    %swap3A_77 = arith.index_cast %add3A_76 : i32 to index
    %swap3A_78 = tpu.vector_load %arg8[%swap3A_77] {strides = array<i32>} : memref<1280xi32, #tpu.memory_space<vmem>>, vector<16xi32>,
    tpu.vector_store %arg8[%swap3A_77], %broadcast_in_dim3A_74 {strides = array<i32>} : memref<1280xi32, #tpu.memory_space<vmem>>, vector<16xi32>,
    %add3A_79 = arith.constant 48 : i32
    %add3A_80 = arith.addi %scan3A_48, %add3A_79 : i32
    %swap3A_81 = arith.index_cast %add3A_80 : i32 to index
    %swap3A_82 = tpu.vector_load %arg9[%swap3A_81] {strides = array<i32>} : memref<1280xi32, #tpu.memory_space<vmem>>, vector<16xi32>,
    tpu.vector_store %arg9[%swap3A_81], %add3A_5 {strides = array<i32>} : memref<1280xi32, #tpu.memory_space<vmem>>, vector<16xi32>,
    %broadcast_in_dim3A_83 = arith.constant 0 : i32
    %broadcast_in_dim3A_84 = vector.broadcast %broadcast_in_dim3A_83 : i32 to vector<16xi32>
    %add3A_85 = arith.constant 48 : i32
    %add3A_86 = arith.addi %scan3A_48, %add3A_85 : i32
    %swap3A_87 = arith.index_cast %add3A_86 : i32 to index
    %swap3A_88 = tpu.vector_load %arg8[%swap3A_87] {strides = array<i32>} : memref<1280xi32, #tpu.memory_space<vmem>>, vector<16xi32>,
    tpu.vector_store %arg8[%swap3A_87], %broadcast_in_dim3A_84 {strides = array<i32>} : memref<1280xi32, #tpu.memory_space<vmem>>, vector<16xi32>,
    %add3A_89 = arith.constant 64 : i32
    %add3A_90 = arith.addi %scan3A_48, %add3A_89 : i32
    %swap3A_91 = arith.index_cast %add3A_90 : i32 to index
    %swap3A_92 = tpu.vector_load %arg9[%swap3A_91] {strides = array<i32>} : memref<1280xi32, #tpu.memory_space<vmem>>, vector<16xi32>,
    tpu.vector_store %arg9[%swap3A_91], %add3A_5 {strides = array<i32>} : memref<1280xi32, #tpu.memory_space<vmem>>, vector<16xi32>,
    %broadcast_in_dim3A_93 = arith.constant 0 : i32
    %broadcast_in_dim3A_94 = vector.broadcast %broadcast_in_dim3A_93 : i32 to vector<16xi32>
    %add3A_95 = arith.constant 64 : i32
    %add3A_96 = arith.addi %scan3A_48, %add3A_95 : i32
    %swap3A_97 = arith.index_cast %add3A_96 : i32 to index
    %swap3A_98 = tpu.vector_load %arg8[%swap3A_97] {strides = array<i32>} : memref<1280xi32, #tpu.memory_space<vmem>>, vector<16xi32>,
    tpu.vector_store %arg8[%swap3A_97], %broadcast_in_dim3A_94 {strides = array<i32>} : memref<1280xi32, #tpu.memory_space<vmem>>, vector<16xi32>,
    %add3A_99 = arith.constant 80 : i32
    %add3A_100 = arith.addi %scan3A_48, %add3A_99 : i32
    %swap3A_101 = arith.index_cast %add3A_100 : i32 to index
    %swap3A_102 = tpu.vector_load %arg9[%swap3A_101] {strides = array<i32>} : memref<1280xi32, #tpu.memory_space<vmem>>, vector<16xi32>,
    tpu.vector_store %arg9[%swap3A_101], %add3A_5 {strides = array<i32>} : memref<1280xi32, #tpu.memory_space<vmem>>, vector<16xi32>,
    %broadcast_in_dim3A_103 = arith.constant 0 : i32
    %broadcast_in_dim3A_104 = vector.broadcast %broadcast_in_dim3A_103 : i32 to vector<16xi32>
    %add3A_105 = arith.constant 80 : i32
    %add3A_106 = arith.addi %scan3A_48, %add3A_105 : i32
    %swap3A_107 = arith.index_cast %add3A_106 : i32 to index
    %swap3A_108 = tpu.vector_load %arg8[%swap3A_107] {strides = array<i32>} : memref<1280xi32, #tpu.memory_space<vmem>>, vector<16xi32>,
    tpu.vector_store %arg8[%swap3A_107], %broadcast_in_dim3A_104 {strides = array<i32>} : memref<1280xi32, #tpu.memory_space<vmem>>, vector<16xi32>,
    %add3A_109 = arith.constant 96 : i32
    %add3A_110 = arith.addi %scan3A_48, %add3A_109 : i32
    %swap3A_111 = arith.index_cast %add3A_110 : i32 to index
    %swap3A_112 = tpu.vector_load %arg9[%swap3A_111] {strides = array<i32>} : memref<1280xi32, #tpu.memory_space<vmem>>, vector<16xi32>,
    tpu.vector_store %arg9[%swap3A_111], %add3A_5 {strides = array<i32>} : memref<1280xi32, #tpu.memory_space<vmem>>, vector<16xi32>,
    %broadcast_in_dim3A_113 = arith.constant 0 : i32
    %broadcast_in_dim3A_114 = vector.broadcast %broadcast_in_dim3A_113 : i32 to vector<16xi32>
    %add3A_115 = arith.constant 96 : i32
    %add3A_116 = arith.addi %scan3A_48, %add3A_115 : i32
    %swap3A_117 = arith.index_cast %add3A_116 : i32 to index
    %swap3A_118 = tpu.vector_load %arg8[%swap3A_117] {strides = array<i32>} : memref<1280xi32, #tpu.memory_space<vmem>>, vector<16xi32>,
    tpu.vector_store %arg8[%swap3A_117], %broadcast_in_dim3A_114 {strides = array<i32>} : memref<1280xi32, #tpu.memory_space<vmem>>, vector<16xi32>,
    %add3A_119 = arith.constant 112 : i32
    %add3A_120 = arith.addi %scan3A_48, %add3A_119 : i32
    %swap3A_121 = arith.index_cast %add3A_120 : i32 to index
    %swap3A_122 = tpu.vector_load %arg9[%swap3A_121] {strides = array<i32>} : memref<1280xi32, #tpu.memory_space<vmem>>, vector<16xi32>,
    tpu.vector_store %arg9[%swap3A_121], %add3A_5 {strides = array<i32>} : memref<1280xi32, #tpu.memory_space<vmem>>, vector<16xi32>,
    %broadcast_in_dim3A_123 = arith.constant 0 : i32
    %broadcast_in_dim3A_124 = vector.broadcast %broadcast_in_dim3A_123 : i32 to vector<16xi32>
    %add3A_125 = arith.constant 112 : i32
    %add3A_126 = arith.addi %scan3A_48, %add3A_125 : i32
    %swap3A_127 = arith.index_cast %add3A_126 : i32 to index
    %swap3A_128 = tpu.vector_load %arg8[%swap3A_127] {strides = array<i32>} : memref<1280xi32, #tpu.memory_space<vmem>>, vector<16xi32>,
    tpu.vector_store %arg8[%swap3A_127], %broadcast_in_dim3A_124 {strides = array<i32>} : memref<1280xi32, #tpu.memory_space<vmem>>, vector<16xi32>,
    %gt3A = arith.constant 0 : i32
    %gt3A_129 = arith.cmpi sgt, %scan3A_48, %gt3A : i32
    %convert_element_type3A = arith.extui %gt3A_129 : i1 to i32
    %cond3A = arith.constant 0 : i32
    %cond3A_130 = arith.cmpi ne, %convert_element_type3A, %cond3A : i32
    scf.if %cond3A_130 {
      %rem3A = arith.constant 0 : i32
      %rem3A_139 = arith.constant 9 : i32
      %rem3A_140 = arith.remsi %rem3A, %rem3A_139 : i32
      %mul3A_141 = arith.constant 128 : i32
      %mul3A_142 = arith.muli %rem3A_140, %mul3A_141 : i32
      %dma_start3A = arith.constant 0 : i32
      %dma_start3A_143 = tpu.memref_slice %arg10[%mul3A_142, %dma_start3A] : memref<1152x16xf32, #tpu.memory_space<vmem>> -> memref<128x16xf32, #tpu.memory_space<vmem>>
      %dma_start3A_144 = arith.constant 0 : i32
      %dma_start3A_145 = tpu.memref_slice %arg8[%dma_start3A_144] : memref<1280xi32, #tpu.memory_space<vmem>> -> memref<128xi32, #tpu.memory_space<vmem>>
      %dma_start3A_146 = arith.constant 0 : i32
      %dma_start3A_147 = arith.constant 0 : i32
      %dma_start3A_148 = tpu.memref_slice %arg2[%dma_start3A_146, %dma_start3A_147] : memref<50000x16xf32, #tpu.memory_space<hbm>> -> memref<50000x16xf32, #tpu.memory_space<hbm>>
      tpu.enqueue_indirect_dma source(%dma_start3A_148 : memref<50000x16xf32, #tpu.memory_space<hbm>>) target(%dma_start3A_143 : memref<128x16xf32, #tpu.memory_space<vmem>>) offsets(%dma_start3A_145 : memref<128xi32, #tpu.memory_space<vmem>>) semaphore(%arg12 : memref<!tpu.dma_semaphore, #tpu.memory_space<semaphore_mem>>)
      %dma_wait3A = arith.constant 0 : i32
      %dma_wait3A_149 = arith.constant 0 : i32
      %dma_wait3A_150 = tpu.memref_slice %arg10[%dma_wait3A, %dma_wait3A_149] : memref<1152x16xf32, #tpu.memory_space<vmem>> -> memref<128x16xf32, #tpu.memory_space<vmem>>
      %dma_wait3A_151 = arith.constant 0 : i32
      %dma_wait3A_152 = tpu.memref_slice %arg8[%dma_wait3A_151] : memref<1280xi32, #tpu.memory_space<vmem>> -> memref<128xi32, #tpu.memory_space<vmem>>
      %dma_wait3A_153 = arith.constant 0 : i32
      %dma_wait3A_154 = arith.constant 0 : i32
      %dma_wait3A_155 = tpu.memref_slice %arg2[%dma_wait3A_153, %dma_wait3A_154] : memref<50000x16xf32, #tpu.memory_space<hbm>> -> memref<50000x16xf32, #tpu.memory_space<hbm>>
      tpu.wait_indirect_dma semaphore(%arg12 : memref<!tpu.dma_semaphore, #tpu.memory_space<semaphore_mem>>) src(%dma_wait3A_155 : memref<50000x16xf32, #tpu.memory_space<hbm>>) dst(%dma_wait3A_150 : memref<128x16xf32, #tpu.memory_space<vmem>>)
      %rem3A_156 = arith.constant 0 : i32
      %rem3A_157 = arith.constant 9 : i32
      %rem3A_158 = arith.remsi %rem3A_156, %rem3A_157 : i32
      %mul3A_159 = arith.constant 128 : i32
      %mul3A_160 = arith.muli %rem3A_158, %mul3A_159 : i32
      %dma_start3A_161 = arith.constant 0 : i32
      %dma_start3A_162 = tpu.memref_slice %arg10[%mul3A_160, %dma_start3A_161] : memref<1152x16xf32, #tpu.memory_space<vmem>> -> memref<128x16xf32, #tpu.memory_space<vmem>>
      %dma_start3A_163 = arith.constant 0 : i32
      %dma_start3A_164 = tpu.memref_slice %arg9[%dma_start3A_163] : memref<1280xi32, #tpu.memory_space<vmem>> -> memref<128xi32, #tpu.memory_space<vmem>>
      %dma_start3A_165 = arith.constant 0 : i32
      %dma_start3A_166 = arith.constant 0 : i32
      %dma_start3A_167 = tpu.memref_slice %arg11[%dma_start3A_165, %dma_start3A_166] : memref<26000x16xf32, #tpu.memory_space<vmem_shared>> -> memref<26000x16xf32, #tpu.memory_space<vmem_shared>>
      tpu.enqueue_indirect_dma source(%dma_start3A_162 : memref<128x16xf32, #tpu.memory_space<vmem>>) target(%dma_start3A_167 : memref<26000x16xf32, #tpu.memory_space<vmem_shared>>) offsets(%dma_start3A_164 : memref<128xi32, #tpu.memory_space<vmem>>) semaphore(%arg13 : memref<!tpu.dma_semaphore, #tpu.memory_space<semaphore_mem>>) {add = true}
      %dma_wait3A_168 = arith.constant 0 : i32
      %dma_wait3A_169 = arith.constant 0 : i32
      %dma_wait3A_170 = tpu.memref_slice %arg10[%dma_wait3A_168, %dma_wait3A_169] : memref<1152x16xf32, #tpu.memory_space<vmem>> -> memref<128x16xf32, #tpu.memory_space<vmem>>
      %dma_wait3A_171 = arith.constant 0 : i32
      %dma_wait3A_172 = tpu.memref_slice %arg9[%dma_wait3A_171] : memref<1280xi32, #tpu.memory_space<vmem>> -> memref<128xi32, #tpu.memory_space<vmem>>
      %dma_wait3A_173 = arith.constant 0 : i32
      %dma_wait3A_174 = arith.constant 0 : i32
      %dma_wait3A_175 = tpu.memref_slice %arg11[%dma_wait3A_173, %dma_wait3A_174] : memref<26000x16xf32, #tpu.memory_space<vmem_shared>> -> memref<26000x16xf32, #tpu.memory_space<vmem_shared>>
      tpu.wait_indirect_dma semaphore(%arg13 : memref<!tpu.dma_semaphore, #tpu.memory_space<semaphore_mem>>) src(%dma_wait3A_170 : memref<128x16xf32, #tpu.memory_space<vmem>>) dst(%dma_wait3A_175 : memref<26000x16xf32, #tpu.memory_space<vmem_shared>>)
    } else {
    }
    %barrier3A_131 = arith.constant 0 : index
    tpu.barrier barrier_id(%barrier3A_131)
    %mul3A_132 = arith.constant 1624 : i32
    %mul3A_133 = arith.muli %arg1, %mul3A_132 : i32
    %mul3A_134 = arith.constant 26000 : i32
    %mul3A_135 = arith.muli %arg0, %mul3A_134 : i32
    %mul3A_136 = arith.constant 1624 : i32
    %mul3A_137 = arith.muli %arg1, %mul3A_136 : i32
    %add3A_138 = arith.addi %mul3A_135, %mul3A_137 : i32
    "tpu.region"() ({
      %run_scoped3A = tpu.sem_alloc : memref<!tpu.dma_semaphore, #tpu.memory_space<semaphore_mem>>
      %dma_start3A = arith.constant 0 : i32
      %dma_start3A_139 = tpu.memref_slice %arg5[%add3A_138, %dma_start3A] : memref<52000x16xf32, #tpu.memory_space<hbm>> -> memref<1624x16xf32, #tpu.memory_space<hbm>>
      %dma_start3A_140 = arith.constant 0 : i32
      %dma_start3A_141 = tpu.memref_slice %arg11[%mul3A_133, %dma_start3A_140] : memref<26000x16xf32, #tpu.memory_space<vmem_shared>> -> memref<1624x16xf32, #tpu.memory_space<vmem_shared>>
      tpu.enqueue_dma source(%dma_start3A_141 : memref<1624x16xf32, #tpu.memory_space<vmem_shared>>) target(%dma_start3A_139 : memref<1624x16xf32, #tpu.memory_space<hbm>>) target_semaphore(%run_scoped3A : memref<!tpu.dma_semaphore, #tpu.memory_space<semaphore_mem>>)
      %dma_wait3A = arith.constant 0 : i32
      %dma_wait3A_142 = tpu.memref_slice %arg5[%add3A_138, %dma_wait3A] : memref<52000x16xf32, #tpu.memory_space<hbm>> -> memref<1624x16xf32, #tpu.memory_space<hbm>>
      %dma_wait3A_143 = arith.constant 0 : i32
      %dma_wait3A_144 = tpu.memref_slice %arg11[%mul3A_133, %dma_wait3A_143] : memref<26000x16xf32, #tpu.memory_space<vmem_shared>> -> memref<1624x16xf32, #tpu.memory_space<vmem_shared>>
      tpu.wait_dma2 semaphore(%run_scoped3A : memref<!tpu.dma_semaphore, #tpu.memory_space<semaphore_mem>>) src(%dma_wait3A_144 : memref<1624x16xf32, #tpu.memory_space<vmem_shared>>) dst(%dma_wait3A_142 : memref<1624x16xf32, #tpu.memory_space<hbm>>)
      tpu.yield
    }) : () -> ()
    return
  }
}

#map = affine_map<(d0, d1) -> (0, 0)>
module attributes {stable_mosaic.version = 14 : i64} {
  func.func @body(%arg0: i32, %arg1: i32, %arg2: memref<50000x64xf32, #tpu.memory_space<hbm>>, %arg3: memref<6272x128xi32, #tpu.memory_space<hbm>>, %arg4: memref<6272x128xi32, #tpu.memory_space<hbm>>, %arg5: memref<52000x64xf32, #tpu.memory_space<hbm>>, %arg6: memref<8x128xi32, #tpu.memory_space<vmem>>, %arg7: memref<8x128xi32, #tpu.memory_space<vmem>>, %arg8: memref<1280xi32, #tpu.memory_space<vmem>>, %arg9: memref<1280xi32, #tpu.memory_space<vmem>>, %arg10: memref<256x64xf32, #tpu.memory_space<vmem>>, %arg11: memref<26000x64xf32, #tpu.memory_space<vmem_shared>>, %arg12: memref<!tpu.dma_semaphore, #tpu.memory_space<semaphore_mem>>, %arg13: memref<!tpu.dma_semaphore, #tpu.memory_space<semaphore_mem>>) attributes {dimension_semantics = [#tpu.dimension_semantics<core_parallel>, #tpu.dimension_semantics<subcore_parallel>], iteration_bounds = array<i64: 2, 16>, scalar_prefetch = 0 : i64, scratch_operands = 8 : i64, tpu.core_type = #tpu.core_type<sc_vector_subcore>, window_params = [{transform_indices = #map}, {transform_indices = #map}, {transform_indices = #map}, {transform_indices = #map}]} {
    %mul3A = arith.constant 25000 : i32
    %mul3A_0 = arith.muli %arg0, %mul3A : i32
    %mul3A_1 = arith.constant 16 : i32
    %mul3A_2 = arith.muli %arg1, %mul3A_1 : i32
    %add3A = arith.constant 25000 : i32
    %add3A_3 = arith.addi %add3A, %mul3A_2 : i32
    %iota3A = tpu.iota {dimensions = array<i32: 0>} : vector<16xi32>
    %add3A_4 = vector.broadcast %add3A_3 : i32 to vector<16xi32>
    %add3A_5 = arith.addi %add3A_4, %iota3A : vector<16xi32>
    %mul3A_6 = arith.constant 392 : i32
    %mul3A_7 = arith.muli %arg1, %mul3A_6 : i32
    %broadcast_in_dim3A = arith.constant 0.000000e+00 : f32
    %broadcast_in_dim3A_8 = vector.broadcast %broadcast_in_dim3A : f32 to vector<16xf32>
    %scan3A = arith.constant 0 : i32
    %scan3A_9 = arith.constant 0 : i32
    %scan3A_10 = arith.constant 928 : i32
    %scan3A_11 = arith.addi %scan3A_9, %scan3A_10 : i32
    %scan3A_12 = arith.constant 1 : i32
    %scan3A_13 = scf.for %scan3A_139 = %scan3A_9 to %scan3A_11 step %scan3A_12 iter_args(%scan3A_140 = %scan3A) -> (i32)  : i32 {
      %jit3A = arith.constant 4 : i32
      %div3A = arith.divsi %scan3A_139, %jit3A : i32
      %sign3A = arith.constant 0 : i32
      %sign3A_141 = arith.cmpi sgt, %scan3A_139, %sign3A : i32
      %sign3A_142 = arith.extui %sign3A_141 : i1 to i32
      %sign3A_143 = arith.constant 0 : i32
      %sign3A_144 = arith.cmpi slt, %scan3A_139, %sign3A_143 : i32
      %sign3A_145 = arith.extui %sign3A_144 : i1 to i32
      %sign3A_146 = arith.subi %sign3A_142, %sign3A_145 : i32
      %sign3A_147 = arith.constant 0 : i32
      %sign3A_148 = arith.cmpi sgt, %jit3A, %sign3A_147 : i32
      %sign3A_149 = arith.extui %sign3A_148 : i1 to i32
      %sign3A_150 = arith.constant 0 : i32
      %sign3A_151 = arith.cmpi slt, %jit3A, %sign3A_150 : i32
      %sign3A_152 = arith.extui %sign3A_151 : i1 to i32
      %sign3A_153 = arith.subi %sign3A_149, %sign3A_152 : i32
      %ne3A = arith.cmpi ne, %sign3A_146, %sign3A_153 : i32
      %rem3A = arith.remsi %scan3A_139, %jit3A : i32
      %ne3A_154 = arith.constant 0 : i32
      %ne3A_155 = arith.cmpi ne, %rem3A, %ne3A_154 : i32
      %and3A = arith.andi %ne3A, %ne3A_155 : i1
      %sub3A = arith.constant 1 : i32
      %sub3A_156 = arith.subi %div3A, %sub3A : i32
      %select_n3A = arith.select %and3A, %sub3A_156, %div3A : i32
      %jit3A_157 = arith.constant 4 : i32
      %eq3A = arith.constant 0 : i32
      %eq3A_158 = arith.cmpi eq, %jit3A_157, %eq3A : i32
      %jit3A_159 = arith.constant 1 : i32
      %select_n3A_160 = arith.select %eq3A_158, %jit3A_159, %jit3A_157 : i32
      %rem3A_161 = arith.remsi %scan3A_139, %select_n3A_160 : i32
      %ne3A_162 = arith.constant 0 : i32
      %ne3A_163 = arith.cmpi ne, %rem3A_161, %ne3A_162 : i32
      %lt3A = arith.constant 0 : i32
      %lt3A_164 = arith.cmpi slt, %rem3A_161, %lt3A : i32
      %lt3A_165 = arith.constant 0 : i32
      %lt3A_166 = arith.cmpi slt, %select_n3A_160, %lt3A_165 : i32
      %ne3A_167 = arith.xori %lt3A_164, %lt3A_166 : i1
      %and3A_168 = arith.andi %ne3A_167, %ne3A_163 : i1
      %add3A_169 = arith.addi %rem3A_161, %select_n3A_160 : i32
      %select_n3A_170 = arith.select %and3A_168, %add3A_169, %rem3A_161 : i32
      %mul3A_171 = arith.constant 16 : i32
      %mul3A_172 = arith.muli %select_n3A_170, %mul3A_171 : i32
      %swap3A_173 = arith.index_cast %select_n3A : i32 to index
      %swap3A_174 = arith.index_cast %mul3A_172 : i32 to index
      %swap3A_175 = tpu.vector_load %arg10[%swap3A_173, %swap3A_174] {strides = array<i32>} : memref<256x64xf32, #tpu.memory_space<vmem>>, vector<16xf32>,
      tpu.vector_store %arg10[%swap3A_173, %swap3A_174], %broadcast_in_dim3A_8 {strides = array<i32>} : memref<256x64xf32, #tpu.memory_space<vmem>>, vector<16xf32>,
      %scan3A_176 = arith.constant 0 : i32
      scf.yield %scan3A_176 : i32
    }
    %scan3A_14 = arith.constant 928 : i32
    %mul3A_15 = arith.constant 1624 : i32
    %mul3A_16 = arith.muli %arg1, %mul3A_15 : i32
    %add3A_17 = arith.constant 0 : i32
    %add3A_18 = arith.addi %mul3A_16, %add3A_17 : i32
    "tpu.region"() ({
      %run_scoped3A = tpu.sem_alloc : memref<!tpu.dma_semaphore, #tpu.memory_space<semaphore_mem>>
      %dma_start3A = arith.constant 0 : i32
      %dma_start3A_139 = arith.constant 0 : i32
      %dma_start3A_140 = tpu.memref_slice %arg10[%dma_start3A, %dma_start3A_139] : memref<256x64xf32, #tpu.memory_space<vmem>> -> memref<232x64xf32, #tpu.memory_space<vmem>>
      %dma_start3A_141 = arith.constant 0 : i32
      %dma_start3A_142 = tpu.memref_slice %arg11[%add3A_18, %dma_start3A_141] : memref<26000x64xf32, #tpu.memory_space<vmem_shared>> -> memref<232x64xf32, #tpu.memory_space<vmem_shared>>
      %dma_start3A_143 = arith.constant 0 : i32
      %dma_start3A_144 = tpu.memref_slice %arg11[%add3A_18, %dma_start3A_143] : memref<26000x64xf32, #tpu.memory_space<vmem_shared>> -> memref<232x64xf32, #tpu.memory_space<vmem_shared>>
      %dma_start3A_145 = arith.constant 0 : i32
      %dma_start3A_146 = arith.constant 0 : i32
      %dma_start3A_147 = tpu.memref_slice %arg10[%dma_start3A_145, %dma_start3A_146] : memref<256x64xf32, #tpu.memory_space<vmem>> -> memref<232x64xf32, #tpu.memory_space<vmem>>
      tpu.enqueue_dma source(%dma_start3A_147 : memref<232x64xf32, #tpu.memory_space<vmem>>) target(%dma_start3A_144 : memref<232x64xf32, #tpu.memory_space<vmem_shared>>) target_semaphore(%run_scoped3A : memref<!tpu.dma_semaphore, #tpu.memory_space<semaphore_mem>>)
      %dma_wait3A = arith.constant 0 : i32
      %dma_wait3A_148 = arith.constant 0 : i32
      %dma_wait3A_149 = tpu.memref_slice %arg10[%dma_wait3A, %dma_wait3A_148] : memref<256x64xf32, #tpu.memory_space<vmem>> -> memref<232x64xf32, #tpu.memory_space<vmem>>
      %dma_wait3A_150 = arith.constant 0 : i32
      %dma_wait3A_151 = tpu.memref_slice %arg11[%add3A_18, %dma_wait3A_150] : memref<26000x64xf32, #tpu.memory_space<vmem_shared>> -> memref<232x64xf32, #tpu.memory_space<vmem_shared>>
      %dma_wait3A_152 = arith.constant 0 : i32
      %dma_wait3A_153 = tpu.memref_slice %arg11[%add3A_18, %dma_wait3A_152] : memref<26000x64xf32, #tpu.memory_space<vmem_shared>> -> memref<232x64xf32, #tpu.memory_space<vmem_shared>>
      %dma_wait3A_154 = arith.constant 0 : i32
      %dma_wait3A_155 = arith.constant 0 : i32
      %dma_wait3A_156 = tpu.memref_slice %arg10[%dma_wait3A_154, %dma_wait3A_155] : memref<256x64xf32, #tpu.memory_space<vmem>> -> memref<232x64xf32, #tpu.memory_space<vmem>>
      tpu.wait_dma2 semaphore(%run_scoped3A : memref<!tpu.dma_semaphore, #tpu.memory_space<semaphore_mem>>) src(%dma_wait3A_156 : memref<232x64xf32, #tpu.memory_space<vmem>>) dst(%dma_wait3A_153 : memref<232x64xf32, #tpu.memory_space<vmem_shared>>)
      tpu.yield
    }) : () -> ()
    %mul3A_19 = arith.constant 1624 : i32
    %mul3A_20 = arith.muli %arg1, %mul3A_19 : i32
    %add3A_21 = arith.constant 232 : i32
    %add3A_22 = arith.addi %mul3A_20, %add3A_21 : i32
    "tpu.region"() ({
      %run_scoped3A = tpu.sem_alloc : memref<!tpu.dma_semaphore, #tpu.memory_space<semaphore_mem>>
      %dma_start3A = arith.constant 0 : i32
      %dma_start3A_139 = arith.constant 0 : i32
      %dma_start3A_140 = tpu.memref_slice %arg10[%dma_start3A, %dma_start3A_139] : memref<256x64xf32, #tpu.memory_space<vmem>> -> memref<232x64xf32, #tpu.memory_space<vmem>>
      %dma_start3A_141 = arith.constant 0 : i32
      %dma_start3A_142 = tpu.memref_slice %arg11[%add3A_22, %dma_start3A_141] : memref<26000x64xf32, #tpu.memory_space<vmem_shared>> -> memref<232x64xf32, #tpu.memory_space<vmem_shared>>
      %dma_start3A_143 = arith.constant 0 : i32
      %dma_start3A_144 = tpu.memref_slice %arg11[%add3A_22, %dma_start3A_143] : memref<26000x64xf32, #tpu.memory_space<vmem_shared>> -> memref<232x64xf32, #tpu.memory_space<vmem_shared>>
      %dma_start3A_145 = arith.constant 0 : i32
      %dma_start3A_146 = arith.constant 0 : i32
      %dma_start3A_147 = tpu.memref_slice %arg10[%dma_start3A_145, %dma_start3A_146] : memref<256x64xf32, #tpu.memory_space<vmem>> -> memref<232x64xf32, #tpu.memory_space<vmem>>
      tpu.enqueue_dma source(%dma_start3A_147 : memref<232x64xf32, #tpu.memory_space<vmem>>) target(%dma_start3A_144 : memref<232x64xf32, #tpu.memory_space<vmem_shared>>) target_semaphore(%run_scoped3A : memref<!tpu.dma_semaphore, #tpu.memory_space<semaphore_mem>>)
      %dma_wait3A = arith.constant 0 : i32
      %dma_wait3A_148 = arith.constant 0 : i32
      %dma_wait3A_149 = tpu.memref_slice %arg10[%dma_wait3A, %dma_wait3A_148] : memref<256x64xf32, #tpu.memory_space<vmem>> -> memref<232x64xf32, #tpu.memory_space<vmem>>
      %dma_wait3A_150 = arith.constant 0 : i32
      %dma_wait3A_151 = tpu.memref_slice %arg11[%add3A_22, %dma_wait3A_150] : memref<26000x64xf32, #tpu.memory_space<vmem_shared>> -> memref<232x64xf32, #tpu.memory_space<vmem_shared>>
      %dma_wait3A_152 = arith.constant 0 : i32
      %dma_wait3A_153 = tpu.memref_slice %arg11[%add3A_22, %dma_wait3A_152] : memref<26000x64xf32, #tpu.memory_space<vmem_shared>> -> memref<232x64xf32, #tpu.memory_space<vmem_shared>>
      %dma_wait3A_154 = arith.constant 0 : i32
      %dma_wait3A_155 = arith.constant 0 : i32
      %dma_wait3A_156 = tpu.memref_slice %arg10[%dma_wait3A_154, %dma_wait3A_155] : memref<256x64xf32, #tpu.memory_space<vmem>> -> memref<232x64xf32, #tpu.memory_space<vmem>>
      tpu.wait_dma2 semaphore(%run_scoped3A : memref<!tpu.dma_semaphore, #tpu.memory_space<semaphore_mem>>) src(%dma_wait3A_156 : memref<232x64xf32, #tpu.memory_space<vmem>>) dst(%dma_wait3A_153 : memref<232x64xf32, #tpu.memory_space<vmem_shared>>)
      tpu.yield
    }) : () -> ()
    %mul3A_23 = arith.constant 1624 : i32
    %mul3A_24 = arith.muli %arg1, %mul3A_23 : i32
    %add3A_25 = arith.constant 464 : i32
    %add3A_26 = arith.addi %mul3A_24, %add3A_25 : i32
    "tpu.region"() ({
      %run_scoped3A = tpu.sem_alloc : memref<!tpu.dma_semaphore, #tpu.memory_space<semaphore_mem>>
      %dma_start3A = arith.constant 0 : i32
      %dma_start3A_139 = arith.constant 0 : i32
      %dma_start3A_140 = tpu.memref_slice %arg10[%dma_start3A, %dma_start3A_139] : memref<256x64xf32, #tpu.memory_space<vmem>> -> memref<232x64xf32, #tpu.memory_space<vmem>>
      %dma_start3A_141 = arith.constant 0 : i32
      %dma_start3A_142 = tpu.memref_slice %arg11[%add3A_26, %dma_start3A_141] : memref<26000x64xf32, #tpu.memory_space<vmem_shared>> -> memref<232x64xf32, #tpu.memory_space<vmem_shared>>
      %dma_start3A_143 = arith.constant 0 : i32
      %dma_start3A_144 = tpu.memref_slice %arg11[%add3A_26, %dma_start3A_143] : memref<26000x64xf32, #tpu.memory_space<vmem_shared>> -> memref<232x64xf32, #tpu.memory_space<vmem_shared>>
      %dma_start3A_145 = arith.constant 0 : i32
      %dma_start3A_146 = arith.constant 0 : i32
      %dma_start3A_147 = tpu.memref_slice %arg10[%dma_start3A_145, %dma_start3A_146] : memref<256x64xf32, #tpu.memory_space<vmem>> -> memref<232x64xf32, #tpu.memory_space<vmem>>
      tpu.enqueue_dma source(%dma_start3A_147 : memref<232x64xf32, #tpu.memory_space<vmem>>) target(%dma_start3A_144 : memref<232x64xf32, #tpu.memory_space<vmem_shared>>) target_semaphore(%run_scoped3A : memref<!tpu.dma_semaphore, #tpu.memory_space<semaphore_mem>>)
      %dma_wait3A = arith.constant 0 : i32
      %dma_wait3A_148 = arith.constant 0 : i32
      %dma_wait3A_149 = tpu.memref_slice %arg10[%dma_wait3A, %dma_wait3A_148] : memref<256x64xf32, #tpu.memory_space<vmem>> -> memref<232x64xf32, #tpu.memory_space<vmem>>
      %dma_wait3A_150 = arith.constant 0 : i32
      %dma_wait3A_151 = tpu.memref_slice %arg11[%add3A_26, %dma_wait3A_150] : memref<26000x64xf32, #tpu.memory_space<vmem_shared>> -> memref<232x64xf32, #tpu.memory_space<vmem_shared>>
      %dma_wait3A_152 = arith.constant 0 : i32
      %dma_wait3A_153 = tpu.memref_slice %arg11[%add3A_26, %dma_wait3A_152] : memref<26000x64xf32, #tpu.memory_space<vmem_shared>> -> memref<232x64xf32, #tpu.memory_space<vmem_shared>>
      %dma_wait3A_154 = arith.constant 0 : i32
      %dma_wait3A_155 = arith.constant 0 : i32
      %dma_wait3A_156 = tpu.memref_slice %arg10[%dma_wait3A_154, %dma_wait3A_155] : memref<256x64xf32, #tpu.memory_space<vmem>> -> memref<232x64xf32, #tpu.memory_space<vmem>>
      tpu.wait_dma2 semaphore(%run_scoped3A : memref<!tpu.dma_semaphore, #tpu.memory_space<semaphore_mem>>) src(%dma_wait3A_156 : memref<232x64xf32, #tpu.memory_space<vmem>>) dst(%dma_wait3A_153 : memref<232x64xf32, #tpu.memory_space<vmem_shared>>)
      tpu.yield
    }) : () -> ()
    %mul3A_27 = arith.constant 1624 : i32
    %mul3A_28 = arith.muli %arg1, %mul3A_27 : i32
    %add3A_29 = arith.constant 696 : i32
    %add3A_30 = arith.addi %mul3A_28, %add3A_29 : i32
    "tpu.region"() ({
      %run_scoped3A = tpu.sem_alloc : memref<!tpu.dma_semaphore, #tpu.memory_space<semaphore_mem>>
      %dma_start3A = arith.constant 0 : i32
      %dma_start3A_139 = arith.constant 0 : i32
      %dma_start3A_140 = tpu.memref_slice %arg10[%dma_start3A, %dma_start3A_139] : memref<256x64xf32, #tpu.memory_space<vmem>> -> memref<232x64xf32, #tpu.memory_space<vmem>>
      %dma_start3A_141 = arith.constant 0 : i32
      %dma_start3A_142 = tpu.memref_slice %arg11[%add3A_30, %dma_start3A_141] : memref<26000x64xf32, #tpu.memory_space<vmem_shared>> -> memref<232x64xf32, #tpu.memory_space<vmem_shared>>
      %dma_start3A_143 = arith.constant 0 : i32
      %dma_start3A_144 = tpu.memref_slice %arg11[%add3A_30, %dma_start3A_143] : memref<26000x64xf32, #tpu.memory_space<vmem_shared>> -> memref<232x64xf32, #tpu.memory_space<vmem_shared>>
      %dma_start3A_145 = arith.constant 0 : i32
      %dma_start3A_146 = arith.constant 0 : i32
      %dma_start3A_147 = tpu.memref_slice %arg10[%dma_start3A_145, %dma_start3A_146] : memref<256x64xf32, #tpu.memory_space<vmem>> -> memref<232x64xf32, #tpu.memory_space<vmem>>
      tpu.enqueue_dma source(%dma_start3A_147 : memref<232x64xf32, #tpu.memory_space<vmem>>) target(%dma_start3A_144 : memref<232x64xf32, #tpu.memory_space<vmem_shared>>) target_semaphore(%run_scoped3A : memref<!tpu.dma_semaphore, #tpu.memory_space<semaphore_mem>>)
      %dma_wait3A = arith.constant 0 : i32
      %dma_wait3A_148 = arith.constant 0 : i32
      %dma_wait3A_149 = tpu.memref_slice %arg10[%dma_wait3A, %dma_wait3A_148] : memref<256x64xf32, #tpu.memory_space<vmem>> -> memref<232x64xf32, #tpu.memory_space<vmem>>
      %dma_wait3A_150 = arith.constant 0 : i32
      %dma_wait3A_151 = tpu.memref_slice %arg11[%add3A_30, %dma_wait3A_150] : memref<26000x64xf32, #tpu.memory_space<vmem_shared>> -> memref<232x64xf32, #tpu.memory_space<vmem_shared>>
      %dma_wait3A_152 = arith.constant 0 : i32
      %dma_wait3A_153 = tpu.memref_slice %arg11[%add3A_30, %dma_wait3A_152] : memref<26000x64xf32, #tpu.memory_space<vmem_shared>> -> memref<232x64xf32, #tpu.memory_space<vmem_shared>>
      %dma_wait3A_154 = arith.constant 0 : i32
      %dma_wait3A_155 = arith.constant 0 : i32
      %dma_wait3A_156 = tpu.memref_slice %arg10[%dma_wait3A_154, %dma_wait3A_155] : memref<256x64xf32, #tpu.memory_space<vmem>> -> memref<232x64xf32, #tpu.memory_space<vmem>>
      tpu.wait_dma2 semaphore(%run_scoped3A : memref<!tpu.dma_semaphore, #tpu.memory_space<semaphore_mem>>) src(%dma_wait3A_156 : memref<232x64xf32, #tpu.memory_space<vmem>>) dst(%dma_wait3A_153 : memref<232x64xf32, #tpu.memory_space<vmem_shared>>)
      tpu.yield
    }) : () -> ()
    %mul3A_31 = arith.constant 1624 : i32
    %mul3A_32 = arith.muli %arg1, %mul3A_31 : i32
    %add3A_33 = arith.constant 928 : i32
    %add3A_34 = arith.addi %mul3A_32, %add3A_33 : i32
    "tpu.region"() ({
      %run_scoped3A = tpu.sem_alloc : memref<!tpu.dma_semaphore, #tpu.memory_space<semaphore_mem>>
      %dma_start3A = arith.constant 0 : i32
      %dma_start3A_139 = arith.constant 0 : i32
      %dma_start3A_140 = tpu.memref_slice %arg10[%dma_start3A, %dma_start3A_139] : memref<256x64xf32, #tpu.memory_space<vmem>> -> memref<232x64xf32, #tpu.memory_space<vmem>>
      %dma_start3A_141 = arith.constant 0 : i32
      %dma_start3A_142 = tpu.memref_slice %arg11[%add3A_34, %dma_start3A_141] : memref<26000x64xf32, #tpu.memory_space<vmem_shared>> -> memref<232x64xf32, #tpu.memory_space<vmem_shared>>
      %dma_start3A_143 = arith.constant 0 : i32
      %dma_start3A_144 = tpu.memref_slice %arg11[%add3A_34, %dma_start3A_143] : memref<26000x64xf32, #tpu.memory_space<vmem_shared>> -> memref<232x64xf32, #tpu.memory_space<vmem_shared>>
      %dma_start3A_145 = arith.constant 0 : i32
      %dma_start3A_146 = arith.constant 0 : i32
      %dma_start3A_147 = tpu.memref_slice %arg10[%dma_start3A_145, %dma_start3A_146] : memref<256x64xf32, #tpu.memory_space<vmem>> -> memref<232x64xf32, #tpu.memory_space<vmem>>
      tpu.enqueue_dma source(%dma_start3A_147 : memref<232x64xf32, #tpu.memory_space<vmem>>) target(%dma_start3A_144 : memref<232x64xf32, #tpu.memory_space<vmem_shared>>) target_semaphore(%run_scoped3A : memref<!tpu.dma_semaphore, #tpu.memory_space<semaphore_mem>>)
      %dma_wait3A = arith.constant 0 : i32
      %dma_wait3A_148 = arith.constant 0 : i32
      %dma_wait3A_149 = tpu.memref_slice %arg10[%dma_wait3A, %dma_wait3A_148] : memref<256x64xf32, #tpu.memory_space<vmem>> -> memref<232x64xf32, #tpu.memory_space<vmem>>
      %dma_wait3A_150 = arith.constant 0 : i32
      %dma_wait3A_151 = tpu.memref_slice %arg11[%add3A_34, %dma_wait3A_150] : memref<26000x64xf32, #tpu.memory_space<vmem_shared>> -> memref<232x64xf32, #tpu.memory_space<vmem_shared>>
      %dma_wait3A_152 = arith.constant 0 : i32
      %dma_wait3A_153 = tpu.memref_slice %arg11[%add3A_34, %dma_wait3A_152] : memref<26000x64xf32, #tpu.memory_space<vmem_shared>> -> memref<232x64xf32, #tpu.memory_space<vmem_shared>>
      %dma_wait3A_154 = arith.constant 0 : i32
      %dma_wait3A_155 = arith.constant 0 : i32
      %dma_wait3A_156 = tpu.memref_slice %arg10[%dma_wait3A_154, %dma_wait3A_155] : memref<256x64xf32, #tpu.memory_space<vmem>> -> memref<232x64xf32, #tpu.memory_space<vmem>>
      tpu.wait_dma2 semaphore(%run_scoped3A : memref<!tpu.dma_semaphore, #tpu.memory_space<semaphore_mem>>) src(%dma_wait3A_156 : memref<232x64xf32, #tpu.memory_space<vmem>>) dst(%dma_wait3A_153 : memref<232x64xf32, #tpu.memory_space<vmem_shared>>)
      tpu.yield
    }) : () -> ()
    %mul3A_35 = arith.constant 1624 : i32
    %mul3A_36 = arith.muli %arg1, %mul3A_35 : i32
    %add3A_37 = arith.constant 1160 : i32
    %add3A_38 = arith.addi %mul3A_36, %add3A_37 : i32
    "tpu.region"() ({
      %run_scoped3A = tpu.sem_alloc : memref<!tpu.dma_semaphore, #tpu.memory_space<semaphore_mem>>
      %dma_start3A = arith.constant 0 : i32
      %dma_start3A_139 = arith.constant 0 : i32
      %dma_start3A_140 = tpu.memref_slice %arg10[%dma_start3A, %dma_start3A_139] : memref<256x64xf32, #tpu.memory_space<vmem>> -> memref<232x64xf32, #tpu.memory_space<vmem>>
      %dma_start3A_141 = arith.constant 0 : i32
      %dma_start3A_142 = tpu.memref_slice %arg11[%add3A_38, %dma_start3A_141] : memref<26000x64xf32, #tpu.memory_space<vmem_shared>> -> memref<232x64xf32, #tpu.memory_space<vmem_shared>>
      %dma_start3A_143 = arith.constant 0 : i32
      %dma_start3A_144 = tpu.memref_slice %arg11[%add3A_38, %dma_start3A_143] : memref<26000x64xf32, #tpu.memory_space<vmem_shared>> -> memref<232x64xf32, #tpu.memory_space<vmem_shared>>
      %dma_start3A_145 = arith.constant 0 : i32
      %dma_start3A_146 = arith.constant 0 : i32
      %dma_start3A_147 = tpu.memref_slice %arg10[%dma_start3A_145, %dma_start3A_146] : memref<256x64xf32, #tpu.memory_space<vmem>> -> memref<232x64xf32, #tpu.memory_space<vmem>>
      tpu.enqueue_dma source(%dma_start3A_147 : memref<232x64xf32, #tpu.memory_space<vmem>>) target(%dma_start3A_144 : memref<232x64xf32, #tpu.memory_space<vmem_shared>>) target_semaphore(%run_scoped3A : memref<!tpu.dma_semaphore, #tpu.memory_space<semaphore_mem>>)
      %dma_wait3A = arith.constant 0 : i32
      %dma_wait3A_148 = arith.constant 0 : i32
      %dma_wait3A_149 = tpu.memref_slice %arg10[%dma_wait3A, %dma_wait3A_148] : memref<256x64xf32, #tpu.memory_space<vmem>> -> memref<232x64xf32, #tpu.memory_space<vmem>>
      %dma_wait3A_150 = arith.constant 0 : i32
      %dma_wait3A_151 = tpu.memref_slice %arg11[%add3A_38, %dma_wait3A_150] : memref<26000x64xf32, #tpu.memory_space<vmem_shared>> -> memref<232x64xf32, #tpu.memory_space<vmem_shared>>
      %dma_wait3A_152 = arith.constant 0 : i32
      %dma_wait3A_153 = tpu.memref_slice %arg11[%add3A_38, %dma_wait3A_152] : memref<26000x64xf32, #tpu.memory_space<vmem_shared>> -> memref<232x64xf32, #tpu.memory_space<vmem_shared>>
      %dma_wait3A_154 = arith.constant 0 : i32
      %dma_wait3A_155 = arith.constant 0 : i32
      %dma_wait3A_156 = tpu.memref_slice %arg10[%dma_wait3A_154, %dma_wait3A_155] : memref<256x64xf32, #tpu.memory_space<vmem>> -> memref<232x64xf32, #tpu.memory_space<vmem>>
      tpu.wait_dma2 semaphore(%run_scoped3A : memref<!tpu.dma_semaphore, #tpu.memory_space<semaphore_mem>>) src(%dma_wait3A_156 : memref<232x64xf32, #tpu.memory_space<vmem>>) dst(%dma_wait3A_153 : memref<232x64xf32, #tpu.memory_space<vmem_shared>>)
      tpu.yield
    }) : () -> ()
    %mul3A_39 = arith.constant 1624 : i32
    %mul3A_40 = arith.muli %arg1, %mul3A_39 : i32
    %add3A_41 = arith.constant 1392 : i32
    %add3A_42 = arith.addi %mul3A_40, %add3A_41 : i32
    "tpu.region"() ({
      %run_scoped3A = tpu.sem_alloc : memref<!tpu.dma_semaphore, #tpu.memory_space<semaphore_mem>>
      %dma_start3A = arith.constant 0 : i32
      %dma_start3A_139 = arith.constant 0 : i32
      %dma_start3A_140 = tpu.memref_slice %arg10[%dma_start3A, %dma_start3A_139] : memref<256x64xf32, #tpu.memory_space<vmem>> -> memref<232x64xf32, #tpu.memory_space<vmem>>
      %dma_start3A_141 = arith.constant 0 : i32
      %dma_start3A_142 = tpu.memref_slice %arg11[%add3A_42, %dma_start3A_141] : memref<26000x64xf32, #tpu.memory_space<vmem_shared>> -> memref<232x64xf32, #tpu.memory_space<vmem_shared>>
      %dma_start3A_143 = arith.constant 0 : i32
      %dma_start3A_144 = tpu.memref_slice %arg11[%add3A_42, %dma_start3A_143] : memref<26000x64xf32, #tpu.memory_space<vmem_shared>> -> memref<232x64xf32, #tpu.memory_space<vmem_shared>>
      %dma_start3A_145 = arith.constant 0 : i32
      %dma_start3A_146 = arith.constant 0 : i32
      %dma_start3A_147 = tpu.memref_slice %arg10[%dma_start3A_145, %dma_start3A_146] : memref<256x64xf32, #tpu.memory_space<vmem>> -> memref<232x64xf32, #tpu.memory_space<vmem>>
      tpu.enqueue_dma source(%dma_start3A_147 : memref<232x64xf32, #tpu.memory_space<vmem>>) target(%dma_start3A_144 : memref<232x64xf32, #tpu.memory_space<vmem_shared>>) target_semaphore(%run_scoped3A : memref<!tpu.dma_semaphore, #tpu.memory_space<semaphore_mem>>)
      %dma_wait3A = arith.constant 0 : i32
      %dma_wait3A_148 = arith.constant 0 : i32
      %dma_wait3A_149 = tpu.memref_slice %arg10[%dma_wait3A, %dma_wait3A_148] : memref<256x64xf32, #tpu.memory_space<vmem>> -> memref<232x64xf32, #tpu.memory_space<vmem>>
      %dma_wait3A_150 = arith.constant 0 : i32
      %dma_wait3A_151 = tpu.memref_slice %arg11[%add3A_42, %dma_wait3A_150] : memref<26000x64xf32, #tpu.memory_space<vmem_shared>> -> memref<232x64xf32, #tpu.memory_space<vmem_shared>>
      %dma_wait3A_152 = arith.constant 0 : i32
      %dma_wait3A_153 = tpu.memref_slice %arg11[%add3A_42, %dma_wait3A_152] : memref<26000x64xf32, #tpu.memory_space<vmem_shared>> -> memref<232x64xf32, #tpu.memory_space<vmem_shared>>
      %dma_wait3A_154 = arith.constant 0 : i32
      %dma_wait3A_155 = arith.constant 0 : i32
      %dma_wait3A_156 = tpu.memref_slice %arg10[%dma_wait3A_154, %dma_wait3A_155] : memref<256x64xf32, #tpu.memory_space<vmem>> -> memref<232x64xf32, #tpu.memory_space<vmem>>
      tpu.wait_dma2 semaphore(%run_scoped3A : memref<!tpu.dma_semaphore, #tpu.memory_space<semaphore_mem>>) src(%dma_wait3A_156 : memref<232x64xf32, #tpu.memory_space<vmem>>) dst(%dma_wait3A_153 : memref<232x64xf32, #tpu.memory_space<vmem_shared>>)
      tpu.yield
    }) : () -> ()
    %barrier3A = arith.constant 0 : index
    tpu.barrier barrier_id(%barrier3A)
    %scan3A_43 = arith.constant 0 : i32
    %scan3A_44 = arith.constant 0 : i32
    %scan3A_45 = arith.constant 49 : i32
    %scan3A_46 = arith.addi %scan3A_44, %scan3A_45 : i32
    %scan3A_47 = arith.constant 1 : i32
    %scan3A_48 = scf.for %scan3A_139 = %scan3A_44 to %scan3A_46 step %scan3A_47 iter_args(%scan3A_140 = %scan3A_43) -> (i32)  : i32 {
      %mul3A_141 = arith.constant 8 : i32
      %mul3A_142 = arith.muli %scan3A_139, %mul3A_141 : i32
      %add3A_143 = arith.addi %mul3A_7, %mul3A_142 : i32
      "tpu.region"() ({
        %run_scoped3A = tpu.sem_alloc : memref<!tpu.dma_semaphore, #tpu.memory_space<semaphore_mem>>
        %dma_start3A = arith.constant 0 : i32
        %dma_start3A_196 = tpu.memref_slice %arg3[%add3A_143, %dma_start3A] : memref<6272x128xi32, #tpu.memory_space<hbm>> -> memref<8x128xi32, #tpu.memory_space<hbm>>
        %dma_start3A_197 = arith.constant 0 : i32
        %dma_start3A_198 = tpu.memref_slice %arg3[%add3A_143, %dma_start3A_197] : memref<6272x128xi32, #tpu.memory_space<hbm>> -> memref<8x128xi32, #tpu.memory_space<hbm>>
        tpu.enqueue_dma source(%dma_start3A_198 : memref<8x128xi32, #tpu.memory_space<hbm>>) target(%arg6 : memref<8x128xi32, #tpu.memory_space<vmem>>) target_semaphore(%run_scoped3A : memref<!tpu.dma_semaphore, #tpu.memory_space<semaphore_mem>>)
        %dma_wait3A = arith.constant 0 : i32
        %dma_wait3A_199 = tpu.memref_slice %arg3[%add3A_143, %dma_wait3A] : memref<6272x128xi32, #tpu.memory_space<hbm>> -> memref<8x128xi32, #tpu.memory_space<hbm>>
        %dma_wait3A_200 = arith.constant 0 : i32
        %dma_wait3A_201 = tpu.memref_slice %arg3[%add3A_143, %dma_wait3A_200] : memref<6272x128xi32, #tpu.memory_space<hbm>> -> memref<8x128xi32, #tpu.memory_space<hbm>>
        tpu.wait_dma2 semaphore(%run_scoped3A : memref<!tpu.dma_semaphore, #tpu.memory_space<semaphore_mem>>) src(%dma_wait3A_201 : memref<8x128xi32, #tpu.memory_space<hbm>>) dst(%arg6 : memref<8x128xi32, #tpu.memory_space<vmem>>)
        tpu.yield
      }) : () -> ()
      "tpu.region"() ({
        %run_scoped3A = tpu.sem_alloc : memref<!tpu.dma_semaphore, #tpu.memory_space<semaphore_mem>>
        %dma_start3A = arith.constant 0 : i32
        %dma_start3A_196 = tpu.memref_slice %arg4[%add3A_143, %dma_start3A] : memref<6272x128xi32, #tpu.memory_space<hbm>> -> memref<8x128xi32, #tpu.memory_space<hbm>>
        %dma_start3A_197 = arith.constant 0 : i32
        %dma_start3A_198 = tpu.memref_slice %arg4[%add3A_143, %dma_start3A_197] : memref<6272x128xi32, #tpu.memory_space<hbm>> -> memref<8x128xi32, #tpu.memory_space<hbm>>
        tpu.enqueue_dma source(%dma_start3A_198 : memref<8x128xi32, #tpu.memory_space<hbm>>) target(%arg7 : memref<8x128xi32, #tpu.memory_space<vmem>>) target_semaphore(%run_scoped3A : memref<!tpu.dma_semaphore, #tpu.memory_space<semaphore_mem>>)
        %dma_wait3A = arith.constant 0 : i32
        %dma_wait3A_199 = tpu.memref_slice %arg4[%add3A_143, %dma_wait3A] : memref<6272x128xi32, #tpu.memory_space<hbm>> -> memref<8x128xi32, #tpu.memory_space<hbm>>
        %dma_wait3A_200 = arith.constant 0 : i32
        %dma_wait3A_201 = tpu.memref_slice %arg4[%add3A_143, %dma_wait3A_200] : memref<6272x128xi32, #tpu.memory_space<hbm>> -> memref<8x128xi32, #tpu.memory_space<hbm>>
        tpu.wait_dma2 semaphore(%run_scoped3A : memref<!tpu.dma_semaphore, #tpu.memory_space<semaphore_mem>>) src(%dma_wait3A_201 : memref<8x128xi32, #tpu.memory_space<hbm>>) dst(%arg7 : memref<8x128xi32, #tpu.memory_space<vmem>>)
        tpu.yield
      }) : () -> ()
      %scan3A_144 = arith.constant 2147483647 : i32
      %scan3A_145 = arith.constant 0 : i32
      %scan3A_146 = arith.constant 64 : i32
      %scan3A_147 = arith.addi %scan3A_145, %scan3A_146 : i32
      %scan3A_148 = arith.constant 1 : i32
      %scan3A_149 = scf.for %scan3A_196 = %scan3A_145 to %scan3A_147 step %scan3A_148 iter_args(%scan3A_197 = %scan3A_140) -> (i32)  : i32 {
        %jit3A_198 = arith.constant 8 : i32
        %div3A_199 = arith.divsi %scan3A_196, %jit3A_198 : i32
        %sign3A_200 = arith.constant 0 : i32
        %sign3A_201 = arith.cmpi sgt, %scan3A_196, %sign3A_200 : i32
        %sign3A_202 = arith.extui %sign3A_201 : i1 to i32
        %sign3A_203 = arith.constant 0 : i32
        %sign3A_204 = arith.cmpi slt, %scan3A_196, %sign3A_203 : i32
        %sign3A_205 = arith.extui %sign3A_204 : i1 to i32
        %sign3A_206 = arith.subi %sign3A_202, %sign3A_205 : i32
        %sign3A_207 = arith.constant 0 : i32
        %sign3A_208 = arith.cmpi sgt, %jit3A_198, %sign3A_207 : i32
        %sign3A_209 = arith.extui %sign3A_208 : i1 to i32
        %sign3A_210 = arith.constant 0 : i32
        %sign3A_211 = arith.cmpi slt, %jit3A_198, %sign3A_210 : i32
        %sign3A_212 = arith.extui %sign3A_211 : i1 to i32
        %sign3A_213 = arith.subi %sign3A_209, %sign3A_212 : i32
        %ne3A_214 = arith.cmpi ne, %sign3A_206, %sign3A_213 : i32
        %rem3A_215 = arith.remsi %scan3A_196, %jit3A_198 : i32
        %ne3A_216 = arith.constant 0 : i32
        %ne3A_217 = arith.cmpi ne, %rem3A_215, %ne3A_216 : i32
        %and3A_218 = arith.andi %ne3A_214, %ne3A_217 : i1
        %sub3A_219 = arith.constant 1 : i32
        %sub3A_220 = arith.subi %div3A_199, %sub3A_219 : i32
        %select_n3A_221 = arith.select %and3A_218, %sub3A_220, %div3A_199 : i32
        %jit3A_222 = arith.constant 8 : i32
        %eq3A = arith.constant 0 : i32
        %eq3A_223 = arith.cmpi eq, %jit3A_222, %eq3A : i32
        %jit3A_224 = arith.constant 1 : i32
        %select_n3A_225 = arith.select %eq3A_223, %jit3A_224, %jit3A_222 : i32
        %rem3A_226 = arith.remsi %scan3A_196, %select_n3A_225 : i32
        %ne3A_227 = arith.constant 0 : i32
        %ne3A_228 = arith.cmpi ne, %rem3A_226, %ne3A_227 : i32
        %lt3A = arith.constant 0 : i32
        %lt3A_229 = arith.cmpi slt, %rem3A_226, %lt3A : i32
        %lt3A_230 = arith.constant 0 : i32
        %lt3A_231 = arith.cmpi slt, %select_n3A_225, %lt3A_230 : i32
        %ne3A_232 = arith.xori %lt3A_229, %lt3A_231 : i1
        %and3A_233 = arith.andi %ne3A_232, %ne3A_228 : i1
        %add3A_234 = arith.addi %rem3A_226, %select_n3A_225 : i32
        %select_n3A_235 = arith.select %and3A_233, %add3A_234, %rem3A_226 : i32
        %mul3A_236 = arith.constant 16 : i32
        %mul3A_237 = arith.muli %select_n3A_235, %mul3A_236 : i32
        %get3A = arith.index_cast %select_n3A_221 : i32 to index
        %get3A_238 = arith.index_cast %mul3A_237 : i32 to index
        %get3A_239 = tpu.vector_load %arg7[%get3A, %get3A_238] {strides = array<i32>} : memref<8x128xi32, #tpu.memory_space<vmem>>, vector<16xi32>,
        %sub3A_240 = vector.broadcast %mul3A_0 : i32 to vector<16xi32>
        %sub3A_241 = arith.subi %get3A_239, %sub3A_240 : vector<16xi32>
        %ge3A = arith.constant 0 : i32
        %ge3A_242 = vector.broadcast %ge3A : i32 to vector<16xi32>
        %ge3A_243 = arith.cmpi sge, %sub3A_241, %ge3A_242 : vector<16xi32>
        %lt3A_244 = arith.constant 25000 : i32
        %lt3A_245 = vector.broadcast %lt3A_244 : i32 to vector<16xi32>
        %lt3A_246 = arith.cmpi slt, %sub3A_241, %lt3A_245 : vector<16xi32>
        %and3A_247 = arith.andi %ge3A_243, %lt3A_246 : vector<16xi1>
        %mul3A_248 = arith.constant 16 : i32
        %mul3A_249 = arith.muli %select_n3A_235, %mul3A_248 : i32
        %get3A_250 = arith.index_cast %select_n3A_221 : i32 to index
        %get3A_251 = arith.index_cast %mul3A_249 : i32 to index
        %get3A_252 = tpu.vector_load %arg6[%get3A_250, %get3A_251] {strides = array<i32>} : memref<8x128xi32, #tpu.memory_space<vmem>>, vector<16xi32>,
        %mul3A_253 = arith.constant 65536 : i32
        %mul3A_254 = vector.broadcast %mul3A_253 : i32 to vector<16xi32>
        %mul3A_255 = arith.muli %sub3A_241, %mul3A_254 : vector<16xi32>
        %add3A_256 = arith.addi %mul3A_255, %get3A_252 : vector<16xi32>
        %broadcast_in_dim3A_257 = vector.broadcast %scan3A_144 : i32 to vector<16xi32>
        %select_n3A_258 = arith.select %and3A_247, %add3A_256, %broadcast_in_dim3A_257 : vector<16xi1>, vector<16xi32>
        %sort3A = arith.constant dense<true> : vector<16xi1>
        %sort3A_259, %sort3A_260, %sort3A_261 = tpu.sort %select_n3A_258, %select_n3A_258 masked %sort3A : (vector<16xi32>, vector<16xi32>, vector<16xi1>) -> (vector<16xi1>, vector<16xi32>, vector<16xi32>)
        %shift_right_logical3A = arith.constant 16 : i32
        %shift_right_logical3A_262 = vector.broadcast %shift_right_logical3A : i32 to vector<16xi32>
        %shift_right_logical3A_263 = arith.shrui %sort3A_260, %shift_right_logical3A_262 : vector<16xi32>
        %swap3A_264 = arith.index_cast %scan3A_197 : i32 to index
        %swap3A_265 = tpu.vector_load %arg9[%swap3A_264] {strides = array<i32>} : memref<1280xi32, #tpu.memory_space<vmem>>, vector<16xi32>,
        tpu.vector_store %arg9[%swap3A_264], %shift_right_logical3A_263 {strides = array<i32>} : memref<1280xi32, #tpu.memory_space<vmem>>, vector<16xi32>,
        %and3A_266 = arith.constant 65535 : i32
        %and3A_267 = vector.broadcast %and3A_266 : i32 to vector<16xi32>
        %and3A_268 = arith.andi %sort3A_260, %and3A_267 : vector<16xi32>
        %swap3A_269 = arith.index_cast %scan3A_197 : i32 to index
        %swap3A_270 = tpu.vector_load %arg8[%swap3A_269] {strides = array<i32>} : memref<1280xi32, #tpu.memory_space<vmem>>, vector<16xi32>,
        tpu.vector_store %arg8[%swap3A_269], %and3A_268 {strides = array<i32>} : memref<1280xi32, #tpu.memory_space<vmem>>, vector<16xi32>,
        %convert_element_type3A_271 = arith.extui %and3A_247 : vector<16xi1> to vector<16xi32>
        %reduce_sum3A = arith.constant true
        %reduce_sum3A_272 = vector.broadcast %reduce_sum3A : i1 to vector<16xi1>
        %reduce_sum3A_273 = tpu.scan <sum>, %convert_element_type3A_271 masked %reduce_sum3A_272 : vector<16xi32>, vector<16xi1> -> vector<16xi32>
        %reduce_sum3A_274 = vector.extract %reduce_sum3A_273[15] : i32 from vector<16xi32>
        %add3A_275 = arith.addi %scan3A_197, %reduce_sum3A_274 : i32
        scf.yield %add3A_275 : i32
      }
      %scan3A_150 = arith.constant 64 : i32
      %jit3A = arith.constant 128 : i32
      %div3A = arith.divsi %scan3A_149, %jit3A : i32
      %sign3A = arith.constant 0 : i32
      %sign3A_151 = arith.cmpi sgt, %scan3A_149, %sign3A : i32
      %sign3A_152 = arith.extui %sign3A_151 : i1 to i32
      %sign3A_153 = arith.constant 0 : i32
      %sign3A_154 = arith.cmpi slt, %scan3A_149, %sign3A_153 : i32
      %sign3A_155 = arith.extui %sign3A_154 : i1 to i32
      %sign3A_156 = arith.subi %sign3A_152, %sign3A_155 : i32
      %sign3A_157 = arith.constant 0 : i32
      %sign3A_158 = arith.cmpi sgt, %jit3A, %sign3A_157 : i32
      %sign3A_159 = arith.extui %sign3A_158 : i1 to i32
      %sign3A_160 = arith.constant 0 : i32
      %sign3A_161 = arith.cmpi slt, %jit3A, %sign3A_160 : i32
      %sign3A_162 = arith.extui %sign3A_161 : i1 to i32
      %sign3A_163 = arith.subi %sign3A_159, %sign3A_162 : i32
      %ne3A = arith.cmpi ne, %sign3A_156, %sign3A_163 : i32
      %rem3A = arith.remsi %scan3A_149, %jit3A : i32
      %ne3A_164 = arith.constant 0 : i32
      %ne3A_165 = arith.cmpi ne, %rem3A, %ne3A_164 : i32
      %and3A = arith.andi %ne3A, %ne3A_165 : i1
      %sub3A = arith.constant 1 : i32
      %sub3A_166 = arith.subi %div3A, %sub3A : i32
      %select_n3A = arith.select %and3A, %sub3A_166, %div3A : i32
      %gt3A_167 = arith.constant 0 : i32
      %gt3A_168 = arith.cmpi sgt, %select_n3A, %gt3A_167 : i32
      %convert_element_type3A_169 = arith.extui %gt3A_168 : i1 to i32
      %cond3A_170 = arith.constant 0 : i32
      %cond3A_171 = arith.cmpi ne, %convert_element_type3A_169, %cond3A_170 : i32
      scf.if %cond3A_171 {
        %rem3A_196 = arith.constant 0 : i32
        %rem3A_197 = arith.constant 2 : i32
        %rem3A_198 = arith.remsi %rem3A_196, %rem3A_197 : i32
        %mul3A_199 = arith.constant 128 : i32
        %mul3A_200 = arith.muli %rem3A_198, %mul3A_199 : i32
        %dma_start3A = arith.constant 0 : i32
        %dma_start3A_201 = tpu.memref_slice %arg10[%mul3A_200, %dma_start3A] : memref<256x64xf32, #tpu.memory_space<vmem>> -> memref<128x64xf32, #tpu.memory_space<vmem>>
        %dma_start3A_202 = arith.constant 0 : i32
        %dma_start3A_203 = tpu.memref_slice %arg8[%dma_start3A_202] : memref<1280xi32, #tpu.memory_space<vmem>> -> memref<128xi32, #tpu.memory_space<vmem>>
        %dma_start3A_204 = arith.constant 0 : i32
        %dma_start3A_205 = arith.constant 0 : i32
        %dma_start3A_206 = tpu.memref_slice %arg2[%dma_start3A_204, %dma_start3A_205] : memref<50000x64xf32, #tpu.memory_space<hbm>> -> memref<50000x64xf32, #tpu.memory_space<hbm>>
        tpu.enqueue_indirect_dma source(%dma_start3A_206 : memref<50000x64xf32, #tpu.memory_space<hbm>>) target(%dma_start3A_201 : memref<128x64xf32, #tpu.memory_space<vmem>>) offsets(%dma_start3A_203 : memref<128xi32, #tpu.memory_space<vmem>>) semaphore(%arg12 : memref<!tpu.dma_semaphore, #tpu.memory_space<semaphore_mem>>)
      } else {
      }
      %while3A = arith.constant 0 : i32
      %while3A_172 = arith.constant 0 : i32
      %while3A_173 = arith.subi %select_n3A, %while3A : i32
      %while3A_174 = arith.addi %while3A, %while3A_173 : i32
      %while3A_175 = arith.constant 1 : i32
      %while3A_176 = arith.divsi %while3A_173, %while3A_175 : i32
      %while3A_177 = arith.muli %while3A_176, %while3A_175 : i32
      %while3A_178 = arith.addi %while3A, %while3A_177 : i32
      %while3A_179 = arith.constant 1 : i32
      %while3A_180 = scf.for %while3A_196 = %while3A to %while3A_178 step %while3A_179 iter_args(%while3A_197 = %while3A_172) -> (i32)  : i32 {
        %dma_wait3A = arith.constant 0 : i32
        %dma_wait3A_198 = arith.constant 0 : i32
        %dma_wait3A_199 = tpu.memref_slice %arg10[%dma_wait3A, %dma_wait3A_198] : memref<256x64xf32, #tpu.memory_space<vmem>> -> memref<128x64xf32, #tpu.memory_space<vmem>>
        %dma_wait3A_200 = arith.constant 0 : i32
        %dma_wait3A_201 = tpu.memref_slice %arg8[%dma_wait3A_200] : memref<1280xi32, #tpu.memory_space<vmem>> -> memref<128xi32, #tpu.memory_space<vmem>>
        %dma_wait3A_202 = arith.constant 0 : i32
        %dma_wait3A_203 = arith.constant 0 : i32
        %dma_wait3A_204 = tpu.memref_slice %arg2[%dma_wait3A_202, %dma_wait3A_203] : memref<50000x64xf32, #tpu.memory_space<hbm>> -> memref<50000x64xf32, #tpu.memory_space<hbm>>
        tpu.wait_indirect_dma semaphore(%arg12 : memref<!tpu.dma_semaphore, #tpu.memory_space<semaphore_mem>>) src(%dma_wait3A_204 : memref<50000x64xf32, #tpu.memory_space<hbm>>) dst(%dma_wait3A_199 : memref<128x64xf32, #tpu.memory_space<vmem>>)
        %rem3A_205 = arith.constant 2 : i32
        %rem3A_206 = arith.remsi %while3A_196, %rem3A_205 : i32
        %mul3A_207 = arith.constant 128 : i32
        %mul3A_208 = arith.muli %rem3A_206, %mul3A_207 : i32
        %mul3A_209 = arith.constant 128 : i32
        %mul3A_210 = arith.muli %while3A_196, %mul3A_209 : i32
        %dma_start3A = arith.constant 0 : i32
        %dma_start3A_211 = tpu.memref_slice %arg10[%mul3A_208, %dma_start3A] : memref<256x64xf32, #tpu.memory_space<vmem>> -> memref<128x64xf32, #tpu.memory_space<vmem>>
        %dma_start3A_212 = tpu.memref_slice %arg9[%mul3A_210] : memref<1280xi32, #tpu.memory_space<vmem>> -> memref<128xi32, #tpu.memory_space<vmem>>
        %dma_start3A_213 = arith.constant 0 : i32
        %dma_start3A_214 = arith.constant 0 : i32
        %dma_start3A_215 = tpu.memref_slice %arg11[%dma_start3A_213, %dma_start3A_214] : memref<26000x64xf32, #tpu.memory_space<vmem_shared>> -> memref<26000x64xf32, #tpu.memory_space<vmem_shared>>
        tpu.enqueue_indirect_dma source(%dma_start3A_211 : memref<128x64xf32, #tpu.memory_space<vmem>>) target(%dma_start3A_215 : memref<26000x64xf32, #tpu.memory_space<vmem_shared>>) offsets(%dma_start3A_212 : memref<128xi32, #tpu.memory_space<vmem>>) semaphore(%arg13 : memref<!tpu.dma_semaphore, #tpu.memory_space<semaphore_mem>>) {add = true}
        %ge3A = arith.constant 1 : i32
        %ge3A_216 = arith.cmpi sge, %while3A_196, %ge3A : i32
        %convert_element_type3A_217 = arith.extui %ge3A_216 : i1 to i32
        %cond3A_218 = arith.constant 0 : i32
        %cond3A_219 = arith.cmpi ne, %convert_element_type3A_217, %cond3A_218 : i32
        scf.if %cond3A_219 {
          %dma_wait3A_228 = arith.constant 0 : i32
          %dma_wait3A_229 = arith.constant 0 : i32
          %dma_wait3A_230 = tpu.memref_slice %arg10[%dma_wait3A_228, %dma_wait3A_229] : memref<256x64xf32, #tpu.memory_space<vmem>> -> memref<128x64xf32, #tpu.memory_space<vmem>>
          %dma_wait3A_231 = arith.constant 0 : i32
          %dma_wait3A_232 = tpu.memref_slice %arg9[%dma_wait3A_231] : memref<1280xi32, #tpu.memory_space<vmem>> -> memref<128xi32, #tpu.memory_space<vmem>>
          %dma_wait3A_233 = arith.constant 0 : i32
          %dma_wait3A_234 = arith.constant 0 : i32
          %dma_wait3A_235 = tpu.memref_slice %arg11[%dma_wait3A_233, %dma_wait3A_234] : memref<26000x64xf32, #tpu.memory_space<vmem_shared>> -> memref<26000x64xf32, #tpu.memory_space<vmem_shared>>
          tpu.wait_indirect_dma semaphore(%arg13 : memref<!tpu.dma_semaphore, #tpu.memory_space<semaphore_mem>>) src(%dma_wait3A_230 : memref<128x64xf32, #tpu.memory_space<vmem>>) dst(%dma_wait3A_235 : memref<26000x64xf32, #tpu.memory_space<vmem_shared>>)
        } else {
        }
        %add3A_220 = arith.constant 2 : i32
        %add3A_221 = arith.addi %while3A_196, %add3A_220 : i32
        %sub3A_222 = arith.constant 1 : i32
        %sub3A_223 = arith.subi %add3A_221, %sub3A_222 : i32
        %lt3A = arith.cmpi slt, %sub3A_223, %select_n3A : i32
        %convert_element_type3A_224 = arith.extui %lt3A : i1 to i32
        %cond3A_225 = arith.constant 0 : i32
        %cond3A_226 = arith.cmpi ne, %convert_element_type3A_224, %cond3A_225 : i32
        scf.if %cond3A_226 {
          %add3A_228 = arith.constant 2 : i32
          %add3A_229 = arith.addi %while3A_196, %add3A_228 : i32
          %sub3A_230 = arith.constant 1 : i32
          %sub3A_231 = arith.subi %add3A_229, %sub3A_230 : i32
          %mul3A_232 = arith.constant 128 : i32
          %mul3A_233 = arith.muli %sub3A_231, %mul3A_232 : i32
          %rem3A_234 = arith.constant 2 : i32
          %rem3A_235 = arith.remsi %sub3A_231, %rem3A_234 : i32
          %mul3A_236 = arith.constant 128 : i32
          %mul3A_237 = arith.muli %rem3A_235, %mul3A_236 : i32
          %dma_start3A_238 = arith.constant 0 : i32
          %dma_start3A_239 = tpu.memref_slice %arg10[%mul3A_237, %dma_start3A_238] : memref<256x64xf32, #tpu.memory_space<vmem>> -> memref<128x64xf32, #tpu.memory_space<vmem>>
          %dma_start3A_240 = tpu.memref_slice %arg8[%mul3A_233] : memref<1280xi32, #tpu.memory_space<vmem>> -> memref<128xi32, #tpu.memory_space<vmem>>
          %dma_start3A_241 = arith.constant 0 : i32
          %dma_start3A_242 = arith.constant 0 : i32
          %dma_start3A_243 = tpu.memref_slice %arg2[%dma_start3A_241, %dma_start3A_242] : memref<50000x64xf32, #tpu.memory_space<hbm>> -> memref<50000x64xf32, #tpu.memory_space<hbm>>
          tpu.enqueue_indirect_dma source(%dma_start3A_243 : memref<50000x64xf32, #tpu.memory_space<hbm>>) target(%dma_start3A_239 : memref<128x64xf32, #tpu.memory_space<vmem>>) offsets(%dma_start3A_240 : memref<128xi32, #tpu.memory_space<vmem>>) semaphore(%arg12 : memref<!tpu.dma_semaphore, #tpu.memory_space<semaphore_mem>>)
        } else {
        }
        %while3A_227 = arith.constant 0 : i32
        scf.yield %while3A_227 : i32
      }
      %while3A_181 = arith.constant 1 : i32
      %while3A_182 = scf.for %while3A_196 = %while3A_178 to %while3A_174 step %while3A_181 iter_args(%while3A_197 = %while3A_180) -> (i32)  : i32 {
        %dma_wait3A = arith.constant 0 : i32
        %dma_wait3A_198 = arith.constant 0 : i32
        %dma_wait3A_199 = tpu.memref_slice %arg10[%dma_wait3A, %dma_wait3A_198] : memref<256x64xf32, #tpu.memory_space<vmem>> -> memref<128x64xf32, #tpu.memory_space<vmem>>
        %dma_wait3A_200 = arith.constant 0 : i32
        %dma_wait3A_201 = tpu.memref_slice %arg8[%dma_wait3A_200] : memref<1280xi32, #tpu.memory_space<vmem>> -> memref<128xi32, #tpu.memory_space<vmem>>
        %dma_wait3A_202 = arith.constant 0 : i32
        %dma_wait3A_203 = arith.constant 0 : i32
        %dma_wait3A_204 = tpu.memref_slice %arg2[%dma_wait3A_202, %dma_wait3A_203] : memref<50000x64xf32, #tpu.memory_space<hbm>> -> memref<50000x64xf32, #tpu.memory_space<hbm>>
        tpu.wait_indirect_dma semaphore(%arg12 : memref<!tpu.dma_semaphore, #tpu.memory_space<semaphore_mem>>) src(%dma_wait3A_204 : memref<50000x64xf32, #tpu.memory_space<hbm>>) dst(%dma_wait3A_199 : memref<128x64xf32, #tpu.memory_space<vmem>>)
        %rem3A_205 = arith.constant 2 : i32
        %rem3A_206 = arith.remsi %while3A_196, %rem3A_205 : i32
        %mul3A_207 = arith.constant 128 : i32
        %mul3A_208 = arith.muli %rem3A_206, %mul3A_207 : i32
        %mul3A_209 = arith.constant 128 : i32
        %mul3A_210 = arith.muli %while3A_196, %mul3A_209 : i32
        %dma_start3A = arith.constant 0 : i32
        %dma_start3A_211 = tpu.memref_slice %arg10[%mul3A_208, %dma_start3A] : memref<256x64xf32, #tpu.memory_space<vmem>> -> memref<128x64xf32, #tpu.memory_space<vmem>>
        %dma_start3A_212 = tpu.memref_slice %arg9[%mul3A_210] : memref<1280xi32, #tpu.memory_space<vmem>> -> memref<128xi32, #tpu.memory_space<vmem>>
        %dma_start3A_213 = arith.constant 0 : i32
        %dma_start3A_214 = arith.constant 0 : i32
        %dma_start3A_215 = tpu.memref_slice %arg11[%dma_start3A_213, %dma_start3A_214] : memref<26000x64xf32, #tpu.memory_space<vmem_shared>> -> memref<26000x64xf32, #tpu.memory_space<vmem_shared>>
        tpu.enqueue_indirect_dma source(%dma_start3A_211 : memref<128x64xf32, #tpu.memory_space<vmem>>) target(%dma_start3A_215 : memref<26000x64xf32, #tpu.memory_space<vmem_shared>>) offsets(%dma_start3A_212 : memref<128xi32, #tpu.memory_space<vmem>>) semaphore(%arg13 : memref<!tpu.dma_semaphore, #tpu.memory_space<semaphore_mem>>) {add = true}
        %ge3A = arith.constant 1 : i32
        %ge3A_216 = arith.cmpi sge, %while3A_196, %ge3A : i32
        %convert_element_type3A_217 = arith.extui %ge3A_216 : i1 to i32
        %cond3A_218 = arith.constant 0 : i32
        %cond3A_219 = arith.cmpi ne, %convert_element_type3A_217, %cond3A_218 : i32
        scf.if %cond3A_219 {
          %dma_wait3A_228 = arith.constant 0 : i32
          %dma_wait3A_229 = arith.constant 0 : i32
          %dma_wait3A_230 = tpu.memref_slice %arg10[%dma_wait3A_228, %dma_wait3A_229] : memref<256x64xf32, #tpu.memory_space<vmem>> -> memref<128x64xf32, #tpu.memory_space<vmem>>
          %dma_wait3A_231 = arith.constant 0 : i32
          %dma_wait3A_232 = tpu.memref_slice %arg9[%dma_wait3A_231] : memref<1280xi32, #tpu.memory_space<vmem>> -> memref<128xi32, #tpu.memory_space<vmem>>
          %dma_wait3A_233 = arith.constant 0 : i32
          %dma_wait3A_234 = arith.constant 0 : i32
          %dma_wait3A_235 = tpu.memref_slice %arg11[%dma_wait3A_233, %dma_wait3A_234] : memref<26000x64xf32, #tpu.memory_space<vmem_shared>> -> memref<26000x64xf32, #tpu.memory_space<vmem_shared>>
          tpu.wait_indirect_dma semaphore(%arg13 : memref<!tpu.dma_semaphore, #tpu.memory_space<semaphore_mem>>) src(%dma_wait3A_230 : memref<128x64xf32, #tpu.memory_space<vmem>>) dst(%dma_wait3A_235 : memref<26000x64xf32, #tpu.memory_space<vmem_shared>>)
        } else {
        }
        %add3A_220 = arith.constant 2 : i32
        %add3A_221 = arith.addi %while3A_196, %add3A_220 : i32
        %sub3A_222 = arith.constant 1 : i32
        %sub3A_223 = arith.subi %add3A_221, %sub3A_222 : i32
        %lt3A = arith.cmpi slt, %sub3A_223, %select_n3A : i32
        %convert_element_type3A_224 = arith.extui %lt3A : i1 to i32
        %cond3A_225 = arith.constant 0 : i32
        %cond3A_226 = arith.cmpi ne, %convert_element_type3A_224, %cond3A_225 : i32
        scf.if %cond3A_226 {
          %add3A_228 = arith.constant 2 : i32
          %add3A_229 = arith.addi %while3A_196, %add3A_228 : i32
          %sub3A_230 = arith.constant 1 : i32
          %sub3A_231 = arith.subi %add3A_229, %sub3A_230 : i32
          %mul3A_232 = arith.constant 128 : i32
          %mul3A_233 = arith.muli %sub3A_231, %mul3A_232 : i32
          %rem3A_234 = arith.constant 2 : i32
          %rem3A_235 = arith.remsi %sub3A_231, %rem3A_234 : i32
          %mul3A_236 = arith.constant 128 : i32
          %mul3A_237 = arith.muli %rem3A_235, %mul3A_236 : i32
          %dma_start3A_238 = arith.constant 0 : i32
          %dma_start3A_239 = tpu.memref_slice %arg10[%mul3A_237, %dma_start3A_238] : memref<256x64xf32, #tpu.memory_space<vmem>> -> memref<128x64xf32, #tpu.memory_space<vmem>>
          %dma_start3A_240 = tpu.memref_slice %arg8[%mul3A_233] : memref<1280xi32, #tpu.memory_space<vmem>> -> memref<128xi32, #tpu.memory_space<vmem>>
          %dma_start3A_241 = arith.constant 0 : i32
          %dma_start3A_242 = arith.constant 0 : i32
          %dma_start3A_243 = tpu.memref_slice %arg2[%dma_start3A_241, %dma_start3A_242] : memref<50000x64xf32, #tpu.memory_space<hbm>> -> memref<50000x64xf32, #tpu.memory_space<hbm>>
          tpu.enqueue_indirect_dma source(%dma_start3A_243 : memref<50000x64xf32, #tpu.memory_space<hbm>>) target(%dma_start3A_239 : memref<128x64xf32, #tpu.memory_space<vmem>>) offsets(%dma_start3A_240 : memref<128xi32, #tpu.memory_space<vmem>>) semaphore(%arg12 : memref<!tpu.dma_semaphore, #tpu.memory_space<semaphore_mem>>)
        } else {
        }
        %while3A_227 = arith.constant 0 : i32
        scf.yield %while3A_227 : i32
      }
      %gt3A_183 = arith.constant 0 : i32
      %gt3A_184 = arith.cmpi sgt, %select_n3A, %gt3A_183 : i32
      %convert_element_type3A_185 = arith.extui %gt3A_184 : i1 to i32
      %cond3A_186 = arith.constant 0 : i32
      %cond3A_187 = arith.cmpi ne, %convert_element_type3A_185, %cond3A_186 : i32
      scf.if %cond3A_187 {
        %dma_wait3A = arith.constant 0 : i32
        %dma_wait3A_196 = arith.constant 0 : i32
        %dma_wait3A_197 = tpu.memref_slice %arg10[%dma_wait3A, %dma_wait3A_196] : memref<256x64xf32, #tpu.memory_space<vmem>> -> memref<128x64xf32, #tpu.memory_space<vmem>>
        %dma_wait3A_198 = arith.constant 0 : i32
        %dma_wait3A_199 = tpu.memref_slice %arg9[%dma_wait3A_198] : memref<1280xi32, #tpu.memory_space<vmem>> -> memref<128xi32, #tpu.memory_space<vmem>>
        %dma_wait3A_200 = arith.constant 0 : i32
        %dma_wait3A_201 = arith.constant 0 : i32
        %dma_wait3A_202 = tpu.memref_slice %arg11[%dma_wait3A_200, %dma_wait3A_201] : memref<26000x64xf32, #tpu.memory_space<vmem_shared>> -> memref<26000x64xf32, #tpu.memory_space<vmem_shared>>
        tpu.wait_indirect_dma semaphore(%arg13 : memref<!tpu.dma_semaphore, #tpu.memory_space<semaphore_mem>>) src(%dma_wait3A_197 : memref<128x64xf32, #tpu.memory_space<vmem>>) dst(%dma_wait3A_202 : memref<26000x64xf32, #tpu.memory_space<vmem_shared>>)
      } else {
      }
      %gt3A_188 = arith.constant 0 : i32
      %gt3A_189 = arith.cmpi sgt, %select_n3A, %gt3A_188 : i32
      %convert_element_type3A_190 = arith.extui %gt3A_189 : i1 to i32
      %cond3A_191 = arith.constant 0 : i32
      %cond3A_192 = arith.cmpi ne, %convert_element_type3A_190, %cond3A_191 : i32
      scf.if %cond3A_192 {
        %mul3A_196 = arith.constant 128 : i32
        %mul3A_197 = arith.muli %select_n3A, %mul3A_196 : i32
        %add3A_198 = arith.constant 0 : i32
        %add3A_199 = arith.addi %mul3A_197, %add3A_198 : i32
        %get3A = arith.index_cast %add3A_199 : i32 to index
        %get3A_200 = tpu.vector_load %arg8[%get3A] {strides = array<i32>} : memref<1280xi32, #tpu.memory_space<vmem>>, vector<16xi32>,
        %swap3A_201 = arith.constant 0 : index
        %swap3A_202 = tpu.vector_load %arg8[%swap3A_201] {strides = array<i32>} : memref<1280xi32, #tpu.memory_space<vmem>>, vector<16xi32>,
        tpu.vector_store %arg8[%swap3A_201], %get3A_200 {strides = array<i32>} : memref<1280xi32, #tpu.memory_space<vmem>>, vector<16xi32>,
        %add3A_203 = arith.constant 16 : i32
        %add3A_204 = arith.addi %mul3A_197, %add3A_203 : i32
        %get3A_205 = arith.index_cast %add3A_204 : i32 to index
        %get3A_206 = tpu.vector_load %arg8[%get3A_205] {strides = array<i32>} : memref<1280xi32, #tpu.memory_space<vmem>>, vector<16xi32>,
        %swap3A_207 = arith.constant 16 : index
        %swap3A_208 = tpu.vector_load %arg8[%swap3A_207] {strides = array<i32>} : memref<1280xi32, #tpu.memory_space<vmem>>, vector<16xi32>,
        tpu.vector_store %arg8[%swap3A_207], %get3A_206 {strides = array<i32>} : memref<1280xi32, #tpu.memory_space<vmem>>, vector<16xi32>,
        %add3A_209 = arith.constant 32 : i32
        %add3A_210 = arith.addi %mul3A_197, %add3A_209 : i32
        %get3A_211 = arith.index_cast %add3A_210 : i32 to index
        %get3A_212 = tpu.vector_load %arg8[%get3A_211] {strides = array<i32>} : memref<1280xi32, #tpu.memory_space<vmem>>, vector<16xi32>,
        %swap3A_213 = arith.constant 32 : index
        %swap3A_214 = tpu.vector_load %arg8[%swap3A_213] {strides = array<i32>} : memref<1280xi32, #tpu.memory_space<vmem>>, vector<16xi32>,
        tpu.vector_store %arg8[%swap3A_213], %get3A_212 {strides = array<i32>} : memref<1280xi32, #tpu.memory_space<vmem>>, vector<16xi32>,
        %add3A_215 = arith.constant 48 : i32
        %add3A_216 = arith.addi %mul3A_197, %add3A_215 : i32
        %get3A_217 = arith.index_cast %add3A_216 : i32 to index
        %get3A_218 = tpu.vector_load %arg8[%get3A_217] {strides = array<i32>} : memref<1280xi32, #tpu.memory_space<vmem>>, vector<16xi32>,
        %swap3A_219 = arith.constant 48 : index
        %swap3A_220 = tpu.vector_load %arg8[%swap3A_219] {strides = array<i32>} : memref<1280xi32, #tpu.memory_space<vmem>>, vector<16xi32>,
        tpu.vector_store %arg8[%swap3A_219], %get3A_218 {strides = array<i32>} : memref<1280xi32, #tpu.memory_space<vmem>>, vector<16xi32>,
        %add3A_221 = arith.constant 64 : i32
        %add3A_222 = arith.addi %mul3A_197, %add3A_221 : i32
        %get3A_223 = arith.index_cast %add3A_222 : i32 to index
        %get3A_224 = tpu.vector_load %arg8[%get3A_223] {strides = array<i32>} : memref<1280xi32, #tpu.memory_space<vmem>>, vector<16xi32>,
        %swap3A_225 = arith.constant 64 : index
        %swap3A_226 = tpu.vector_load %arg8[%swap3A_225] {strides = array<i32>} : memref<1280xi32, #tpu.memory_space<vmem>>, vector<16xi32>,
        tpu.vector_store %arg8[%swap3A_225], %get3A_224 {strides = array<i32>} : memref<1280xi32, #tpu.memory_space<vmem>>, vector<16xi32>,
        %add3A_227 = arith.constant 80 : i32
        %add3A_228 = arith.addi %mul3A_197, %add3A_227 : i32
        %get3A_229 = arith.index_cast %add3A_228 : i32 to index
        %get3A_230 = tpu.vector_load %arg8[%get3A_229] {strides = array<i32>} : memref<1280xi32, #tpu.memory_space<vmem>>, vector<16xi32>,
        %swap3A_231 = arith.constant 80 : index
        %swap3A_232 = tpu.vector_load %arg8[%swap3A_231] {strides = array<i32>} : memref<1280xi32, #tpu.memory_space<vmem>>, vector<16xi32>,
        tpu.vector_store %arg8[%swap3A_231], %get3A_230 {strides = array<i32>} : memref<1280xi32, #tpu.memory_space<vmem>>, vector<16xi32>,
        %add3A_233 = arith.constant 96 : i32
        %add3A_234 = arith.addi %mul3A_197, %add3A_233 : i32
        %get3A_235 = arith.index_cast %add3A_234 : i32 to index
        %get3A_236 = tpu.vector_load %arg8[%get3A_235] {strides = array<i32>} : memref<1280xi32, #tpu.memory_space<vmem>>, vector<16xi32>,
        %swap3A_237 = arith.constant 96 : index
        %swap3A_238 = tpu.vector_load %arg8[%swap3A_237] {strides = array<i32>} : memref<1280xi32, #tpu.memory_space<vmem>>, vector<16xi32>,
        tpu.vector_store %arg8[%swap3A_237], %get3A_236 {strides = array<i32>} : memref<1280xi32, #tpu.memory_space<vmem>>, vector<16xi32>,
        %add3A_239 = arith.constant 112 : i32
        %add3A_240 = arith.addi %mul3A_197, %add3A_239 : i32
        %get3A_241 = arith.index_cast %add3A_240 : i32 to index
        %get3A_242 = tpu.vector_load %arg8[%get3A_241] {strides = array<i32>} : memref<1280xi32, #tpu.memory_space<vmem>>, vector<16xi32>,
        %swap3A_243 = arith.constant 112 : index
        %swap3A_244 = tpu.vector_load %arg8[%swap3A_243] {strides = array<i32>} : memref<1280xi32, #tpu.memory_space<vmem>>, vector<16xi32>,
        tpu.vector_store %arg8[%swap3A_243], %get3A_242 {strides = array<i32>} : memref<1280xi32, #tpu.memory_space<vmem>>, vector<16xi32>,
        %add3A_245 = arith.constant 0 : i32
        %add3A_246 = arith.addi %mul3A_197, %add3A_245 : i32
        %get3A_247 = arith.index_cast %add3A_246 : i32 to index
        %get3A_248 = tpu.vector_load %arg9[%get3A_247] {strides = array<i32>} : memref<1280xi32, #tpu.memory_space<vmem>>, vector<16xi32>,
        %swap3A_249 = arith.constant 0 : index
        %swap3A_250 = tpu.vector_load %arg9[%swap3A_249] {strides = array<i32>} : memref<1280xi32, #tpu.memory_space<vmem>>, vector<16xi32>,
        tpu.vector_store %arg9[%swap3A_249], %get3A_248 {strides = array<i32>} : memref<1280xi32, #tpu.memory_space<vmem>>, vector<16xi32>,
        %add3A_251 = arith.constant 16 : i32
        %add3A_252 = arith.addi %mul3A_197, %add3A_251 : i32
        %get3A_253 = arith.index_cast %add3A_252 : i32 to index
        %get3A_254 = tpu.vector_load %arg9[%get3A_253] {strides = array<i32>} : memref<1280xi32, #tpu.memory_space<vmem>>, vector<16xi32>,
        %swap3A_255 = arith.constant 16 : index
        %swap3A_256 = tpu.vector_load %arg9[%swap3A_255] {strides = array<i32>} : memref<1280xi32, #tpu.memory_space<vmem>>, vector<16xi32>,
        tpu.vector_store %arg9[%swap3A_255], %get3A_254 {strides = array<i32>} : memref<1280xi32, #tpu.memory_space<vmem>>, vector<16xi32>,
        %add3A_257 = arith.constant 32 : i32
        %add3A_258 = arith.addi %mul3A_197, %add3A_257 : i32
        %get3A_259 = arith.index_cast %add3A_258 : i32 to index
        %get3A_260 = tpu.vector_load %arg9[%get3A_259] {strides = array<i32>} : memref<1280xi32, #tpu.memory_space<vmem>>, vector<16xi32>,
        %swap3A_261 = arith.constant 32 : index
        %swap3A_262 = tpu.vector_load %arg9[%swap3A_261] {strides = array<i32>} : memref<1280xi32, #tpu.memory_space<vmem>>, vector<16xi32>,
        tpu.vector_store %arg9[%swap3A_261], %get3A_260 {strides = array<i32>} : memref<1280xi32, #tpu.memory_space<vmem>>, vector<16xi32>,
        %add3A_263 = arith.constant 48 : i32
        %add3A_264 = arith.addi %mul3A_197, %add3A_263 : i32
        %get3A_265 = arith.index_cast %add3A_264 : i32 to index
        %get3A_266 = tpu.vector_load %arg9[%get3A_265] {strides = array<i32>} : memref<1280xi32, #tpu.memory_space<vmem>>, vector<16xi32>,
        %swap3A_267 = arith.constant 48 : index
        %swap3A_268 = tpu.vector_load %arg9[%swap3A_267] {strides = array<i32>} : memref<1280xi32, #tpu.memory_space<vmem>>, vector<16xi32>,
        tpu.vector_store %arg9[%swap3A_267], %get3A_266 {strides = array<i32>} : memref<1280xi32, #tpu.memory_space<vmem>>, vector<16xi32>,
        %add3A_269 = arith.constant 64 : i32
        %add3A_270 = arith.addi %mul3A_197, %add3A_269 : i32
        %get3A_271 = arith.index_cast %add3A_270 : i32 to index
        %get3A_272 = tpu.vector_load %arg9[%get3A_271] {strides = array<i32>} : memref<1280xi32, #tpu.memory_space<vmem>>, vector<16xi32>,
        %swap3A_273 = arith.constant 64 : index
        %swap3A_274 = tpu.vector_load %arg9[%swap3A_273] {strides = array<i32>} : memref<1280xi32, #tpu.memory_space<vmem>>, vector<16xi32>,
        tpu.vector_store %arg9[%swap3A_273], %get3A_272 {strides = array<i32>} : memref<1280xi32, #tpu.memory_space<vmem>>, vector<16xi32>,
        %add3A_275 = arith.constant 80 : i32
        %add3A_276 = arith.addi %mul3A_197, %add3A_275 : i32
        %get3A_277 = arith.index_cast %add3A_276 : i32 to index
        %get3A_278 = tpu.vector_load %arg9[%get3A_277] {strides = array<i32>} : memref<1280xi32, #tpu.memory_space<vmem>>, vector<16xi32>,
        %swap3A_279 = arith.constant 80 : index
        %swap3A_280 = tpu.vector_load %arg9[%swap3A_279] {strides = array<i32>} : memref<1280xi32, #tpu.memory_space<vmem>>, vector<16xi32>,
        tpu.vector_store %arg9[%swap3A_279], %get3A_278 {strides = array<i32>} : memref<1280xi32, #tpu.memory_space<vmem>>, vector<16xi32>,
        %add3A_281 = arith.constant 96 : i32
        %add3A_282 = arith.addi %mul3A_197, %add3A_281 : i32
        %get3A_283 = arith.index_cast %add3A_282 : i32 to index
        %get3A_284 = tpu.vector_load %arg9[%get3A_283] {strides = array<i32>} : memref<1280xi32, #tpu.memory_space<vmem>>, vector<16xi32>,
        %swap3A_285 = arith.constant 96 : index
        %swap3A_286 = tpu.vector_load %arg9[%swap3A_285] {strides = array<i32>} : memref<1280xi32, #tpu.memory_space<vmem>>, vector<16xi32>,
        tpu.vector_store %arg9[%swap3A_285], %get3A_284 {strides = array<i32>} : memref<1280xi32, #tpu.memory_space<vmem>>, vector<16xi32>,
        %add3A_287 = arith.constant 112 : i32
        %add3A_288 = arith.addi %mul3A_197, %add3A_287 : i32
        %get3A_289 = arith.index_cast %add3A_288 : i32 to index
        %get3A_290 = tpu.vector_load %arg9[%get3A_289] {strides = array<i32>} : memref<1280xi32, #tpu.memory_space<vmem>>, vector<16xi32>,
        %swap3A_291 = arith.constant 112 : index
        %swap3A_292 = tpu.vector_load %arg9[%swap3A_291] {strides = array<i32>} : memref<1280xi32, #tpu.memory_space<vmem>>, vector<16xi32>,
        tpu.vector_store %arg9[%swap3A_291], %get3A_290 {strides = array<i32>} : memref<1280xi32, #tpu.memory_space<vmem>>, vector<16xi32>,
      } else {
      }
      %mul3A_193 = arith.constant 128 : i32
      %mul3A_194 = arith.muli %select_n3A, %mul3A_193 : i32
      %sub3A_195 = arith.subi %scan3A_149, %mul3A_194 : i32
      scf.yield %sub3A_195 : i32
    }
    %scan3A_49 = arith.constant 49 : i32
    %add3A_50 = arith.constant 0 : i32
    %add3A_51 = arith.addi %scan3A_48, %add3A_50 : i32
    %swap3A = arith.index_cast %add3A_51 : i32 to index
    %swap3A_52 = tpu.vector_load %arg9[%swap3A] {strides = array<i32>} : memref<1280xi32, #tpu.memory_space<vmem>>, vector<16xi32>,
    tpu.vector_store %arg9[%swap3A], %add3A_5 {strides = array<i32>} : memref<1280xi32, #tpu.memory_space<vmem>>, vector<16xi32>,
    %broadcast_in_dim3A_53 = arith.constant 0 : i32
    %broadcast_in_dim3A_54 = vector.broadcast %broadcast_in_dim3A_53 : i32 to vector<16xi32>
    %add3A_55 = arith.constant 0 : i32
    %add3A_56 = arith.addi %scan3A_48, %add3A_55 : i32
    %swap3A_57 = arith.index_cast %add3A_56 : i32 to index
    %swap3A_58 = tpu.vector_load %arg8[%swap3A_57] {strides = array<i32>} : memref<1280xi32, #tpu.memory_space<vmem>>, vector<16xi32>,
    tpu.vector_store %arg8[%swap3A_57], %broadcast_in_dim3A_54 {strides = array<i32>} : memref<1280xi32, #tpu.memory_space<vmem>>, vector<16xi32>,
    %add3A_59 = arith.constant 16 : i32
    %add3A_60 = arith.addi %scan3A_48, %add3A_59 : i32
    %swap3A_61 = arith.index_cast %add3A_60 : i32 to index
    %swap3A_62 = tpu.vector_load %arg9[%swap3A_61] {strides = array<i32>} : memref<1280xi32, #tpu.memory_space<vmem>>, vector<16xi32>,
    tpu.vector_store %arg9[%swap3A_61], %add3A_5 {strides = array<i32>} : memref<1280xi32, #tpu.memory_space<vmem>>, vector<16xi32>,
    %broadcast_in_dim3A_63 = arith.constant 0 : i32
    %broadcast_in_dim3A_64 = vector.broadcast %broadcast_in_dim3A_63 : i32 to vector<16xi32>
    %add3A_65 = arith.constant 16 : i32
    %add3A_66 = arith.addi %scan3A_48, %add3A_65 : i32
    %swap3A_67 = arith.index_cast %add3A_66 : i32 to index
    %swap3A_68 = tpu.vector_load %arg8[%swap3A_67] {strides = array<i32>} : memref<1280xi32, #tpu.memory_space<vmem>>, vector<16xi32>,
    tpu.vector_store %arg8[%swap3A_67], %broadcast_in_dim3A_64 {strides = array<i32>} : memref<1280xi32, #tpu.memory_space<vmem>>, vector<16xi32>,
    %add3A_69 = arith.constant 32 : i32
    %add3A_70 = arith.addi %scan3A_48, %add3A_69 : i32
    %swap3A_71 = arith.index_cast %add3A_70 : i32 to index
    %swap3A_72 = tpu.vector_load %arg9[%swap3A_71] {strides = array<i32>} : memref<1280xi32, #tpu.memory_space<vmem>>, vector<16xi32>,
    tpu.vector_store %arg9[%swap3A_71], %add3A_5 {strides = array<i32>} : memref<1280xi32, #tpu.memory_space<vmem>>, vector<16xi32>,
    %broadcast_in_dim3A_73 = arith.constant 0 : i32
    %broadcast_in_dim3A_74 = vector.broadcast %broadcast_in_dim3A_73 : i32 to vector<16xi32>
    %add3A_75 = arith.constant 32 : i32
    %add3A_76 = arith.addi %scan3A_48, %add3A_75 : i32
    %swap3A_77 = arith.index_cast %add3A_76 : i32 to index
    %swap3A_78 = tpu.vector_load %arg8[%swap3A_77] {strides = array<i32>} : memref<1280xi32, #tpu.memory_space<vmem>>, vector<16xi32>,
    tpu.vector_store %arg8[%swap3A_77], %broadcast_in_dim3A_74 {strides = array<i32>} : memref<1280xi32, #tpu.memory_space<vmem>>, vector<16xi32>,
    %add3A_79 = arith.constant 48 : i32
    %add3A_80 = arith.addi %scan3A_48, %add3A_79 : i32
    %swap3A_81 = arith.index_cast %add3A_80 : i32 to index
    %swap3A_82 = tpu.vector_load %arg9[%swap3A_81] {strides = array<i32>} : memref<1280xi32, #tpu.memory_space<vmem>>, vector<16xi32>,
    tpu.vector_store %arg9[%swap3A_81], %add3A_5 {strides = array<i32>} : memref<1280xi32, #tpu.memory_space<vmem>>, vector<16xi32>,
    %broadcast_in_dim3A_83 = arith.constant 0 : i32
    %broadcast_in_dim3A_84 = vector.broadcast %broadcast_in_dim3A_83 : i32 to vector<16xi32>
    %add3A_85 = arith.constant 48 : i32
    %add3A_86 = arith.addi %scan3A_48, %add3A_85 : i32
    %swap3A_87 = arith.index_cast %add3A_86 : i32 to index
    %swap3A_88 = tpu.vector_load %arg8[%swap3A_87] {strides = array<i32>} : memref<1280xi32, #tpu.memory_space<vmem>>, vector<16xi32>,
    tpu.vector_store %arg8[%swap3A_87], %broadcast_in_dim3A_84 {strides = array<i32>} : memref<1280xi32, #tpu.memory_space<vmem>>, vector<16xi32>,
    %add3A_89 = arith.constant 64 : i32
    %add3A_90 = arith.addi %scan3A_48, %add3A_89 : i32
    %swap3A_91 = arith.index_cast %add3A_90 : i32 to index
    %swap3A_92 = tpu.vector_load %arg9[%swap3A_91] {strides = array<i32>} : memref<1280xi32, #tpu.memory_space<vmem>>, vector<16xi32>,
    tpu.vector_store %arg9[%swap3A_91], %add3A_5 {strides = array<i32>} : memref<1280xi32, #tpu.memory_space<vmem>>, vector<16xi32>,
    %broadcast_in_dim3A_93 = arith.constant 0 : i32
    %broadcast_in_dim3A_94 = vector.broadcast %broadcast_in_dim3A_93 : i32 to vector<16xi32>
    %add3A_95 = arith.constant 64 : i32
    %add3A_96 = arith.addi %scan3A_48, %add3A_95 : i32
    %swap3A_97 = arith.index_cast %add3A_96 : i32 to index
    %swap3A_98 = tpu.vector_load %arg8[%swap3A_97] {strides = array<i32>} : memref<1280xi32, #tpu.memory_space<vmem>>, vector<16xi32>,
    tpu.vector_store %arg8[%swap3A_97], %broadcast_in_dim3A_94 {strides = array<i32>} : memref<1280xi32, #tpu.memory_space<vmem>>, vector<16xi32>,
    %add3A_99 = arith.constant 80 : i32
    %add3A_100 = arith.addi %scan3A_48, %add3A_99 : i32
    %swap3A_101 = arith.index_cast %add3A_100 : i32 to index
    %swap3A_102 = tpu.vector_load %arg9[%swap3A_101] {strides = array<i32>} : memref<1280xi32, #tpu.memory_space<vmem>>, vector<16xi32>,
    tpu.vector_store %arg9[%swap3A_101], %add3A_5 {strides = array<i32>} : memref<1280xi32, #tpu.memory_space<vmem>>, vector<16xi32>,
    %broadcast_in_dim3A_103 = arith.constant 0 : i32
    %broadcast_in_dim3A_104 = vector.broadcast %broadcast_in_dim3A_103 : i32 to vector<16xi32>
    %add3A_105 = arith.constant 80 : i32
    %add3A_106 = arith.addi %scan3A_48, %add3A_105 : i32
    %swap3A_107 = arith.index_cast %add3A_106 : i32 to index
    %swap3A_108 = tpu.vector_load %arg8[%swap3A_107] {strides = array<i32>} : memref<1280xi32, #tpu.memory_space<vmem>>, vector<16xi32>,
    tpu.vector_store %arg8[%swap3A_107], %broadcast_in_dim3A_104 {strides = array<i32>} : memref<1280xi32, #tpu.memory_space<vmem>>, vector<16xi32>,
    %add3A_109 = arith.constant 96 : i32
    %add3A_110 = arith.addi %scan3A_48, %add3A_109 : i32
    %swap3A_111 = arith.index_cast %add3A_110 : i32 to index
    %swap3A_112 = tpu.vector_load %arg9[%swap3A_111] {strides = array<i32>} : memref<1280xi32, #tpu.memory_space<vmem>>, vector<16xi32>,
    tpu.vector_store %arg9[%swap3A_111], %add3A_5 {strides = array<i32>} : memref<1280xi32, #tpu.memory_space<vmem>>, vector<16xi32>,
    %broadcast_in_dim3A_113 = arith.constant 0 : i32
    %broadcast_in_dim3A_114 = vector.broadcast %broadcast_in_dim3A_113 : i32 to vector<16xi32>
    %add3A_115 = arith.constant 96 : i32
    %add3A_116 = arith.addi %scan3A_48, %add3A_115 : i32
    %swap3A_117 = arith.index_cast %add3A_116 : i32 to index
    %swap3A_118 = tpu.vector_load %arg8[%swap3A_117] {strides = array<i32>} : memref<1280xi32, #tpu.memory_space<vmem>>, vector<16xi32>,
    tpu.vector_store %arg8[%swap3A_117], %broadcast_in_dim3A_114 {strides = array<i32>} : memref<1280xi32, #tpu.memory_space<vmem>>, vector<16xi32>,
    %add3A_119 = arith.constant 112 : i32
    %add3A_120 = arith.addi %scan3A_48, %add3A_119 : i32
    %swap3A_121 = arith.index_cast %add3A_120 : i32 to index
    %swap3A_122 = tpu.vector_load %arg9[%swap3A_121] {strides = array<i32>} : memref<1280xi32, #tpu.memory_space<vmem>>, vector<16xi32>,
    tpu.vector_store %arg9[%swap3A_121], %add3A_5 {strides = array<i32>} : memref<1280xi32, #tpu.memory_space<vmem>>, vector<16xi32>,
    %broadcast_in_dim3A_123 = arith.constant 0 : i32
    %broadcast_in_dim3A_124 = vector.broadcast %broadcast_in_dim3A_123 : i32 to vector<16xi32>
    %add3A_125 = arith.constant 112 : i32
    %add3A_126 = arith.addi %scan3A_48, %add3A_125 : i32
    %swap3A_127 = arith.index_cast %add3A_126 : i32 to index
    %swap3A_128 = tpu.vector_load %arg8[%swap3A_127] {strides = array<i32>} : memref<1280xi32, #tpu.memory_space<vmem>>, vector<16xi32>,
    tpu.vector_store %arg8[%swap3A_127], %broadcast_in_dim3A_124 {strides = array<i32>} : memref<1280xi32, #tpu.memory_space<vmem>>, vector<16xi32>,
    %gt3A = arith.constant 0 : i32
    %gt3A_129 = arith.cmpi sgt, %scan3A_48, %gt3A : i32
    %convert_element_type3A = arith.extui %gt3A_129 : i1 to i32
    %cond3A = arith.constant 0 : i32
    %cond3A_130 = arith.cmpi ne, %convert_element_type3A, %cond3A : i32
    scf.if %cond3A_130 {
      %rem3A = arith.constant 0 : i32
      %rem3A_139 = arith.constant 2 : i32
      %rem3A_140 = arith.remsi %rem3A, %rem3A_139 : i32
      %mul3A_141 = arith.constant 128 : i32
      %mul3A_142 = arith.muli %rem3A_140, %mul3A_141 : i32
      %dma_start3A = arith.constant 0 : i32
      %dma_start3A_143 = tpu.memref_slice %arg10[%mul3A_142, %dma_start3A] : memref<256x64xf32, #tpu.memory_space<vmem>> -> memref<128x64xf32, #tpu.memory_space<vmem>>
      %dma_start3A_144 = arith.constant 0 : i32
      %dma_start3A_145 = tpu.memref_slice %arg8[%dma_start3A_144] : memref<1280xi32, #tpu.memory_space<vmem>> -> memref<128xi32, #tpu.memory_space<vmem>>
      %dma_start3A_146 = arith.constant 0 : i32
      %dma_start3A_147 = arith.constant 0 : i32
      %dma_start3A_148 = tpu.memref_slice %arg2[%dma_start3A_146, %dma_start3A_147] : memref<50000x64xf32, #tpu.memory_space<hbm>> -> memref<50000x64xf32, #tpu.memory_space<hbm>>
      tpu.enqueue_indirect_dma source(%dma_start3A_148 : memref<50000x64xf32, #tpu.memory_space<hbm>>) target(%dma_start3A_143 : memref<128x64xf32, #tpu.memory_space<vmem>>) offsets(%dma_start3A_145 : memref<128xi32, #tpu.memory_space<vmem>>) semaphore(%arg12 : memref<!tpu.dma_semaphore, #tpu.memory_space<semaphore_mem>>)
      %dma_wait3A = arith.constant 0 : i32
      %dma_wait3A_149 = arith.constant 0 : i32
      %dma_wait3A_150 = tpu.memref_slice %arg10[%dma_wait3A, %dma_wait3A_149] : memref<256x64xf32, #tpu.memory_space<vmem>> -> memref<128x64xf32, #tpu.memory_space<vmem>>
      %dma_wait3A_151 = arith.constant 0 : i32
      %dma_wait3A_152 = tpu.memref_slice %arg8[%dma_wait3A_151] : memref<1280xi32, #tpu.memory_space<vmem>> -> memref<128xi32, #tpu.memory_space<vmem>>
      %dma_wait3A_153 = arith.constant 0 : i32
      %dma_wait3A_154 = arith.constant 0 : i32
      %dma_wait3A_155 = tpu.memref_slice %arg2[%dma_wait3A_153, %dma_wait3A_154] : memref<50000x64xf32, #tpu.memory_space<hbm>> -> memref<50000x64xf32, #tpu.memory_space<hbm>>
      tpu.wait_indirect_dma semaphore(%arg12 : memref<!tpu.dma_semaphore, #tpu.memory_space<semaphore_mem>>) src(%dma_wait3A_155 : memref<50000x64xf32, #tpu.memory_space<hbm>>) dst(%dma_wait3A_150 : memref<128x64xf32, #tpu.memory_space<vmem>>)
      %rem3A_156 = arith.constant 0 : i32
      %rem3A_157 = arith.constant 2 : i32
      %rem3A_158 = arith.remsi %rem3A_156, %rem3A_157 : i32
      %mul3A_159 = arith.constant 128 : i32
      %mul3A_160 = arith.muli %rem3A_158, %mul3A_159 : i32
      %dma_start3A_161 = arith.constant 0 : i32
      %dma_start3A_162 = tpu.memref_slice %arg10[%mul3A_160, %dma_start3A_161] : memref<256x64xf32, #tpu.memory_space<vmem>> -> memref<128x64xf32, #tpu.memory_space<vmem>>
      %dma_start3A_163 = arith.constant 0 : i32
      %dma_start3A_164 = tpu.memref_slice %arg9[%dma_start3A_163] : memref<1280xi32, #tpu.memory_space<vmem>> -> memref<128xi32, #tpu.memory_space<vmem>>
      %dma_start3A_165 = arith.constant 0 : i32
      %dma_start3A_166 = arith.constant 0 : i32
      %dma_start3A_167 = tpu.memref_slice %arg11[%dma_start3A_165, %dma_start3A_166] : memref<26000x64xf32, #tpu.memory_space<vmem_shared>> -> memref<26000x64xf32, #tpu.memory_space<vmem_shared>>
      tpu.enqueue_indirect_dma source(%dma_start3A_162 : memref<128x64xf32, #tpu.memory_space<vmem>>) target(%dma_start3A_167 : memref<26000x64xf32, #tpu.memory_space<vmem_shared>>) offsets(%dma_start3A_164 : memref<128xi32, #tpu.memory_space<vmem>>) semaphore(%arg13 : memref<!tpu.dma_semaphore, #tpu.memory_space<semaphore_mem>>) {add = true}
      %dma_wait3A_168 = arith.constant 0 : i32
      %dma_wait3A_169 = arith.constant 0 : i32
      %dma_wait3A_170 = tpu.memref_slice %arg10[%dma_wait3A_168, %dma_wait3A_169] : memref<256x64xf32, #tpu.memory_space<vmem>> -> memref<128x64xf32, #tpu.memory_space<vmem>>
      %dma_wait3A_171 = arith.constant 0 : i32
      %dma_wait3A_172 = tpu.memref_slice %arg9[%dma_wait3A_171] : memref<1280xi32, #tpu.memory_space<vmem>> -> memref<128xi32, #tpu.memory_space<vmem>>
      %dma_wait3A_173 = arith.constant 0 : i32
      %dma_wait3A_174 = arith.constant 0 : i32
      %dma_wait3A_175 = tpu.memref_slice %arg11[%dma_wait3A_173, %dma_wait3A_174] : memref<26000x64xf32, #tpu.memory_space<vmem_shared>> -> memref<26000x64xf32, #tpu.memory_space<vmem_shared>>
      tpu.wait_indirect_dma semaphore(%arg13 : memref<!tpu.dma_semaphore, #tpu.memory_space<semaphore_mem>>) src(%dma_wait3A_170 : memref<128x64xf32, #tpu.memory_space<vmem>>) dst(%dma_wait3A_175 : memref<26000x64xf32, #tpu.memory_space<vmem_shared>>)
    } else {
    }
    %barrier3A_131 = arith.constant 0 : index
    tpu.barrier barrier_id(%barrier3A_131)
    %mul3A_132 = arith.constant 1624 : i32
    %mul3A_133 = arith.muli %arg1, %mul3A_132 : i32
    %mul3A_134 = arith.constant 26000 : i32
    %mul3A_135 = arith.muli %arg0, %mul3A_134 : i32
    %mul3A_136 = arith.constant 1624 : i32
    %mul3A_137 = arith.muli %arg1, %mul3A_136 : i32
    %add3A_138 = arith.addi %mul3A_135, %mul3A_137 : i32
    "tpu.region"() ({
      %run_scoped3A = tpu.sem_alloc : memref<!tpu.dma_semaphore, #tpu.memory_space<semaphore_mem>>
      %dma_start3A = arith.constant 0 : i32
      %dma_start3A_139 = tpu.memref_slice %arg5[%add3A_138, %dma_start3A] : memref<52000x64xf32, #tpu.memory_space<hbm>> -> memref<1624x64xf32, #tpu.memory_space<hbm>>
      %dma_start3A_140 = arith.constant 0 : i32
      %dma_start3A_141 = tpu.memref_slice %arg11[%mul3A_133, %dma_start3A_140] : memref<26000x64xf32, #tpu.memory_space<vmem_shared>> -> memref<1624x64xf32, #tpu.memory_space<vmem_shared>>
      tpu.enqueue_dma source(%dma_start3A_141 : memref<1624x64xf32, #tpu.memory_space<vmem_shared>>) target(%dma_start3A_139 : memref<1624x64xf32, #tpu.memory_space<hbm>>) target_semaphore(%run_scoped3A : memref<!tpu.dma_semaphore, #tpu.memory_space<semaphore_mem>>)
      %dma_wait3A = arith.constant 0 : i32
      %dma_wait3A_142 = tpu.memref_slice %arg5[%add3A_138, %dma_wait3A] : memref<52000x64xf32, #tpu.memory_space<hbm>> -> memref<1624x64xf32, #tpu.memory_space<hbm>>
      %dma_wait3A_143 = arith.constant 0 : i32
      %dma_wait3A_144 = tpu.memref_slice %arg11[%mul3A_133, %dma_wait3A_143] : memref<26000x64xf32, #tpu.memory_space<vmem_shared>> -> memref<1624x64xf32, #tpu.memory_space<vmem_shared>>
      tpu.wait_dma2 semaphore(%run_scoped3A : memref<!tpu.dma_semaphore, #tpu.memory_space<semaphore_mem>>) src(%dma_wait3A_144 : memref<1624x64xf32, #tpu.memory_space<vmem_shared>>) dst(%dma_wait3A_142 : memref<1624x64xf32, #tpu.memory_space<hbm>>)
      tpu.yield
    }) : () -> ()
    return
  }
}

module attributes {stable_mosaic.version = 14 : i64} {
  func.func @body(%arg0: i32, %arg1: memref<1000x16xf32, #tpu.memory_space<vmem>>, %arg2: memref<1000x5xf32, #tpu.memory_space<vmem>>, %arg3: memref<1000x16xf32, #tpu.memory_space<vmem>>) attributes {dimension_semantics = [#tpu.dimension_semantics<arbitrary>], iteration_bounds = array<i64: 50>, scalar_prefetch = 0 : i64, scratch_operands = 0 : i64, tpu.core_type = #tpu.core_type<tc>, window_params = [{transform_indices = @transform_0, window_bounds = array<i64: 1000, 16>}, {transform_indices = @transform_1, window_bounds = array<i64: 1000, 5>}, {transform_indices = @transform_2, window_bounds = array<i64: 1000, 16>}]} {
    %get3A = arith.constant 0 : index
    %get3A_0 = arith.constant 0 : index
    %get3A_1 = vector.load %arg1[%get3A, %get3A_0] : memref<1000x16xf32, #tpu.memory_space<vmem>>, vector<1000x1xf32>
    %add3A = arith.constant 1.000000e+00 : f32
    %add3A_2 = vector.broadcast %add3A : f32 to vector<1000x1xf32>
    %add3A_3 = arith.addf %get3A_1, %add3A_2 : vector<1000x1xf32>
    %rsqrt3A = math.rsqrt %add3A_3 : vector<1000x1xf32>
    %get3A_4 = arith.constant 0 : index
    %get3A_5 = arith.constant 0 : index
    %get3A_6 = vector.load %arg2[%get3A_4, %get3A_5] : memref<1000x5xf32, #tpu.memory_space<vmem>>, vector<1000x5xf32>
    %mul3A = vector.broadcast %rsqrt3A : vector<1000x1xf32> to vector<1000x5xf32>
    %mul3A_7 = arith.mulf %get3A_6, %mul3A : vector<1000x5xf32>
    %broadcast_in_dim3A = arith.constant 0.000000e+00 : f32
    %broadcast_in_dim3A_8 = vector.broadcast %broadcast_in_dim3A : f32 to vector<1000x11xf32>
    %concatenate3A = tpu.concatenate %mul3A_7, %broadcast_in_dim3A_8 in 1 : vector<1000x5xf32>, vector<1000x11xf32> -> vector<1000x16xf32>
    %swap3A = arith.constant 0 : index
    %swap3A_9 = arith.constant 0 : index
    %swap3A_10 = vector.load %arg3[%swap3A, %swap3A_9] : memref<1000x16xf32, #tpu.memory_space<vmem>>, vector<1000x16xf32>
    tpu.vector_store %arg3[%swap3A, %swap3A_9], %concatenate3A {strides = array<i32>} : memref<1000x16xf32, #tpu.memory_space<vmem>>, vector<1000x16xf32>,
    return
  }
  func.func @transform_0(%arg0: i32) -> (i32, i32) {
    %jit3A = arith.constant 25 : i32
    %div3A = arith.divsi %arg0, %jit3A : i32
    %sign3A = arith.constant 0 : i32
    %sign3A_0 = arith.cmpi sgt, %arg0, %sign3A : i32
    %sign3A_1 = arith.extui %sign3A_0 : i1 to i32
    %sign3A_2 = arith.constant 0 : i32
    %sign3A_3 = arith.cmpi slt, %arg0, %sign3A_2 : i32
    %sign3A_4 = arith.extui %sign3A_3 : i1 to i32
    %sign3A_5 = arith.subi %sign3A_1, %sign3A_4 : i32
    %sign3A_6 = arith.constant 0 : i32
    %sign3A_7 = arith.cmpi sgt, %jit3A, %sign3A_6 : i32
    %sign3A_8 = arith.extui %sign3A_7 : i1 to i32
    %sign3A_9 = arith.constant 0 : i32
    %sign3A_10 = arith.cmpi slt, %jit3A, %sign3A_9 : i32
    %sign3A_11 = arith.extui %sign3A_10 : i1 to i32
    %sign3A_12 = arith.subi %sign3A_8, %sign3A_11 : i32
    %ne3A = arith.cmpi ne, %sign3A_5, %sign3A_12 : i32
    %rem3A = arith.remsi %arg0, %jit3A : i32
    %ne3A_13 = arith.constant 0 : i32
    %ne3A_14 = arith.cmpi ne, %rem3A, %ne3A_13 : i32
    %and3A = arith.andi %ne3A, %ne3A_14 : i1
    %sub3A = arith.constant 1 : i32
    %sub3A_15 = arith.subi %div3A, %sub3A : i32
    %select_n3A = arith.select %and3A, %sub3A_15, %div3A : i32
    %mul3A = arith.constant 26 : i32
    %mul3A_16 = arith.muli %select_n3A, %mul3A : i32
    %jit3A_17 = arith.constant 25 : i32
    %eq3A = arith.constant 0 : i32
    %eq3A_18 = arith.cmpi eq, %jit3A_17, %eq3A : i32
    %jit3A_19 = arith.constant 1 : i32
    %select_n3A_20 = arith.select %eq3A_18, %jit3A_19, %jit3A_17 : i32
    %rem3A_21 = arith.remsi %arg0, %select_n3A_20 : i32
    %ne3A_22 = arith.constant 0 : i32
    %ne3A_23 = arith.cmpi ne, %rem3A_21, %ne3A_22 : i32
    %lt3A = arith.constant 0 : i32
    %lt3A_24 = arith.cmpi slt, %rem3A_21, %lt3A : i32
    %lt3A_25 = arith.constant 0 : i32
    %lt3A_26 = arith.cmpi slt, %select_n3A_20, %lt3A_25 : i32
    %ne3A_27 = arith.xori %lt3A_24, %lt3A_26 : i1
    %and3A_28 = arith.andi %ne3A_27, %ne3A_23 : i1
    %add3A = arith.addi %rem3A_21, %select_n3A_20 : i32
    %select_n3A_29 = arith.select %and3A_28, %add3A, %rem3A_21 : i32
    %add3A_30 = arith.addi %mul3A_16, %select_n3A_29 : i32
    %c0_i32 = arith.constant 0 : i32
    %c0_i32_31 = arith.constant 0 : i32
    return %add3A_30, %c0_i32 : i32, i32
  }
  func.func @transform_1(%arg0: i32) -> (i32, i32) {
    %c0_i32 = arith.constant 0 : i32
    %c0_i32_0 = arith.constant 0 : i32
    return %arg0, %c0_i32 : i32, i32
  }
  func.func @transform_2(%arg0: i32) -> (i32, i32) {
    %c0_i32 = arith.constant 0 : i32
    %c0_i32_0 = arith.constant 0 : i32
    return %arg0, %c0_i32 : i32, i32
  }
}

module attributes {stable_mosaic.version = 14 : i64} {
  func.func @body(%arg0: i32, %arg1: memref<1000x16xf32, #tpu.memory_space<vmem>>, %arg2: memref<1000x16xf32, #tpu.memory_space<vmem>>, %arg3: memref<1000x16xf32, #tpu.memory_space<vmem>>, %arg4: memref<16x64xf32, #tpu.memory_space<vmem>>, %arg5: memref<1x64xf32, #tpu.memory_space<vmem>>, %arg6: memref<1000x64xf32, #tpu.memory_space<vmem>>) attributes {dimension_semantics = [#tpu.dimension_semantics<arbitrary>], iteration_bounds = array<i64: 50>, scalar_prefetch = 0 : i64, scratch_operands = 0 : i64, tpu.core_type = #tpu.core_type<tc>, window_params = [{transform_indices = @transform_0, window_bounds = array<i64: 1000, 16>}, {transform_indices = @transform_1, window_bounds = array<i64: 1000, 16>}, {transform_indices = @transform_2, window_bounds = array<i64: 1000, 16>}, {pipeline_mode = #tpu.pipeline_mode<synchronous>, transform_indices = @transform_3, window_bounds = array<i64: 16, 64>}, {pipeline_mode = #tpu.pipeline_mode<synchronous>, transform_indices = @transform_4, window_bounds = array<i64: 1, 64>}, {transform_indices = @transform_5, window_bounds = array<i64: 1000, 64>}]} {
    %get3A = arith.constant 0 : index
    %get3A_0 = arith.constant 0 : index
    %get3A_1 = vector.load %arg3[%get3A, %get3A_0] : memref<1000x16xf32, #tpu.memory_space<vmem>>, vector<1000x1xf32>
    %add3A = arith.constant 1.000000e+00 : f32
    %add3A_2 = vector.broadcast %add3A : f32 to vector<1000x1xf32>
    %add3A_3 = arith.addf %get3A_1, %add3A_2 : vector<1000x1xf32>
    %rsqrt3A = math.rsqrt %add3A_3 : vector<1000x1xf32>
    %get3A_4 = arith.constant 0 : index
    %get3A_5 = arith.constant 0 : index
    %get3A_6 = vector.load %arg1[%get3A_4, %get3A_5] : memref<1000x16xf32, #tpu.memory_space<vmem>>, vector<1000x16xf32>
    %get3A_7 = arith.constant 0 : index
    %get3A_8 = arith.constant 0 : index
    %get3A_9 = vector.load %arg2[%get3A_7, %get3A_8] : memref<1000x16xf32, #tpu.memory_space<vmem>>, vector<1000x16xf32>
    %add3A_10 = arith.addf %get3A_6, %get3A_9 : vector<1000x16xf32>
    %mul3A = vector.broadcast %rsqrt3A : vector<1000x1xf32> to vector<1000x16xf32>
    %mul3A_11 = arith.mulf %add3A_10, %mul3A : vector<1000x16xf32>
    %get3A_12 = arith.constant 0 : index
    %get3A_13 = arith.constant 0 : index
    %get3A_14 = vector.load %arg4[%get3A_12, %get3A_13] : memref<16x64xf32, #tpu.memory_space<vmem>>, vector<16x64xf32>
    %dot_general3A = arith.constant dense<0.000000e+00> : vector<1000x64xf32>
    %dot_general3A_15 = tpu.matmul %mul3A_11, %get3A_14, %dot_general3A {dimension_numbers = #tpu.dot_dimension_numbers<[1], [0], [0], [1], [0, 0, 1, 1], [], []>, transpose_lhs_hint = false} : vector<1000x16xf32>, vector<16x64xf32>, vector<1000x64xf32> -> vector<1000x64xf32>
    %get3A_16 = arith.constant 0 : index
    %get3A_17 = arith.constant 0 : index
    %get3A_18 = vector.load %arg5[%get3A_16, %get3A_17] : memref<1x64xf32, #tpu.memory_space<vmem>>, vector<1x64xf32>
    %add3A_19 = vector.broadcast %get3A_18 : vector<1x64xf32> to vector<1000x64xf32>
    %add3A_20 = arith.addf %dot_general3A_15, %add3A_19 : vector<1000x64xf32>
    %max3A = arith.constant 0.000000e+00 : f32
    %max3A_21 = vector.broadcast %max3A : f32 to vector<1000x64xf32>
    %max3A_22 = arith.maximumf %add3A_20, %max3A_21 : vector<1000x64xf32>
    %mul3A_23 = vector.broadcast %rsqrt3A : vector<1000x1xf32> to vector<1000x64xf32>
    %mul3A_24 = arith.mulf %max3A_22, %mul3A_23 : vector<1000x64xf32>
    %swap3A = arith.constant 0 : index
    %swap3A_25 = arith.constant 0 : index
    %swap3A_26 = vector.load %arg6[%swap3A, %swap3A_25] : memref<1000x64xf32, #tpu.memory_space<vmem>>, vector<1000x64xf32>
    tpu.vector_store %arg6[%swap3A, %swap3A_25], %mul3A_24 {strides = array<i32>} : memref<1000x64xf32, #tpu.memory_space<vmem>>, vector<1000x64xf32>,
    return
  }
  func.func @transform_0(%arg0: i32) -> (i32, i32) {
    %jit3A = arith.constant 25 : i32
    %div3A = arith.divsi %arg0, %jit3A : i32
    %sign3A = arith.constant 0 : i32
    %sign3A_0 = arith.cmpi sgt, %arg0, %sign3A : i32
    %sign3A_1 = arith.extui %sign3A_0 : i1 to i32
    %sign3A_2 = arith.constant 0 : i32
    %sign3A_3 = arith.cmpi slt, %arg0, %sign3A_2 : i32
    %sign3A_4 = arith.extui %sign3A_3 : i1 to i32
    %sign3A_5 = arith.subi %sign3A_1, %sign3A_4 : i32
    %sign3A_6 = arith.constant 0 : i32
    %sign3A_7 = arith.cmpi sgt, %jit3A, %sign3A_6 : i32
    %sign3A_8 = arith.extui %sign3A_7 : i1 to i32
    %sign3A_9 = arith.constant 0 : i32
    %sign3A_10 = arith.cmpi slt, %jit3A, %sign3A_9 : i32
    %sign3A_11 = arith.extui %sign3A_10 : i1 to i32
    %sign3A_12 = arith.subi %sign3A_8, %sign3A_11 : i32
    %ne3A = arith.cmpi ne, %sign3A_5, %sign3A_12 : i32
    %rem3A = arith.remsi %arg0, %jit3A : i32
    %ne3A_13 = arith.constant 0 : i32
    %ne3A_14 = arith.cmpi ne, %rem3A, %ne3A_13 : i32
    %and3A = arith.andi %ne3A, %ne3A_14 : i1
    %sub3A = arith.constant 1 : i32
    %sub3A_15 = arith.subi %div3A, %sub3A : i32
    %select_n3A = arith.select %and3A, %sub3A_15, %div3A : i32
    %mul3A = arith.constant 26 : i32
    %mul3A_16 = arith.muli %select_n3A, %mul3A : i32
    %jit3A_17 = arith.constant 25 : i32
    %eq3A = arith.constant 0 : i32
    %eq3A_18 = arith.cmpi eq, %jit3A_17, %eq3A : i32
    %jit3A_19 = arith.constant 1 : i32
    %select_n3A_20 = arith.select %eq3A_18, %jit3A_19, %jit3A_17 : i32
    %rem3A_21 = arith.remsi %arg0, %select_n3A_20 : i32
    %ne3A_22 = arith.constant 0 : i32
    %ne3A_23 = arith.cmpi ne, %rem3A_21, %ne3A_22 : i32
    %lt3A = arith.constant 0 : i32
    %lt3A_24 = arith.cmpi slt, %rem3A_21, %lt3A : i32
    %lt3A_25 = arith.constant 0 : i32
    %lt3A_26 = arith.cmpi slt, %select_n3A_20, %lt3A_25 : i32
    %ne3A_27 = arith.xori %lt3A_24, %lt3A_26 : i1
    %and3A_28 = arith.andi %ne3A_27, %ne3A_23 : i1
    %add3A = arith.addi %rem3A_21, %select_n3A_20 : i32
    %select_n3A_29 = arith.select %and3A_28, %add3A, %rem3A_21 : i32
    %add3A_30 = arith.addi %mul3A_16, %select_n3A_29 : i32
    %c0_i32 = arith.constant 0 : i32
    %c0_i32_31 = arith.constant 0 : i32
    return %add3A_30, %c0_i32 : i32, i32
  }
  func.func @transform_1(%arg0: i32) -> (i32, i32) {
    %c0_i32 = arith.constant 0 : i32
    %c0_i32_0 = arith.constant 0 : i32
    return %arg0, %c0_i32 : i32, i32
  }
  func.func @transform_2(%arg0: i32) -> (i32, i32) {
    %jit3A = arith.constant 25 : i32
    %div3A = arith.divsi %arg0, %jit3A : i32
    %sign3A = arith.constant 0 : i32
    %sign3A_0 = arith.cmpi sgt, %arg0, %sign3A : i32
    %sign3A_1 = arith.extui %sign3A_0 : i1 to i32
    %sign3A_2 = arith.constant 0 : i32
    %sign3A_3 = arith.cmpi slt, %arg0, %sign3A_2 : i32
    %sign3A_4 = arith.extui %sign3A_3 : i1 to i32
    %sign3A_5 = arith.subi %sign3A_1, %sign3A_4 : i32
    %sign3A_6 = arith.constant 0 : i32
    %sign3A_7 = arith.cmpi sgt, %jit3A, %sign3A_6 : i32
    %sign3A_8 = arith.extui %sign3A_7 : i1 to i32
    %sign3A_9 = arith.constant 0 : i32
    %sign3A_10 = arith.cmpi slt, %jit3A, %sign3A_9 : i32
    %sign3A_11 = arith.extui %sign3A_10 : i1 to i32
    %sign3A_12 = arith.subi %sign3A_8, %sign3A_11 : i32
    %ne3A = arith.cmpi ne, %sign3A_5, %sign3A_12 : i32
    %rem3A = arith.remsi %arg0, %jit3A : i32
    %ne3A_13 = arith.constant 0 : i32
    %ne3A_14 = arith.cmpi ne, %rem3A, %ne3A_13 : i32
    %and3A = arith.andi %ne3A, %ne3A_14 : i1
    %sub3A = arith.constant 1 : i32
    %sub3A_15 = arith.subi %div3A, %sub3A : i32
    %select_n3A = arith.select %and3A, %sub3A_15, %div3A : i32
    %mul3A = arith.constant 26 : i32
    %mul3A_16 = arith.muli %select_n3A, %mul3A : i32
    %jit3A_17 = arith.constant 25 : i32
    %eq3A = arith.constant 0 : i32
    %eq3A_18 = arith.cmpi eq, %jit3A_17, %eq3A : i32
    %jit3A_19 = arith.constant 1 : i32
    %select_n3A_20 = arith.select %eq3A_18, %jit3A_19, %jit3A_17 : i32
    %rem3A_21 = arith.remsi %arg0, %select_n3A_20 : i32
    %ne3A_22 = arith.constant 0 : i32
    %ne3A_23 = arith.cmpi ne, %rem3A_21, %ne3A_22 : i32
    %lt3A = arith.constant 0 : i32
    %lt3A_24 = arith.cmpi slt, %rem3A_21, %lt3A : i32
    %lt3A_25 = arith.constant 0 : i32
    %lt3A_26 = arith.cmpi slt, %select_n3A_20, %lt3A_25 : i32
    %ne3A_27 = arith.xori %lt3A_24, %lt3A_26 : i1
    %and3A_28 = arith.andi %ne3A_27, %ne3A_23 : i1
    %add3A = arith.addi %rem3A_21, %select_n3A_20 : i32
    %select_n3A_29 = arith.select %and3A_28, %add3A, %rem3A_21 : i32
    %add3A_30 = arith.addi %mul3A_16, %select_n3A_29 : i32
    %c0_i32 = arith.constant 0 : i32
    %c0_i32_31 = arith.constant 0 : i32
    return %add3A_30, %c0_i32 : i32, i32
  }
  func.func @transform_3(%arg0: i32) -> (i32, i32) {
    %c0_i32 = arith.constant 0 : i32
    %c0_i32_0 = arith.constant 0 : i32
    %c0_i32_1 = arith.constant 0 : i32
    return %c0_i32, %c0_i32_0 : i32, i32
  }
  func.func @transform_4(%arg0: i32) -> (i32, i32) {
    %c0_i32 = arith.constant 0 : i32
    %c0_i32_0 = arith.constant 0 : i32
    %c0_i32_1 = arith.constant 0 : i32
    return %c0_i32, %c0_i32_0 : i32, i32
  }
  func.func @transform_5(%arg0: i32) -> (i32, i32) {
    %c0_i32 = arith.constant 0 : i32
    %c0_i32_0 = arith.constant 0 : i32
    return %arg0, %c0_i32 : i32, i32
  }
}

module attributes {stable_mosaic.version = 14 : i64} {
  func.func @body(%arg0: i32, %arg1: memref<1000x64xf32, #tpu.memory_space<vmem>>, %arg2: memref<1000x64xf32, #tpu.memory_space<vmem>>, %arg3: memref<1000x16xf32, #tpu.memory_space<vmem>>, %arg4: memref<64x64xf32, #tpu.memory_space<vmem>>, %arg5: memref<1x64xf32, #tpu.memory_space<vmem>>, %arg6: memref<1000x64xf32, #tpu.memory_space<vmem>>) attributes {dimension_semantics = [#tpu.dimension_semantics<arbitrary>], iteration_bounds = array<i64: 50>, scalar_prefetch = 0 : i64, scratch_operands = 0 : i64, tpu.core_type = #tpu.core_type<tc>, window_params = [{transform_indices = @transform_0, window_bounds = array<i64: 1000, 64>}, {transform_indices = @transform_1, window_bounds = array<i64: 1000, 64>}, {transform_indices = @transform_2, window_bounds = array<i64: 1000, 16>}, {pipeline_mode = #tpu.pipeline_mode<synchronous>, transform_indices = @transform_3, window_bounds = array<i64: 64, 64>}, {pipeline_mode = #tpu.pipeline_mode<synchronous>, transform_indices = @transform_4, window_bounds = array<i64: 1, 64>}, {transform_indices = @transform_5, window_bounds = array<i64: 1000, 64>}]} {
    %get3A = arith.constant 0 : index
    %get3A_0 = arith.constant 0 : index
    %get3A_1 = vector.load %arg3[%get3A, %get3A_0] : memref<1000x16xf32, #tpu.memory_space<vmem>>, vector<1000x1xf32>
    %add3A = arith.constant 1.000000e+00 : f32
    %add3A_2 = vector.broadcast %add3A : f32 to vector<1000x1xf32>
    %add3A_3 = arith.addf %get3A_1, %add3A_2 : vector<1000x1xf32>
    %rsqrt3A = math.rsqrt %add3A_3 : vector<1000x1xf32>
    %get3A_4 = arith.constant 0 : index
    %get3A_5 = arith.constant 0 : index
    %get3A_6 = vector.load %arg1[%get3A_4, %get3A_5] : memref<1000x64xf32, #tpu.memory_space<vmem>>, vector<1000x64xf32>
    %get3A_7 = arith.constant 0 : index
    %get3A_8 = arith.constant 0 : index
    %get3A_9 = vector.load %arg2[%get3A_7, %get3A_8] : memref<1000x64xf32, #tpu.memory_space<vmem>>, vector<1000x64xf32>
    %add3A_10 = arith.addf %get3A_6, %get3A_9 : vector<1000x64xf32>
    %mul3A = vector.broadcast %rsqrt3A : vector<1000x1xf32> to vector<1000x64xf32>
    %mul3A_11 = arith.mulf %add3A_10, %mul3A : vector<1000x64xf32>
    %get3A_12 = arith.constant 0 : index
    %get3A_13 = arith.constant 0 : index
    %get3A_14 = vector.load %arg4[%get3A_12, %get3A_13] : memref<64x64xf32, #tpu.memory_space<vmem>>, vector<64x64xf32>
    %dot_general3A = arith.constant dense<0.000000e+00> : vector<1000x64xf32>
    %dot_general3A_15 = tpu.matmul %mul3A_11, %get3A_14, %dot_general3A {dimension_numbers = #tpu.dot_dimension_numbers<[1], [0], [0], [1], [0, 0, 1, 1], [], []>, transpose_lhs_hint = false} : vector<1000x64xf32>, vector<64x64xf32>, vector<1000x64xf32> -> vector<1000x64xf32>
    %get3A_16 = arith.constant 0 : index
    %get3A_17 = arith.constant 0 : index
    %get3A_18 = vector.load %arg5[%get3A_16, %get3A_17] : memref<1x64xf32, #tpu.memory_space<vmem>>, vector<1x64xf32>
    %add3A_19 = vector.broadcast %get3A_18 : vector<1x64xf32> to vector<1000x64xf32>
    %add3A_20 = arith.addf %dot_general3A_15, %add3A_19 : vector<1000x64xf32>
    %max3A = arith.constant 0.000000e+00 : f32
    %max3A_21 = vector.broadcast %max3A : f32 to vector<1000x64xf32>
    %max3A_22 = arith.maximumf %add3A_20, %max3A_21 : vector<1000x64xf32>
    %mul3A_23 = vector.broadcast %rsqrt3A : vector<1000x1xf32> to vector<1000x64xf32>
    %mul3A_24 = arith.mulf %max3A_22, %mul3A_23 : vector<1000x64xf32>
    %swap3A = arith.constant 0 : index
    %swap3A_25 = arith.constant 0 : index
    %swap3A_26 = vector.load %arg6[%swap3A, %swap3A_25] : memref<1000x64xf32, #tpu.memory_space<vmem>>, vector<1000x64xf32>
    tpu.vector_store %arg6[%swap3A, %swap3A_25], %mul3A_24 {strides = array<i32>} : memref<1000x64xf32, #tpu.memory_space<vmem>>, vector<1000x64xf32>,
    return
  }
  func.func @transform_0(%arg0: i32) -> (i32, i32) {
    %jit3A = arith.constant 25 : i32
    %div3A = arith.divsi %arg0, %jit3A : i32
    %sign3A = arith.constant 0 : i32
    %sign3A_0 = arith.cmpi sgt, %arg0, %sign3A : i32
    %sign3A_1 = arith.extui %sign3A_0 : i1 to i32
    %sign3A_2 = arith.constant 0 : i32
    %sign3A_3 = arith.cmpi slt, %arg0, %sign3A_2 : i32
    %sign3A_4 = arith.extui %sign3A_3 : i1 to i32
    %sign3A_5 = arith.subi %sign3A_1, %sign3A_4 : i32
    %sign3A_6 = arith.constant 0 : i32
    %sign3A_7 = arith.cmpi sgt, %jit3A, %sign3A_6 : i32
    %sign3A_8 = arith.extui %sign3A_7 : i1 to i32
    %sign3A_9 = arith.constant 0 : i32
    %sign3A_10 = arith.cmpi slt, %jit3A, %sign3A_9 : i32
    %sign3A_11 = arith.extui %sign3A_10 : i1 to i32
    %sign3A_12 = arith.subi %sign3A_8, %sign3A_11 : i32
    %ne3A = arith.cmpi ne, %sign3A_5, %sign3A_12 : i32
    %rem3A = arith.remsi %arg0, %jit3A : i32
    %ne3A_13 = arith.constant 0 : i32
    %ne3A_14 = arith.cmpi ne, %rem3A, %ne3A_13 : i32
    %and3A = arith.andi %ne3A, %ne3A_14 : i1
    %sub3A = arith.constant 1 : i32
    %sub3A_15 = arith.subi %div3A, %sub3A : i32
    %select_n3A = arith.select %and3A, %sub3A_15, %div3A : i32
    %mul3A = arith.constant 26 : i32
    %mul3A_16 = arith.muli %select_n3A, %mul3A : i32
    %jit3A_17 = arith.constant 25 : i32
    %eq3A = arith.constant 0 : i32
    %eq3A_18 = arith.cmpi eq, %jit3A_17, %eq3A : i32
    %jit3A_19 = arith.constant 1 : i32
    %select_n3A_20 = arith.select %eq3A_18, %jit3A_19, %jit3A_17 : i32
    %rem3A_21 = arith.remsi %arg0, %select_n3A_20 : i32
    %ne3A_22 = arith.constant 0 : i32
    %ne3A_23 = arith.cmpi ne, %rem3A_21, %ne3A_22 : i32
    %lt3A = arith.constant 0 : i32
    %lt3A_24 = arith.cmpi slt, %rem3A_21, %lt3A : i32
    %lt3A_25 = arith.constant 0 : i32
    %lt3A_26 = arith.cmpi slt, %select_n3A_20, %lt3A_25 : i32
    %ne3A_27 = arith.xori %lt3A_24, %lt3A_26 : i1
    %and3A_28 = arith.andi %ne3A_27, %ne3A_23 : i1
    %add3A = arith.addi %rem3A_21, %select_n3A_20 : i32
    %select_n3A_29 = arith.select %and3A_28, %add3A, %rem3A_21 : i32
    %add3A_30 = arith.addi %mul3A_16, %select_n3A_29 : i32
    %c0_i32 = arith.constant 0 : i32
    %c0_i32_31 = arith.constant 0 : i32
    return %add3A_30, %c0_i32 : i32, i32
  }
  func.func @transform_1(%arg0: i32) -> (i32, i32) {
    %c0_i32 = arith.constant 0 : i32
    %c0_i32_0 = arith.constant 0 : i32
    return %arg0, %c0_i32 : i32, i32
  }
  func.func @transform_2(%arg0: i32) -> (i32, i32) {
    %jit3A = arith.constant 25 : i32
    %div3A = arith.divsi %arg0, %jit3A : i32
    %sign3A = arith.constant 0 : i32
    %sign3A_0 = arith.cmpi sgt, %arg0, %sign3A : i32
    %sign3A_1 = arith.extui %sign3A_0 : i1 to i32
    %sign3A_2 = arith.constant 0 : i32
    %sign3A_3 = arith.cmpi slt, %arg0, %sign3A_2 : i32
    %sign3A_4 = arith.extui %sign3A_3 : i1 to i32
    %sign3A_5 = arith.subi %sign3A_1, %sign3A_4 : i32
    %sign3A_6 = arith.constant 0 : i32
    %sign3A_7 = arith.cmpi sgt, %jit3A, %sign3A_6 : i32
    %sign3A_8 = arith.extui %sign3A_7 : i1 to i32
    %sign3A_9 = arith.constant 0 : i32
    %sign3A_10 = arith.cmpi slt, %jit3A, %sign3A_9 : i32
    %sign3A_11 = arith.extui %sign3A_10 : i1 to i32
    %sign3A_12 = arith.subi %sign3A_8, %sign3A_11 : i32
    %ne3A = arith.cmpi ne, %sign3A_5, %sign3A_12 : i32
    %rem3A = arith.remsi %arg0, %jit3A : i32
    %ne3A_13 = arith.constant 0 : i32
    %ne3A_14 = arith.cmpi ne, %rem3A, %ne3A_13 : i32
    %and3A = arith.andi %ne3A, %ne3A_14 : i1
    %sub3A = arith.constant 1 : i32
    %sub3A_15 = arith.subi %div3A, %sub3A : i32
    %select_n3A = arith.select %and3A, %sub3A_15, %div3A : i32
    %mul3A = arith.constant 26 : i32
    %mul3A_16 = arith.muli %select_n3A, %mul3A : i32
    %jit3A_17 = arith.constant 25 : i32
    %eq3A = arith.constant 0 : i32
    %eq3A_18 = arith.cmpi eq, %jit3A_17, %eq3A : i32
    %jit3A_19 = arith.constant 1 : i32
    %select_n3A_20 = arith.select %eq3A_18, %jit3A_19, %jit3A_17 : i32
    %rem3A_21 = arith.remsi %arg0, %select_n3A_20 : i32
    %ne3A_22 = arith.constant 0 : i32
    %ne3A_23 = arith.cmpi ne, %rem3A_21, %ne3A_22 : i32
    %lt3A = arith.constant 0 : i32
    %lt3A_24 = arith.cmpi slt, %rem3A_21, %lt3A : i32
    %lt3A_25 = arith.constant 0 : i32
    %lt3A_26 = arith.cmpi slt, %select_n3A_20, %lt3A_25 : i32
    %ne3A_27 = arith.xori %lt3A_24, %lt3A_26 : i1
    %and3A_28 = arith.andi %ne3A_27, %ne3A_23 : i1
    %add3A = arith.addi %rem3A_21, %select_n3A_20 : i32
    %select_n3A_29 = arith.select %and3A_28, %add3A, %rem3A_21 : i32
    %add3A_30 = arith.addi %mul3A_16, %select_n3A_29 : i32
    %c0_i32 = arith.constant 0 : i32
    %c0_i32_31 = arith.constant 0 : i32
    return %add3A_30, %c0_i32 : i32, i32
  }
  func.func @transform_3(%arg0: i32) -> (i32, i32) {
    %c0_i32 = arith.constant 0 : i32
    %c0_i32_0 = arith.constant 0 : i32
    %c0_i32_1 = arith.constant 0 : i32
    return %c0_i32, %c0_i32_0 : i32, i32
  }
  func.func @transform_4(%arg0: i32) -> (i32, i32) {
    %c0_i32 = arith.constant 0 : i32
    %c0_i32_0 = arith.constant 0 : i32
    %c0_i32_1 = arith.constant 0 : i32
    return %c0_i32, %c0_i32_0 : i32, i32
  }
  func.func @transform_5(%arg0: i32) -> (i32, i32) {
    %c0_i32 = arith.constant 0 : i32
    %c0_i32_0 = arith.constant 0 : i32
    return %arg0, %c0_i32 : i32, i32
  }
}

module attributes {stable_mosaic.version = 14 : i64} {
  func.func @body(%arg0: i32, %arg1: memref<1000x64xf32, #tpu.memory_space<vmem>>, %arg2: memref<1000x64xf32, #tpu.memory_space<vmem>>, %arg3: memref<1000x16xf32, #tpu.memory_space<vmem>>, %arg4: memref<64x60xf32, #tpu.memory_space<vmem>>, %arg5: memref<1x60xf32, #tpu.memory_space<vmem>>, %arg6: memref<1000x60xf32, #tpu.memory_space<vmem>>) attributes {dimension_semantics = [#tpu.dimension_semantics<arbitrary>], iteration_bounds = array<i64: 50>, scalar_prefetch = 0 : i64, scratch_operands = 0 : i64, tpu.core_type = #tpu.core_type<tc>, window_params = [{transform_indices = @transform_0, window_bounds = array<i64: 1000, 64>}, {transform_indices = @transform_1, window_bounds = array<i64: 1000, 64>}, {transform_indices = @transform_2, window_bounds = array<i64: 1000, 16>}, {pipeline_mode = #tpu.pipeline_mode<synchronous>, transform_indices = @transform_3, window_bounds = array<i64: 64, 60>}, {pipeline_mode = #tpu.pipeline_mode<synchronous>, transform_indices = @transform_4, window_bounds = array<i64: 1, 60>}, {transform_indices = @transform_5, window_bounds = array<i64: 1000, 60>}]} {
    %get3A = arith.constant 0 : index
    %get3A_0 = arith.constant 0 : index
    %get3A_1 = vector.load %arg3[%get3A, %get3A_0] : memref<1000x16xf32, #tpu.memory_space<vmem>>, vector<1000x1xf32>
    %add3A = arith.constant 1.000000e+00 : f32
    %add3A_2 = vector.broadcast %add3A : f32 to vector<1000x1xf32>
    %add3A_3 = arith.addf %get3A_1, %add3A_2 : vector<1000x1xf32>
    %rsqrt3A = math.rsqrt %add3A_3 : vector<1000x1xf32>
    %get3A_4 = arith.constant 0 : index
    %get3A_5 = arith.constant 0 : index
    %get3A_6 = vector.load %arg1[%get3A_4, %get3A_5] : memref<1000x64xf32, #tpu.memory_space<vmem>>, vector<1000x64xf32>
    %get3A_7 = arith.constant 0 : index
    %get3A_8 = arith.constant 0 : index
    %get3A_9 = vector.load %arg2[%get3A_7, %get3A_8] : memref<1000x64xf32, #tpu.memory_space<vmem>>, vector<1000x64xf32>
    %add3A_10 = arith.addf %get3A_6, %get3A_9 : vector<1000x64xf32>
    %mul3A = vector.broadcast %rsqrt3A : vector<1000x1xf32> to vector<1000x64xf32>
    %mul3A_11 = arith.mulf %add3A_10, %mul3A : vector<1000x64xf32>
    %get3A_12 = arith.constant 0 : index
    %get3A_13 = arith.constant 0 : index
    %get3A_14 = vector.load %arg4[%get3A_12, %get3A_13] : memref<64x60xf32, #tpu.memory_space<vmem>>, vector<64x60xf32>
    %dot_general3A = arith.constant dense<0.000000e+00> : vector<1000x60xf32>
    %dot_general3A_15 = tpu.matmul %mul3A_11, %get3A_14, %dot_general3A {dimension_numbers = #tpu.dot_dimension_numbers<[1], [0], [0], [1], [0, 0, 1, 1], [], []>, transpose_lhs_hint = false} : vector<1000x64xf32>, vector<64x60xf32>, vector<1000x60xf32> -> vector<1000x60xf32>
    %get3A_16 = arith.constant 0 : index
    %get3A_17 = arith.constant 0 : index
    %get3A_18 = vector.load %arg5[%get3A_16, %get3A_17] : memref<1x60xf32, #tpu.memory_space<vmem>>, vector<1x60xf32>
    %add3A_19 = vector.broadcast %get3A_18 : vector<1x60xf32> to vector<1000x60xf32>
    %add3A_20 = arith.addf %dot_general3A_15, %add3A_19 : vector<1000x60xf32>
    %swap3A = arith.constant 0 : index
    %swap3A_21 = arith.constant 0 : index
    %swap3A_22 = vector.load %arg6[%swap3A, %swap3A_21] : memref<1000x60xf32, #tpu.memory_space<vmem>>, vector<1000x60xf32>
    tpu.vector_store %arg6[%swap3A, %swap3A_21], %add3A_20 {strides = array<i32>} : memref<1000x60xf32, #tpu.memory_space<vmem>>, vector<1000x60xf32>,
    return
  }
  func.func @transform_0(%arg0: i32) -> (i32, i32) {
    %jit3A = arith.constant 25 : i32
    %div3A = arith.divsi %arg0, %jit3A : i32
    %sign3A = arith.constant 0 : i32
    %sign3A_0 = arith.cmpi sgt, %arg0, %sign3A : i32
    %sign3A_1 = arith.extui %sign3A_0 : i1 to i32
    %sign3A_2 = arith.constant 0 : i32
    %sign3A_3 = arith.cmpi slt, %arg0, %sign3A_2 : i32
    %sign3A_4 = arith.extui %sign3A_3 : i1 to i32
    %sign3A_5 = arith.subi %sign3A_1, %sign3A_4 : i32
    %sign3A_6 = arith.constant 0 : i32
    %sign3A_7 = arith.cmpi sgt, %jit3A, %sign3A_6 : i32
    %sign3A_8 = arith.extui %sign3A_7 : i1 to i32
    %sign3A_9 = arith.constant 0 : i32
    %sign3A_10 = arith.cmpi slt, %jit3A, %sign3A_9 : i32
    %sign3A_11 = arith.extui %sign3A_10 : i1 to i32
    %sign3A_12 = arith.subi %sign3A_8, %sign3A_11 : i32
    %ne3A = arith.cmpi ne, %sign3A_5, %sign3A_12 : i32
    %rem3A = arith.remsi %arg0, %jit3A : i32
    %ne3A_13 = arith.constant 0 : i32
    %ne3A_14 = arith.cmpi ne, %rem3A, %ne3A_13 : i32
    %and3A = arith.andi %ne3A, %ne3A_14 : i1
    %sub3A = arith.constant 1 : i32
    %sub3A_15 = arith.subi %div3A, %sub3A : i32
    %select_n3A = arith.select %and3A, %sub3A_15, %div3A : i32
    %mul3A = arith.constant 26 : i32
    %mul3A_16 = arith.muli %select_n3A, %mul3A : i32
    %jit3A_17 = arith.constant 25 : i32
    %eq3A = arith.constant 0 : i32
    %eq3A_18 = arith.cmpi eq, %jit3A_17, %eq3A : i32
    %jit3A_19 = arith.constant 1 : i32
    %select_n3A_20 = arith.select %eq3A_18, %jit3A_19, %jit3A_17 : i32
    %rem3A_21 = arith.remsi %arg0, %select_n3A_20 : i32
    %ne3A_22 = arith.constant 0 : i32
    %ne3A_23 = arith.cmpi ne, %rem3A_21, %ne3A_22 : i32
    %lt3A = arith.constant 0 : i32
    %lt3A_24 = arith.cmpi slt, %rem3A_21, %lt3A : i32
    %lt3A_25 = arith.constant 0 : i32
    %lt3A_26 = arith.cmpi slt, %select_n3A_20, %lt3A_25 : i32
    %ne3A_27 = arith.xori %lt3A_24, %lt3A_26 : i1
    %and3A_28 = arith.andi %ne3A_27, %ne3A_23 : i1
    %add3A = arith.addi %rem3A_21, %select_n3A_20 : i32
    %select_n3A_29 = arith.select %and3A_28, %add3A, %rem3A_21 : i32
    %add3A_30 = arith.addi %mul3A_16, %select_n3A_29 : i32
    %c0_i32 = arith.constant 0 : i32
    %c0_i32_31 = arith.constant 0 : i32
    return %add3A_30, %c0_i32 : i32, i32
  }
  func.func @transform_1(%arg0: i32) -> (i32, i32) {
    %c0_i32 = arith.constant 0 : i32
    %c0_i32_0 = arith.constant 0 : i32
    return %arg0, %c0_i32 : i32, i32
  }
  func.func @transform_2(%arg0: i32) -> (i32, i32) {
    %jit3A = arith.constant 25 : i32
    %div3A = arith.divsi %arg0, %jit3A : i32
    %sign3A = arith.constant 0 : i32
    %sign3A_0 = arith.cmpi sgt, %arg0, %sign3A : i32
    %sign3A_1 = arith.extui %sign3A_0 : i1 to i32
    %sign3A_2 = arith.constant 0 : i32
    %sign3A_3 = arith.cmpi slt, %arg0, %sign3A_2 : i32
    %sign3A_4 = arith.extui %sign3A_3 : i1 to i32
    %sign3A_5 = arith.subi %sign3A_1, %sign3A_4 : i32
    %sign3A_6 = arith.constant 0 : i32
    %sign3A_7 = arith.cmpi sgt, %jit3A, %sign3A_6 : i32
    %sign3A_8 = arith.extui %sign3A_7 : i1 to i32
    %sign3A_9 = arith.constant 0 : i32
    %sign3A_10 = arith.cmpi slt, %jit3A, %sign3A_9 : i32
    %sign3A_11 = arith.extui %sign3A_10 : i1 to i32
    %sign3A_12 = arith.subi %sign3A_8, %sign3A_11 : i32
    %ne3A = arith.cmpi ne, %sign3A_5, %sign3A_12 : i32
    %rem3A = arith.remsi %arg0, %jit3A : i32
    %ne3A_13 = arith.constant 0 : i32
    %ne3A_14 = arith.cmpi ne, %rem3A, %ne3A_13 : i32
    %and3A = arith.andi %ne3A, %ne3A_14 : i1
    %sub3A = arith.constant 1 : i32
    %sub3A_15 = arith.subi %div3A, %sub3A : i32
    %select_n3A = arith.select %and3A, %sub3A_15, %div3A : i32
    %mul3A = arith.constant 26 : i32
    %mul3A_16 = arith.muli %select_n3A, %mul3A : i32
    %jit3A_17 = arith.constant 25 : i32
    %eq3A = arith.constant 0 : i32
    %eq3A_18 = arith.cmpi eq, %jit3A_17, %eq3A : i32
    %jit3A_19 = arith.constant 1 : i32
    %select_n3A_20 = arith.select %eq3A_18, %jit3A_19, %jit3A_17 : i32
    %rem3A_21 = arith.remsi %arg0, %select_n3A_20 : i32
    %ne3A_22 = arith.constant 0 : i32
    %ne3A_23 = arith.cmpi ne, %rem3A_21, %ne3A_22 : i32
    %lt3A = arith.constant 0 : i32
    %lt3A_24 = arith.cmpi slt, %rem3A_21, %lt3A : i32
    %lt3A_25 = arith.constant 0 : i32
    %lt3A_26 = arith.cmpi slt, %select_n3A_20, %lt3A_25 : i32
    %ne3A_27 = arith.xori %lt3A_24, %lt3A_26 : i1
    %and3A_28 = arith.andi %ne3A_27, %ne3A_23 : i1
    %add3A = arith.addi %rem3A_21, %select_n3A_20 : i32
    %select_n3A_29 = arith.select %and3A_28, %add3A, %rem3A_21 : i32
    %add3A_30 = arith.addi %mul3A_16, %select_n3A_29 : i32
    %c0_i32 = arith.constant 0 : i32
    %c0_i32_31 = arith.constant 0 : i32
    return %add3A_30, %c0_i32 : i32, i32
  }
  func.func @transform_3(%arg0: i32) -> (i32, i32) {
    %c0_i32 = arith.constant 0 : i32
    %c0_i32_0 = arith.constant 0 : i32
    %c0_i32_1 = arith.constant 0 : i32
    return %c0_i32, %c0_i32_0 : i32, i32
  }
  func.func @transform_4(%arg0: i32) -> (i32, i32) {
    %c0_i32 = arith.constant 0 : i32
    %c0_i32_0 = arith.constant 0 : i32
    %c0_i32_1 = arith.constant 0 : i32
    return %c0_i32, %c0_i32_0 : i32, i32
  }
  func.func @transform_5(%arg0: i32) -> (i32, i32) {
    %c0_i32 = arith.constant 0 : i32
    %c0_i32_0 = arith.constant 0 : i32
    return %arg0, %c0_i32 : i32, i32
  }
}

</mosaic_0001>

<sc_bundles>
// kernel: kernel.10.cloned.1.call-start
scs
__scs_entry_jumppad:
0x0: {  	(pc) =	sbr.rel $0x88, $3  }
0x1: {  	(tag) =	ssettag $0x0;
	lr =	simm.s32 $0x1  }
0x2: {  	[smem:$0x3F99] =	sst lr;
	_ =	strace $0xD0000000  }
0x3: {  	_ = 	snop  }
0x4: {  	_ = 	snop  }
0x5: {  	_ = 	snop  }
0x6: {  	_ = 	snop  }
0x7: {  	_ = 	snop  }
__scs_overlays_trampoline_lowered:
0x8: {  	[smem:$0x3FA8] =	sst s0  }
0x9: {  	[smem:$0x3FA9] =	sst s1  }
0xa: {  	[smem:$0x3FAA] =	sst s2  }
0xb: {  	[smem:$0x3FAB] =	sst s3  }
0xc: {  	[smem:$0x3FAC] =	sst s4  }
0xd: {  	[smem:$0x3FAD] =	sst s5  }
0xe: {  	[smem:$0x3FAE] =	sst s6  }
0xf: {  	[smem:$0x3FAF] =	sst s7  }
0x10: {  	[smem:$0x3FB0] =	sst s8  }
0x11: {  	[smem:$0x3FB1] =	sst s9;
	s0 =	simm.s32 @!p0 $0x0  }
0x12: {  	s1 =	sld [smem:$0x3F97];
	s0 =	simm.s32 @p0 $0x1  }
0x13: {  	[smem:$0x3FB2] =	sst s0;
	s0 =	simm.s32 @!p1 $0x0  }
0x14: {  	s2 =	sld [smem:$0x3F96];
	s0 =	simm.s32 @p1 $0x1  }
0x15: {  	[smem:$0x3FB3] =	sst s0;
	s0 =	simm.s32 @!p2 $0x0  }
0x16: {  	s3 =	sld [smem:$0x3FDB];
	s0 =	simm.s32 @p2 $0x1  }
0x17: {  	s4 =	simm.s32 $0x1BF5;
	[smem:$0x3FB5] =	sst s0  }
0x18: {  	s0 =	sld [smem:$0x3F98];
	_ =	swait.ge [sflag:s4], $0x0  }
0x19: {  	s7 =	sld [smem:$0x3F99]  }
0x1a: {  	s8 =	sadd.s32 $0xFFFFE003, lr  }
0x1b: {  	s9 =	sadd.s32 $0xFFFFFEF7, lr;
	s5 =	simm.s32 $0xFFFFFFFF;
	p2 =	slt.u32 s8, $0xFFFFF086  }
0x1c: {  	p1 =	slt.u32 s9, $0xF7A;
	s5 =	simm.s32 @!p2 $0x0  }
0x1d: {  	s5 =	simm.s32 @p1 $0x1;
	p0 =	seq.s32 s7, s2  }
0x1e: {  	s7 =	smul.u32 @!p0 $0xF7A, s2;
	p2 =	seq.s32 @!p0 s5, $0x0  }
0x1f: {  	s9 =	smul.u32 $0xF7A, s1;
	s8 =	simm.s32 @!p0 $0x1BF5;
	p2 =	por !p2, p0  }
0x20: {  	[sflag:s8] =	ssyncset.s32 @!p0 $0xFFFFF086;
	s6 =	sadd.s32 @!p0 s3, s7;
	s7 =	simm.s32 @!p0 $0x108  }
0x21: {  	s3 =	sadd.s32 s3, s9;
	s6 =	sadd.s32 @!p0 $0x88, s6;
	s7 =	simm.s32 @p2 $0x1082  }
0x22: {  	[simem:s7], [sflag:s8] =	dma.local @!p0 [hbm:s6], $0xF7A  }
0x23: {  	s9 =	sor.u32 $0xD0000000, s2;
	s6 =	simm.s32 $0x108;
	_ =	swait.ge @!p0 [sflag:s8], $0x0  }
0x24: {  	s3 =	sadd.s32 $0x88, s3;
	s6 =	simm.s32 @!p1 $0x1082;
	[sflag:s4] =	ssyncset.s32 $0xFFFFF086  }
0x25: {  	[simem:s6], [sflag:s4] =	dma.local [hbm:s3], $0xF7A  }
0x26: {  	[smem:$0x3F99] =	sst s1;
	(tag) =	ssettag s2;
	_ =	strace s9  }
0x27: {  	s1 =	sld [smem:$0x3FA9]  }
0x28: {  	s2 =	sld [smem:$0x3FAA]  }
0x29: {  	s4 =	sld [smem:$0x3FAC]  }
0x2a: {  	p0 =	seq.s32 s5, $0x0;
	s5 =	sld [smem:$0x3FAD]  }
0x2b: {  	s6 =	sld [smem:$0x3FAE]  }
0x2c: {  	s7 =	sld [smem:$0x3FAF]  }
0x2d: {  	s3 =	simm.s32 $0x108;
	s8 =	sld [smem:$0x3FB0]  }
0x2e: {  	s3 =	simm.s32 @!p0 $0x1082;
	s9 =	sld [smem:$0x3FB1]  }
0x2f: {  	lr =	sadd.s32 s0, s3;
	s0 =	sld [smem:$0x3FA8]  }
0x30: {  	s3 =	sld [smem:$0x3FAB]  }
0x31: {  	[smem:$0x3FB4] =	sst s10  }
0x32: {  	s10 =	sld [smem:$0x3FB2];
	_ =	sdelay $0x3  }
0x33: {  	p0 =	seq.s32 s10, $0x1;
	s10 =	sld [smem:$0x3FB4];
	_ =	sdelay $0x3  }
0x34: {  	[smem:$0x3FB4] =	sst s10  }
0x35: {  	s10 =	sld [smem:$0x3FB3];
	_ =	sdelay $0x3  }
0x36: {  	p1 =	seq.s32 s10, $0x1;
	s10 =	sld [smem:$0x3FB4];
	_ =	sdelay $0x3  }
0x37: {  	[smem:$0x3FB4] =	sst s10  }
0x38: {  	s10 =	sld [smem:$0x3FB5]  }
0x39: {  	_ = 	snop;
	(pc) =	sbr.ind lr, $3  }
0x3a: {  	_ = 	snop  }
0x3b: {  	_ = 	snop  }
0x3c: {  	p2 =	seq.s32 s10, $0x1;
	s10 =	sld [smem:$0x3FB4]  }
0x3d: {  	_ =	shalt  }
0x3e: {  	_ =	shalt  }
0x3f: {  	_ =	shalt  }
0x40: {  	_ =	shalt  }
0x41: {  	_ =	shalt  }
0x42: {  	_ =	shalt  }
0x43: {  	_ =	shalt  }
0x44: {  	_ =	shalt  }
0x45: {  	_ =	shalt  }
0x46: {  	_ =	shalt  }
0x47: {  	_ =	shalt  }
0x48: {  	_ =	shalt  }
0x49: {  	_ =	shalt  }
0x4a: {  	_ =	shalt  }
0x4b: {  	_ =	shalt  }
0x4c: {  	_ =	shalt  }
0x4d: {  	_ =	shalt  }
0x4e: {  	_ =	shalt  }
0x4f: {  	_ =	shalt  }
0x50: {  	_ =	shalt  }
0x51: {  	_ =	shalt  }
0x52: {  	_ =	shalt  }
0x53: {  	_ =	shalt  }
0x54: {  	_ =	shalt  }
0x55: {  	_ =	shalt  }
0x56: {  	_ =	shalt  }
0x57: {  	_ =	shalt  }
0x58: {  	_ =	shalt  }
0x59: {  	_ =	shalt  }
0x5a: {  	_ =	shalt  }
0x5b: {  	_ =	shalt  }
0x5c: {  	_ =	shalt  }
0x5d: {  	_ =	shalt  }
0x5e: {  	_ =	shalt  }
0x5f: {  	_ =	shalt  }
0x60: {  	_ =	shalt  }
0x61: {  	_ =	shalt  }
0x62: {  	_ =	shalt  }
0x63: {  	_ =	shalt  }
0x64: {  	_ =	shalt  }
0x65: {  	_ =	shalt  }
0x66: {  	_ =	shalt  }
0x67: {  	_ =	shalt  }
0x68: {  	_ =	shalt  }
0x69: {  	_ =	shalt  }
0x6a: {  	_ =	shalt  }
0x6b: {  	_ =	shalt  }
0x6c: {  	_ =	shalt  }
0x6d: {  	_ =	shalt  }
0x6e: {  	_ =	shalt  }
0x6f: {  	_ =	shalt  }
0x70: {  	_ =	shalt  }
0x71: {  	_ =	shalt  }
0x72: {  	_ =	shalt  }
0x73: {  	_ =	shalt  }
0x74: {  	_ =	shalt  }
0x75: {  	_ =	shalt  }
0x76: {  	_ =	shalt  }
0x77: {  	_ =	shalt  }
0x78: {  	_ =	shalt  }
0x79: {  	_ =	shalt  }
0x7a: {  	_ =	shalt  }
0x7b: {  	_ =	shalt  }
0x7c: {  	_ =	shalt  }
0x7d: {  	_ =	shalt  }
0x7e: {  	_ =	shalt  }
0x7f: {  	_ =	shalt  }
0x80: {  	_ =	shalt  }
0x81: {  	_ =	shalt  }
0x82: {  	_ =	shalt  }
0x83: {  	_ =	shalt  }
0x84: {  	_ =	shalt  }
0x85: {  	_ =	shalt  }
0x86: {  	_ =	shalt  }
0x87: {  	_ =	shalt  }
.Lfunc_end0:
.L_simem_size_0:
called_computation_lowered:
.L_overlay_start_0:
0x88: {  	s2 =	sld [smem:$0x3FD9]  }
0x89: {  	s3 =	sld [smem:$0x3FFE];
	_ =	sdelay $0x1  }
0x8a: {  	s1 =	srdreg.scid  }
0x8b: {  	s0 =	sand.u32 $0x1, s1  }
0x8c: {  	s17 =	sshll.u32 s0, $0xA;
	s2 =	sadd.s32 s3, s2  }
0x8d: {  	s2 =	sadd.s32 s2, s17  }
0x8e: {  	[smem:$0x3FC0] =	sst s2  }
0x8f: {  	_ = 	snop  }
0x90: {  	s2 =	sld [smem:$0x3FD0];
	(tm) =	ssettm $0x1  }
0x91: {  	s18 =	sld [smem:$0x3FFB];
	_ =	sdelay $0x3  }
0x92: {  	_ =	strace s18  }
0x93: {  	s3 =	sld [smem:$0x3FFC];
	_ =	sdelay $0x3  }
0x94: {  	_ =	strace s3  }
0x95: {  	s3 =	sld [smem:$0x3FFD];
	_ =	sdelay $0x3  }
0x96: {  	_ =	strace s3  }
0x97: {  	_ =	strace $0x8FFFFFFF  }
0x98: {  	s19 =	sld [smem:$0x3FDB];
	_ =	sdelay $0x1  }
0x99: {  	s4 =	simm.s32 $_scs_section_size  }
0x9a: {  	s5 =	simm.s32 $_size__tile_overlayer_lowered;
	s6 =	simm.s32 $_tile_overlayer_lowered  }
0x9b: {  	s22 =	simm.s32 $0x1BFF;
	s21 =	sshll.u32 s6, $0x1;
	s3 =	sadd.s32 s4, s19  }
0x9c: {  	s7 =	simm.s32 $0x0;
	s20 =	sshll.u32 s5, $0x1;
	s5 =	sadd.s32 s21, s3  }
0x9d: {  	[timem:s7], [sflag:s22] =	dma.local [hbm:s5], s20  }
0x9e: {  	_ =	swait.ge [sflag:s22], s20  }
0x9f: {  	s4 =	ssub.s32 $0x0, s20;
	[sflag:s22] =	ssyncset.done $0x0  }
0xa0: {  	[sflag:s22] =	ssyncadd.s32 s4;
	_ =	sdelay $0x1  }
0xa1: {  	s23 =	simm.s32 $0x1B8B  }
0xa2: {  	_ =	swait.ge [sflag:s23], $0x1  }
0xa3: {  	[sflag:s23] =	ssyncset.done $0x0  }
0xa4: {  	s25 =	simm.s32 $0x1B8E;
	s24 =	sld [smem:$0x3FFE];
	[sflag:s23] =	ssyncadd.s32 $0xFFFFFFFF  }
0xa5: {  	s26 =	simm.s32 $execute0_lowered;
	[smem:$0x3FD2] =	sst s25  }
0xa6: {  	s5 =	sshll.u32 s26, $0x1;
	_ =	strace $0x80000046;
	[dreg:$0x1] =	wrdreg $0xFFFFFFFF  }
0xa7: {  	s28 =	simm.s32 $_size_execute0_lowered;
	s3 =	sadd.s32 s3, s5;
	[dreg:$0x0] =	wrdreg $0x0  }
0xa8: {  	s5 =	sshll.u32 s28, $0x1;
	[dreg:$0x2] =	wrdreg s3  }
0xa9: {  	[dreg:$0x3] =	wrdreg s5  }
0xaa: {  	[dreg:$0x4] =	wrdreg $0xC0  }
0xab: {  	_ =	task [dreg:s7], $0x5FFFF  }
0xac: {  	[dreg:$0x1] =	wrdreg $0xFFFFFFFF  }
0xad: {  	[dreg:$0x0] =	wrdreg $0x60  }
0xae: {  	[dreg:$0x2] =	wrdreg s24  }
0xaf: {  	[dreg:$0x3] =	wrdreg s2  }
0xb0: {  	[dreg:$0x4] =	wrdreg $0x16800  }
0xb1: {  	[dreg:$0x5] =	wrdreg $0x9  }
0xb2: {  	_ =	task.clear_ibuf [dreg:s7], $0x6FFFF;
	_ =	strace $0x90000046  }
0xb3: {  	s29 =	simm.s32 $0x9;
	_ =	strace $0x80000048  }
0xb4: {  	_ =	swait.ge [sflag:s29], $0x1  }
0xb5: {  	[sflag:s29] =	ssyncadd.s32 $0xFFFFFFFF  }
0xb6: {  	_ =	strace $0x90000048  }
0xb7: {  	_ =	sfence  }
0xb8: {  	s30 =	sld [smem:$0x0];
	_ =	sdelay $0x2  }
0xb9: {  	s31 =	sshll.u32 s1, $0xD;
	s1 =	sshrl.u32 s1, $0x2  }
0xba: {  	s3 =	sand.u32 $0x4000, s31;
	s1 =	sadd.s32 s1, s30  }
0xbb: {  	s0 =	sor.u32 s3, s0;
	s1 =	sshll.u32 s1, $0x11  }
0xbc: {  	s0 =	sor.u32 s1, s0  }
0xbd: {  	s0 =	sadd.s32 $0x8F2B, s0  }
0xbe: {  	[sflag:s0] =	ssyncadd.remote.s32 $0x1  }
0xbf: {  	_ =	sfence.sel $0xFFFF  }
0xc0: {  	[dreg:$0x0] =	wrdreg $0xFFFFFFFF;
	(pc) =	sbr.abs _section_cstart, $3  }
0xc1: {  	[dreg:$0x1] =	wrdreg $0xFFFFFFFF  }
0xc2: {  	_ =	task.clear_ibuf [dreg:s7], $0x2FFFF;
	_ =	strace $0x9FFFFFFF  }
0xc3: {  	(tm) =	ssettm $0x7FFFFFFF  }
tec
execute0_lowered:
.L_overlay_start_1:
0x0: {  	(tag) =	ssettag $0x1  }
0x1: {  	s4 =	rddreg [dreg:$0x0]  }
0x2: {  	s12 =	rddreg [dreg:$0x1]  }
0x3: {  	s2 =	rddreg [dreg:$0x2]  }
0x4: {  	s3 =	srdreg.scid;
	s1 =	stileid.u32  }
0x5: {  	s0 =	rddreg [dreg:$0x3];
	s5 =	smul.u32 $0x1880, s1  }
0x6: {  	s7 =	sand.u32 $0x1, s3;
	s3 =	simm.s32 $0x0;
	s9 =	smul.u32 $0x19600, s1  }
0x7: {  	s30 =	sshll.u32 s1, $0x4;
	s14 =	smul.u32 $0xCB0, s1;
	s6 =	ssub.s32 $0x2, s7  }
0x8: {  	[smem:$0x7FF] =	sst s3;
	s15 =	smul.u32 $0xFFFF9E58, s7;
	s16 =	sadd.s32 $0x61A8, s30  }
0x9: {  	v1 =	vlaneseq.u32;
	s17 =	smul.u32 $0xCB20, s7;
	s8 =	sshrl.u32 s6, $0x1;
	_ =	strace $0x80000047  }
0xa: {  	s11 =	sadd.s32 s5, s4;
	s31 =	sshrl.u32 s9, $0x2;
	v1 =	vadd.s32 s16, v1;
	s16 =	simm.s32 $0x80  }
0xb: {  	s13 =	ssub.s32 s6, s8;
	s4 =	sadd.s32 s31, s2;
	s11 =	sadd.s32 $0x1600, s11  }
0xc: {  	s14 =	sadd.s32 s14, s17;
	v2 =	vmov s15;
	s15 =	simm.s32 $0x2;
	s17 =	simm.s32 $0x1  }
0xd: {  	s5 =	sadd.s32 $0xE80, s4;
	s6 =	sadd.s32 $0x1D00, s4;
	s7 =	sadd.s32 $0x2B80, s4  }
0xe: {  	v0 =	vimm.f32 $0.0e+00;
	vm0 =	vcmask $0x300;
	s8 =	sadd.s32 $0x3A00, s4;
	s9 =	sadd.s32 $0x4880, s4;
	s10 =	sadd.s32 $0x5700, s4  }
0xf: {  	v3 =	vsel vm0, $0x3F800000, v0;
	s12 =	sadd.s32 s12, s14;
	s13 =	smax.u32 s13, $0x1;
	s14 =	simm.s32 $0x800  }
.LBB2_1:
0x10: {  	s18 =	simm.s32 $0x40;
	s19 =	simm.s32 $0x0  }
.LBB2_2:
0x11: {  	p0 =	sne.s32 s18, $0x39C0;
	[tilespmem:s19+$0x800] =	vst v0;
	s19 =	smov.u32 s18;
	s18 =	sadd.s32 $0x40, s18  }
.Ltmp0:
0x12: {  	(pc) =	sbr.rel @p0 .LBB2_2-.Ltmp0, $2  }
0x13: {  	_ =	sdelay $0x2  }
0x14: {  	s19 =	sshra.s32 s19, $0x2  }
0x15: {  	[tilespmem:s19+$0x800] =	vst v0  }
0x16: {  	[spmem:s4] =	stream.linear.scatter [tilespmem:s14], [sflag:$0x2], $0xE80, $0x38;
	[tilespmem:$0x7C10] =	vst v63  }
0x17: {  	_ =	swait.ge [sflag:s15], $0xE80  }
0x18: {  	[sflag:s15] =	ssyncset.done $0x0  }
0x19: {  	[sflag:s15] =	ssyncadd.s32 $0xFFFFF180  }
0x1a: {  	[spmem:s5] =	stream.linear.scatter [tilespmem:s14], [sflag:$0x2], $0xE80, $0x38;
	[tilespmem:$0x7C10] =	vst v63  }
0x1b: {  	_ =	swait.ge [sflag:s15], $0xE80  }
0x1c: {  	[sflag:s15] =	ssyncset.done $0x0  }
0x1d: {  	[sflag:s15] =	ssyncadd.s32 $0xFFFFF180  }
0x1e: {  	[spmem:s6] =	stream.linear.scatter [tilespmem:s14], [sflag:$0x2], $0xE80, $0x38;
	[tilespmem:$0x7C10] =	vst v63  }
0x1f: {  	_ =	swait.ge [sflag:s15], $0xE80  }
0x20: {  	[sflag:s15] =	ssyncset.done $0x0  }
0x21: {  	[sflag:s15] =	ssyncadd.s32 $0xFFFFF180  }
0x22: {  	[spmem:s7] =	stream.linear.scatter [tilespmem:s14], [sflag:$0x2], $0xE80, $0x38;
	[tilespmem:$0x7C10] =	vst v63  }
0x23: {  	_ =	swait.ge [sflag:s15], $0xE80  }
0x24: {  	[sflag:s15] =	ssyncset.done $0x0  }
0x25: {  	[sflag:s15] =	ssyncadd.s32 $0xFFFFF180  }
0x26: {  	[spmem:s8] =	stream.linear.scatter [tilespmem:s14], [sflag:$0x2], $0xE80, $0x38;
	[tilespmem:$0x7C10] =	vst v63  }
0x27: {  	_ =	swait.ge [sflag:s15], $0xE80  }
0x28: {  	[sflag:s15] =	ssyncset.done $0x0  }
0x29: {  	[sflag:s15] =	ssyncadd.s32 $0xFFFFF180  }
0x2a: {  	[spmem:s9] =	stream.linear.scatter [tilespmem:s14], [sflag:$0x2], $0xE80, $0x38;
	[tilespmem:$0x7C10] =	vst v63  }
0x2b: {  	_ =	swait.ge [sflag:s15], $0xE80  }
0x2c: {  	[sflag:s15] =	ssyncset.done $0x0  }
0x2d: {  	[sflag:s15] =	ssyncadd.s32 $0xFFFFF180  }
0x2e: {  	[spmem:s10] =	stream.linear.scatter [tilespmem:s14], [sflag:$0x2], $0xE80, $0x38;
	[tilespmem:$0x7C10] =	vst v63  }
0x2f: {  	_ =	swait.ge [sflag:s15], $0xE80  }
0x30: {  	[sflag:s15] =	ssyncset.done $0x0  }
0x31: {  	s18 =	simm.s32 $0x40;
	s19 =	simm.s32 $0x0;
	[sflag:s15] =	ssyncadd.s32 $0xFFFFF180  }
.LBB2_4:
0x32: {  	p0 =	sne.s32 s18, $0x1FC0;
	[tilespmem:s19+$0x800] =	vst v3;
	s19 =	smov.u32 s18;
	s18 =	sadd.s32 $0x40, s18  }
.Ltmp1:
0x33: {  	(pc) =	sbr.rel @p0 .LBB2_4-.Ltmp1, $2  }
0x34: {  	_ =	sdelay $0x2  }
0x35: {  	s19 =	sshra.s32 s19, $0x2  }
0x36: {  	[tilespmem:s19+$0x800] =	vst v3  }
0x37: {  	s18 =	simm.s32 $0x0;
	s19 =	simm.s32 $0x0;
	[bflag:$0x0] =	sbarrier.arrive $0xFFFF  }
.LBB2_6:
0x38: {  	s20 =	sshll.u32 s19, $0xA;
	s21 =	sshll.u32 s19, $0x7  }
0x39: {  	s30 =	sand.u32 $0xE00, s18;
	s20 =	sand.u32 $0x400, s20;
	s21 =	sadd.s32 s21, s11  }
0x3a: {  	[tilespmem:s20], [sflag:$0x2] =	stream.linear.gather [hbm4b:s21+s18], $0x400, $0x38;
	[tilespmem:$0x7C10] =	vst v63  }
0x3b: {  	s21 =	sshrl.u32 s30, $0x2;
	_ =	swait.ge [sflag:s15], $0x400  }
0x3c: {  	s22 =	sand.u32 $0x70, s18;
	s21 =	sadd.s32 s21, s20;
	[sflag:s15] =	ssyncset.done $0x0  }
0x3d: {  	s21 =	sadd.s32 s22, s21;
	[sflag:s15] =	ssyncadd.s32 $0xFFFFFC00  }
0x3e: {  	v4 =	vld [tilespmem:s21+$0x0];
	_ =	sdelay $0x3  }
0x3f: {  	s31 =	simm.s32 $0x40  }
0x40: {  	s23 =	simm.s32 $0x80;
	s24 =	sand.u32 $0xE00, s31;
	s22 =	simm.s32 $0x0;
	v4 =	vadd.s32 v2, v4  }
.LBB2_7:
0x41: {  	p0 =	sne.s32 s23, $0xFC0;
	s24 =	sshrl.u32 s24, $0x2;
	vm0 =	vlt.u32 v4, $0x61A8;
	s22 =	sadd.s32 $0x10, s22  }
0x42: {  	s25 =	sand.u32 $0x70, s22;
	s24 =	sadd.s32 s24, s20;
	v4 =	vsel vm0, v4, v1  }
0x43: {  	[tilespmem:s21+$0x0] =	vst v4;
	s21 =	sadd.s32 s25, s24  }
0x44: {  	v4 =	vld [tilespmem:s21+$0x0]  }
.Ltmp2:
0x45: {  	(pc) =	sbr.rel @p0 .LBB2_7-.Ltmp2, $2  }
0x46: {  	_ =	sdelay $0x2  }
0x47: {  	s24 =	sand.u32 $0xE00, s23;
	s23 =	sadd.s32 $0x40, s23;
	v4 =	vadd.s32 v2, v4  }
0x48: {  	s23 =	sshrl.u32 s24, $0x2;
	vm0 =	vlt.u32 v4, $0x61A8;
	s22 =	sadd.s32 $0x10, s22  }
0x49: {  	s22 =	sand.u32 $0x70, s22;
	s23 =	sadd.s32 s23, s20;
	v4 =	vsel vm0, v4, v1  }
0x4a: {  	s22 =	sadd.s32 s22, s23;
	[tilespmem:s21+$0x0] =	vst v4  }
0x4b: {  	v4 =	vld [tilespmem:s22+$0x0];
	_ =	sdelay $0x4  }
0x4c: {  	v4 =	vadd.s32 v2, v4  }
0x4d: {  	vm15 =	vlt.u32 v4, $0x61A8  }
0x4e: {  	p0 =	sne.s32 s19, $0x0;
	v4 =	vsel vm15, v4, v1  }
0x4f: {  	s21 =	simm.s32 @p0 $0x1;
	[tilespmem:s22+$0x0] =	vst v4  }
0x50: {  	[spmem:s2] =	stream.indirect.scatter.add.f32 [tilespmem:s14], [sflag:$0x1], $0x10, s20, s16, $0xb8;
	[tilespmem:$0x7C10] =	vst v63  }
0x51: {  	_ =	swait.ge @p0 [sflag:s21], $0x800  }
0x52: {  	s24 =	simm.s32 @p0 $0x800;
	[sflag:s21] =	ssyncset.done @p0 $0x0  }
0x53: {  	s23 =	simm.s32 @p0 $0x80;
	s22 =	sadd.s32 @p0 $0x80, s20;
	[sflag:s21] =	ssyncadd.s32 @p0 $0xFFFFF800  }
0x54: {  	[spmem:s2] =	stream.indirect.scatter.add.f32 @p0 [tilespmem:s24], [sflag:$0x1], $0x10, s22, s23, $0xb8;
	[tilespmem:$0x7C10] =	vst v63  }
0x55: {  	_ =	swait.ge @p0 [sflag:s21], $0x800  }
0x56: {  	[sflag:s21] =	ssyncset.done @p0 $0x0  }
0x57: {  	s22 =	sadd.s32 @p0 $0x100, s20;
	[sflag:s21] =	ssyncadd.s32 @p0 $0xFFFFF800  }
0x58: {  	[spmem:s2] =	stream.indirect.scatter.add.f32 @p0 [tilespmem:s24], [sflag:$0x1], $0x10, s22, s23, $0xb8;
	[tilespmem:$0x7C10] =	vst v63  }
0x59: {  	_ =	swait.ge @p0 [sflag:s21], $0x800  }
0x5a: {  	[sflag:s21] =	ssyncset.done @p0 $0x0  }
0x5b: {  	s22 =	sadd.s32 @p0 $0x180, s20;
	[sflag:s21] =	ssyncadd.s32 @p0 $0xFFFFF800  }
0x5c: {  	[spmem:s2] =	stream.indirect.scatter.add.f32 @p0 [tilespmem:s24], [sflag:$0x1], $0x10, s22, s23, $0xb8;
	[tilespmem:$0x7C10] =	vst v63  }
0x5d: {  	_ =	swait.ge @p0 [sflag:s21], $0x800  }
0x5e: {  	s22 =	simm.s32 @!p0 $0x80;
	[sflag:s21] =	ssyncset.done @p0 $0x0  }
0x5f: {  	s23 =	simm.s32 @!p0 $0x800;
	[sflag:s21] =	ssyncadd.s32 @p0 $0xFFFFF800;
	s21 =	sadd.s32 @!p0 $0x80, s20  }
0x60: {  	[spmem:s2] =	stream.indirect.scatter.add.f32 @!p0 [tilespmem:s23], [sflag:$0x1], $0x10, s21, s22, $0xb8;
	[tilespmem:$0x7C10] =	vst v63  }
0x61: {  	s21 =	sadd.s32 @!p0 $0x100, s20  }
0x62: {  	[spmem:s2] =	stream.indirect.scatter.add.f32 @!p0 [tilespmem:s23], [sflag:$0x1], $0x10, s21, s22, $0xb8;
	[tilespmem:$0x7C10] =	vst v63  }
0x63: {  	s21 =	sadd.s32 @!p0 $0x180, s20  }
0x64: {  	[spmem:s2] =	stream.indirect.scatter.add.f32 @!p0 [tilespmem:s23], [sflag:$0x1], $0x10, s21, s22, $0xb8;
	[tilespmem:$0x7C10] =	vst v63  }
0x65: {  	s28 =	sadd.s32 $0x200, s20  }
0x66: {  	[spmem:s2] =	stream.indirect.scatter.add.f32 [tilespmem:s14], [sflag:$0x1], $0x10, s28, s16, $0xb8;
	[tilespmem:$0x7C10] =	vst v63  }
0x67: {  	_ =	swait.ge [sflag:s17], $0x800  }
0x68: {  	[sflag:s17] =	ssyncset.done $0x0  }
0x69: {  	s29 =	sadd.s32 $0x280, s20;
	[sflag:s17] =	ssyncadd.s32 $0xFFFFF800  }
0x6a: {  	[spmem:s2] =	stream.indirect.scatter.add.f32 [tilespmem:s14], [sflag:$0x1], $0x10, s29, s16, $0xb8;
	[tilespmem:$0x7C10] =	vst v63  }
0x6b: {  	_ =	swait.ge [sflag:s17], $0x800  }
0x6c: {  	[sflag:s17] =	ssyncset.done $0x0  }
0x6d: {  	s30 =	sadd.s32 $0x300, s20;
	[sflag:s17] =	ssyncadd.s32 $0xFFFFF800  }
0x6e: {  	[spmem:s2] =	stream.indirect.scatter.add.f32 [tilespmem:s14], [sflag:$0x1], $0x10, s30, s16, $0xb8;
	[tilespmem:$0x7C10] =	vst v63  }
0x6f: {  	s19 =	sadd.s32 $0x1, s19;
	_ =	swait.ge [sflag:s17], $0x800  }
0x70: {  	p0 =	sne.s32 s19, $0x31;
	[sflag:s17] =	ssyncset.done $0x0  }
.Ltmp3:
0x71: {  	s31 =	sadd.s32 $0x380, s20;
	[sflag:s17] =	ssyncadd.s32 $0xFFFFF800;
	(pc) =	sbr.rel @p0 .LBB2_6-.Ltmp3, $4  }
0x72: {  	[spmem:s2] =	stream.indirect.scatter.add.f32 [tilespmem:s14], [sflag:$0x1], $0x10, s31, s16, $0xb8;
	[tilespmem:$0x7C10] =	vst v63  }
0x73: {  	_ =	swait.ge [sflag:s17], $0x800  }
0x74: {  	[sflag:s17] =	ssyncset.done $0x0  }
0x75: {  	[sflag:s17] =	ssyncadd.s32 $0xFFFFF800  }
0x76: {  	_ =	swait.ge [sflag:s17], $0x800  }
0x77: {  	[sflag:s17] =	ssyncset.done $0x0  }
0x78: {  	[sflag:s17] =	ssyncadd.s32 $0xFFFFF800  }
0x79: {  	_ =	swait.ge [sflag:s17], $0x800  }
0x7a: {  	[sflag:s17] =	ssyncset.done $0x0  }
0x7b: {  	[sflag:s17] =	ssyncadd.s32 $0xFFFFF800  }
0x7c: {  	_ =	swait.ge [sflag:s17], $0x800  }
0x7d: {  	[sflag:s17] =	ssyncset.done $0x0  }
0x7e: {  	[sflag:s17] =	ssyncadd.s32 $0xFFFFF800  }
0x7f: {  	_ =	swait.ge [sflag:s17], $0x800  }
0x80: {  	s18 =	sshll.u32 s1, $0x6;
	s3 =	sadd.s32 $0x1, s3;
	[sflag:s17] =	ssyncset.done $0x0  }
0x81: {  	s19 =	sshrl.u32 s4, $0x3;
	p0 =	sne.s32 s3, s13;
	[sflag:s17] =	ssyncadd.s32 $0xFFFFF800  }
.Ltmp4:
0x82: {  	s18 =	sor.u32 $0x1C02, s18;
	[bflag:$0x0] =	sbarrier.arrive $0xFFFF;
	(pc) =	sbr.rel @p0 .LBB2_1-.Ltmp4, $4  }
0x83: {  	[hbm:s12], [sflag:s18] =	dma.local [spmem:s19], $0xCB0  }
0x84: {  	_ =	swait.ge [sflag:s15], $0xCB0  }
0x85: {  	[sflag:s15] =	ssyncset.done $0x0  }
0x86: {  	[sflag:s15] =	ssyncadd.s32 $0xFFFFF350  }
0x87: {  	_ =	sfence.sel $0x180000  }
0x88: {  	[bflag:$0x0] =	sbarrier.arrive $0xFFFF  }
0x89: {  	p0 =	sne.s32 s1, $0x0;
	_ =	strace $0x90000047  }
0x8a: {  	s0 =	sadd.s32 @!p0 $0x100000, s0;
	[bflag:$0x2] =	sbarrier.arrive $0xFFFF  }
0x8b: {  	[sflag:s0] =	ssyncadd.tile.s32 @!p0 $0x1;
	_ =	shalt  }
.Lfunc_end2:
_tile_overlayer_lowered:
.L_overlay_start_2:
0x8c: {  	(tag) =	ssettag $0x2  }
0x8d: {  	s0 =	rddreg [dreg:$0x0];
	s2 =	stileid.u32  }
0x8e: {  	s1 =	rddreg [dreg:$0x1];
	p0 =	sne.s32 s2, $0x0  }
0x8f: {  	s3 =	rddreg [dreg:$0x2];
	[bflag:$0x3] =	sbarrier.arrive $0xFFFF;
	s2 =	simm.s32 @!p0 $0x1C02  }
0x90: {  	[timem:s3], [sflag:s2] =	dma.local @!p0 [hbm:s0], s1  }
0x91: {  	s0 =	simm.s32 @!p0 $0x2  }
0x92: {  	_ =	swait.ge @!p0 [sflag:s0], s1  }
0x93: {  	s1 =	ssub.s32 @!p0 $0x0, s1;
	[sflag:s0] =	ssyncset.done @!p0 $0x0  }
0x94: {  	[sflag:s0] =	ssyncadd.s32 @!p0 s1  }
0x95: {  	[bflag:$0x3] =	sbarrier.arrive $0xFFFF  }
0x96: {  	_ =	shalt  }

// kernel: kernel.13.cloned.1.call-start
scs
__scs_entry_jumppad:
0x0: {  	(pc) =	sbr.rel $0x88, $3  }
0x1: {  	(tag) =	ssettag $0x0;
	lr =	simm.s32 $0x1  }
0x2: {  	[smem:$0x3F99] =	sst lr;
	_ =	strace $0xD0000000  }
0x3: {  	_ = 	snop  }
0x4: {  	_ = 	snop  }
0x5: {  	_ = 	snop  }
0x6: {  	_ = 	snop  }
0x7: {  	_ = 	snop  }
__scs_overlays_trampoline_lowered:
0x8: {  	[smem:$0x3FA8] =	sst s0  }
0x9: {  	[smem:$0x3FA9] =	sst s1  }
0xa: {  	[smem:$0x3FAA] =	sst s2  }
0xb: {  	[smem:$0x3FAB] =	sst s3  }
0xc: {  	[smem:$0x3FAC] =	sst s4  }
0xd: {  	[smem:$0x3FAD] =	sst s5  }
0xe: {  	[smem:$0x3FAE] =	sst s6  }
0xf: {  	[smem:$0x3FAF] =	sst s7  }
0x10: {  	[smem:$0x3FB0] =	sst s8  }
0x11: {  	[smem:$0x3FB1] =	sst s9;
	s0 =	simm.s32 @!p0 $0x0  }
0x12: {  	s1 =	sld [smem:$0x3F97];
	s0 =	simm.s32 @p0 $0x1  }
0x13: {  	[smem:$0x3FB2] =	sst s0;
	s0 =	simm.s32 @!p1 $0x0  }
0x14: {  	s2 =	sld [smem:$0x3F96];
	s0 =	simm.s32 @p1 $0x1  }
0x15: {  	[smem:$0x3FB3] =	sst s0;
	s0 =	simm.s32 @!p2 $0x0  }
0x16: {  	s3 =	sld [smem:$0x3FDB];
	s0 =	simm.s32 @p2 $0x1  }
0x17: {  	s4 =	simm.s32 $0x1BF5;
	[smem:$0x3FB5] =	sst s0  }
0x18: {  	s0 =	sld [smem:$0x3F98];
	_ =	swait.ge [sflag:s4], $0x0  }
0x19: {  	s7 =	sld [smem:$0x3F99]  }
0x1a: {  	s8 =	sadd.s32 $0xFFFFE003, lr  }
0x1b: {  	s9 =	sadd.s32 $0xFFFFFEF7, lr;
	s5 =	simm.s32 $0xFFFFFFFF;
	p2 =	slt.u32 s8, $0xFFFFF086  }
0x1c: {  	p1 =	slt.u32 s9, $0xF7A;
	s5 =	simm.s32 @!p2 $0x0  }
0x1d: {  	s5 =	simm.s32 @p1 $0x1;
	p0 =	seq.s32 s7, s2  }
0x1e: {  	s7 =	smul.u32 @!p0 $0xF7A, s2;
	p2 =	seq.s32 @!p0 s5, $0x0  }
0x1f: {  	s9 =	smul.u32 $0xF7A, s1;
	s8 =	simm.s32 @!p0 $0x1BF5;
	p2 =	por !p2, p0  }
0x20: {  	[sflag:s8] =	ssyncset.s32 @!p0 $0xFFFFF086;
	s6 =	sadd.s32 @!p0 s3, s7;
	s7 =	simm.s32 @!p0 $0x108  }
0x21: {  	s3 =	sadd.s32 s3, s9;
	s6 =	sadd.s32 @!p0 $0x88, s6;
	s7 =	simm.s32 @p2 $0x1082  }
0x22: {  	[simem:s7], [sflag:s8] =	dma.local @!p0 [hbm:s6], $0xF7A  }
0x23: {  	s9 =	sor.u32 $0xD0000000, s2;
	s6 =	simm.s32 $0x108;
	_ =	swait.ge @!p0 [sflag:s8], $0x0  }
0x24: {  	s3 =	sadd.s32 $0x88, s3;
	s6 =	simm.s32 @!p1 $0x1082;
	[sflag:s4] =	ssyncset.s32 $0xFFFFF086  }
0x25: {  	[simem:s6], [sflag:s4] =	dma.local [hbm:s3], $0xF7A  }
0x26: {  	[smem:$0x3F99] =	sst s1;
	(tag) =	ssettag s2;
	_ =	strace s9  }
0x27: {  	s1 =	sld [smem:$0x3FA9]  }
0x28: {  	s2 =	sld [smem:$0x3FAA]  }
0x29: {  	s4 =	sld [smem:$0x3FAC]  }
0x2a: {  	p0 =	seq.s32 s5, $0x0;
	s5 =	sld [smem:$0x3FAD]  }
0x2b: {  	s6 =	sld [smem:$0x3FAE]  }
0x2c: {  	s7 =	sld [smem:$0x3FAF]  }
0x2d: {  	s3 =	simm.s32 $0x108;
	s8 =	sld [smem:$0x3FB0]  }
0x2e: {  	s3 =	simm.s32 @!p0 $0x1082;
	s9 =	sld [smem:$0x3FB1]  }
0x2f: {  	lr =	sadd.s32 s0, s3;
	s0 =	sld [smem:$0x3FA8]  }
0x30: {  	s3 =	sld [smem:$0x3FAB]  }
0x31: {  	[smem:$0x3FB4] =	sst s10  }
0x32: {  	s10 =	sld [smem:$0x3FB2];
	_ =	sdelay $0x3  }
0x33: {  	p0 =	seq.s32 s10, $0x1;
	s10 =	sld [smem:$0x3FB4];
	_ =	sdelay $0x3  }
0x34: {  	[smem:$0x3FB4] =	sst s10  }
0x35: {  	s10 =	sld [smem:$0x3FB3];
	_ =	sdelay $0x3  }
0x36: {  	p1 =	seq.s32 s10, $0x1;
	s10 =	sld [smem:$0x3FB4];
	_ =	sdelay $0x3  }
0x37: {  	[smem:$0x3FB4] =	sst s10  }
0x38: {  	s10 =	sld [smem:$0x3FB5]  }
0x39: {  	_ = 	snop;
	(pc) =	sbr.ind lr, $3  }
0x3a: {  	_ = 	snop  }
0x3b: {  	_ = 	snop  }
0x3c: {  	p2 =	seq.s32 s10, $0x1;
	s10 =	sld [smem:$0x3FB4]  }
0x3d: {  	_ =	shalt  }
0x3e: {  	_ =	shalt  }
0x3f: {  	_ =	shalt  }
0x40: {  	_ =	shalt  }
0x41: {  	_ =	shalt  }
0x42: {  	_ =	shalt  }
0x43: {  	_ =	shalt  }
0x44: {  	_ =	shalt  }
0x45: {  	_ =	shalt  }
0x46: {  	_ =	shalt  }
0x47: {  	_ =	shalt  }
0x48: {  	_ =	shalt  }
0x49: {  	_ =	shalt  }
0x4a: {  	_ =	shalt  }
0x4b: {  	_ =	shalt  }
0x4c: {  	_ =	shalt  }
0x4d: {  	_ =	shalt  }
0x4e: {  	_ =	shalt  }
0x4f: {  	_ =	shalt  }
0x50: {  	_ =	shalt  }
0x51: {  	_ =	shalt  }
0x52: {  	_ =	shalt  }
0x53: {  	_ =	shalt  }
0x54: {  	_ =	shalt  }
0x55: {  	_ =	shalt  }
0x56: {  	_ =	shalt  }
0x57: {  	_ =	shalt  }
0x58: {  	_ =	shalt  }
0x59: {  	_ =	shalt  }
0x5a: {  	_ =	shalt  }
0x5b: {  	_ =	shalt  }
0x5c: {  	_ =	shalt  }
0x5d: {  	_ =	shalt  }
0x5e: {  	_ =	shalt  }
0x5f: {  	_ =	shalt  }
0x60: {  	_ =	shalt  }
0x61: {  	_ =	shalt  }
0x62: {  	_ =	shalt  }
0x63: {  	_ =	shalt  }
0x64: {  	_ =	shalt  }
0x65: {  	_ =	shalt  }
0x66: {  	_ =	shalt  }
0x67: {  	_ =	shalt  }
0x68: {  	_ =	shalt  }
0x69: {  	_ =	shalt  }
0x6a: {  	_ =	shalt  }
0x6b: {  	_ =	shalt  }
0x6c: {  	_ =	shalt  }
0x6d: {  	_ =	shalt  }
0x6e: {  	_ =	shalt  }
0x6f: {  	_ =	shalt  }
0x70: {  	_ =	shalt  }
0x71: {  	_ =	shalt  }
0x72: {  	_ =	shalt  }
0x73: {  	_ =	shalt  }
0x74: {  	_ =	shalt  }
0x75: {  	_ =	shalt  }
0x76: {  	_ =	shalt  }
0x77: {  	_ =	shalt  }
0x78: {  	_ =	shalt  }
0x79: {  	_ =	shalt  }
0x7a: {  	_ =	shalt  }
0x7b: {  	_ =	shalt  }
0x7c: {  	_ =	shalt  }
0x7d: {  	_ =	shalt  }
0x7e: {  	_ =	shalt  }
0x7f: {  	_ =	shalt  }
0x80: {  	_ =	shalt  }
0x81: {  	_ =	shalt  }
0x82: {  	_ =	shalt  }
0x83: {  	_ =	shalt  }
0x84: {  	_ =	shalt  }
0x85: {  	_ =	shalt  }
0x86: {  	_ =	shalt  }
0x87: {  	_ =	shalt  }
.Lfunc_end0:
.L_simem_size_0:
called_computation.1_lowered:
.L_overlay_start_0:
0x88: {  	s2 =	sld [smem:$0x3FD9]  }
0x89: {  	s3 =	sld [smem:$0x3FFE];
	_ =	sdelay $0x1  }
0x8a: {  	s1 =	srdreg.scid  }
0x8b: {  	s0 =	sand.u32 $0x1, s1  }
0x8c: {  	s17 =	sshll.u32 s0, $0xA;
	s2 =	sadd.s32 s3, s2  }
0x8d: {  	s2 =	sadd.s32 s2, s17  }
0x8e: {  	[smem:$0x3FC0] =	sst s2  }
0x8f: {  	_ = 	snop  }
0x90: {  	s2 =	sld [smem:$0x3FD0];
	(tm) =	ssettm $0x1  }
0x91: {  	s18 =	sld [smem:$0x3FFB];
	_ =	sdelay $0x3  }
0x92: {  	_ =	strace s18  }
0x93: {  	s3 =	sld [smem:$0x3FFC];
	_ =	sdelay $0x3  }
0x94: {  	_ =	strace s3  }
0x95: {  	s3 =	sld [smem:$0x3FFD];
	_ =	sdelay $0x3  }
0x96: {  	_ =	strace s3  }
0x97: {  	_ =	strace $0x8FFFFFFF  }
0x98: {  	s19 =	sld [smem:$0x3FDB];
	_ =	sdelay $0x1  }
0x99: {  	s4 =	simm.s32 $_scs_section_size  }
0x9a: {  	s5 =	simm.s32 $_size__tile_overlayer_lowered;
	s6 =	simm.s32 $_tile_overlayer_lowered  }
0x9b: {  	s22 =	simm.s32 $0x1BFF;
	s21 =	sshll.u32 s6, $0x1;
	s3 =	sadd.s32 s4, s19  }
0x9c: {  	s7 =	simm.s32 $0x0;
	s20 =	sshll.u32 s5, $0x1;
	s5 =	sadd.s32 s21, s3  }
0x9d: {  	[timem:s7], [sflag:s22] =	dma.local [hbm:s5], s20  }
0x9e: {  	_ =	swait.ge [sflag:s22], s20  }
0x9f: {  	s4 =	ssub.s32 $0x0, s20;
	[sflag:s22] =	ssyncset.done $0x0  }
0xa0: {  	[sflag:s22] =	ssyncadd.s32 s4;
	_ =	sdelay $0x1  }
0xa1: {  	s23 =	simm.s32 $0x1B8B  }
0xa2: {  	_ =	swait.ge [sflag:s23], $0x1  }
0xa3: {  	[sflag:s23] =	ssyncset.done $0x0  }
0xa4: {  	s25 =	simm.s32 $0x1B8E;
	s24 =	sld [smem:$0x3FFE];
	[sflag:s23] =	ssyncadd.s32 $0xFFFFFFFF  }
0xa5: {  	s26 =	simm.s32 $execute0_lowered;
	[smem:$0x3FD2] =	sst s25  }
0xa6: {  	s5 =	sshll.u32 s26, $0x1;
	_ =	strace $0x80000049;
	[dreg:$0x1] =	wrdreg $0xFFFFFFFF  }
0xa7: {  	s28 =	simm.s32 $_size_execute0_lowered;
	s3 =	sadd.s32 s3, s5;
	[dreg:$0x0] =	wrdreg $0x0  }
0xa8: {  	s5 =	sshll.u32 s28, $0x1;
	[dreg:$0x2] =	wrdreg s3  }
0xa9: {  	[dreg:$0x3] =	wrdreg s5  }
0xaa: {  	[dreg:$0x4] =	wrdreg $0xC0  }
0xab: {  	_ =	task [dreg:s7], $0x5FFFF  }
0xac: {  	[dreg:$0x1] =	wrdreg $0xFFFFFFFF  }
0xad: {  	[dreg:$0x0] =	wrdreg $0x60  }
0xae: {  	[dreg:$0x2] =	wrdreg s24  }
0xaf: {  	[dreg:$0x3] =	wrdreg s2  }
0xb0: {  	[dreg:$0x4] =	wrdreg $0x5A000  }
0xb1: {  	[dreg:$0x5] =	wrdreg $0x9  }
0xb2: {  	_ =	task.clear_ibuf [dreg:s7], $0x6FFFF;
	_ =	strace $0x90000049  }
0xb3: {  	s29 =	simm.s32 $0x9;
	_ =	strace $0x8000004B  }
0xb4: {  	_ =	swait.ge [sflag:s29], $0x1  }
0xb5: {  	[sflag:s29] =	ssyncadd.s32 $0xFFFFFFFF  }
0xb6: {  	_ =	strace $0x9000004B  }
0xb7: {  	_ =	sfence  }
0xb8: {  	s30 =	sld [smem:$0x0];
	_ =	sdelay $0x2  }
0xb9: {  	s31 =	sshll.u32 s1, $0xD;
	s1 =	sshrl.u32 s1, $0x2  }
0xba: {  	s3 =	sand.u32 $0x4000, s31;
	s1 =	sadd.s32 s1, s30  }
0xbb: {  	s0 =	sor.u32 s3, s0;
	s1 =	sshll.u32 s1, $0x11  }
0xbc: {  	s0 =	sor.u32 s1, s0  }
0xbd: {  	s0 =	sadd.s32 $0x8F2B, s0  }
0xbe: {  	[sflag:s0] =	ssyncadd.remote.s32 $0x1  }
0xbf: {  	_ =	sfence.sel $0xFFFF  }
0xc0: {  	[dreg:$0x0] =	wrdreg $0xFFFFFFFF;
	(pc) =	sbr.abs _section_cstart, $3  }
0xc1: {  	[dreg:$0x1] =	wrdreg $0xFFFFFFFF  }
0xc2: {  	_ =	task.clear_ibuf [dreg:s7], $0x2FFFF;
	_ =	strace $0x9FFFFFFF  }
0xc3: {  	(tm) =	ssettm $0x7FFFFFFF  }
tec
execute0_lowered:
.L_overlay_start_1:
0x0: {  	(tag) =	ssettag $0x1  }
0x1: {  	s0 =	rddreg [dreg:$0x0]  }
0x2: {  	s2 =	rddreg [dreg:$0x1]  }
0x3: {  	s1 =	rddreg [dreg:$0x2];
	s3 =	simm.s32 $0x0  }
0x4: {  	s4 =	srdreg.scid;
	s11 =	stileid.u32;
	s17 =	simm.s32 $0x1200  }
0x5: {  	s18 =	simm.s32 $0x3;
	s19 =	simm.s32 $0x400;
	s20 =	simm.s32 $0x1  }
0x6: {  	s21 =	simm.s32 $0x80;
	s22 =	simm.s32 $0x800;
	s23 =	simm.s32 $0x2  }
0x7: {  	[smem:$0x7FF] =	sst s3;
	s8 =	sand.u32 $0x1, s4;
	s9 =	smul.u32 $0x19600, s11  }
0x8: {  	s4 =	sadd.s32 $0x19E00, s0;
	s5 =	sadd.s32 $0xDD400, s0;
	s14 =	smul.u32 $0xCB0, s11  }
0x9: {  	s6 =	sadd.s32 $0x1600, s0;
	s26 =	sshll.u32 s11, $0x4;
	s10 =	smul.u32 $0xFFFF9E58, s8  }
0xa: {  	_ =	strace $0x8000004A;
	s7 =	ssub.s32 $0x2, s8;
	s8 =	smul.u32 $0xCB20, s8  }
0xb: {  	s24 =	sshrl.u32 s7, $0x1;
	s25 =	sshrl.u32 s9, $0x2;
	s9 =	sadd.s32 $0x61A8, s26  }
0xc: {  	s26 =	simm.s32 $0x0;
	s0 =	ssub.s32 s7, s24;
	s7 =	sadd.s32 s25, s1  }
0xd: {  	s8 =	sadd.s32 s14, s8;
	s14 =	smul.u32 $0xC400, s11;
	s12 =	sadd.s32 $0xE80, s7  }
.Ltmp0:
0xe: {  	s28 =	sadd.s32 $0x1D00, s7;
	[dreg:$0x4] =	wrdreg s12;
	(pc) =	sbr.rel .LBB2_1-.Ltmp0, $4  }
0xf: {  	s24 =	simm.s32 $0x980;
	s29 =	sadd.s32 $0x2B80, s7;
	[dreg:$0x5] =	wrdreg s28  }
0x10: {  	s25 =	simm.s32 $0x2A00;
	s30 =	sadd.s32 $0x3A00, s7;
	[dreg:$0x6] =	wrdreg s29  }
0x11: {  	v0 =	vlaneseq.u32;
	v2 =	vimm.f32 $0.0e+00;
	s31 =	sadd.s32 $0x4880, s7;
	s13 =	sadd.s32 $0x5700, s7;
	[dreg:$0x7] =	wrdreg s30  }
0x12: {  	v3 =	vimm.s32 $0x0;
	v0 =	vadd.s32 s9, v0;
	v1 =	vmov s10;
	s15 =	sadd.s32 s2, s8;
	s16 =	smax.u32 s0, $0x1;
	[dreg:$0x8] =	wrdreg s31  }
.LBB2_24:
0x13: {  	[tilespmem:s30+$0xD00] =	vst v0;
	s0 =	sand.u32 $0xFFFFFFF8, s30;
	s2 =	sand.u32 $0x7, s29  }
0x14: {  	[tilespmem:s30+$0x800] =	vst v3;
	s0 =	sor.u32 s2, s0  }
0x15: {  	[tilespmem:s0+$0xD10] =	vst v0  }
0x16: {  	[tilespmem:s0+$0x810] =	vst v3  }
0x17: {  	[tilespmem:s0+$0xD20] =	vst v0  }
0x18: {  	[tilespmem:s0+$0x820] =	vst v3  }
0x19: {  	[tilespmem:s0+$0xD30] =	vst v0  }
0x1a: {  	[tilespmem:s0+$0x830] =	vst v3  }
0x1b: {  	[tilespmem:s0+$0xD40] =	vst v0  }
0x1c: {  	[tilespmem:s0+$0x840] =	vst v3  }
0x1d: {  	[tilespmem:s0+$0xD50] =	vst v0  }
0x1e: {  	[tilespmem:s0+$0x850] =	vst v3  }
0x1f: {  	[tilespmem:s0+$0xD60] =	vst v0  }
0x20: {  	[tilespmem:s0+$0x860] =	vst v3  }
0x21: {  	p0 =	slt.s32 s30, $0x1;
	[tilespmem:s0+$0xD70] =	vst v0  }
0x22: {  	s2 =	simm.s32 @!p0 $0x800;
	s8 =	simm.s32 @!p0 $0x1200;
	[tilespmem:s0+$0x870] =	vst v3;
	s0 =	simm.s32 @!p0 $0x80  }
0x23: {  	[tilespmem:s8], [sflag:$0x1] =	stream.indirect.gather @!p0 [hbm4b:s4+s0], $0x10, s2, s0, $0xb8;
	[tilespmem:$0xBF90] =	vst v63  }
0x24: {  	s2 =	simm.s32 @!p0 $0x1  }
0x25: {  	_ =	swait.ge @!p0 [sflag:s2], $0x800  }
0x26: {  	[sflag:s2] =	ssyncset.done @!p0 $0x0  }
0x27: {  	[sflag:s2] =	ssyncadd.s32 @!p0 $0xFFFFF800;
	s2 =	simm.s32 @!p0 $0xD00  }
0x28: {  	[spmem:s1] =	stream.indirect.scatter.add.f32 @!p0 [tilespmem:s8], [sflag:$0x2], $0x10, s2, s0, $0xb8;
	[tilespmem:$0xBF90] =	vst v63  }
0x29: {  	s0 =	simm.s32 @!p0 $0x2  }
0x2a: {  	s30 =	stileid.u32;
	_ =	swait.ge @!p0 [sflag:s0], $0x800  }
0x2b: {  	s31 =	sshrl.u32 s7, $0x3;
	s3 =	sadd.s32 $0x1, s3;
	[sflag:s0] =	ssyncset.done @!p0 $0x0  }
0x2c: {  	[sflag:s0] =	ssyncadd.s32 @!p0 $0xFFFFF800;
	s0 =	sshll.u32 s30, $0x6;
	p0 =	sne.s32 s3, s16  }
.Ltmp1:
0x2d: {  	[bflag:$0x0] =	sbarrier.arrive $0xFFFF;
	s0 =	sor.u32 $0x1C03, s0;
	(pc) =	sbr.rel @!p0 .LBB2_25-.Ltmp1, $4  }
0x2e: {  	[hbm:s15], [sflag:s0] =	dma.local [spmem:s31], $0xCB0  }
0x2f: {  	_ =	swait.ge [sflag:s18], $0xCB0  }
0x30: {  	[sflag:s18] =	ssyncset.done $0x0  }
0x31: {  	[sflag:s18] =	ssyncadd.s32 $0xFFFFF350  }
.LBB2_1:
0x32: {  	s0 =	simm.s32 $0x40;
	s2 =	simm.s32 $0x0  }
.LBB2_2:
0x33: {  	p0 =	sne.s32 s0, $0x39C0;
	[tilespmem:s2+$0x1200] =	vst v2;
	s2 =	smov.u32 s0;
	s0 =	sadd.s32 $0x40, s0  }
.Ltmp2:
0x34: {  	(pc) =	sbr.rel @p0 .LBB2_2-.Ltmp2, $2  }
0x35: {  	_ =	sdelay $0x2  }
0x36: {  	s2 =	sshra.s32 s2, $0x2  }
0x37: {  	[tilespmem:s2+$0x1200] =	vst v2  }
0x38: {  	[spmem:s7] =	stream.linear.scatter [tilespmem:s17], [sflag:$0x3], $0xE80, $0x38;
	[tilespmem:$0xBF90] =	vst v63  }
0x39: {  	_ =	swait.ge [sflag:s18], $0xE80  }
0x3a: {  	[sflag:s18] =	ssyncset.done $0x0  }
0x3b: {  	s0 =	rddreg [dreg:$0x4];
	[sflag:s18] =	ssyncadd.s32 $0xFFFFF180  }
0x3c: {  	[spmem:s0] =	stream.linear.scatter [tilespmem:s17], [sflag:$0x3], $0xE80, $0x38;
	[tilespmem:$0xBF90] =	vst v63  }
0x3d: {  	_ =	swait.ge [sflag:s18], $0xE80  }
0x3e: {  	[sflag:s18] =	ssyncset.done $0x0  }
0x3f: {  	s11 =	rddreg [dreg:$0x5];
	[sflag:s18] =	ssyncadd.s32 $0xFFFFF180  }
0x40: {  	[spmem:s11] =	stream.linear.scatter [tilespmem:s17], [sflag:$0x3], $0xE80, $0x38;
	[tilespmem:$0xBF90] =	vst v63  }
0x41: {  	_ =	swait.ge [sflag:s18], $0xE80  }
0x42: {  	[sflag:s18] =	ssyncset.done $0x0  }
0x43: {  	s12 =	rddreg [dreg:$0x6];
	[sflag:s18] =	ssyncadd.s32 $0xFFFFF180  }
0x44: {  	[spmem:s12] =	stream.linear.scatter [tilespmem:s17], [sflag:$0x3], $0xE80, $0x38;
	[tilespmem:$0xBF90] =	vst v63  }
0x45: {  	_ =	swait.ge [sflag:s18], $0xE80  }
0x46: {  	[sflag:s18] =	ssyncset.done $0x0  }
0x47: {  	s29 =	rddreg [dreg:$0x7];
	[sflag:s18] =	ssyncadd.s32 $0xFFFFF180  }
0x48: {  	[spmem:s29] =	stream.linear.scatter [tilespmem:s17], [sflag:$0x3], $0xE80, $0x38;
	[tilespmem:$0xBF90] =	vst v63  }
0x49: {  	_ =	swait.ge [sflag:s18], $0xE80  }
0x4a: {  	[sflag:s18] =	ssyncset.done $0x0  }
0x4b: {  	s31 =	rddreg [dreg:$0x8];
	[sflag:s18] =	ssyncadd.s32 $0xFFFFF180  }
0x4c: {  	[spmem:s31] =	stream.linear.scatter [tilespmem:s17], [sflag:$0x3], $0xE80, $0x38;
	[tilespmem:$0xBF90] =	vst v63  }
0x4d: {  	_ =	swait.ge [sflag:s18], $0xE80  }
0x4e: {  	[sflag:s18] =	ssyncset.done $0x0  }
0x4f: {  	[sflag:s18] =	ssyncadd.s32 $0xFFFFF180  }
0x50: {  	[spmem:s13] =	stream.linear.scatter [tilespmem:s17], [sflag:$0x3], $0xE80, $0x38;
	[tilespmem:$0xBF90] =	vst v63  }
.Ltmp3:
0x51: {  	_ =	swait.ge [sflag:s18], $0xE80;
	(pc) =	sbr.rel .LBB2_4-.Ltmp3, $4  }
0x52: {  	[sflag:s18] =	ssyncset.done $0x0  }
0x53: {  	[sflag:s18] =	ssyncadd.s32 $0xFFFFF180  }
0x54: {  	[bflag:$0x0] =	sbarrier.arrive $0xFFFF  }
0x55: {  	s30 =	simm.s32 $0x0;
	s28 =	simm.s32 $0x0  }
.LBB2_26:
0x56: {  	s30 =	sshll.u32 s30, $0x7  }
.LBB2_23:
0x57: {  	s28 =	sadd.s32 $0x1, s28  }
0x58: {  	p0 =	sne.s32 s28, $0x31  }
.Ltmp4:
0x59: {  	_ = 	snop;
	(pc) =	sbr.rel @!p0 .LBB2_24-.Ltmp4, $2  }
0x5a: {  	_ =	sdelay $0x2  }
0x5b: {  	s30 =	ssub.s32 s29, s30  }
.LBB2_4:
0x5c: {  	s0 =	sshll.u32 s28, $0xA  }
0x5d: {  	s0 =	sadd.s32 s14, s0  }
0x5e: {  	s0 =	sshrl.u32 s0, $0x3  }
0x5f: {  	s2 =	sadd.s32 s5, s0  }
0x60: {  	[tilespmem:s26], [sflag:$0x3] =	stream.linear.gather [hbm4b:s2+s26], $0x400, $0x38;
	[tilespmem:$0xBF90] =	vst v63  }
0x61: {  	_ =	swait.ge [sflag:s18], $0x400  }
0x62: {  	[sflag:s18] =	ssyncset.done $0x0  }
0x63: {  	s0 =	sadd.s32 s6, s0;
	[sflag:s18] =	ssyncadd.s32 $0xFFFFFC00  }
0x64: {  	[tilespmem:s19], [sflag:$0x3] =	stream.linear.gather [hbm4b:s0+s26], $0x400, $0x38;
	[tilespmem:$0xBF90] =	vst v63  }
0x65: {  	_ =	swait.ge [sflag:s18], $0x400  }
0x66: {  	[sflag:s18] =	ssyncset.done $0x0  }
0x67: {  	s12 =	simm.s32 $0x0;
	[sflag:s18] =	ssyncadd.s32 $0xFFFFFC00  }
0x68: {  	v4 =	vld [tilespmem:s12+$0x400];
	_ =	sdelay $0x2  }
0x69: {  	v5 =	vld [tilespmem:s12+$0x0];
	_ =	sdelay $0x1  }
0x6a: {  	v4 =	vadd.s32 v1, v4  }
0x6b: {  	vm0 =	vlt.u32 v4, $0x61A8  }
0x6c: {  	v4 =	vshll.u32 v4, $0x10;
	v6 =	vsel vm0, $0x1, v3  }
0x6d: {  	v4 =	vadd.s32 v5, v4;
	(xrf0) =	vadd.scan.msk.s32 $0xffff, v6  }
0x6e: {  	v4 =	vnsel vm0, $0x7FFFFFFF, v4  }
0x6f: {  	(xrf1) =	vsort.ascd.msk.u32 $0xffff, v4, v4;
	_ =	sdelay $0x3  }
0x70: {  	v4, _, _ =	vpop (xrf0)  }
0x71: {  	(v2sf) =	vpush v4, $0xF;
	_ =	sdelay $0x8  }
0x72: {  	v4, _, _ =	vpop (xrf1)  }
0x73: {  	v5 =	vshrl.u32 v4, $0x10  }
0x74: {  	v4 =	vand.u32 $0xFFFF, v4;
	[tilespmem:s30+$0xD00] =	vst v5  }
0x75: {  	s31 =	simm.s32 $0x10;
	[tilespmem:s30+$0x800] =	vst v4  }
0x76: {  	v5 =	vld [tilespmem:s31+$0x400];
	_ =	sdelay $0x1  }
0x77: {  	s29 =	simm.s32 $0x80;
	v4 =	vld [tilespmem:s31+$0x0];
	s0 =	spop (v2sf)  }
.LBB2_5:
0x78: {  	p0 =	sne.s32 s29, $0xFC0  }
0x79: {  	s30 =	sadd.s32 s30, s0;
	s0 =	smov.u32 s29;
	s29 =	sadd.s32 $0x40, s29  }
0x7a: {  	v5 =	vadd.s32 v1, v5  }
0x7b: {  	vm0 =	vlt.u32 v5, $0x61A8;
	v5 =	vshll.u32 v5, $0x10  }
0x7c: {  	v4 =	vadd.s32 v4, v5;
	v5 =	vsel vm0, $0x1, v3  }
0x7d: {  	v4 =	vnsel vm0, $0x7FFFFFFF, v4;
	(xrf0) =	vadd.scan.msk.s32 $0xffff, v5  }
0x7e: {  	(xrf1) =	vsort.ascd.msk.u32 $0xffff, v4, v4;
	_ =	sdelay $0x4  }
0x7f: {  	v4, _, _ =	vpop (xrf0)  }
0x80: {  	(v2sf) =	vpush v4, $0xF;
	_ =	sdelay $0x7  }
0x81: {  	v4, _, _ =	vpop (xrf1)  }
0x82: {  	v5 =	vshrl.u32 v4, $0x10;
	v4 =	vand.u32 $0xFFFF, v4  }
0x83: {  	[tilespmem:s30+$0xD00] =	vst v5  }
.Ltmp5:
0x84: {  	s0 =	sshra.s32 s0, $0x2;
	[tilespmem:s30+$0x800] =	vst v4;
	(pc) =	sbr.rel @p0 .LBB2_5-.Ltmp5, $3  }
0x85: {  	v5 =	vld [tilespmem:s0+$0x400];
	_ =	sdelay $0x1  }
0x86: {  	v4 =	vld [tilespmem:s0+$0x0]  }
0x87: {  	s0 =	spop (v2sf)  }
0x88: {  	_ = 	snop  }
0x89: {  	v5 =	vadd.s32 v1, v5  }
0x8a: {  	vm0 =	vlt.u32 v5, $0x61A8  }
0x8b: {  	v6 =	vsel vm0, $0x1, v3  }
0x8c: {  	(xrf0) =	vadd.scan.msk.s32 $0xffff, v6;
	_ =	sdelay $0x5  }
0x8d: {  	v6, _, _ =	vpop (xrf0)  }
0x8e: {  	(v2sf) =	vpush v6, $0xF;
	_ =	sdelay $0x7  }
0x8f: {  	v5 =	vshll.u32 v5, $0x10  }
0x90: {  	v4 =	vadd.s32 v4, v5  }
0x91: {  	v4 =	vnsel vm0, $0x7FFFFFFF, v4  }
0x92: {  	(xrf1) =	vsort.ascd.msk.u32 $0xffff, v4, v4;
	_ =	sdelay $0x3  }
0x93: {  	s0 =	sadd.s32 s30, s0;
	s2 =	spop (v2sf)  }
0x94: {  	s29 =	sadd.s32 s0, s2  }
0x95: {  	s2 =	sand.u32 $0x7F, s29  }
0x96: {  	s8 =	sshra.s32 s29, $0x1F;
	p0 =	slt.s32 s29, $0x1;
	p1 =	sne.s32 s2, $0x0  }
0x97: {  	s31 =	sshrl.u32 s8, $0x19;
	p0 =	por !p0, !p1  }
0x98: {  	s8 =	simm.s32 $0x1;
	s2 =	sadd.s32 s31, s29;
	p0 =	por !p0, !p0  }
0x99: {  	s2 =	sshra.s32 s2, $0x7;
	s8 =	simm.s32 @!p0 $0x0  }
0x9a: {  	s30 =	ssub.s32 s2, s8  }
0x9b: {  	p0 =	slt.s32 s30, $0x1  }
.Ltmp6:
0x9c: {  	_ = 	snop;
	(pc) =	sbr.rel @p0 .LBB2_26-.Ltmp6, $4  }
0x9d: {  	v4, _, _ =	vpop (xrf1)  }
0x9e: {  	v5 =	vshrl.u32 v4, $0x10  }
0x9f: {  	v4 =	vand.u32 $0xFFFF, v4;
	[tilespmem:s0+$0xD00] =	vst v5  }
0xa0: {  	[tilespmem:s0+$0x800] =	vst v4  }
0xa1: {  	[tilespmem:s17], [sflag:$0x1] =	stream.indirect.gather [hbm4b:s4+s21], $0x10, s22, s21, $0xb8;
	[tilespmem:$0xBF90] =	vst v63  }
0xa2: {  	p3 =	seq.s32 s30, $0x1  }
0xa3: {  	p1 =	slt.u32 @!p3 s30, $0x3  }
0xa4: {  	p5 =	por p3, p1  }
0xa5: {  	p1 =	seq.s32 @!p5 s30, $0x3  }
0xa6: {  	p1 =	por p5, p1  }
.Ltmp7:
0xa7: {  	_ = 	snop;
	(pc) =	sbr.rel @!p1 .LBB2_9-.Ltmp7, $4  }
0xa8: {  	s0 =	simm.s32 @!p3 $0x80;
	s2 =	simm.s32 @!p3 $0x880;
	s8 =	simm.s32 @!p3 $0x1A00  }
0xa9: {  	[tilespmem:s8], [sflag:$0x1] =	stream.indirect.gather @!p3 [hbm4b:s4+s0], $0x10, s2, s0, $0xb8;
	[tilespmem:$0xBF90] =	vst v63  }
0xaa: {  	s0 =	simm.s32 @!p5 $0x80;
	s2 =	simm.s32 @!p5 $0x900;
	s8 =	simm.s32 @!p5 $0x2200  }
0xab: {  	[tilespmem:s8], [sflag:$0x1] =	stream.indirect.gather @!p5 [hbm4b:s4+s0], $0x10, s2, s0, $0xb8;
	[tilespmem:$0xBF90] =	vst v63  }
0xac: {  	p1 =	por @!p3 $0x0, $0x0;
	p2 =	por $0x0, $0x0  }
.Ltmp8:
0xad: {  	p4 =	por @!p5 $0x0, $0x0;
	p2 =	por @!p3 p1, p1;
	(pc) =	sbr.rel .LBB2_10-.Ltmp8, $4  }
0xae: {  	p6 =	por @!p5 $0x1, $0x1;
	p1 =	por p2, p2;
	p0 =	por p2, p2  }
0xaf: {  	p1 =	por @!p5 p4, p4;
	p0 =	por @!p5 p4, p4;
	p4 =	por p2, p2  }
0xb0: {  	p4 =	por @!p5 p6, p6;
	p6 =	por @!p5 $0x0, $0x0  }
0xb1: {  	p2 =	por @!p5 p6, p6  }
.LBB2_9:
0xb2: {  	[tilespmem:s25], [sflag:$0x1] =	stream.indirect.gather [hbm4b:s4+s21], $0x10, s24, s21, $0xb8;
	[tilespmem:$0xBF90] =	vst v63  }
0xb3: {  	p5 =	slt.u32 s30, $0x5  }
0xb4: {  	s0 =	simm.s32 @!p5 $0x80  }
0xb5: {  	s2 =	simm.s32 @!p5 $0xA00;
	s8 =	simm.s32 @!p5 $0x3200;
	p1 =	seq.s32 @!p5 s30, $0x5  }
0xb6: {  	[tilespmem:s8], [sflag:$0x1] =	stream.indirect.gather @!p5 [hbm4b:s4+s0], $0x10, s2, s0, $0xb8;
	[tilespmem:$0xBF90] =	vst v63  }
0xb7: {  	p2 =	por p1, p5  }
0xb8: {  	s0 =	simm.s32 @!p2 $0x80  }
0xb9: {  	s2 =	simm.s32 @!p2 $0xA80;
	s8 =	simm.s32 @!p2 $0x3A00;
	p0 =	slt.u32 @!p2 s30, $0x7  }
0xba: {  	[tilespmem:s8], [sflag:$0x1] =	stream.indirect.gather @!p2 [hbm4b:s4+s0], $0x10, s2, s0, $0xb8;
	[tilespmem:$0xBF90] =	vst v63  }
0xbb: {  	s0 =	simm.s32 @!p0 $0x0;
	p4 =	por @!p5 p0, p1  }
0xbc: {  	s0 =	simm.s32 @p0 $0x1;
	p4 =	por p4, p5  }
0xbd: {  	[smem:$0x7FB] =	sst s0;
	s0 =	simm.s32 @!p4 $0x80  }
0xbe: {  	s2 =	simm.s32 @!p4 $0xB00;
	s8 =	simm.s32 @!p4 $0x4200;
	p6 =	seq.s32 @!p4 s30, $0x7  }
0xbf: {  	[tilespmem:s8], [sflag:$0x1] =	stream.indirect.gather @!p4 [hbm4b:s4+s0], $0x10, s2, s0, $0xb8;
	[tilespmem:$0xBF90] =	vst v63  }
0xc0: {  	s0 =	simm.s32 @!p6 $0x0  }
0xc1: {  	s0 =	simm.s32 @p6 $0x1  }
0xc2: {  	[smem:$0x7F8] =	sst s0  }
0xc3: {  	s2 =	sld [smem:$0x7F8];
	_ =	sdelay $0x1  }
0xc4: {  	s0 =	simm.s32 @!p3 $0x0  }
0xc5: {  	s0 =	simm.s32 @p3 $0x1;
	p3 =	seq.s32 s2, $0x1  }
0xc6: {  	p6 =	por @!p2 p3, p0  }
0xc7: {  	p6 =	por @!p5 p6, p1  }
0xc8: {  	[smem:$0x7F9] =	sst s0;
	p6 =	por p6, p5  }
0xc9: {  	s0 =	simm.s32 @!p6 $0x80;
	s2 =	simm.s32 @!p6 $0xB80;
	s8 =	simm.s32 @!p6 $0x4A00  }
0xca: {  	[tilespmem:s8], [sflag:$0x1] =	stream.indirect.gather @!p6 [hbm4b:s4+s0], $0x10, s2, s0, $0xb8;
	[tilespmem:$0xBF90] =	vst v63  }
0xcb: {  	s8 =	sld [smem:$0x7F8];
	_ =	sdelay $0x2  }
0xcc: {  	p3 =	seq.s32 s8, $0x1  }
0xcd: {  	p0 =	por @!p2 !p3, p0  }
0xce: {  	s0 =	simm.s32 @!p0 $0x0  }
0xcf: {  	s0 =	simm.s32 @p0 $0x1  }
0xd0: {  	[smem:$0x7FA] =	sst s0  }
0xd1: {  	s10 =	sld [smem:$0x7FA]  }
0xd2: {  	s11 =	sld [smem:$0x7FB];
	p0 =	por @!p4 $0x1, $0x1  }
0xd3: {  	s0 =	simm.s32 @!p0 $0x0  }
0xd4: {  	s0 =	simm.s32 @p0 $0x1;
	p0 =	seq.s32 s10, $0x1  }
0xd5: {  	p4 =	por @!p5 !p0, p1;
	p0 =	por @!p6 $0x1, $0x1;
	p6 =	seq.s32 s11, $0x1  }
0xd6: {  	p6 =	por @!p5 !p6, p1  }
0xd7: {  	[smem:$0x7FC] =	sst s0;
	s0 =	simm.s32 @!p6 $0x0  }
0xd8: {  	s12 =	sld [smem:$0x7FC];
	s0 =	simm.s32 @p6 $0x1  }
0xd9: {  	[smem:$0x7FD] =	sst s0  }
0xda: {  	s31 =	sld [smem:$0x7FD]  }
0xdb: {  	s9 =	sld [smem:$0x7F9]  }
0xdc: {  	p4 =	por !p4, p5;
	p6 =	seq.s32 s12, $0x1  }
0xdd: {  	p0 =	por @!p4 p6, p6;
	p4 =	seq.s32 s31, $0x1  }
0xde: {  	p3 =	seq.s32 s9, $0x1;
	p6 =	por @!p2 $0x1, $0x1;
	p2 =	por !p4, p5  }
0xdf: {  	p6 =	por @!p2 p0, p0;
	p2 =	por !p1, p5;
	p0 =	por @!p5 $0x1, $0x1  }
0xe0: {  	p1 =	por @!p5 $0x0, $0x0;
	p4 =	por p6, p6;
	p6 =	por @!p2 p0, p0  }
0xe1: {  	p0 =	por $0x1, $0x1;
	p4 =	por @!p2 p1, p1;
	p1 =	por $0x0, $0x0  }
0xe2: {  	p2 =	por $0x0, $0x0;
	p1 =	por @!p5 p4, p4;
	p4 =	por $0x1, $0x1  }
0xe3: {  	p0 =	por @!p5 p6, p6;
	p2 =	por @!p5 p6, p6;
	p4 =	por @!p5 p6, p6  }
.LBB2_10:
0xe4: {  	s10 =	simm.s32 $0x0;
	s31 =	simm.s32 $0x5200;
	s0 =	simm.s32 $0x8  }
0xe5: {  	s2 =	simm.s32 $0xC00;
	s8 =	simm.s32 $0xD00;
	s9 =	simm.s32 $0x1200  }
.LBB2_11:
0xe6: {  	s11 =	smulhi.u32 $0x38E38E39, s10;
	_ =	sdelay $0x1  }
0xe7: {  	s11 =	sshrl.u32 s11, $0x1  }
0xe8: {  	s11 =	smul.u32 $0xFFFEE000, s11  }
0xe9: {  	_ =	swait.ge [sflag:s20], $0x800;
	s12 =	smulhi.u32 $0x38E38E39, s0  }
0xea: {  	p5 =	slt.u32 s10, $0x6;
	[sflag:s20] =	ssyncset.done $0x0;
	s11 =	sshra.s32 s11, $0x2  }
0xeb: {  	[sflag:s20] =	ssyncadd.s32 $0xFFFFF800;
	s12 =	sshrl.u32 s12, $0x1;
	s11 =	sadd.s32 s11, s9  }
0xec: {  	[spmem:s1] =	stream.indirect.scatter.add.f32 [tilespmem:s11], [sflag:$0x2], $0x10, s8, s21, $0xb8;
	[tilespmem:$0xBF90] =	vst v63  }
0xed: {  	s11 =	smul.u32 $0xFFFEE000, s12;
	s12 =	simm.s32 @!p5 $0x2  }
0xee: {  	s10 =	sadd.s32 $0x8, s10;
	_ =	swait.ge @!p5 [sflag:s12], $0x800  }
0xef: {  	p6 =	sge.s32 s10, s30;
	s10 =	sadd.s32 $0xFFFFFFF9, s10;
	[sflag:s12] =	ssyncset.done @!p5 $0x0  }
0xf0: {  	[sflag:s12] =	ssyncadd.s32 @!p5 $0xFFFFF800;
	p5 =	sne.s32 s10, s30  }
.Ltmp9:
0xf1: {  	_ = 	snop;
	(pc) =	sbr.rel @p5 .LBB2_11-.Ltmp9, $4  }
0xf2: {  	s0 =	sadd.s32 $0x1, s0;
	s11 =	sshra.s32 s11, $0x2  }
0xf3: {  	s9 =	sadd.s32 $0x800, s9;
	s11 =	sadd.s32 s11, s31;
	s12 =	simm.s32 @!p6 $0x80  }
0xf4: {  	[tilespmem:s11], [sflag:$0x1] =	stream.indirect.gather @!p6 [hbm4b:s4+s12], $0x10, s2, s12, $0xb8;
	[tilespmem:$0xBF90] =	vst v63  }
0xf5: {  	s8 =	sadd.s32 $0x80, s8;
	s31 =	sadd.s32 $0x800, s31;
	s2 =	sadd.s32 $0x80, s2  }
.Ltmp10:
0xf6: {  	(pc) =	sbr.rel @!p3 .LBB2_13-.Ltmp10, $4  }
0xf7: {  	_ = 	snop  }
0xf8: {  	_ =	swait.ge [sflag:s23], $0x800  }
0xf9: {  	[sflag:s23] =	ssyncset.done $0x0  }
0xfa: {  	[sflag:s23] =	ssyncadd.s32 $0xFFFFF800  }
.Ltmp11:
0xfb: {  	(pc) =	sbr.rel @p4 .LBB2_18-.Ltmp11, $1  }
0xfc: {  	_ =	sdelay $0x3  }
.LBB2_14:
.Ltmp12:
0xfd: {  	(pc) =	sbr.rel @!p0 .LBB2_15-.Ltmp12, $1  }
0xfe: {  	_ =	sdelay $0x3  }
.LBB2_19:
.Ltmp13:
0xff: {  	(pc) =	sbr.rel @p2 .LBB2_20-.Ltmp13, $4  }
0x100: {  	_ = 	snop  }
0x101: {  	_ =	swait.ge [sflag:s23], $0x800  }
0x102: {  	[sflag:s23] =	ssyncset.done $0x0  }
0x103: {  	[sflag:s23] =	ssyncadd.s32 $0xFFFFF800  }
.LBB2_16:
.Ltmp14:
0x104: {  	(pc) =	sbr.rel @!p1 .LBB2_22-.Ltmp14, $1  }
0x105: {  	_ =	sdelay $0x3  }
.LBB2_21:
0x106: {  	_ =	swait.ge [sflag:s23], $0x800  }
0x107: {  	[sflag:s23] =	ssyncset.done $0x0  }
0x108: {  	[sflag:s23] =	ssyncadd.s32 $0xFFFFF800  }
.LBB2_22:
0x109: {  	s30 =	sshll.u32 s30, $0x7  }
0x10a: {  	v4 =	vld [tilespmem:s30+$0x800]  }
0x10b: {  	v5 =	vld [tilespmem:s30+$0x810]  }
0x10c: {  	v6 =	vld [tilespmem:s30+$0x820];
	_ =	sdelay $0x1  }
0x10d: {  	v7 =	vld [tilespmem:s30+$0x830]  }
0x10e: {  	[tilespmem:$0x800] =	vst v4;
	v4 =	vld [tilespmem:s30+$0x840]  }
0x10f: {  	[tilespmem:$0x810] =	vst v5;
	v5 =	vld [tilespmem:s30+$0x850]  }
0x110: {  	[tilespmem:$0x820] =	vst v6;
	v62 =	vld [tilespmem:s30+$0x860]  }
0x111: {  	v8 =	vld [tilespmem:s30+$0x870]  }
0x112: {  	[tilespmem:$0x830] =	vst v7  }
0x113: {  	[tilespmem:$0x840] =	vst v4  }
0x114: {  	[tilespmem:$0x850] =	vst v5  }
0x115: {  	[tilespmem:$0x860] =	vst v62  }
0x116: {  	[tilespmem:$0x870] =	vst v8  }
0x117: {  	v4 =	vld [tilespmem:s30+$0xD00]  }
0x118: {  	v5 =	vld [tilespmem:s30+$0xD10]  }
0x119: {  	v6 =	vld [tilespmem:s30+$0xD20];
	_ =	sdelay $0x1  }
0x11a: {  	v7 =	vld [tilespmem:s30+$0xD30]  }
0x11b: {  	[tilespmem:$0xD00] =	vst v4;
	v4 =	vld [tilespmem:s30+$0xD40]  }
0x11c: {  	[tilespmem:$0xD10] =	vst v5;
	v5 =	vld [tilespmem:s30+$0xD50]  }
0x11d: {  	[tilespmem:$0xD20] =	vst v6;
	v63 =	vld [tilespmem:s30+$0xD60]  }
0x11e: {  	v8 =	vld [tilespmem:s30+$0xD70]  }
.Ltmp15:
0x11f: {  	[tilespmem:$0xD30] =	vst v7;
	(pc) =	sbr.rel .LBB2_23-.Ltmp15, $4  }
0x120: {  	[tilespmem:$0xD40] =	vst v4  }
0x121: {  	[tilespmem:$0xD50] =	vst v5  }
0x122: {  	[tilespmem:$0xD60] =	vst v63  }
0x123: {  	[tilespmem:$0xD70] =	vst v8  }
.LBB2_13:
.Ltmp16:
0x124: {  	(pc) =	sbr.rel @!p4 .LBB2_14-.Ltmp16, $4  }
0x125: {  	_ = 	snop  }
0x126: {  	_ =	swait.ge [sflag:s23], $0x800  }
0x127: {  	[sflag:s23] =	ssyncset.done $0x0  }
0x128: {  	[sflag:s23] =	ssyncadd.s32 $0xFFFFF800  }
.LBB2_18:
.Ltmp17:
0x129: {  	(pc) =	sbr.rel @p0 .LBB2_19-.Ltmp17, $4  }
0x12a: {  	_ = 	snop  }
0x12b: {  	_ =	swait.ge [sflag:s23], $0x800  }
0x12c: {  	[sflag:s23] =	ssyncset.done $0x0  }
0x12d: {  	[sflag:s23] =	ssyncadd.s32 $0xFFFFF800  }
.LBB2_15:
.Ltmp18:
0x12e: {  	(pc) =	sbr.rel @!p2 .LBB2_16-.Ltmp18, $1  }
0x12f: {  	_ =	sdelay $0x3  }
.LBB2_20:
.Ltmp19:
0x130: {  	(pc) =	sbr.rel @!p1 .LBB2_22-.Ltmp19, $4  }
.Ltmp20:
0x131: {  	(pc) =	sbr.rel @p1 .LBB2_21-.Ltmp20, $4  }
0x132: {  	_ =	swait.ge [sflag:s23], $0x800  }
0x133: {  	[sflag:s23] =	ssyncset.done $0x0  }
0x134: {  	[sflag:s23] =	ssyncadd.s32 $0xFFFFF800  }
0x135: {  	_ = 	snop  }
.LBB2_25:
0x136: {  	_ =	sfence.sel $0x180000  }
0x137: {  	[bflag:$0x0] =	sbarrier.arrive $0xFFFF  }
0x138: {  	_ =	strace $0x9000004A  }
0x139: {  	s0 =	stileid.u32;
	[bflag:$0x2] =	sbarrier.arrive $0xFFFF  }
0x13a: {  	p0 =	sne.s32 s0, $0x0;
	s0 =	rddreg [dreg:$0x3]  }
0x13b: {  	s0 =	sadd.s32 @!p0 $0x100000, s0  }
0x13c: {  	[sflag:s0] =	ssyncadd.tile.s32 @!p0 $0x1;
	_ =	shalt  }
.Lfunc_end2:
_tile_overlayer_lowered:
.L_overlay_start_2:
0x13d: {  	(tag) =	ssettag $0x2  }
0x13e: {  	s0 =	rddreg [dreg:$0x0];
	s2 =	stileid.u32  }
0x13f: {  	s1 =	rddreg [dreg:$0x1];
	p0 =	sne.s32 s2, $0x0  }
0x140: {  	s3 =	rddreg [dreg:$0x2];
	[bflag:$0x3] =	sbarrier.arrive $0xFFFF;
	s2 =	simm.s32 @!p0 $0x1C03  }
0x141: {  	[timem:s3], [sflag:s2] =	dma.local @!p0 [hbm:s0], s1  }
0x142: {  	s0 =	simm.s32 @!p0 $0x3  }
0x143: {  	_ =	swait.ge @!p0 [sflag:s0], s1  }
0x144: {  	s1 =	ssub.s32 @!p0 $0x0, s1;
	[sflag:s0] =	ssyncset.done @!p0 $0x0  }
0x145: {  	[sflag:s0] =	ssyncadd.s32 @!p0 s1  }
0x146: {  	[bflag:$0x3] =	sbarrier.arrive $0xFFFF  }
0x147: {  	_ =	shalt  }

// kernel: kernel.16.cloned.1.call-start
scs
__scs_entry_jumppad:
0x0: {  	(pc) =	sbr.rel $0x88, $3  }
0x1: {  	(tag) =	ssettag $0x0;
	lr =	simm.s32 $0x1  }
0x2: {  	[smem:$0x3F99] =	sst lr;
	_ =	strace $0xD0000000  }
0x3: {  	_ = 	snop  }
0x4: {  	_ = 	snop  }
0x5: {  	_ = 	snop  }
0x6: {  	_ = 	snop  }
0x7: {  	_ = 	snop  }
__scs_overlays_trampoline_lowered:
0x8: {  	[smem:$0x3FA8] =	sst s0  }
0x9: {  	[smem:$0x3FA9] =	sst s1  }
0xa: {  	[smem:$0x3FAA] =	sst s2  }
0xb: {  	[smem:$0x3FAB] =	sst s3  }
0xc: {  	[smem:$0x3FAC] =	sst s4  }
0xd: {  	[smem:$0x3FAD] =	sst s5  }
0xe: {  	[smem:$0x3FAE] =	sst s6  }
0xf: {  	[smem:$0x3FAF] =	sst s7  }
0x10: {  	[smem:$0x3FB0] =	sst s8  }
0x11: {  	[smem:$0x3FB1] =	sst s9;
	s0 =	simm.s32 @!p0 $0x0  }
0x12: {  	s1 =	sld [smem:$0x3F97];
	s0 =	simm.s32 @p0 $0x1  }
0x13: {  	[smem:$0x3FB2] =	sst s0;
	s0 =	simm.s32 @!p1 $0x0  }
0x14: {  	s2 =	sld [smem:$0x3F96];
	s0 =	simm.s32 @p1 $0x1  }
0x15: {  	[smem:$0x3FB3] =	sst s0;
	s0 =	simm.s32 @!p2 $0x0  }
0x16: {  	s3 =	sld [smem:$0x3FDB];
	s0 =	simm.s32 @p2 $0x1  }
0x17: {  	s4 =	simm.s32 $0x1BF5;
	[smem:$0x3FB5] =	sst s0  }
0x18: {  	s0 =	sld [smem:$0x3F98];
	_ =	swait.ge [sflag:s4], $0x0  }
0x19: {  	s7 =	sld [smem:$0x3F99]  }
0x1a: {  	s8 =	sadd.s32 $0xFFFFE003, lr  }
0x1b: {  	s9 =	sadd.s32 $0xFFFFFEF7, lr;
	s5 =	simm.s32 $0xFFFFFFFF;
	p2 =	slt.u32 s8, $0xFFFFF086  }
0x1c: {  	p1 =	slt.u32 s9, $0xF7A;
	s5 =	simm.s32 @!p2 $0x0  }
0x1d: {  	s5 =	simm.s32 @p1 $0x1;
	p0 =	seq.s32 s7, s2  }
0x1e: {  	s7 =	smul.u32 @!p0 $0xF7A, s2;
	p2 =	seq.s32 @!p0 s5, $0x0  }
0x1f: {  	s9 =	smul.u32 $0xF7A, s1;
	s8 =	simm.s32 @!p0 $0x1BF5;
	p2 =	por !p2, p0  }
0x20: {  	[sflag:s8] =	ssyncset.s32 @!p0 $0xFFFFF086;
	s6 =	sadd.s32 @!p0 s3, s7;
	s7 =	simm.s32 @!p0 $0x108  }
0x21: {  	s3 =	sadd.s32 s3, s9;
	s6 =	sadd.s32 @!p0 $0x88, s6;
	s7 =	simm.s32 @p2 $0x1082  }
0x22: {  	[simem:s7], [sflag:s8] =	dma.local @!p0 [hbm:s6], $0xF7A  }
0x23: {  	s9 =	sor.u32 $0xD0000000, s2;
	s6 =	simm.s32 $0x108;
	_ =	swait.ge @!p0 [sflag:s8], $0x0  }
0x24: {  	s3 =	sadd.s32 $0x88, s3;
	s6 =	simm.s32 @!p1 $0x1082;
	[sflag:s4] =	ssyncset.s32 $0xFFFFF086  }
0x25: {  	[simem:s6], [sflag:s4] =	dma.local [hbm:s3], $0xF7A  }
0x26: {  	[smem:$0x3F99] =	sst s1;
	(tag) =	ssettag s2;
	_ =	strace s9  }
0x27: {  	s1 =	sld [smem:$0x3FA9]  }
0x28: {  	s2 =	sld [smem:$0x3FAA]  }
0x29: {  	s4 =	sld [smem:$0x3FAC]  }
0x2a: {  	p0 =	seq.s32 s5, $0x0;
	s5 =	sld [smem:$0x3FAD]  }
0x2b: {  	s6 =	sld [smem:$0x3FAE]  }
0x2c: {  	s7 =	sld [smem:$0x3FAF]  }
0x2d: {  	s3 =	simm.s32 $0x108;
	s8 =	sld [smem:$0x3FB0]  }
0x2e: {  	s3 =	simm.s32 @!p0 $0x1082;
	s9 =	sld [smem:$0x3FB1]  }
0x2f: {  	lr =	sadd.s32 s0, s3;
	s0 =	sld [smem:$0x3FA8]  }
0x30: {  	s3 =	sld [smem:$0x3FAB]  }
0x31: {  	[smem:$0x3FB4] =	sst s10  }
0x32: {  	s10 =	sld [smem:$0x3FB2];
	_ =	sdelay $0x3  }
0x33: {  	p0 =	seq.s32 s10, $0x1;
	s10 =	sld [smem:$0x3FB4];
	_ =	sdelay $0x3  }
0x34: {  	[smem:$0x3FB4] =	sst s10  }
0x35: {  	s10 =	sld [smem:$0x3FB3];
	_ =	sdelay $0x3  }
0x36: {  	p1 =	seq.s32 s10, $0x1;
	s10 =	sld [smem:$0x3FB4];
	_ =	sdelay $0x3  }
0x37: {  	[smem:$0x3FB4] =	sst s10  }
0x38: {  	s10 =	sld [smem:$0x3FB5]  }
0x39: {  	_ = 	snop;
	(pc) =	sbr.ind lr, $3  }
0x3a: {  	_ = 	snop  }
0x3b: {  	_ = 	snop  }
0x3c: {  	p2 =	seq.s32 s10, $0x1;
	s10 =	sld [smem:$0x3FB4]  }
0x3d: {  	_ =	shalt  }
0x3e: {  	_ =	shalt  }
0x3f: {  	_ =	shalt  }
0x40: {  	_ =	shalt  }
0x41: {  	_ =	shalt  }
0x42: {  	_ =	shalt  }
0x43: {  	_ =	shalt  }
0x44: {  	_ =	shalt  }
0x45: {  	_ =	shalt  }
0x46: {  	_ =	shalt  }
0x47: {  	_ =	shalt  }
0x48: {  	_ =	shalt  }
0x49: {  	_ =	shalt  }
0x4a: {  	_ =	shalt  }
0x4b: {  	_ =	shalt  }
0x4c: {  	_ =	shalt  }
0x4d: {  	_ =	shalt  }
0x4e: {  	_ =	shalt  }
0x4f: {  	_ =	shalt  }
0x50: {  	_ =	shalt  }
0x51: {  	_ =	shalt  }
0x52: {  	_ =	shalt  }
0x53: {  	_ =	shalt  }
0x54: {  	_ =	shalt  }
0x55: {  	_ =	shalt  }
0x56: {  	_ =	shalt  }
0x57: {  	_ =	shalt  }
0x58: {  	_ =	shalt  }
0x59: {  	_ =	shalt  }
0x5a: {  	_ =	shalt  }
0x5b: {  	_ =	shalt  }
0x5c: {  	_ =	shalt  }
0x5d: {  	_ =	shalt  }
0x5e: {  	_ =	shalt  }
0x5f: {  	_ =	shalt  }
0x60: {  	_ =	shalt  }
0x61: {  	_ =	shalt  }
0x62: {  	_ =	shalt  }
0x63: {  	_ =	shalt  }
0x64: {  	_ =	shalt  }
0x65: {  	_ =	shalt  }
0x66: {  	_ =	shalt  }
0x67: {  	_ =	shalt  }
0x68: {  	_ =	shalt  }
0x69: {  	_ =	shalt  }
0x6a: {  	_ =	shalt  }
0x6b: {  	_ =	shalt  }
0x6c: {  	_ =	shalt  }
0x6d: {  	_ =	shalt  }
0x6e: {  	_ =	shalt  }
0x6f: {  	_ =	shalt  }
0x70: {  	_ =	shalt  }
0x71: {  	_ =	shalt  }
0x72: {  	_ =	shalt  }
0x73: {  	_ =	shalt  }
0x74: {  	_ =	shalt  }
0x75: {  	_ =	shalt  }
0x76: {  	_ =	shalt  }
0x77: {  	_ =	shalt  }
0x78: {  	_ =	shalt  }
0x79: {  	_ =	shalt  }
0x7a: {  	_ =	shalt  }
0x7b: {  	_ =	shalt  }
0x7c: {  	_ =	shalt  }
0x7d: {  	_ =	shalt  }
0x7e: {  	_ =	shalt  }
0x7f: {  	_ =	shalt  }
0x80: {  	_ =	shalt  }
0x81: {  	_ =	shalt  }
0x82: {  	_ =	shalt  }
0x83: {  	_ =	shalt  }
0x84: {  	_ =	shalt  }
0x85: {  	_ =	shalt  }
0x86: {  	_ =	shalt  }
0x87: {  	_ =	shalt  }
.Lfunc_end0:
.L_simem_size_0:
called_computation.2_lowered:
.L_overlay_start_0:
0x88: {  	s2 =	sld [smem:$0x3FD9]  }
0x89: {  	s3 =	sld [smem:$0x3FFE];
	_ =	sdelay $0x1  }
0x8a: {  	s1 =	srdreg.scid  }
0x8b: {  	s0 =	sand.u32 $0x1, s1  }
0x8c: {  	s17 =	sshll.u32 s0, $0xA;
	s2 =	sadd.s32 s3, s2  }
0x8d: {  	s2 =	sadd.s32 s2, s17  }
0x8e: {  	[smem:$0x3FC0] =	sst s2  }
0x8f: {  	_ = 	snop  }
0x90: {  	s2 =	sld [smem:$0x3FD0];
	(tm) =	ssettm $0x1  }
0x91: {  	s18 =	sld [smem:$0x3FFB];
	_ =	sdelay $0x3  }
0x92: {  	_ =	strace s18  }
0x93: {  	s3 =	sld [smem:$0x3FFC];
	_ =	sdelay $0x3  }
0x94: {  	_ =	strace s3  }
0x95: {  	s3 =	sld [smem:$0x3FFD];
	_ =	sdelay $0x3  }
0x96: {  	_ =	strace s3  }
0x97: {  	_ =	strace $0x8FFFFFFF  }
0x98: {  	s19 =	sld [smem:$0x3FDB];
	_ =	sdelay $0x1  }
0x99: {  	s4 =	simm.s32 $_scs_section_size  }
0x9a: {  	s5 =	simm.s32 $_size__tile_overlayer_lowered;
	s6 =	simm.s32 $_tile_overlayer_lowered  }
0x9b: {  	s22 =	simm.s32 $0x1BFF;
	s21 =	sshll.u32 s6, $0x1;
	s3 =	sadd.s32 s4, s19  }
0x9c: {  	s7 =	simm.s32 $0x0;
	s20 =	sshll.u32 s5, $0x1;
	s5 =	sadd.s32 s21, s3  }
0x9d: {  	[timem:s7], [sflag:s22] =	dma.local [hbm:s5], s20  }
0x9e: {  	_ =	swait.ge [sflag:s22], s20  }
0x9f: {  	s4 =	ssub.s32 $0x0, s20;
	[sflag:s22] =	ssyncset.done $0x0  }
0xa0: {  	[sflag:s22] =	ssyncadd.s32 s4;
	_ =	sdelay $0x1  }
0xa1: {  	s23 =	simm.s32 $0x1B8B  }
0xa2: {  	_ =	swait.ge [sflag:s23], $0x1  }
0xa3: {  	[sflag:s23] =	ssyncset.done $0x0  }
0xa4: {  	s25 =	simm.s32 $0x1B8E;
	s24 =	sld [smem:$0x3FFE];
	[sflag:s23] =	ssyncadd.s32 $0xFFFFFFFF  }
0xa5: {  	s26 =	simm.s32 $execute0_lowered;
	[smem:$0x3FD2] =	sst s25  }
0xa6: {  	s5 =	sshll.u32 s26, $0x1;
	_ =	strace $0x8000004C;
	[dreg:$0x1] =	wrdreg $0xFFFFFFFF  }
0xa7: {  	s28 =	simm.s32 $_size_execute0_lowered;
	s3 =	sadd.s32 s3, s5;
	[dreg:$0x0] =	wrdreg $0x0  }
0xa8: {  	s5 =	sshll.u32 s28, $0x1;
	[dreg:$0x2] =	wrdreg s3  }
0xa9: {  	[dreg:$0x3] =	wrdreg s5  }
0xaa: {  	[dreg:$0x4] =	wrdreg $0xC0  }
0xab: {  	_ =	task [dreg:s7], $0x5FFFF  }
0xac: {  	[dreg:$0x1] =	wrdreg $0xFFFFFFFF  }
0xad: {  	[dreg:$0x0] =	wrdreg $0x60  }
0xae: {  	[dreg:$0x2] =	wrdreg s2  }
0xaf: {  	[dreg:$0x3] =	wrdreg s24  }
0xb0: {  	[dreg:$0x4] =	wrdreg $0x52000  }
0xb1: {  	[dreg:$0x5] =	wrdreg $0x9  }
0xb2: {  	_ =	task.clear_ibuf [dreg:s7], $0x6FFFF;
	_ =	strace $0x9000004C  }
0xb3: {  	s29 =	simm.s32 $0x9;
	_ =	strace $0x8000004E  }
0xb4: {  	_ =	swait.ge [sflag:s29], $0x1  }
0xb5: {  	[sflag:s29] =	ssyncadd.s32 $0xFFFFFFFF  }
0xb6: {  	_ =	strace $0x9000004E  }
0xb7: {  	_ =	sfence  }
0xb8: {  	s30 =	sld [smem:$0x0];
	_ =	sdelay $0x2  }
0xb9: {  	s31 =	sshll.u32 s1, $0xD;
	s1 =	sshrl.u32 s1, $0x2  }
0xba: {  	s3 =	sand.u32 $0x4000, s31;
	s1 =	sadd.s32 s1, s30  }
0xbb: {  	s0 =	sor.u32 s3, s0;
	s1 =	sshll.u32 s1, $0x11  }
0xbc: {  	s0 =	sor.u32 s1, s0  }
0xbd: {  	s0 =	sadd.s32 $0x8F2B, s0  }
0xbe: {  	[sflag:s0] =	ssyncadd.remote.s32 $0x1  }
0xbf: {  	_ =	sfence.sel $0xFFFF  }
0xc0: {  	[dreg:$0x0] =	wrdreg $0xFFFFFFFF;
	(pc) =	sbr.abs _section_cstart, $3  }
0xc1: {  	[dreg:$0x1] =	wrdreg $0xFFFFFFFF  }
0xc2: {  	_ =	task.clear_ibuf [dreg:s7], $0x2FFFF;
	_ =	strace $0x9FFFFFFF  }
0xc3: {  	(tm) =	ssettm $0x7FFFFFFF  }
tec
execute0_lowered:
.L_overlay_start_1:
0x0: {  	(tag) =	ssettag $0x1  }
0x1: {  	s1 =	rddreg [dreg:$0x0]  }
0x2: {  	s0 =	rddreg [dreg:$0x1]  }
0x3: {  	s3 =	rddreg [dreg:$0x2];
	s4 =	simm.s32 $0x0;
	s2 =	srdreg.scid  }
0x4: {  	s10 =	stileid.u32;
	s17 =	simm.s32 $0x1200;
	s28 =	simm.s32 $0x0  }
0x5: {  	s29 =	simm.s32 $0x0;
	[smem:$0x7FF] =	sst s4;
	s18 =	smul.u32 $0x32C0, s10  }
0x6: {  	s2 =	sand.u32 $0x1, s2;
	s5 =	sadd.s32 $0xDD400, s0;
	s9 =	smul.u32 $0x65800, s10  }
0x7: {  	s6 =	sadd.s32 $0x1600, s0;
	s22 =	sshll.u32 s10, $0x4;
	s14 =	smul.u32 $0xC400, s10  }
0x8: {  	_ =	strace $0x8000004D;
	s7 =	smul.u32 $0x32C80, s2;
	s8 =	ssub.s32 $0x2, s2  }
0x9: {  	s2 =	smul.u32 $0xFFFF9E58, s2;
	s19 =	sshrl.u32 s8, $0x1;
	s21 =	sshrl.u32 s9, $0x2  }
0xa: {  	s4 =	sadd.s32 s18, s7;
	s20 =	ssub.s32 s8, s19;
	s7 =	sadd.s32 s21, s3  }
0xb: {  	s8 =	sadd.s32 $0x61A8, s22;
	s18 =	simm.s32 $0x3;
	s23 =	sadd.s32 $0x3A00, s7  }
0xc: {  	s19 =	simm.s32 $0x400;
	s24 =	sadd.s32 $0x7400, s7;
	[dreg:$0x4] =	wrdreg s23  }
0xd: {  	s21 =	simm.s32 $0x80;
	s25 =	sadd.s32 $0xAE00, s7;
	[dreg:$0x5] =	wrdreg s24  }
0xe: {  	s22 =	simm.s32 $0x800;
	s26 =	sadd.s32 $0xE800, s7;
	[dreg:$0x6] =	wrdreg s25  }
.Ltmp0:
0xf: {  	s30 =	sadd.s32 $0x12200, s7;
	[dreg:$0x7] =	wrdreg s26;
	(pc) =	sbr.rel .LBB2_1-.Ltmp0, $4  }
0x10: {  	s0 =	sadd.s32 s4, s0;
	s31 =	sadd.s32 $0x15C00, s7;
	[dreg:$0x8] =	wrdreg s30  }
0x11: {  	s16 =	smax.u32 s20, $0x1;
	s20 =	simm.s32 $0x1;
	[dreg:$0x9] =	wrdreg s31  }
0x12: {  	v0 =	vlaneseq.u32;
	v2 =	vimm.f32 $0.0e+00;
	s0 =	sadd.s32 $0x1C0E00, s0;
	s23 =	simm.s32 $0xD00;
	s24 =	simm.s32 $0x2  }
0x13: {  	v3 =	vimm.s32 $0x0;
	v1 =	vmov s2;
	v0 =	vadd.s32 s8, v0;
	s25 =	simm.s32 $0x880;
	s26 =	simm.s32 $0x3200;
	[dreg:$0xa] =	wrdreg s0  }
.LBB2_13:
0x14: {  	[tilespmem:s0+$0xD00] =	vst v0;
	s2 =	sand.u32 $0xFFFFFFF8, s0;
	s4 =	sand.u32 $0x7, s31  }
0x15: {  	[tilespmem:s0+$0x800] =	vst v3;
	s2 =	sor.u32 s4, s2  }
0x16: {  	[tilespmem:s2+$0xD10] =	vst v0  }
0x17: {  	[tilespmem:s2+$0x810] =	vst v3  }
0x18: {  	[tilespmem:s2+$0xD20] =	vst v0  }
0x19: {  	[tilespmem:s2+$0x820] =	vst v3  }
0x1a: {  	[tilespmem:s2+$0xD30] =	vst v0  }
0x1b: {  	[tilespmem:s2+$0x830] =	vst v3  }
0x1c: {  	[tilespmem:s2+$0xD40] =	vst v0  }
0x1d: {  	[tilespmem:s2+$0x840] =	vst v3  }
0x1e: {  	[tilespmem:s2+$0xD50] =	vst v0  }
0x1f: {  	[tilespmem:s2+$0x850] =	vst v3  }
0x20: {  	[tilespmem:s2+$0xD60] =	vst v0  }
0x21: {  	[tilespmem:s2+$0x860] =	vst v3  }
0x22: {  	p0 =	slt.s32 s0, $0x1;
	[tilespmem:s2+$0xD70] =	vst v0  }
0x23: {  	s0 =	simm.s32 @!p0 $0x80;
	s4 =	simm.s32 @!p0 $0x1200;
	[tilespmem:s2+$0x870] =	vst v3;
	s2 =	simm.s32 @!p0 $0x800  }
0x24: {  	[tilespmem:s4], [sflag:$0x1] =	stream.indirect.gather @!p0 [hbm4b:s1+s0], $0x40, s2, s0, $0xb8;
	[tilespmem:$0x1E840] =	vst v63  }
0x25: {  	s2 =	simm.s32 @!p0 $0x1  }
0x26: {  	_ =	swait.ge @!p0 [sflag:s2], $0x2000  }
0x27: {  	[sflag:s2] =	ssyncset.done @!p0 $0x0  }
0x28: {  	[sflag:s2] =	ssyncadd.s32 @!p0 $0xFFFFE000;
	s2 =	simm.s32 @!p0 $0xD00  }
0x29: {  	[spmem:s3] =	stream.indirect.scatter.add.f32 @!p0 [tilespmem:s4], [sflag:$0x2], $0x40, s2, s0, $0xb8;
	[tilespmem:$0x1E840] =	vst v63  }
0x2a: {  	s0 =	simm.s32 @!p0 $0x2  }
0x2b: {  	_ =	swait.ge @!p0 [sflag:s0], $0x2000  }
0x2c: {  	s15 =	stileid.u32;
	[sflag:s0] =	ssyncset.done @!p0 $0x0  }
0x2d: {  	s30 =	sshrl.u32 s7, $0x3;
	s28 =	sadd.s32 $0x1, s28;
	[sflag:s0] =	ssyncadd.s32 @!p0 $0xFFFFE000  }
0x2e: {  	s0 =	sshll.u32 s15, $0x6;
	p0 =	sne.s32 s28, s16;
	[bflag:$0x0] =	sbarrier.arrive $0xFFFF  }
.Ltmp1:
0x2f: {  	s0 =	sor.u32 $0x1C03, s0;
	s31 =	rddreg [dreg:$0xa];
	(pc) =	sbr.rel @!p0 .LBB2_14-.Ltmp1, $4  }
0x30: {  	[hbm:s31], [sflag:s0] =	dma.local [spmem:s30], $0x32C0  }
0x31: {  	_ =	swait.ge [sflag:s18], $0x32C0  }
0x32: {  	[sflag:s18] =	ssyncset.done $0x0  }
0x33: {  	[sflag:s18] =	ssyncadd.s32 $0xFFFFCD40  }
.LBB2_1:
0x34: {  	s2 =	simm.s32 $0x0  }
0x35: {  	s0 =	sand.u32 $0xFF00, s2  }
0x36: {  	s2 =	sand.u32 $0x30, s2;
	s4 =	sshrl.u32 s0, $0x2  }
0x37: {  	s0 =	simm.s32 $0x40;
	s4 =	sor.u32 s2, s4;
	s2 =	simm.s32 $0x0  }
.LBB2_2:
0x38: {  	p0 =	sne.s32 s0, $0xE7C0  }
0x39: {  	[tilespmem:s4+$0x1200] =	vst v2;
	s2 =	sadd.s32 $0x10, s2;
	s4 =	smov.u32 s0;
	s0 =	sadd.s32 $0x40, s0  }
.Ltmp2:
0x3a: {  	(pc) =	sbr.rel @p0 .LBB2_2-.Ltmp2, $4  }
0x3b: {  	_ = 	snop  }
0x3c: {  	s4 =	sand.u32 $0xFF00, s4  }
0x3d: {  	s8 =	sand.u32 $0x30, s2;
	s4 =	sshrl.u32 s4, $0x2  }
0x3e: {  	s4 =	sor.u32 s8, s4  }
0x3f: {  	[tilespmem:s4+$0x1200] =	vst v2  }
0x40: {  	[spmem:s7] =	stream.linear.scatter [tilespmem:s17], [sflag:$0x3], $0x3A00, $0x38;
	[tilespmem:$0x1E840] =	vst v63  }
0x41: {  	_ =	swait.ge [sflag:s18], $0x3A00  }
0x42: {  	[sflag:s18] =	ssyncset.done $0x0  }
0x43: {  	s0 =	rddreg [dreg:$0x4];
	[sflag:s18] =	ssyncadd.s32 $0xFFFFC600  }
0x44: {  	[spmem:s0] =	stream.linear.scatter [tilespmem:s17], [sflag:$0x3], $0x3A00, $0x38;
	[tilespmem:$0x1E840] =	vst v63  }
0x45: {  	_ =	swait.ge [sflag:s18], $0x3A00  }
0x46: {  	[sflag:s18] =	ssyncset.done $0x0  }
0x47: {  	s11 =	rddreg [dreg:$0x5];
	[sflag:s18] =	ssyncadd.s32 $0xFFFFC600  }
0x48: {  	[spmem:s11] =	stream.linear.scatter [tilespmem:s17], [sflag:$0x3], $0x3A00, $0x38;
	[tilespmem:$0x1E840] =	vst v63  }
0x49: {  	_ =	swait.ge [sflag:s18], $0x3A00  }
0x4a: {  	[sflag:s18] =	ssyncset.done $0x0  }
0x4b: {  	s12 =	rddreg [dreg:$0x6];
	[sflag:s18] =	ssyncadd.s32 $0xFFFFC600  }
0x4c: {  	[spmem:s12] =	stream.linear.scatter [tilespmem:s17], [sflag:$0x3], $0x3A00, $0x38;
	[tilespmem:$0x1E840] =	vst v63  }
0x4d: {  	_ =	swait.ge [sflag:s18], $0x3A00  }
0x4e: {  	[sflag:s18] =	ssyncset.done $0x0  }
0x4f: {  	s13 =	rddreg [dreg:$0x7];
	[sflag:s18] =	ssyncadd.s32 $0xFFFFC600  }
0x50: {  	[spmem:s13] =	stream.linear.scatter [tilespmem:s17], [sflag:$0x3], $0x3A00, $0x38;
	[tilespmem:$0x1E840] =	vst v63  }
0x51: {  	_ =	swait.ge [sflag:s18], $0x3A00  }
0x52: {  	[sflag:s18] =	ssyncset.done $0x0  }
0x53: {  	s15 =	rddreg [dreg:$0x8];
	[sflag:s18] =	ssyncadd.s32 $0xFFFFC600  }
0x54: {  	[spmem:s15] =	stream.linear.scatter [tilespmem:s17], [sflag:$0x3], $0x3A00, $0x38;
	[tilespmem:$0x1E840] =	vst v63  }
0x55: {  	_ =	swait.ge [sflag:s18], $0x3A00  }
0x56: {  	[sflag:s18] =	ssyncset.done $0x0  }
0x57: {  	s31 =	rddreg [dreg:$0x9];
	[sflag:s18] =	ssyncadd.s32 $0xFFFFC600  }
0x58: {  	[spmem:s31] =	stream.linear.scatter [tilespmem:s17], [sflag:$0x3], $0x3A00, $0x38;
	[tilespmem:$0x1E840] =	vst v63  }
.Ltmp3:
0x59: {  	_ =	swait.ge [sflag:s18], $0x3A00;
	(pc) =	sbr.rel .LBB2_4-.Ltmp3, $4  }
0x5a: {  	[sflag:s18] =	ssyncset.done $0x0  }
0x5b: {  	[sflag:s18] =	ssyncadd.s32 $0xFFFFC600  }
0x5c: {  	[bflag:$0x0] =	sbarrier.arrive $0xFFFF  }
0x5d: {  	s30 =	simm.s32 $0x0;
	s0 =	simm.s32 $0x0  }
.LBB2_10:
0x5e: {  	s2 =	sor.u32 @!p0 $0x1200, s13  }
0x5f: {  	[tilespmem:s2], [sflag:$0x1] =	stream.indirect.gather @!p0 [hbm4b:s1+s12], $0x40, s8, s12, $0xb8;
	[tilespmem:$0x1E840] =	vst v63  }
.LBB2_11:
0x60: {  	_ =	swait.ge [sflag:s24], $0x2000  }
0x61: {  	[sflag:s24] =	ssyncset.done $0x0  }
0x62: {  	s0 =	sshll.u32 s0, $0x7;
	[sflag:s24] =	ssyncadd.s32 $0xFFFFE000  }
0x63: {  	v4 =	vld [tilespmem:s0+$0x800]  }
0x64: {  	v5 =	vld [tilespmem:s0+$0x810]  }
0x65: {  	v6 =	vld [tilespmem:s0+$0x820];
	_ =	sdelay $0x1  }
0x66: {  	v7 =	vld [tilespmem:s0+$0x830]  }
0x67: {  	[tilespmem:$0x800] =	vst v4;
	v4 =	vld [tilespmem:s0+$0x840]  }
0x68: {  	[tilespmem:$0x810] =	vst v5;
	v5 =	vld [tilespmem:s0+$0x850]  }
0x69: {  	[tilespmem:$0x820] =	vst v6;
	v62 =	vld [tilespmem:s0+$0x860]  }
0x6a: {  	v8 =	vld [tilespmem:s0+$0x870]  }
0x6b: {  	[tilespmem:$0x830] =	vst v7  }
0x6c: {  	[tilespmem:$0x840] =	vst v4  }
0x6d: {  	[tilespmem:$0x850] =	vst v5  }
0x6e: {  	[tilespmem:$0x860] =	vst v62  }
0x6f: {  	[tilespmem:$0x870] =	vst v8  }
0x70: {  	v4 =	vld [tilespmem:s0+$0xD00]  }
0x71: {  	v5 =	vld [tilespmem:s0+$0xD10]  }
0x72: {  	v6 =	vld [tilespmem:s0+$0xD20];
	_ =	sdelay $0x1  }
0x73: {  	v7 =	vld [tilespmem:s0+$0xD30]  }
0x74: {  	[tilespmem:$0xD00] =	vst v4;
	v4 =	vld [tilespmem:s0+$0xD40]  }
0x75: {  	[tilespmem:$0xD10] =	vst v5;
	v5 =	vld [tilespmem:s0+$0xD50]  }
0x76: {  	[tilespmem:$0xD20] =	vst v6;
	v63 =	vld [tilespmem:s0+$0xD60]  }
0x77: {  	v8 =	vld [tilespmem:s0+$0xD70]  }
0x78: {  	[tilespmem:$0xD30] =	vst v7  }
0x79: {  	[tilespmem:$0xD40] =	vst v4  }
0x7a: {  	[tilespmem:$0xD50] =	vst v5  }
0x7b: {  	[tilespmem:$0xD60] =	vst v63  }
0x7c: {  	[tilespmem:$0xD70] =	vst v8  }
.LBB2_12:
0x7d: {  	s30 =	sadd.s32 $0x1, s30  }
0x7e: {  	p0 =	sne.s32 s30, $0x31  }
.Ltmp4:
0x7f: {  	_ = 	snop;
	(pc) =	sbr.rel @!p0 .LBB2_13-.Ltmp4, $2  }
0x80: {  	_ =	sdelay $0x2  }
0x81: {  	s0 =	ssub.s32 s31, s0  }
.LBB2_4:
0x82: {  	s2 =	sshll.u32 s30, $0xA  }
0x83: {  	s2 =	sadd.s32 s14, s2  }
0x84: {  	s2 =	sshrl.u32 s2, $0x3  }
0x85: {  	s4 =	sadd.s32 s5, s2  }
0x86: {  	[tilespmem:s29], [sflag:$0x3] =	stream.linear.gather [hbm4b:s4+s29], $0x400, $0x38;
	[tilespmem:$0x1E840] =	vst v63  }
0x87: {  	_ =	swait.ge [sflag:s18], $0x400  }
0x88: {  	[sflag:s18] =	ssyncset.done $0x0  }
0x89: {  	s2 =	sadd.s32 s6, s2;
	[sflag:s18] =	ssyncadd.s32 $0xFFFFFC00  }
0x8a: {  	[tilespmem:s19], [sflag:$0x3] =	stream.linear.gather [hbm4b:s2+s29], $0x400, $0x38;
	[tilespmem:$0x1E840] =	vst v63  }
0x8b: {  	_ =	swait.ge [sflag:s18], $0x400  }
0x8c: {  	[sflag:s18] =	ssyncset.done $0x0  }
0x8d: {  	s15 =	simm.s32 $0x0;
	[sflag:s18] =	ssyncadd.s32 $0xFFFFFC00  }
0x8e: {  	v4 =	vld [tilespmem:s15+$0x400];
	_ =	sdelay $0x2  }
0x8f: {  	v5 =	vld [tilespmem:s15+$0x0];
	_ =	sdelay $0x1  }
0x90: {  	v4 =	vadd.s32 v1, v4  }
0x91: {  	vm0 =	vlt.u32 v4, $0x61A8  }
0x92: {  	v4 =	vshll.u32 v4, $0x10;
	v6 =	vsel vm0, $0x1, v3  }
0x93: {  	v4 =	vadd.s32 v5, v4;
	(xrf0) =	vadd.scan.msk.s32 $0xffff, v6  }
0x94: {  	v4 =	vnsel vm0, $0x7FFFFFFF, v4  }
0x95: {  	(xrf1) =	vsort.ascd.msk.u32 $0xffff, v4, v4;
	_ =	sdelay $0x3  }
0x96: {  	v4, _, _ =	vpop (xrf0)  }
0x97: {  	(v2sf) =	vpush v4, $0xF;
	_ =	sdelay $0x8  }
0x98: {  	v4, _, _ =	vpop (xrf1)  }
0x99: {  	v5 =	vshrl.u32 v4, $0x10  }
0x9a: {  	v4 =	vand.u32 $0xFFFF, v4;
	[tilespmem:s0+$0xD00] =	vst v5  }
0x9b: {  	s31 =	simm.s32 $0x10;
	[tilespmem:s0+$0x800] =	vst v4  }
0x9c: {  	v5 =	vld [tilespmem:s31+$0x400];
	_ =	sdelay $0x1  }
0x9d: {  	s2 =	simm.s32 $0x80;
	v4 =	vld [tilespmem:s31+$0x0];
	s4 =	spop (v2sf)  }
.LBB2_5:
0x9e: {  	p0 =	sne.s32 s2, $0xFC0  }
0x9f: {  	s0 =	sadd.s32 s0, s4;
	s4 =	smov.u32 s2;
	s2 =	sadd.s32 $0x40, s2  }
0xa0: {  	v5 =	vadd.s32 v1, v5  }
0xa1: {  	vm0 =	vlt.u32 v5, $0x61A8;
	v5 =	vshll.u32 v5, $0x10  }
0xa2: {  	v4 =	vadd.s32 v4, v5;
	v5 =	vsel vm0, $0x1, v3  }
0xa3: {  	v4 =	vnsel vm0, $0x7FFFFFFF, v4;
	(xrf0) =	vadd.scan.msk.s32 $0xffff, v5  }
0xa4: {  	(xrf1) =	vsort.ascd.msk.u32 $0xffff, v4, v4;
	_ =	sdelay $0x4  }
0xa5: {  	v4, _, _ =	vpop (xrf0)  }
0xa6: {  	(v2sf) =	vpush v4, $0xF;
	_ =	sdelay $0x7  }
0xa7: {  	v4, _, _ =	vpop (xrf1)  }
0xa8: {  	v5 =	vshrl.u32 v4, $0x10;
	v4 =	vand.u32 $0xFFFF, v4  }
0xa9: {  	[tilespmem:s0+$0xD00] =	vst v5  }
.Ltmp5:
0xaa: {  	s4 =	sshra.s32 s4, $0x2;
	[tilespmem:s0+$0x800] =	vst v4;
	(pc) =	sbr.rel @p0 .LBB2_5-.Ltmp5, $3  }
0xab: {  	v5 =	vld [tilespmem:s4+$0x400];
	_ =	sdelay $0x1  }
0xac: {  	v4 =	vld [tilespmem:s4+$0x0]  }
0xad: {  	s4 =	spop (v2sf)  }
0xae: {  	_ = 	snop  }
0xaf: {  	v5 =	vadd.s32 v1, v5  }
0xb0: {  	vm0 =	vlt.u32 v5, $0x61A8  }
0xb1: {  	v6 =	vsel vm0, $0x1, v3  }
0xb2: {  	(xrf0) =	vadd.scan.msk.s32 $0xffff, v6;
	_ =	sdelay $0x5  }
0xb3: {  	v6, _, _ =	vpop (xrf0)  }
0xb4: {  	(v2sf) =	vpush v6, $0xF;
	_ =	sdelay $0x7  }
0xb5: {  	v5 =	vshll.u32 v5, $0x10  }
0xb6: {  	v4 =	vadd.s32 v4, v5  }
0xb7: {  	v4 =	vnsel vm0, $0x7FFFFFFF, v4  }
0xb8: {  	(xrf1) =	vsort.ascd.msk.u32 $0xffff, v4, v4;
	_ =	sdelay $0x3  }
0xb9: {  	s4 =	sadd.s32 s0, s4;
	s13 =	spop (v2sf)  }
0xba: {  	s31 =	sadd.s32 s4, s13  }
0xbb: {  	s0 =	sand.u32 $0x7F, s31  }
0xbc: {  	s2 =	sshra.s32 s31, $0x1F;
	p0 =	slt.s32 s31, $0x1;
	p1 =	sne.s32 s0, $0x0  }
0xbd: {  	s15 =	sshrl.u32 s2, $0x19;
	p0 =	por !p0, !p1  }
0xbe: {  	s8 =	simm.s32 $0x1;
	s0 =	sadd.s32 s15, s31;
	p0 =	por !p0, !p0  }
0xbf: {  	s2 =	sshra.s32 s0, $0x7;
	s8 =	simm.s32 @!p0 $0x0  }
0xc0: {  	s0 =	ssub.s32 s2, s8  }
0xc1: {  	p1 =	slt.s32 s0, $0x1  }
.Ltmp6:
0xc2: {  	_ = 	snop;
	(pc) =	sbr.rel @p1 .LBB2_15-.Ltmp6, $4  }
0xc3: {  	v4, _, _ =	vpop (xrf1)  }
0xc4: {  	v5 =	vshrl.u32 v4, $0x10  }
0xc5: {  	v4 =	vand.u32 $0xFFFF, v4;
	[tilespmem:s4+$0xD00] =	vst v5  }
0xc6: {  	[tilespmem:s4+$0x800] =	vst v4  }
0xc7: {  	[tilespmem:s17], [sflag:$0x1] =	stream.indirect.gather [hbm4b:s1+s21], $0x40, s22, s21, $0xb8;
	[tilespmem:$0x1E840] =	vst v63  }
0xc8: {  	p1 =	seq.s32 s0, $0x1  }
.Ltmp7:
0xc9: {  	_ = 	snop;
	(pc) =	sbr.rel @p1 .LBB2_11-.Ltmp7, $4  }
0xca: {  	_ =	swait.ge [sflag:s20], $0x2000  }
0xcb: {  	[sflag:s20] =	ssyncset.done $0x0  }
0xcc: {  	[sflag:s20] =	ssyncadd.s32 $0xFFFFE000  }
0xcd: {  	[spmem:s3] =	stream.indirect.scatter.add.f32 [tilespmem:s17], [sflag:$0x2], $0x40, s23, s21, $0xb8;
	[tilespmem:$0x1E840] =	vst v63  }
0xce: {  	[tilespmem:s26], [sflag:$0x1] =	stream.indirect.gather [hbm4b:s1+s21], $0x40, s25, s21, $0xb8;
	[tilespmem:$0x1E840] =	vst v63  }
0xcf: {  	s4 =	simm.s32 $0xFFFFFFFF;
	s8 =	simm.s32 $0x900  }
0xd0: {  	s9 =	simm.s32 $0x8000;
	s10 =	simm.s32 $0xD80;
	s4 =	simm.s32 @!p0 $0x0  }
0xd1: {  	_ =	swait.ge [sflag:s20], $0x2000;
	s11 =	sand.u32 $0x8000, s9;
	s2 =	sadd.s32 s4, s2  }
0xd2: {  	s9 =	simm.s32 $0x1;
	p0 =	sle.s32 s0, $0x2;
	s2 =	sadd.s32 $0xFFFFFFFF, s2  }
0xd3: {  	[sflag:s20] =	ssyncset.done $0x0;
	s11 =	sshrl.u32 s11, $0x2;
	p1 =	seq.s32 s2, $0x1  }
.Ltmp8:
0xd4: {  	[sflag:s20] =	ssyncadd.s32 $0xFFFFE000;
	s11 =	sor.u32 $0x1200, s11;
	(pc) =	sbr.rel @p1 .LBB2_10-.Ltmp8, $4  }
0xd5: {  	[spmem:s3] =	stream.indirect.scatter.add.f32 [tilespmem:s11], [sflag:$0x2], $0x40, s10, s21, $0xb8;
	[tilespmem:$0x1E840] =	vst v63  }
0xd6: {  	s4 =	simm.s32 $0x10000;
	s12 =	simm.s32 @!p0 $0x80;
	_ =	swait.ge [sflag:s24], $0x2000  }
0xd7: {  	s10 =	simm.s32 $0xE00;
	s11 =	sand.u32 @!p0 $0x8000, s4;
	[sflag:s24] =	ssyncset.done $0x0  }
0xd8: {  	s13 =	sshrl.u32 @!p0 s11, $0x2;
	s11 =	simm.s32 $0x980;
	[sflag:s24] =	ssyncadd.s32 $0xFFFFE000  }
.LBB2_9:
0xd9: {  	s13 =	sor.u32 @!p0 $0x1200, s13  }
0xda: {  	s4 =	sadd.s32 $0x8000, s4;
	s15 =	smov.u32 s9;
	s9 =	sadd.s32 $0x1, s9  }
0xdb: {  	[tilespmem:s13], [sflag:$0x1] =	stream.indirect.gather @!p0 [hbm4b:s1+s12], $0x40, s8, s12, $0xb8;
	[tilespmem:$0x1E840] =	vst v63  }
0xdc: {  	p1 =	seq.s32 s2, s9;
	s8 =	smov.u32 s11  }
0xdd: {  	s12 =	sadd.s32 $0xFFFF8000, s4  }
0xde: {  	s12 =	sand.u32 $0x8000, s12;
	_ =	swait.ge [sflag:s20], $0x2000  }
0xdf: {  	s13 =	sadd.s32 $0x2, s15;
	s12 =	sshrl.u32 s12, $0x2;
	[sflag:s20] =	ssyncset.done $0x0  }
.Ltmp9:
0xe0: {  	s12 =	sor.u32 $0x1200, s12;
	[sflag:s20] =	ssyncadd.s32 $0xFFFFE000;
	(pc) =	sbr.rel @!p1 .LBB2_9-.Ltmp9, $4  }
0xe1: {  	[spmem:s3] =	stream.indirect.scatter.add.f32 [tilespmem:s12], [sflag:$0x2], $0x40, s10, s21, $0xb8;
	[tilespmem:$0x1E840] =	vst v63  }
0xe2: {  	p0 =	sge.s32 s13, s0;
	s10 =	sadd.s32 $0x80, s10;
	_ =	swait.ge [sflag:s24], $0x2000  }
0xe3: {  	s13 =	sand.u32 @!p0 $0x8000, s4;
	s12 =	simm.s32 @!p0 $0x80;
	[sflag:s24] =	ssyncset.done $0x0  }
0xe4: {  	s11 =	sadd.s32 $0x80, s11;
	s13 =	sshrl.u32 @!p0 s13, $0x2;
	[sflag:s24] =	ssyncadd.s32 $0xFFFFE000  }
.Ltmp10:
0xe5: {  	_ = 	snop;
	(pc) =	sbr.rel .LBB2_10-.Ltmp10, $1  }
0xe6: {  	_ =	sdelay $0x3  }
.LBB2_15:
.Ltmp11:
0xe7: {  	(pc) =	sbr.rel .LBB2_12-.Ltmp11, $2  }
0xe8: {  	_ =	sdelay $0x2  }
0xe9: {  	s0 =	sshll.u32 s0, $0x7  }
.LBB2_14:
0xea: {  	_ =	sfence.sel $0x180000  }
0xeb: {  	[bflag:$0x0] =	sbarrier.arrive $0xFFFF  }
0xec: {  	_ =	strace $0x9000004D  }
0xed: {  	s0 =	stileid.u32;
	[bflag:$0x2] =	sbarrier.arrive $0xFFFF  }
0xee: {  	p0 =	sne.s32 s0, $0x0;
	s0 =	rddreg [dreg:$0x3]  }
0xef: {  	s0 =	sadd.s32 @!p0 $0x100000, s0  }
0xf0: {  	[sflag:s0] =	ssyncadd.tile.s32 @!p0 $0x1;
	_ =	shalt  }
.Lfunc_end2:
_tile_overlayer_lowered:
.L_overlay_start_2:
0xf1: {  	(tag) =	ssettag $0x2  }
0xf2: {  	s0 =	rddreg [dreg:$0x0];
	s2 =	stileid.u32  }
0xf3: {  	s1 =	rddreg [dreg:$0x1];
	p0 =	sne.s32 s2, $0x0  }
0xf4: {  	s3 =	rddreg [dreg:$0x2];
	[bflag:$0x3] =	sbarrier.arrive $0xFFFF;
	s2 =	simm.s32 @!p0 $0x1C03  }
0xf5: {  	[timem:s3], [sflag:s2] =	dma.local @!p0 [hbm:s0], s1  }
0xf6: {  	s0 =	simm.s32 @!p0 $0x3  }
0xf7: {  	_ =	swait.ge @!p0 [sflag:s0], s1  }
0xf8: {  	s1 =	ssub.s32 @!p0 $0x0, s1;
	[sflag:s0] =	ssyncset.done @!p0 $0x0  }
0xf9: {  	[sflag:s0] =	ssyncadd.s32 @!p0 s1  }
0xfa: {  	[bflag:$0x3] =	sbarrier.arrive $0xFFFF  }
0xfb: {  	_ =	shalt  }

// kernel: kernel.19.cloned.1.call-start
scs
__scs_entry_jumppad:
0x0: {  	(pc) =	sbr.rel $0x88, $3  }
0x1: {  	(tag) =	ssettag $0x0;
	lr =	simm.s32 $0x1  }
0x2: {  	[smem:$0x3F99] =	sst lr;
	_ =	strace $0xD0000000  }
0x3: {  	_ = 	snop  }
0x4: {  	_ = 	snop  }
0x5: {  	_ = 	snop  }
0x6: {  	_ = 	snop  }
0x7: {  	_ = 	snop  }
__scs_overlays_trampoline_lowered:
0x8: {  	[smem:$0x3FA8] =	sst s0  }
0x9: {  	[smem:$0x3FA9] =	sst s1  }
0xa: {  	[smem:$0x3FAA] =	sst s2  }
0xb: {  	[smem:$0x3FAB] =	sst s3  }
0xc: {  	[smem:$0x3FAC] =	sst s4  }
0xd: {  	[smem:$0x3FAD] =	sst s5  }
0xe: {  	[smem:$0x3FAE] =	sst s6  }
0xf: {  	[smem:$0x3FAF] =	sst s7  }
0x10: {  	[smem:$0x3FB0] =	sst s8  }
0x11: {  	[smem:$0x3FB1] =	sst s9;
	s0 =	simm.s32 @!p0 $0x0  }
0x12: {  	s1 =	sld [smem:$0x3F97];
	s0 =	simm.s32 @p0 $0x1  }
0x13: {  	[smem:$0x3FB2] =	sst s0;
	s0 =	simm.s32 @!p1 $0x0  }
0x14: {  	s2 =	sld [smem:$0x3F96];
	s0 =	simm.s32 @p1 $0x1  }
0x15: {  	[smem:$0x3FB3] =	sst s0;
	s0 =	simm.s32 @!p2 $0x0  }
0x16: {  	s3 =	sld [smem:$0x3FDB];
	s0 =	simm.s32 @p2 $0x1  }
0x17: {  	s4 =	simm.s32 $0x1BF5;
	[smem:$0x3FB5] =	sst s0  }
0x18: {  	s0 =	sld [smem:$0x3F98];
	_ =	swait.ge [sflag:s4], $0x0  }
0x19: {  	s7 =	sld [smem:$0x3F99]  }
0x1a: {  	s8 =	sadd.s32 $0xFFFFE003, lr  }
0x1b: {  	s9 =	sadd.s32 $0xFFFFFEF7, lr;
	s5 =	simm.s32 $0xFFFFFFFF;
	p2 =	slt.u32 s8, $0xFFFFF086  }
0x1c: {  	p1 =	slt.u32 s9, $0xF7A;
	s5 =	simm.s32 @!p2 $0x0  }
0x1d: {  	s5 =	simm.s32 @p1 $0x1;
	p0 =	seq.s32 s7, s2  }
0x1e: {  	s7 =	smul.u32 @!p0 $0xF7A, s2;
	p2 =	seq.s32 @!p0 s5, $0x0  }
0x1f: {  	s9 =	smul.u32 $0xF7A, s1;
	s8 =	simm.s32 @!p0 $0x1BF5;
	p2 =	por !p2, p0  }
0x20: {  	[sflag:s8] =	ssyncset.s32 @!p0 $0xFFFFF086;
	s6 =	sadd.s32 @!p0 s3, s7;
	s7 =	simm.s32 @!p0 $0x108  }
0x21: {  	s3 =	sadd.s32 s3, s9;
	s6 =	sadd.s32 @!p0 $0x88, s6;
	s7 =	simm.s32 @p2 $0x1082  }
0x22: {  	[simem:s7], [sflag:s8] =	dma.local @!p0 [hbm:s6], $0xF7A  }
0x23: {  	s9 =	sor.u32 $0xD0000000, s2;
	s6 =	simm.s32 $0x108;
	_ =	swait.ge @!p0 [sflag:s8], $0x0  }
0x24: {  	s3 =	sadd.s32 $0x88, s3;
	s6 =	simm.s32 @!p1 $0x1082;
	[sflag:s4] =	ssyncset.s32 $0xFFFFF086  }
0x25: {  	[simem:s6], [sflag:s4] =	dma.local [hbm:s3], $0xF7A  }
0x26: {  	[smem:$0x3F99] =	sst s1;
	(tag) =	ssettag s2;
	_ =	strace s9  }
0x27: {  	s1 =	sld [smem:$0x3FA9]  }
0x28: {  	s2 =	sld [smem:$0x3FAA]  }
0x29: {  	s4 =	sld [smem:$0x3FAC]  }
0x2a: {  	p0 =	seq.s32 s5, $0x0;
	s5 =	sld [smem:$0x3FAD]  }
0x2b: {  	s6 =	sld [smem:$0x3FAE]  }
0x2c: {  	s7 =	sld [smem:$0x3FAF]  }
0x2d: {  	s3 =	simm.s32 $0x108;
	s8 =	sld [smem:$0x3FB0]  }
0x2e: {  	s3 =	simm.s32 @!p0 $0x1082;
	s9 =	sld [smem:$0x3FB1]  }
0x2f: {  	lr =	sadd.s32 s0, s3;
	s0 =	sld [smem:$0x3FA8]  }
0x30: {  	s3 =	sld [smem:$0x3FAB]  }
0x31: {  	[smem:$0x3FB4] =	sst s10  }
0x32: {  	s10 =	sld [smem:$0x3FB2];
	_ =	sdelay $0x3  }
0x33: {  	p0 =	seq.s32 s10, $0x1;
	s10 =	sld [smem:$0x3FB4];
	_ =	sdelay $0x3  }
0x34: {  	[smem:$0x3FB4] =	sst s10  }
0x35: {  	s10 =	sld [smem:$0x3FB3];
	_ =	sdelay $0x3  }
0x36: {  	p1 =	seq.s32 s10, $0x1;
	s10 =	sld [smem:$0x3FB4];
	_ =	sdelay $0x3  }
0x37: {  	[smem:$0x3FB4] =	sst s10  }
0x38: {  	s10 =	sld [smem:$0x3FB5]  }
0x39: {  	_ = 	snop;
	(pc) =	sbr.ind lr, $3  }
0x3a: {  	_ = 	snop  }
0x3b: {  	_ = 	snop  }
0x3c: {  	p2 =	seq.s32 s10, $0x1;
	s10 =	sld [smem:$0x3FB4]  }
0x3d: {  	_ =	shalt  }
0x3e: {  	_ =	shalt  }
0x3f: {  	_ =	shalt  }
0x40: {  	_ =	shalt  }
0x41: {  	_ =	shalt  }
0x42: {  	_ =	shalt  }
0x43: {  	_ =	shalt  }
0x44: {  	_ =	shalt  }
0x45: {  	_ =	shalt  }
0x46: {  	_ =	shalt  }
0x47: {  	_ =	shalt  }
0x48: {  	_ =	shalt  }
0x49: {  	_ =	shalt  }
0x4a: {  	_ =	shalt  }
0x4b: {  	_ =	shalt  }
0x4c: {  	_ =	shalt  }
0x4d: {  	_ =	shalt  }
0x4e: {  	_ =	shalt  }
0x4f: {  	_ =	shalt  }
0x50: {  	_ =	shalt  }
0x51: {  	_ =	shalt  }
0x52: {  	_ =	shalt  }
0x53: {  	_ =	shalt  }
0x54: {  	_ =	shalt  }
0x55: {  	_ =	shalt  }
0x56: {  	_ =	shalt  }
0x57: {  	_ =	shalt  }
0x58: {  	_ =	shalt  }
0x59: {  	_ =	shalt  }
0x5a: {  	_ =	shalt  }
0x5b: {  	_ =	shalt  }
0x5c: {  	_ =	shalt  }
0x5d: {  	_ =	shalt  }
0x5e: {  	_ =	shalt  }
0x5f: {  	_ =	shalt  }
0x60: {  	_ =	shalt  }
0x61: {  	_ =	shalt  }
0x62: {  	_ =	shalt  }
0x63: {  	_ =	shalt  }
0x64: {  	_ =	shalt  }
0x65: {  	_ =	shalt  }
0x66: {  	_ =	shalt  }
0x67: {  	_ =	shalt  }
0x68: {  	_ =	shalt  }
0x69: {  	_ =	shalt  }
0x6a: {  	_ =	shalt  }
0x6b: {  	_ =	shalt  }
0x6c: {  	_ =	shalt  }
0x6d: {  	_ =	shalt  }
0x6e: {  	_ =	shalt  }
0x6f: {  	_ =	shalt  }
0x70: {  	_ =	shalt  }
0x71: {  	_ =	shalt  }
0x72: {  	_ =	shalt  }
0x73: {  	_ =	shalt  }
0x74: {  	_ =	shalt  }
0x75: {  	_ =	shalt  }
0x76: {  	_ =	shalt  }
0x77: {  	_ =	shalt  }
0x78: {  	_ =	shalt  }
0x79: {  	_ =	shalt  }
0x7a: {  	_ =	shalt  }
0x7b: {  	_ =	shalt  }
0x7c: {  	_ =	shalt  }
0x7d: {  	_ =	shalt  }
0x7e: {  	_ =	shalt  }
0x7f: {  	_ =	shalt  }
0x80: {  	_ =	shalt  }
0x81: {  	_ =	shalt  }
0x82: {  	_ =	shalt  }
0x83: {  	_ =	shalt  }
0x84: {  	_ =	shalt  }
0x85: {  	_ =	shalt  }
0x86: {  	_ =	shalt  }
0x87: {  	_ =	shalt  }
.Lfunc_end0:
.L_simem_size_0:
called_computation.3_lowered:
.L_overlay_start_0:
0x88: {  	s2 =	sld [smem:$0x3FD9]  }
0x89: {  	s3 =	sld [smem:$0x3FFE];
	_ =	sdelay $0x1  }
0x8a: {  	s1 =	srdreg.scid  }
0x8b: {  	s0 =	sand.u32 $0x1, s1  }
0x8c: {  	s17 =	sshll.u32 s0, $0xA;
	s2 =	sadd.s32 s3, s2  }
0x8d: {  	s2 =	sadd.s32 s2, s17  }
0x8e: {  	[smem:$0x3FC0] =	sst s2  }
0x8f: {  	_ = 	snop  }
0x90: {  	s2 =	sld [smem:$0x3FD0];
	(tm) =	ssettm $0x1  }
0x91: {  	s18 =	sld [smem:$0x3FFB];
	_ =	sdelay $0x3  }
0x92: {  	_ =	strace s18  }
0x93: {  	s3 =	sld [smem:$0x3FFC];
	_ =	sdelay $0x3  }
0x94: {  	_ =	strace s3  }
0x95: {  	s3 =	sld [smem:$0x3FFD];
	_ =	sdelay $0x3  }
0x96: {  	_ =	strace s3  }
0x97: {  	_ =	strace $0x8FFFFFFF  }
0x98: {  	s19 =	sld [smem:$0x3FDB];
	_ =	sdelay $0x1  }
0x99: {  	s4 =	simm.s32 $_scs_section_size  }
0x9a: {  	s5 =	simm.s32 $_size__tile_overlayer_lowered;
	s6 =	simm.s32 $_tile_overlayer_lowered  }
0x9b: {  	s22 =	simm.s32 $0x1BFF;
	s21 =	sshll.u32 s6, $0x1;
	s3 =	sadd.s32 s4, s19  }
0x9c: {  	s7 =	simm.s32 $0x0;
	s20 =	sshll.u32 s5, $0x1;
	s5 =	sadd.s32 s21, s3  }
0x9d: {  	[timem:s7], [sflag:s22] =	dma.local [hbm:s5], s20  }
0x9e: {  	_ =	swait.ge [sflag:s22], s20  }
0x9f: {  	s4 =	ssub.s32 $0x0, s20;
	[sflag:s22] =	ssyncset.done $0x0  }
0xa0: {  	[sflag:s22] =	ssyncadd.s32 s4;
	_ =	sdelay $0x1  }
0xa1: {  	s23 =	simm.s32 $0x1B8B  }
0xa2: {  	_ =	swait.ge [sflag:s23], $0x1  }
0xa3: {  	[sflag:s23] =	ssyncset.done $0x0  }
0xa4: {  	s25 =	simm.s32 $0x1B8E;
	s24 =	sld [smem:$0x3FFE];
	[sflag:s23] =	ssyncadd.s32 $0xFFFFFFFF  }
0xa5: {  	s26 =	simm.s32 $execute0_lowered;
	[smem:$0x3FD2] =	sst s25  }
0xa6: {  	s5 =	sshll.u32 s26, $0x1;
	_ =	strace $0x8000004F;
	[dreg:$0x1] =	wrdreg $0xFFFFFFFF  }
0xa7: {  	s28 =	simm.s32 $_size_execute0_lowered;
	s3 =	sadd.s32 s3, s5;
	[dreg:$0x0] =	wrdreg $0x0  }
0xa8: {  	s5 =	sshll.u32 s28, $0x1;
	[dreg:$0x2] =	wrdreg s3  }
0xa9: {  	[dreg:$0x3] =	wrdreg s5  }
0xaa: {  	[dreg:$0x4] =	wrdreg $0xC0  }
0xab: {  	_ =	task [dreg:s7], $0x5FFFF  }
0xac: {  	[dreg:$0x1] =	wrdreg $0xFFFFFFFF  }
0xad: {  	[dreg:$0x0] =	wrdreg $0x60  }
0xae: {  	[dreg:$0x2] =	wrdreg s2  }
0xaf: {  	[dreg:$0x3] =	wrdreg s24  }
0xb0: {  	[dreg:$0x4] =	wrdreg $0x52000  }
0xb1: {  	[dreg:$0x5] =	wrdreg $0x9  }
0xb2: {  	_ =	task.clear_ibuf [dreg:s7], $0x6FFFF;
	_ =	strace $0x9000004F  }
0xb3: {  	s29 =	simm.s32 $0x9;
	_ =	strace $0x80000051  }
0xb4: {  	_ =	swait.ge [sflag:s29], $0x1  }
0xb5: {  	[sflag:s29] =	ssyncadd.s32 $0xFFFFFFFF  }
0xb6: {  	_ =	strace $0x90000051  }
0xb7: {  	_ =	sfence  }
0xb8: {  	s30 =	sld [smem:$0x0];
	_ =	sdelay $0x2  }
0xb9: {  	s31 =	sshll.u32 s1, $0xD;
	s1 =	sshrl.u32 s1, $0x2  }
0xba: {  	s3 =	sand.u32 $0x4000, s31;
	s1 =	sadd.s32 s1, s30  }
0xbb: {  	s0 =	sor.u32 s3, s0;
	s1 =	sshll.u32 s1, $0x11  }
0xbc: {  	s0 =	sor.u32 s1, s0  }
0xbd: {  	s0 =	sadd.s32 $0x8F2B, s0  }
0xbe: {  	[sflag:s0] =	ssyncadd.remote.s32 $0x1  }
0xbf: {  	_ =	sfence.sel $0xFFFF  }
0xc0: {  	[dreg:$0x0] =	wrdreg $0xFFFFFFFF;
	(pc) =	sbr.abs _section_cstart, $3  }
0xc1: {  	[dreg:$0x1] =	wrdreg $0xFFFFFFFF  }
0xc2: {  	_ =	task.clear_ibuf [dreg:s7], $0x2FFFF;
	_ =	strace $0x9FFFFFFF  }
0xc3: {  	(tm) =	ssettm $0x7FFFFFFF  }
tec
execute0_lowered:
.L_overlay_start_1:
0x0: {  	(tag) =	ssettag $0x1  }
0x1: {  	s1 =	rddreg [dreg:$0x0]  }
0x2: {  	s0 =	rddreg [dreg:$0x1]  }
0x3: {  	s3 =	rddreg [dreg:$0x2];
	s4 =	simm.s32 $0x0;
	s2 =	srdreg.scid  }
0x4: {  	s10 =	stileid.u32;
	s17 =	simm.s32 $0x1200;
	s28 =	simm.s32 $0x0  }
0x5: {  	s29 =	simm.s32 $0x0;
	[smem:$0x7FF] =	sst s4;
	s18 =	smul.u32 $0x32C0, s10  }
0x6: {  	s2 =	sand.u32 $0x1, s2;
	s5 =	sadd.s32 $0xDD400, s0;
	s9 =	smul.u32 $0x65800, s10  }
0x7: {  	s6 =	sadd.s32 $0x1600, s0;
	s22 =	sshll.u32 s10, $0x4;
	s14 =	smul.u32 $0xC400, s10  }
0x8: {  	_ =	strace $0x80000050;
	s7 =	smul.u32 $0x32C80, s2;
	s8 =	ssub.s32 $0x2, s2  }
0x9: {  	s2 =	smul.u32 $0xFFFF9E58, s2;
	s19 =	sshrl.u32 s8, $0x1;
	s21 =	sshrl.u32 s9, $0x2  }
0xa: {  	s4 =	sadd.s32 s18, s7;
	s20 =	ssub.s32 s8, s19;
	s7 =	sadd.s32 s21, s3  }
0xb: {  	s8 =	sadd.s32 $0x61A8, s22;
	s18 =	simm.s32 $0x3;
	s23 =	sadd.s32 $0x3A00, s7  }
0xc: {  	s19 =	simm.s32 $0x400;
	s24 =	sadd.s32 $0x7400, s7;
	[dreg:$0x4] =	wrdreg s23  }
0xd: {  	s21 =	simm.s32 $0x80;
	s25 =	sadd.s32 $0xAE00, s7;
	[dreg:$0x5] =	wrdreg s24  }
0xe: {  	s22 =	simm.s32 $0x800;
	s26 =	sadd.s32 $0xE800, s7;
	[dreg:$0x6] =	wrdreg s25  }
.Ltmp0:
0xf: {  	s30 =	sadd.s32 $0x12200, s7;
	[dreg:$0x7] =	wrdreg s26;
	(pc) =	sbr.rel .LBB2_1-.Ltmp0, $4  }
0x10: {  	s0 =	sadd.s32 s4, s0;
	s31 =	sadd.s32 $0x15C00, s7;
	[dreg:$0x8] =	wrdreg s30  }
0x11: {  	s16 =	smax.u32 s20, $0x1;
	s20 =	simm.s32 $0x1;
	[dreg:$0x9] =	wrdreg s31  }
0x12: {  	v0 =	vlaneseq.u32;
	v2 =	vimm.f32 $0.0e+00;
	s0 =	sadd.s32 $0x19E00, s0;
	s23 =	simm.s32 $0xD00;
	s24 =	simm.s32 $0x2  }
0x13: {  	v3 =	vimm.s32 $0x0;
	v1 =	vmov s2;
	v0 =	vadd.s32 s8, v0;
	s25 =	simm.s32 $0x880;
	s26 =	simm.s32 $0x3200;
	[dreg:$0xa] =	wrdreg s0  }
.LBB2_13:
0x14: {  	[tilespmem:s0+$0xD00] =	vst v0;
	s2 =	sand.u32 $0xFFFFFFF8, s0;
	s4 =	sand.u32 $0x7, s31  }
0x15: {  	[tilespmem:s0+$0x800] =	vst v3;
	s2 =	sor.u32 s4, s2  }
0x16: {  	[tilespmem:s2+$0xD10] =	vst v0  }
0x17: {  	[tilespmem:s2+$0x810] =	vst v3  }
0x18: {  	[tilespmem:s2+$0xD20] =	vst v0  }
0x19: {  	[tilespmem:s2+$0x820] =	vst v3  }
0x1a: {  	[tilespmem:s2+$0xD30] =	vst v0  }
0x1b: {  	[tilespmem:s2+$0x830] =	vst v3  }
0x1c: {  	[tilespmem:s2+$0xD40] =	vst v0  }
0x1d: {  	[tilespmem:s2+$0x840] =	vst v3  }
0x1e: {  	[tilespmem:s2+$0xD50] =	vst v0  }
0x1f: {  	[tilespmem:s2+$0x850] =	vst v3  }
0x20: {  	[tilespmem:s2+$0xD60] =	vst v0  }
0x21: {  	[tilespmem:s2+$0x860] =	vst v3  }
0x22: {  	p0 =	slt.s32 s0, $0x1;
	[tilespmem:s2+$0xD70] =	vst v0  }
0x23: {  	s0 =	simm.s32 @!p0 $0x80;
	s4 =	simm.s32 @!p0 $0x1200;
	[tilespmem:s2+$0x870] =	vst v3;
	s2 =	simm.s32 @!p0 $0x800  }
0x24: {  	[tilespmem:s4], [sflag:$0x1] =	stream.indirect.gather @!p0 [hbm4b:s1+s0], $0x40, s2, s0, $0xb8;
	[tilespmem:$0x1E840] =	vst v63  }
0x25: {  	s2 =	simm.s32 @!p0 $0x1  }
0x26: {  	_ =	swait.ge @!p0 [sflag:s2], $0x2000  }
0x27: {  	[sflag:s2] =	ssyncset.done @!p0 $0x0  }
0x28: {  	[sflag:s2] =	ssyncadd.s32 @!p0 $0xFFFFE000;
	s2 =	simm.s32 @!p0 $0xD00  }
0x29: {  	[spmem:s3] =	stream.indirect.scatter.add.f32 @!p0 [tilespmem:s4], [sflag:$0x2], $0x40, s2, s0, $0xb8;
	[tilespmem:$0x1E840] =	vst v63  }
0x2a: {  	s0 =	simm.s32 @!p0 $0x2  }
0x2b: {  	_ =	swait.ge @!p0 [sflag:s0], $0x2000  }
0x2c: {  	s15 =	stileid.u32;
	[sflag:s0] =	ssyncset.done @!p0 $0x0  }
0x2d: {  	s30 =	sshrl.u32 s7, $0x3;
	s28 =	sadd.s32 $0x1, s28;
	[sflag:s0] =	ssyncadd.s32 @!p0 $0xFFFFE000  }
0x2e: {  	s0 =	sshll.u32 s15, $0x6;
	p0 =	sne.s32 s28, s16;
	[bflag:$0x0] =	sbarrier.arrive $0xFFFF  }
.Ltmp1:
0x2f: {  	s0 =	sor.u32 $0x1C03, s0;
	s31 =	rddreg [dreg:$0xa];
	(pc) =	sbr.rel @!p0 .LBB2_14-.Ltmp1, $4  }
0x30: {  	[hbm:s31], [sflag:s0] =	dma.local [spmem:s30], $0x32C0  }
0x31: {  	_ =	swait.ge [sflag:s18], $0x32C0  }
0x32: {  	[sflag:s18] =	ssyncset.done $0x0  }
0x33: {  	[sflag:s18] =	ssyncadd.s32 $0xFFFFCD40  }
.LBB2_1:
0x34: {  	s2 =	simm.s32 $0x0  }
0x35: {  	s0 =	sand.u32 $0xFF00, s2  }
0x36: {  	s2 =	sand.u32 $0x30, s2;
	s4 =	sshrl.u32 s0, $0x2  }
0x37: {  	s0 =	simm.s32 $0x40;
	s4 =	sor.u32 s2, s4;
	s2 =	simm.s32 $0x0  }
.LBB2_2:
0x38: {  	p0 =	sne.s32 s0, $0xE7C0  }
0x39: {  	[tilespmem:s4+$0x1200] =	vst v2;
	s2 =	sadd.s32 $0x10, s2;
	s4 =	smov.u32 s0;
	s0 =	sadd.s32 $0x40, s0  }
.Ltmp2:
0x3a: {  	(pc) =	sbr.rel @p0 .LBB2_2-.Ltmp2, $4  }
0x3b: {  	_ = 	snop  }
0x3c: {  	s4 =	sand.u32 $0xFF00, s4  }
0x3d: {  	s8 =	sand.u32 $0x30, s2;
	s4 =	sshrl.u32 s4, $0x2  }
0x3e: {  	s4 =	sor.u32 s8, s4  }
0x3f: {  	[tilespmem:s4+$0x1200] =	vst v2  }
0x40: {  	[spmem:s7] =	stream.linear.scatter [tilespmem:s17], [sflag:$0x3], $0x3A00, $0x38;
	[tilespmem:$0x1E840] =	vst v63  }
0x41: {  	_ =	swait.ge [sflag:s18], $0x3A00  }
0x42: {  	[sflag:s18] =	ssyncset.done $0x0  }
0x43: {  	s0 =	rddreg [dreg:$0x4];
	[sflag:s18] =	ssyncadd.s32 $0xFFFFC600  }
0x44: {  	[spmem:s0] =	stream.linear.scatter [tilespmem:s17], [sflag:$0x3], $0x3A00, $0x38;
	[tilespmem:$0x1E840] =	vst v63  }
0x45: {  	_ =	swait.ge [sflag:s18], $0x3A00  }
0x46: {  	[sflag:s18] =	ssyncset.done $0x0  }
0x47: {  	s11 =	rddreg [dreg:$0x5];
	[sflag:s18] =	ssyncadd.s32 $0xFFFFC600  }
0x48: {  	[spmem:s11] =	stream.linear.scatter [tilespmem:s17], [sflag:$0x3], $0x3A00, $0x38;
	[tilespmem:$0x1E840] =	vst v63  }
0x49: {  	_ =	swait.ge [sflag:s18], $0x3A00  }
0x4a: {  	[sflag:s18] =	ssyncset.done $0x0  }
0x4b: {  	s12 =	rddreg [dreg:$0x6];
	[sflag:s18] =	ssyncadd.s32 $0xFFFFC600  }
0x4c: {  	[spmem:s12] =	stream.linear.scatter [tilespmem:s17], [sflag:$0x3], $0x3A00, $0x38;
	[tilespmem:$0x1E840] =	vst v63  }
0x4d: {  	_ =	swait.ge [sflag:s18], $0x3A00  }
0x4e: {  	[sflag:s18] =	ssyncset.done $0x0  }
0x4f: {  	s13 =	rddreg [dreg:$0x7];
	[sflag:s18] =	ssyncadd.s32 $0xFFFFC600  }
0x50: {  	[spmem:s13] =	stream.linear.scatter [tilespmem:s17], [sflag:$0x3], $0x3A00, $0x38;
	[tilespmem:$0x1E840] =	vst v63  }
0x51: {  	_ =	swait.ge [sflag:s18], $0x3A00  }
0x52: {  	[sflag:s18] =	ssyncset.done $0x0  }
0x53: {  	s15 =	rddreg [dreg:$0x8];
	[sflag:s18] =	ssyncadd.s32 $0xFFFFC600  }
0x54: {  	[spmem:s15] =	stream.linear.scatter [tilespmem:s17], [sflag:$0x3], $0x3A00, $0x38;
	[tilespmem:$0x1E840] =	vst v63  }
0x55: {  	_ =	swait.ge [sflag:s18], $0x3A00  }
0x56: {  	[sflag:s18] =	ssyncset.done $0x0  }
0x57: {  	s31 =	rddreg [dreg:$0x9];
	[sflag:s18] =	ssyncadd.s32 $0xFFFFC600  }
0x58: {  	[spmem:s31] =	stream.linear.scatter [tilespmem:s17], [sflag:$0x3], $0x3A00, $0x38;
	[tilespmem:$0x1E840] =	vst v63  }
.Ltmp3:
0x59: {  	_ =	swait.ge [sflag:s18], $0x3A00;
	(pc) =	sbr.rel .LBB2_4-.Ltmp3, $4  }
0x5a: {  	[sflag:s18] =	ssyncset.done $0x0  }
0x5b: {  	[sflag:s18] =	ssyncadd.s32 $0xFFFFC600  }
0x5c: {  	[bflag:$0x0] =	sbarrier.arrive $0xFFFF  }
0x5d: {  	s30 =	simm.s32 $0x0;
	s0 =	simm.s32 $0x0  }
.LBB2_10:
0x5e: {  	s2 =	sor.u32 @!p0 $0x1200, s13  }
0x5f: {  	[tilespmem:s2], [sflag:$0x1] =	stream.indirect.gather @!p0 [hbm4b:s1+s12], $0x40, s8, s12, $0xb8;
	[tilespmem:$0x1E840] =	vst v63  }
.LBB2_11:
0x60: {  	_ =	swait.ge [sflag:s24], $0x2000  }
0x61: {  	[sflag:s24] =	ssyncset.done $0x0  }
0x62: {  	s0 =	sshll.u32 s0, $0x7;
	[sflag:s24] =	ssyncadd.s32 $0xFFFFE000  }
0x63: {  	v4 =	vld [tilespmem:s0+$0x800]  }
0x64: {  	v5 =	vld [tilespmem:s0+$0x810]  }
0x65: {  	v6 =	vld [tilespmem:s0+$0x820];
	_ =	sdelay $0x1  }
0x66: {  	v7 =	vld [tilespmem:s0+$0x830]  }
0x67: {  	[tilespmem:$0x800] =	vst v4;
	v4 =	vld [tilespmem:s0+$0x840]  }
0x68: {  	[tilespmem:$0x810] =	vst v5;
	v5 =	vld [tilespmem:s0+$0x850]  }
0x69: {  	[tilespmem:$0x820] =	vst v6;
	v62 =	vld [tilespmem:s0+$0x860]  }
0x6a: {  	v8 =	vld [tilespmem:s0+$0x870]  }
0x6b: {  	[tilespmem:$0x830] =	vst v7  }
0x6c: {  	[tilespmem:$0x840] =	vst v4  }
0x6d: {  	[tilespmem:$0x850] =	vst v5  }
0x6e: {  	[tilespmem:$0x860] =	vst v62  }
0x6f: {  	[tilespmem:$0x870] =	vst v8  }
0x70: {  	v4 =	vld [tilespmem:s0+$0xD00]  }
0x71: {  	v5 =	vld [tilespmem:s0+$0xD10]  }
0x72: {  	v6 =	vld [tilespmem:s0+$0xD20];
	_ =	sdelay $0x1  }
0x73: {  	v7 =	vld [tilespmem:s0+$0xD30]  }
0x74: {  	[tilespmem:$0xD00] =	vst v4;
	v4 =	vld [tilespmem:s0+$0xD40]  }
0x75: {  	[tilespmem:$0xD10] =	vst v5;
	v5 =	vld [tilespmem:s0+$0xD50]  }
0x76: {  	[tilespmem:$0xD20] =	vst v6;
	v63 =	vld [tilespmem:s0+$0xD60]  }
0x77: {  	v8 =	vld [tilespmem:s0+$0xD70]  }
0x78: {  	[tilespmem:$0xD30] =	vst v7  }
0x79: {  	[tilespmem:$0xD40] =	vst v4  }
0x7a: {  	[tilespmem:$0xD50] =	vst v5  }
0x7b: {  	[tilespmem:$0xD60] =	vst v63  }
0x7c: {  	[tilespmem:$0xD70] =	vst v8  }
.LBB2_12:
0x7d: {  	s30 =	sadd.s32 $0x1, s30  }
0x7e: {  	p0 =	sne.s32 s30, $0x31  }
.Ltmp4:
0x7f: {  	_ = 	snop;
	(pc) =	sbr.rel @!p0 .LBB2_13-.Ltmp4, $2  }
0x80: {  	_ =	sdelay $0x2  }
0x81: {  	s0 =	ssub.s32 s31, s0  }
.LBB2_4:
0x82: {  	s2 =	sshll.u32 s30, $0xA  }
0x83: {  	s2 =	sadd.s32 s14, s2  }
0x84: {  	s2 =	sshrl.u32 s2, $0x3  }
0x85: {  	s4 =	sadd.s32 s5, s2  }
0x86: {  	[tilespmem:s29], [sflag:$0x3] =	stream.linear.gather [hbm4b:s4+s29], $0x400, $0x38;
	[tilespmem:$0x1E840] =	vst v63  }
0x87: {  	_ =	swait.ge [sflag:s18], $0x400  }
0x88: {  	[sflag:s18] =	ssyncset.done $0x0  }
0x89: {  	s2 =	sadd.s32 s6, s2;
	[sflag:s18] =	ssyncadd.s32 $0xFFFFFC00  }
0x8a: {  	[tilespmem:s19], [sflag:$0x3] =	stream.linear.gather [hbm4b:s2+s29], $0x400, $0x38;
	[tilespmem:$0x1E840] =	vst v63  }
0x8b: {  	_ =	swait.ge [sflag:s18], $0x400  }
0x8c: {  	[sflag:s18] =	ssyncset.done $0x0  }
0x8d: {  	s15 =	simm.s32 $0x0;
	[sflag:s18] =	ssyncadd.s32 $0xFFFFFC00  }
0x8e: {  	v4 =	vld [tilespmem:s15+$0x400];
	_ =	sdelay $0x2  }
0x8f: {  	v5 =	vld [tilespmem:s15+$0x0];
	_ =	sdelay $0x1  }
0x90: {  	v4 =	vadd.s32 v1, v4  }
0x91: {  	vm0 =	vlt.u32 v4, $0x61A8  }
0x92: {  	v4 =	vshll.u32 v4, $0x10;
	v6 =	vsel vm0, $0x1, v3  }
0x93: {  	v4 =	vadd.s32 v5, v4;
	(xrf0) =	vadd.scan.msk.s32 $0xffff, v6  }
0x94: {  	v4 =	vnsel vm0, $0x7FFFFFFF, v4  }
0x95: {  	(xrf1) =	vsort.ascd.msk.u32 $0xffff, v4, v4;
	_ =	sdelay $0x3  }
0x96: {  	v4, _, _ =	vpop (xrf0)  }
0x97: {  	(v2sf) =	vpush v4, $0xF;
	_ =	sdelay $0x8  }
0x98: {  	v4, _, _ =	vpop (xrf1)  }
0x99: {  	v5 =	vshrl.u32 v4, $0x10  }
0x9a: {  	v4 =	vand.u32 $0xFFFF, v4;
	[tilespmem:s0+$0xD00] =	vst v5  }
0x9b: {  	s31 =	simm.s32 $0x10;
	[tilespmem:s0+$0x800] =	vst v4  }
0x9c: {  	v5 =	vld [tilespmem:s31+$0x400];
	_ =	sdelay $0x1  }
0x9d: {  	s2 =	simm.s32 $0x80;
	v4 =	vld [tilespmem:s31+$0x0];
	s4 =	spop (v2sf)  }
.LBB2_5:
0x9e: {  	p0 =	sne.s32 s2, $0xFC0  }
0x9f: {  	s0 =	sadd.s32 s0, s4;
	s4 =	smov.u32 s2;
	s2 =	sadd.s32 $0x40, s2  }
0xa0: {  	v5 =	vadd.s32 v1, v5  }
0xa1: {  	vm0 =	vlt.u32 v5, $0x61A8;
	v5 =	vshll.u32 v5, $0x10  }
0xa2: {  	v4 =	vadd.s32 v4, v5;
	v5 =	vsel vm0, $0x1, v3  }
0xa3: {  	v4 =	vnsel vm0, $0x7FFFFFFF, v4;
	(xrf0) =	vadd.scan.msk.s32 $0xffff, v5  }
0xa4: {  	(xrf1) =	vsort.ascd.msk.u32 $0xffff, v4, v4;
	_ =	sdelay $0x4  }
0xa5: {  	v4, _, _ =	vpop (xrf0)  }
0xa6: {  	(v2sf) =	vpush v4, $0xF;
	_ =	sdelay $0x7  }
0xa7: {  	v4, _, _ =	vpop (xrf1)  }
0xa8: {  	v5 =	vshrl.u32 v4, $0x10;
	v4 =	vand.u32 $0xFFFF, v4  }
0xa9: {  	[tilespmem:s0+$0xD00] =	vst v5  }
.Ltmp5:
0xaa: {  	s4 =	sshra.s32 s4, $0x2;
	[tilespmem:s0+$0x800] =	vst v4;
	(pc) =	sbr.rel @p0 .LBB2_5-.Ltmp5, $3  }
0xab: {  	v5 =	vld [tilespmem:s4+$0x400];
	_ =	sdelay $0x1  }
0xac: {  	v4 =	vld [tilespmem:s4+$0x0]  }
0xad: {  	s4 =	spop (v2sf)  }
0xae: {  	_ = 	snop  }
0xaf: {  	v5 =	vadd.s32 v1, v5  }
0xb0: {  	vm0 =	vlt.u32 v5, $0x61A8  }
0xb1: {  	v6 =	vsel vm0, $0x1, v3  }
0xb2: {  	(xrf0) =	vadd.scan.msk.s32 $0xffff, v6;
	_ =	sdelay $0x5  }
0xb3: {  	v6, _, _ =	vpop (xrf0)  }
0xb4: {  	(v2sf) =	vpush v6, $0xF;
	_ =	sdelay $0x7  }
0xb5: {  	v5 =	vshll.u32 v5, $0x10  }
0xb6: {  	v4 =	vadd.s32 v4, v5  }
0xb7: {  	v4 =	vnsel vm0, $0x7FFFFFFF, v4  }
0xb8: {  	(xrf1) =	vsort.ascd.msk.u32 $0xffff, v4, v4;
	_ =	sdelay $0x3  }
0xb9: {  	s4 =	sadd.s32 s0, s4;
	s13 =	spop (v2sf)  }
0xba: {  	s31 =	sadd.s32 s4, s13  }
0xbb: {  	s0 =	sand.u32 $0x7F, s31  }
0xbc: {  	s2 =	sshra.s32 s31, $0x1F;
	p0 =	slt.s32 s31, $0x1;
	p1 =	sne.s32 s0, $0x0  }
0xbd: {  	s15 =	sshrl.u32 s2, $0x19;
	p0 =	por !p0, !p1  }
0xbe: {  	s8 =	simm.s32 $0x1;
	s0 =	sadd.s32 s15, s31;
	p0 =	por !p0, !p0  }
0xbf: {  	s2 =	sshra.s32 s0, $0x7;
	s8 =	simm.s32 @!p0 $0x0  }
0xc0: {  	s0 =	ssub.s32 s2, s8  }
0xc1: {  	p1 =	slt.s32 s0, $0x1  }
.Ltmp6:
0xc2: {  	_ = 	snop;
	(pc) =	sbr.rel @p1 .LBB2_15-.Ltmp6, $4  }
0xc3: {  	v4, _, _ =	vpop (xrf1)  }
0xc4: {  	v5 =	vshrl.u32 v4, $0x10  }
0xc5: {  	v4 =	vand.u32 $0xFFFF, v4;
	[tilespmem:s4+$0xD00] =	vst v5  }
0xc6: {  	[tilespmem:s4+$0x800] =	vst v4  }
0xc7: {  	[tilespmem:s17], [sflag:$0x1] =	stream.indirect.gather [hbm4b:s1+s21], $0x40, s22, s21, $0xb8;
	[tilespmem:$0x1E840] =	vst v63  }
0xc8: {  	p1 =	seq.s32 s0, $0x1  }
.Ltmp7:
0xc9: {  	_ = 	snop;
	(pc) =	sbr.rel @p1 .LBB2_11-.Ltmp7, $4  }
0xca: {  	_ =	swait.ge [sflag:s20], $0x2000  }
0xcb: {  	[sflag:s20] =	ssyncset.done $0x0  }
0xcc: {  	[sflag:s20] =	ssyncadd.s32 $0xFFFFE000  }
0xcd: {  	[spmem:s3] =	stream.indirect.scatter.add.f32 [tilespmem:s17], [sflag:$0x2], $0x40, s23, s21, $0xb8;
	[tilespmem:$0x1E840] =	vst v63  }
0xce: {  	[tilespmem:s26], [sflag:$0x1] =	stream.indirect.gather [hbm4b:s1+s21], $0x40, s25, s21, $0xb8;
	[tilespmem:$0x1E840] =	vst v63  }
0xcf: {  	s4 =	simm.s32 $0xFFFFFFFF;
	s8 =	simm.s32 $0x900  }
0xd0: {  	s9 =	simm.s32 $0x8000;
	s10 =	simm.s32 $0xD80;
	s4 =	simm.s32 @!p0 $0x0  }
0xd1: {  	_ =	swait.ge [sflag:s20], $0x2000;
	s11 =	sand.u32 $0x8000, s9;
	s2 =	sadd.s32 s4, s2  }
0xd2: {  	s9 =	simm.s32 $0x1;
	p0 =	sle.s32 s0, $0x2;
	s2 =	sadd.s32 $0xFFFFFFFF, s2  }
0xd3: {  	[sflag:s20] =	ssyncset.done $0x0;
	s11 =	sshrl.u32 s11, $0x2;
	p1 =	seq.s32 s2, $0x1  }
.Ltmp8:
0xd4: {  	[sflag:s20] =	ssyncadd.s32 $0xFFFFE000;
	s11 =	sor.u32 $0x1200, s11;
	(pc) =	sbr.rel @p1 .LBB2_10-.Ltmp8, $4  }
0xd5: {  	[spmem:s3] =	stream.indirect.scatter.add.f32 [tilespmem:s11], [sflag:$0x2], $0x40, s10, s21, $0xb8;
	[tilespmem:$0x1E840] =	vst v63  }
0xd6: {  	s4 =	simm.s32 $0x10000;
	s12 =	simm.s32 @!p0 $0x80;
	_ =	swait.ge [sflag:s24], $0x2000  }
0xd7: {  	s10 =	simm.s32 $0xE00;
	s11 =	sand.u32 @!p0 $0x8000, s4;
	[sflag:s24] =	ssyncset.done $0x0  }
0xd8: {  	s13 =	sshrl.u32 @!p0 s11, $0x2;
	s11 =	simm.s32 $0x980;
	[sflag:s24] =	ssyncadd.s32 $0xFFFFE000  }
.LBB2_9:
0xd9: {  	s13 =	sor.u32 @!p0 $0x1200, s13  }
0xda: {  	s4 =	sadd.s32 $0x8000, s4;
	s15 =	smov.u32 s9;
	s9 =	sadd.s32 $0x1, s9  }
0xdb: {  	[tilespmem:s13], [sflag:$0x1] =	stream.indirect.gather @!p0 [hbm4b:s1+s12], $0x40, s8, s12, $0xb8;
	[tilespmem:$0x1E840] =	vst v63  }
0xdc: {  	p1 =	seq.s32 s2, s9;
	s8 =	smov.u32 s11  }
0xdd: {  	s12 =	sadd.s32 $0xFFFF8000, s4  }
0xde: {  	s12 =	sand.u32 $0x8000, s12;
	_ =	swait.ge [sflag:s20], $0x2000  }
0xdf: {  	s13 =	sadd.s32 $0x2, s15;
	s12 =	sshrl.u32 s12, $0x2;
	[sflag:s20] =	ssyncset.done $0x0  }
.Ltmp9:
0xe0: {  	s12 =	sor.u32 $0x1200, s12;
	[sflag:s20] =	ssyncadd.s32 $0xFFFFE000;
	(pc) =	sbr.rel @!p1 .LBB2_9-.Ltmp9, $4  }
0xe1: {  	[spmem:s3] =	stream.indirect.scatter.add.f32 [tilespmem:s12], [sflag:$0x2], $0x40, s10, s21, $0xb8;
	[tilespmem:$0x1E840] =	vst v63  }
0xe2: {  	p0 =	sge.s32 s13, s0;
	s10 =	sadd.s32 $0x80, s10;
	_ =	swait.ge [sflag:s24], $0x2000  }
0xe3: {  	s13 =	sand.u32 @!p0 $0x8000, s4;
	s12 =	simm.s32 @!p0 $0x80;
	[sflag:s24] =	ssyncset.done $0x0  }
0xe4: {  	s11 =	sadd.s32 $0x80, s11;
	s13 =	sshrl.u32 @!p0 s13, $0x2;
	[sflag:s24] =	ssyncadd.s32 $0xFFFFE000  }
.Ltmp10:
0xe5: {  	_ = 	snop;
	(pc) =	sbr.rel .LBB2_10-.Ltmp10, $1  }
0xe6: {  	_ =	sdelay $0x3  }
.LBB2_15:
.Ltmp11:
0xe7: {  	(pc) =	sbr.rel .LBB2_12-.Ltmp11, $2  }
0xe8: {  	_ =	sdelay $0x2  }
0xe9: {  	s0 =	sshll.u32 s0, $0x7  }
.LBB2_14:
0xea: {  	_ =	sfence.sel $0x180000  }
0xeb: {  	[bflag:$0x0] =	sbarrier.arrive $0xFFFF  }
0xec: {  	_ =	strace $0x90000050  }
0xed: {  	s0 =	stileid.u32;
	[bflag:$0x2] =	sbarrier.arrive $0xFFFF  }
0xee: {  	p0 =	sne.s32 s0, $0x0;
	s0 =	rddreg [dreg:$0x3]  }
0xef: {  	s0 =	sadd.s32 @!p0 $0x100000, s0  }
0xf0: {  	[sflag:s0] =	ssyncadd.tile.s32 @!p0 $0x1;
	_ =	shalt  }
.Lfunc_end2:
_tile_overlayer_lowered:
.L_overlay_start_2:
0xf1: {  	(tag) =	ssettag $0x2  }
0xf2: {  	s0 =	rddreg [dreg:$0x0];
	s2 =	stileid.u32  }
0xf3: {  	s1 =	rddreg [dreg:$0x1];
	p0 =	sne.s32 s2, $0x0  }
0xf4: {  	s3 =	rddreg [dreg:$0x2];
	[bflag:$0x3] =	sbarrier.arrive $0xFFFF;
	s2 =	simm.s32 @!p0 $0x1C03  }
0xf5: {  	[timem:s3], [sflag:s2] =	dma.local @!p0 [hbm:s0], s1  }
0xf6: {  	s0 =	simm.s32 @!p0 $0x3  }
0xf7: {  	_ =	swait.ge @!p0 [sflag:s0], s1  }
0xf8: {  	s1 =	ssub.s32 @!p0 $0x0, s1;
	[sflag:s0] =	ssyncset.done @!p0 $0x0  }
0xf9: {  	[sflag:s0] =	ssyncadd.s32 @!p0 s1  }
0xfa: {  	[bflag:$0x3] =	sbarrier.arrive $0xFFFF  }
0xfb: {  	_ =	shalt  }

</sc_bundles>
